<compile_context>
chip_gen: v7x
topology: tpu7x:2x2x1
jax: 0.10.2.dev20260603
libtpu: 0.0.44.dev20260713+nightly
codegen_flags: <defaults>
</compile_context>

<pallas_src>
import functools

import jax
import jax.numpy as jnp
from jax import lax
from jax.experimental import pallas as pl
from jax.experimental.pallas import tpu as pltpu
from jax.experimental.pallas import tpu_sc as plsc

VOCAB = 1000000
EMBED_DIM = 64
BATCH = 16384
CTX = 20

NUM_CORES = 2
NUM_SUBCORES = 16
NUM_WORKERS = NUM_CORES * NUM_SUBCORES
B_PER_W = BATCH // NUM_WORKERS
CHUNK = 32
NCHUNK = B_PER_W // CHUNK
ROWS_PER_CHUNK = CHUNK * CTX
IDX_PER_W = B_PER_W * CTX
LANES = 16
DSLICES = EMBED_DIM // LANES
NBUF = 2


def _cbow_body(idx_hbm, table_hbm, out_hbm, idx_v, rows_v, out_v, sems, osems):
    wid = lax.axis_index("s") * NUM_CORES + lax.axis_index("c")
    base_row = wid * B_PER_W
    scale = jnp.float32(1.0 / CTX)

    pltpu.sync_copy(
        idx_hbm.at[pl.ds(wid * IDX_PER_W, ROWS_PER_CHUNK)],
        idx_v.at[pl.ds(0, ROWS_PER_CHUNK)],
    )

    def issue(ci, slot):
        for g in range(ROWS_PER_CHUNK // LANES):
            idx_vec = idx_v[pl.ds(ci * ROWS_PER_CHUNK + g * LANES, LANES)]
            pltpu.make_async_copy(
                table_hbm.at[idx_vec],
                rows_v.at[slot].at[pl.ds(g * LANES, LANES)],
                sems.at[slot],
            ).start()

    def drain(ci, slot):
        del ci
        pltpu.make_async_copy(
            table_hbm.at[pl.ds(0, ROWS_PER_CHUNK)],
            rows_v.at[slot],
            sems.at[slot],
        ).wait()

    def out_copy(ci, slot):
        return pltpu.make_async_copy(
            out_v.at[slot],
            out_hbm.at[pl.ds((base_row + ci * CHUNK) // 2, CHUNK // 2)],
            osems.at[slot],
        )

    def pool(ci, slot, first):
        def pool_body(b, inner):
            r0 = b * CTX
            accs = [
                rows_v[slot, r0, pl.ds(d * LANES, LANES)] for d in range(DSLICES)
            ]
            for c in range(1, CTX):
                for d in range(DSLICES):
                    accs[d] = accs[d] + rows_v[slot, r0 + c, pl.ds(d * LANES, LANES)]
            ob = b >> 1
            oh = (b & 1) * EMBED_DIM
            for d in range(DSLICES):
                out_v[slot, ob, pl.ds(oh + d * LANES, LANES)] = accs[d] * scale
            return inner

        @pl.when(jnp.logical_not(first))
        def _():
            out_copy(ci, slot).wait()

        lax.fori_loop(0, CHUNK, pool_body, 0)
        out_copy(ci, slot).start()

    issue(0, 0)
    pltpu.sync_copy(
        idx_hbm.at[pl.ds(wid * IDX_PER_W + ROWS_PER_CHUNK,
                         IDX_PER_W - ROWS_PER_CHUNK)],
        idx_v.at[pl.ds(ROWS_PER_CHUNK, IDX_PER_W - ROWS_PER_CHUNK)],
    )

    def chunk_pair(cp, carry):
        ci0 = cp * NBUF
        for b in range(NBUF):
            ci = ci0 + b
            nxt = ci + 1

            nslot = (b + 1) % NBUF

            @pl.when(nxt < NCHUNK)
            def _():
                issue(nxt, nslot)

            drain(ci, b)
            pool(ci, b, ci < NBUF)
        return carry

    lax.fori_loop(0, NCHUNK // NBUF, chunk_pair, 0)

    for b in range(NBUF):
        out_copy(NCHUNK - NBUF + b, b).wait()


@jax.jit
def _cbow(idx_flat, table):
    mesh = plsc.VectorSubcoreMesh(core_axis_name="c", subcore_axis_name="s")
    kern = functools.partial(
        pl.kernel,
        mesh=mesh,
        out_type=jax.ShapeDtypeStruct((BATCH // 2, 2 * EMBED_DIM), jnp.float32),
        scratch_types=[
            pltpu.VMEM((IDX_PER_W,), jnp.int32),
            pltpu.VMEM((NBUF, ROWS_PER_CHUNK, EMBED_DIM), jnp.float32),
            pltpu.VMEM((NBUF, CHUNK // 2, 2 * EMBED_DIM), jnp.float32),
            pltpu.SemaphoreType.DMA((NBUF,)),
            pltpu.SemaphoreType.DMA((NBUF,)),
        ],
        compiler_params=pltpu.CompilerParams(use_tc_tiling_on_sc=False),
    )(_cbow_body)
    return kern(idx_flat, table)


def kernel(inputs, table):
    idx_flat = inputs.astype(jnp.int32).reshape(-1)
    return _cbow(idx_flat, table).reshape(BATCH, EMBED_DIM)

# --- scband reference (transcript-rebuilt; emitter-appended) ---
"""Pipeline reference for scband-cbowmodel-55705725829158 (READ-ONLY COPY).

The authoritative reference and input builder live on the scoring server;
editing this copy changes nothing except your own understanding.
"""

import jax, jax.numpy as jnp
import numpy as np

VOCAB = 1000000
EMBED_DIM = 64
BATCH = 16384
CTX = 20

def setup_inputs(seed: int = 0) -> dict:
    key = jax.random.key(seed)
    k1, k2 = jax.random.split(key)
    inputs = jax.random.randint(k1, (BATCH, CTX), 0, VOCAB, dtype=jnp.int64 if jax.config.jax_enable_x64 else jnp.int32)
    table = jax.random.normal(k2, (VOCAB, EMBED_DIM), dtype=jnp.float32) * 0.05
    return {"inputs": inputs, "table": table}

def reference(inputs, table):
    # Embedding lookup: [B, CTX] -> [B, CTX, D]
    embeddings = jnp.take(table, inputs, axis=0)
    # CBOW: mean over the context window axis
    return jnp.mean(embeddings, axis=1)

if __name__ == "__main__":
    import jax
    _d = setup_inputs()
    print(jax.jit(kernel)(*tuple(_d.values())))

</pallas_src>

<mosaic_0001>
#map = affine_map<(d0, d1) -> (0)>
#map1 = affine_map<(d0, d1) -> (0, 0)>
module attributes {stable_mosaic.version = 14 : i64} {
  func.func @_cbow_body(%arg0: i32, %arg1: i32, %arg2: memref<327680xi32, #tpu.memory_space<hbm>>, %arg3: memref<1000000x64xf32, #tpu.memory_space<hbm>>, %arg4: memref<8192x128xf32, #tpu.memory_space<hbm>>, %arg5: memref<10240xi32, #tpu.memory_space<vmem>>, %arg6: memref<2x640x64xf32, #tpu.memory_space<vmem>>, %arg7: memref<2x16x128xf32, #tpu.memory_space<vmem>>, %arg8: memref<2x!tpu.dma_semaphore, #tpu.memory_space<semaphore_mem>>, %arg9: memref<2x!tpu.dma_semaphore, #tpu.memory_space<semaphore_mem>>) attributes {dimension_semantics = [#tpu.dimension_semantics<core_parallel>, #tpu.dimension_semantics<subcore_parallel>], iteration_bounds = array<i64: 2, 16>, scalar_prefetch = 0 : i64, scratch_operands = 5 : i64, tpu.core_type = #tpu.core_type<sc_vector_subcore>, window_params = [{transform_indices = #map}, {transform_indices = #map1}, {transform_indices = #map1}]} {
    %mul3A = arith.constant 2 : i32
    %mul3A_0 = arith.muli %arg1, %mul3A : i32
    %add3A = arith.addi %mul3A_0, %arg0 : i32
    %mul3A_1 = arith.constant 512 : i32
    %mul3A_2 = arith.muli %add3A, %mul3A_1 : i32
    %mul3A_3 = arith.constant 10240 : i32
    %mul3A_4 = arith.muli %add3A, %mul3A_3 : i32
    "tpu.region"() ({
      %run_scoped3A = tpu.sem_alloc : memref<!tpu.dma_semaphore, #tpu.memory_space<semaphore_mem>>
      %dma_start3A_768 = arith.constant 0 : i32
      %dma_start3A_769 = tpu.memref_slice %arg5[%dma_start3A_768] : memref<10240xi32, #tpu.memory_space<vmem>> -> memref<640xi32, #tpu.memory_space<vmem>>
      %dma_start3A_770 = tpu.memref_slice %arg2[%mul3A_4] : memref<327680xi32, #tpu.memory_space<hbm>> -> memref<640xi32, #tpu.memory_space<hbm>>
      %dma_start3A_771 = arith.constant 0 : i32
      %dma_start3A_772 = tpu.memref_slice %arg5[%dma_start3A_771] : memref<10240xi32, #tpu.memory_space<vmem>> -> memref<640xi32, #tpu.memory_space<vmem>>
      %dma_start3A_773 = tpu.memref_slice %arg2[%mul3A_4] : memref<327680xi32, #tpu.memory_space<hbm>> -> memref<640xi32, #tpu.memory_space<hbm>>
      tpu.enqueue_dma source(%dma_start3A_773 : memref<640xi32, #tpu.memory_space<hbm>>) target(%dma_start3A_772 : memref<640xi32, #tpu.memory_space<vmem>>) target_semaphore(%run_scoped3A : memref<!tpu.dma_semaphore, #tpu.memory_space<semaphore_mem>>)
      %dma_wait3A_774 = arith.constant 0 : i32
      %dma_wait3A_775 = tpu.memref_slice %arg5[%dma_wait3A_774] : memref<10240xi32, #tpu.memory_space<vmem>> -> memref<640xi32, #tpu.memory_space<vmem>>
      %dma_wait3A_776 = tpu.memref_slice %arg2[%mul3A_4] : memref<327680xi32, #tpu.memory_space<hbm>> -> memref<640xi32, #tpu.memory_space<hbm>>
      %dma_wait3A_777 = arith.constant 0 : i32
      %dma_wait3A_778 = tpu.memref_slice %arg5[%dma_wait3A_777] : memref<10240xi32, #tpu.memory_space<vmem>> -> memref<640xi32, #tpu.memory_space<vmem>>
      %dma_wait3A_779 = tpu.memref_slice %arg2[%mul3A_4] : memref<327680xi32, #tpu.memory_space<hbm>> -> memref<640xi32, #tpu.memory_space<hbm>>
      tpu.wait_dma2 semaphore(%run_scoped3A : memref<!tpu.dma_semaphore, #tpu.memory_space<semaphore_mem>>) src(%dma_wait3A_779 : memref<640xi32, #tpu.memory_space<hbm>>) dst(%dma_wait3A_778 : memref<640xi32, #tpu.memory_space<vmem>>)
      tpu.yield
    }) : () -> ()
    %get3A = arith.constant 0 : index
    %get3A_5 = tpu.vector_load %arg5[%get3A] {strides = array<i32>} : memref<10240xi32, #tpu.memory_space<vmem>>, vector<16xi32>,
    %get3A_6 = vector.shape_cast %get3A_5 : vector<16xi32> to vector<16xi32>
    %dma_start3A = arith.constant 0 : i32
    %dma_start3A_7 = arith.constant 0 : i32
    %dma_start3A_8 = arith.constant 0 : i32
    %dma_start3A_9 = arith.constant 0 : i32
    %dma_start3A_10 = tpu.memref_slice %arg6[%dma_start3A, %dma_start3A_8, %dma_start3A_9] : memref<2x640x64xf32, #tpu.memory_space<vmem>> -> memref<1x640x64xf32, #tpu.memory_space<vmem>>
    %dma_start3A_11 = tpu.memref_squeeze %dma_start3A_10 : memref<1x640x64xf32, #tpu.memory_space<vmem>> -> memref<640x64xf32, #tpu.memory_space<vmem>>
    %dma_start3A_12 = arith.constant 0 : i32
    %dma_start3A_13 = arith.constant 0 : i32
    %dma_start3A_14 = tpu.memref_slice %dma_start3A_11[%dma_start3A_12, %dma_start3A_13] : memref<640x64xf32, #tpu.memory_space<vmem>> -> memref<16x64xf32, #tpu.memory_space<vmem>>
    %dma_start3A_15 = arith.constant 0 : i32
    %dma_start3A_16 = arith.constant 0 : i32
    %dma_start3A_17 = tpu.memref_slice %arg3[%dma_start3A_15, %dma_start3A_16] : memref<1000000x64xf32, #tpu.memory_space<hbm>> -> memref<1000000x64xf32, #tpu.memory_space<hbm>>
    %dma_start3A_18 = tpu.memref_slice %arg8[%dma_start3A_7] : memref<2x!tpu.dma_semaphore, #tpu.memory_space<semaphore_mem>> -> memref<1x!tpu.dma_semaphore, #tpu.memory_space<semaphore_mem>>
    %dma_start3A_19 = tpu.memref_squeeze %dma_start3A_18 : memref<1x!tpu.dma_semaphore, #tpu.memory_space<semaphore_mem>> -> memref<!tpu.dma_semaphore, #tpu.memory_space<semaphore_mem>>
    tpu.enqueue_indirect_dma source(%dma_start3A_17 : memref<1000000x64xf32, #tpu.memory_space<hbm>>) target(%dma_start3A_14 : memref<16x64xf32, #tpu.memory_space<vmem>>) offsets(%get3A_6 : vector<16xi32>) semaphore(%dma_start3A_19 : memref<!tpu.dma_semaphore, #tpu.memory_space<semaphore_mem>>)
    %get3A_20 = arith.constant 16 : index
    %get3A_21 = tpu.vector_load %arg5[%get3A_20] {strides = array<i32>} : memref<10240xi32, #tpu.memory_space<vmem>>, vector<16xi32>,
    %get3A_22 = vector.shape_cast %get3A_21 : vector<16xi32> to vector<16xi32>
    %dma_start3A_23 = arith.constant 0 : i32
    %dma_start3A_24 = arith.constant 0 : i32
    %dma_start3A_25 = arith.constant 0 : i32
    %dma_start3A_26 = arith.constant 0 : i32
    %dma_start3A_27 = tpu.memref_slice %arg6[%dma_start3A_23, %dma_start3A_25, %dma_start3A_26] : memref<2x640x64xf32, #tpu.memory_space<vmem>> -> memref<1x640x64xf32, #tpu.memory_space<vmem>>
    %dma_start3A_28 = tpu.memref_squeeze %dma_start3A_27 : memref<1x640x64xf32, #tpu.memory_space<vmem>> -> memref<640x64xf32, #tpu.memory_space<vmem>>
    %dma_start3A_29 = arith.constant 16 : i32
    %dma_start3A_30 = arith.constant 0 : i32
    %dma_start3A_31 = tpu.memref_slice %dma_start3A_28[%dma_start3A_29, %dma_start3A_30] : memref<640x64xf32, #tpu.memory_space<vmem>> -> memref<16x64xf32, #tpu.memory_space<vmem>>
    %dma_start3A_32 = arith.constant 0 : i32
    %dma_start3A_33 = arith.constant 0 : i32
    %dma_start3A_34 = tpu.memref_slice %arg3[%dma_start3A_32, %dma_start3A_33] : memref<1000000x64xf32, #tpu.memory_space<hbm>> -> memref<1000000x64xf32, #tpu.memory_space<hbm>>
    %dma_start3A_35 = tpu.memref_slice %arg8[%dma_start3A_24] : memref<2x!tpu.dma_semaphore, #tpu.memory_space<semaphore_mem>> -> memref<1x!tpu.dma_semaphore, #tpu.memory_space<semaphore_mem>>
    %dma_start3A_36 = tpu.memref_squeeze %dma_start3A_35 : memref<1x!tpu.dma_semaphore, #tpu.memory_space<semaphore_mem>> -> memref<!tpu.dma_semaphore, #tpu.memory_space<semaphore_mem>>
    tpu.enqueue_indirect_dma source(%dma_start3A_34 : memref<1000000x64xf32, #tpu.memory_space<hbm>>) target(%dma_start3A_31 : memref<16x64xf32, #tpu.memory_space<vmem>>) offsets(%get3A_22 : vector<16xi32>) semaphore(%dma_start3A_36 : memref<!tpu.dma_semaphore, #tpu.memory_space<semaphore_mem>>)
    %get3A_37 = arith.constant 32 : index
    %get3A_38 = tpu.vector_load %arg5[%get3A_37] {strides = array<i32>} : memref<10240xi32, #tpu.memory_space<vmem>>, vector<16xi32>,
    %get3A_39 = vector.shape_cast %get3A_38 : vector<16xi32> to vector<16xi32>
    %dma_start3A_40 = arith.constant 0 : i32
    %dma_start3A_41 = arith.constant 0 : i32
    %dma_start3A_42 = arith.constant 0 : i32
    %dma_start3A_43 = arith.constant 0 : i32
    %dma_start3A_44 = tpu.memref_slice %arg6[%dma_start3A_40, %dma_start3A_42, %dma_start3A_43] : memref<2x640x64xf32, #tpu.memory_space<vmem>> -> memref<1x640x64xf32, #tpu.memory_space<vmem>>
    %dma_start3A_45 = tpu.memref_squeeze %dma_start3A_44 : memref<1x640x64xf32, #tpu.memory_space<vmem>> -> memref<640x64xf32, #tpu.memory_space<vmem>>
    %dma_start3A_46 = arith.constant 32 : i32
    %dma_start3A_47 = arith.constant 0 : i32
    %dma_start3A_48 = tpu.memref_slice %dma_start3A_45[%dma_start3A_46, %dma_start3A_47] : memref<640x64xf32, #tpu.memory_space<vmem>> -> memref<16x64xf32, #tpu.memory_space<vmem>>
    %dma_start3A_49 = arith.constant 0 : i32
    %dma_start3A_50 = arith.constant 0 : i32
    %dma_start3A_51 = tpu.memref_slice %arg3[%dma_start3A_49, %dma_start3A_50] : memref<1000000x64xf32, #tpu.memory_space<hbm>> -> memref<1000000x64xf32, #tpu.memory_space<hbm>>
    %dma_start3A_52 = tpu.memref_slice %arg8[%dma_start3A_41] : memref<2x!tpu.dma_semaphore, #tpu.memory_space<semaphore_mem>> -> memref<1x!tpu.dma_semaphore, #tpu.memory_space<semaphore_mem>>
    %dma_start3A_53 = tpu.memref_squeeze %dma_start3A_52 : memref<1x!tpu.dma_semaphore, #tpu.memory_space<semaphore_mem>> -> memref<!tpu.dma_semaphore, #tpu.memory_space<semaphore_mem>>
    tpu.enqueue_indirect_dma source(%dma_start3A_51 : memref<1000000x64xf32, #tpu.memory_space<hbm>>) target(%dma_start3A_48 : memref<16x64xf32, #tpu.memory_space<vmem>>) offsets(%get3A_39 : vector<16xi32>) semaphore(%dma_start3A_53 : memref<!tpu.dma_semaphore, #tpu.memory_space<semaphore_mem>>)
    %get3A_54 = arith.constant 48 : index
    %get3A_55 = tpu.vector_load %arg5[%get3A_54] {strides = array<i32>} : memref<10240xi32, #tpu.memory_space<vmem>>, vector<16xi32>,
    %get3A_56 = vector.shape_cast %get3A_55 : vector<16xi32> to vector<16xi32>
    %dma_start3A_57 = arith.constant 0 : i32
    %dma_start3A_58 = arith.constant 0 : i32
    %dma_start3A_59 = arith.constant 0 : i32
    %dma_start3A_60 = arith.constant 0 : i32
    %dma_start3A_61 = tpu.memref_slice %arg6[%dma_start3A_57, %dma_start3A_59, %dma_start3A_60] : memref<2x640x64xf32, #tpu.memory_space<vmem>> -> memref<1x640x64xf32, #tpu.memory_space<vmem>>
    %dma_start3A_62 = tpu.memref_squeeze %dma_start3A_61 : memref<1x640x64xf32, #tpu.memory_space<vmem>> -> memref<640x64xf32, #tpu.memory_space<vmem>>
    %dma_start3A_63 = arith.constant 48 : i32
    %dma_start3A_64 = arith.constant 0 : i32
    %dma_start3A_65 = tpu.memref_slice %dma_start3A_62[%dma_start3A_63, %dma_start3A_64] : memref<640x64xf32, #tpu.memory_space<vmem>> -> memref<16x64xf32, #tpu.memory_space<vmem>>
    %dma_start3A_66 = arith.constant 0 : i32
    %dma_start3A_67 = arith.constant 0 : i32
    %dma_start3A_68 = tpu.memref_slice %arg3[%dma_start3A_66, %dma_start3A_67] : memref<1000000x64xf32, #tpu.memory_space<hbm>> -> memref<1000000x64xf32, #tpu.memory_space<hbm>>
    %dma_start3A_69 = tpu.memref_slice %arg8[%dma_start3A_58] : memref<2x!tpu.dma_semaphore, #tpu.memory_space<semaphore_mem>> -> memref<1x!tpu.dma_semaphore, #tpu.memory_space<semaphore_mem>>
    %dma_start3A_70 = tpu.memref_squeeze %dma_start3A_69 : memref<1x!tpu.dma_semaphore, #tpu.memory_space<semaphore_mem>> -> memref<!tpu.dma_semaphore, #tpu.memory_space<semaphore_mem>>
    tpu.enqueue_indirect_dma source(%dma_start3A_68 : memref<1000000x64xf32, #tpu.memory_space<hbm>>) target(%dma_start3A_65 : memref<16x64xf32, #tpu.memory_space<vmem>>) offsets(%get3A_56 : vector<16xi32>) semaphore(%dma_start3A_70 : memref<!tpu.dma_semaphore, #tpu.memory_space<semaphore_mem>>)
    %get3A_71 = arith.constant 64 : index
    %get3A_72 = tpu.vector_load %arg5[%get3A_71] {strides = array<i32>} : memref<10240xi32, #tpu.memory_space<vmem>>, vector<16xi32>,
    %get3A_73 = vector.shape_cast %get3A_72 : vector<16xi32> to vector<16xi32>
    %dma_start3A_74 = arith.constant 0 : i32
    %dma_start3A_75 = arith.constant 0 : i32
    %dma_start3A_76 = arith.constant 0 : i32
    %dma_start3A_77 = arith.constant 0 : i32
    %dma_start3A_78 = tpu.memref_slice %arg6[%dma_start3A_74, %dma_start3A_76, %dma_start3A_77] : memref<2x640x64xf32, #tpu.memory_space<vmem>> -> memref<1x640x64xf32, #tpu.memory_space<vmem>>
    %dma_start3A_79 = tpu.memref_squeeze %dma_start3A_78 : memref<1x640x64xf32, #tpu.memory_space<vmem>> -> memref<640x64xf32, #tpu.memory_space<vmem>>
    %dma_start3A_80 = arith.constant 64 : i32
    %dma_start3A_81 = arith.constant 0 : i32
    %dma_start3A_82 = tpu.memref_slice %dma_start3A_79[%dma_start3A_80, %dma_start3A_81] : memref<640x64xf32, #tpu.memory_space<vmem>> -> memref<16x64xf32, #tpu.memory_space<vmem>>
    %dma_start3A_83 = arith.constant 0 : i32
    %dma_start3A_84 = arith.constant 0 : i32
    %dma_start3A_85 = tpu.memref_slice %arg3[%dma_start3A_83, %dma_start3A_84] : memref<1000000x64xf32, #tpu.memory_space<hbm>> -> memref<1000000x64xf32, #tpu.memory_space<hbm>>
    %dma_start3A_86 = tpu.memref_slice %arg8[%dma_start3A_75] : memref<2x!tpu.dma_semaphore, #tpu.memory_space<semaphore_mem>> -> memref<1x!tpu.dma_semaphore, #tpu.memory_space<semaphore_mem>>
    %dma_start3A_87 = tpu.memref_squeeze %dma_start3A_86 : memref<1x!tpu.dma_semaphore, #tpu.memory_space<semaphore_mem>> -> memref<!tpu.dma_semaphore, #tpu.memory_space<semaphore_mem>>
    tpu.enqueue_indirect_dma source(%dma_start3A_85 : memref<1000000x64xf32, #tpu.memory_space<hbm>>) target(%dma_start3A_82 : memref<16x64xf32, #tpu.memory_space<vmem>>) offsets(%get3A_73 : vector<16xi32>) semaphore(%dma_start3A_87 : memref<!tpu.dma_semaphore, #tpu.memory_space<semaphore_mem>>)
    %get3A_88 = arith.constant 80 : index
    %get3A_89 = tpu.vector_load %arg5[%get3A_88] {strides = array<i32>} : memref<10240xi32, #tpu.memory_space<vmem>>, vector<16xi32>,
    %get3A_90 = vector.shape_cast %get3A_89 : vector<16xi32> to vector<16xi32>
    %dma_start3A_91 = arith.constant 0 : i32
    %dma_start3A_92 = arith.constant 0 : i32
    %dma_start3A_93 = arith.constant 0 : i32
    %dma_start3A_94 = arith.constant 0 : i32
    %dma_start3A_95 = tpu.memref_slice %arg6[%dma_start3A_91, %dma_start3A_93, %dma_start3A_94] : memref<2x640x64xf32, #tpu.memory_space<vmem>> -> memref<1x640x64xf32, #tpu.memory_space<vmem>>
    %dma_start3A_96 = tpu.memref_squeeze %dma_start3A_95 : memref<1x640x64xf32, #tpu.memory_space<vmem>> -> memref<640x64xf32, #tpu.memory_space<vmem>>
    %dma_start3A_97 = arith.constant 80 : i32
    %dma_start3A_98 = arith.constant 0 : i32
    %dma_start3A_99 = tpu.memref_slice %dma_start3A_96[%dma_start3A_97, %dma_start3A_98] : memref<640x64xf32, #tpu.memory_space<vmem>> -> memref<16x64xf32, #tpu.memory_space<vmem>>
    %dma_start3A_100 = arith.constant 0 : i32
    %dma_start3A_101 = arith.constant 0 : i32
    %dma_start3A_102 = tpu.memref_slice %arg3[%dma_start3A_100, %dma_start3A_101] : memref<1000000x64xf32, #tpu.memory_space<hbm>> -> memref<1000000x64xf32, #tpu.memory_space<hbm>>
    %dma_start3A_103 = tpu.memref_slice %arg8[%dma_start3A_92] : memref<2x!tpu.dma_semaphore, #tpu.memory_space<semaphore_mem>> -> memref<1x!tpu.dma_semaphore, #tpu.memory_space<semaphore_mem>>
    %dma_start3A_104 = tpu.memref_squeeze %dma_start3A_103 : memref<1x!tpu.dma_semaphore, #tpu.memory_space<semaphore_mem>> -> memref<!tpu.dma_semaphore, #tpu.memory_space<semaphore_mem>>
    tpu.enqueue_indirect_dma source(%dma_start3A_102 : memref<1000000x64xf32, #tpu.memory_space<hbm>>) target(%dma_start3A_99 : memref<16x64xf32, #tpu.memory_space<vmem>>) offsets(%get3A_90 : vector<16xi32>) semaphore(%dma_start3A_104 : memref<!tpu.dma_semaphore, #tpu.memory_space<semaphore_mem>>)
    %get3A_105 = arith.constant 96 : index
    %get3A_106 = tpu.vector_load %arg5[%get3A_105] {strides = array<i32>} : memref<10240xi32, #tpu.memory_space<vmem>>, vector<16xi32>,
    %get3A_107 = vector.shape_cast %get3A_106 : vector<16xi32> to vector<16xi32>
    %dma_start3A_108 = arith.constant 0 : i32
    %dma_start3A_109 = arith.constant 0 : i32
    %dma_start3A_110 = arith.constant 0 : i32
    %dma_start3A_111 = arith.constant 0 : i32
    %dma_start3A_112 = tpu.memref_slice %arg6[%dma_start3A_108, %dma_start3A_110, %dma_start3A_111] : memref<2x640x64xf32, #tpu.memory_space<vmem>> -> memref<1x640x64xf32, #tpu.memory_space<vmem>>
    %dma_start3A_113 = tpu.memref_squeeze %dma_start3A_112 : memref<1x640x64xf32, #tpu.memory_space<vmem>> -> memref<640x64xf32, #tpu.memory_space<vmem>>
    %dma_start3A_114 = arith.constant 96 : i32
    %dma_start3A_115 = arith.constant 0 : i32
    %dma_start3A_116 = tpu.memref_slice %dma_start3A_113[%dma_start3A_114, %dma_start3A_115] : memref<640x64xf32, #tpu.memory_space<vmem>> -> memref<16x64xf32, #tpu.memory_space<vmem>>
    %dma_start3A_117 = arith.constant 0 : i32
    %dma_start3A_118 = arith.constant 0 : i32
    %dma_start3A_119 = tpu.memref_slice %arg3[%dma_start3A_117, %dma_start3A_118] : memref<1000000x64xf32, #tpu.memory_space<hbm>> -> memref<1000000x64xf32, #tpu.memory_space<hbm>>
    %dma_start3A_120 = tpu.memref_slice %arg8[%dma_start3A_109] : memref<2x!tpu.dma_semaphore, #tpu.memory_space<semaphore_mem>> -> memref<1x!tpu.dma_semaphore, #tpu.memory_space<semaphore_mem>>
    %dma_start3A_121 = tpu.memref_squeeze %dma_start3A_120 : memref<1x!tpu.dma_semaphore, #tpu.memory_space<semaphore_mem>> -> memref<!tpu.dma_semaphore, #tpu.memory_space<semaphore_mem>>
    tpu.enqueue_indirect_dma source(%dma_start3A_119 : memref<1000000x64xf32, #tpu.memory_space<hbm>>) target(%dma_start3A_116 : memref<16x64xf32, #tpu.memory_space<vmem>>) offsets(%get3A_107 : vector<16xi32>) semaphore(%dma_start3A_121 : memref<!tpu.dma_semaphore, #tpu.memory_space<semaphore_mem>>)
    %get3A_122 = arith.constant 112 : index
    %get3A_123 = tpu.vector_load %arg5[%get3A_122] {strides = array<i32>} : memref<10240xi32, #tpu.memory_space<vmem>>, vector<16xi32>,
    %get3A_124 = vector.shape_cast %get3A_123 : vector<16xi32> to vector<16xi32>
    %dma_start3A_125 = arith.constant 0 : i32
    %dma_start3A_126 = arith.constant 0 : i32
    %dma_start3A_127 = arith.constant 0 : i32
    %dma_start3A_128 = arith.constant 0 : i32
    %dma_start3A_129 = tpu.memref_slice %arg6[%dma_start3A_125, %dma_start3A_127, %dma_start3A_128] : memref<2x640x64xf32, #tpu.memory_space<vmem>> -> memref<1x640x64xf32, #tpu.memory_space<vmem>>
    %dma_start3A_130 = tpu.memref_squeeze %dma_start3A_129 : memref<1x640x64xf32, #tpu.memory_space<vmem>> -> memref<640x64xf32, #tpu.memory_space<vmem>>
    %dma_start3A_131 = arith.constant 112 : i32
    %dma_start3A_132 = arith.constant 0 : i32
    %dma_start3A_133 = tpu.memref_slice %dma_start3A_130[%dma_start3A_131, %dma_start3A_132] : memref<640x64xf32, #tpu.memory_space<vmem>> -> memref<16x64xf32, #tpu.memory_space<vmem>>
    %dma_start3A_134 = arith.constant 0 : i32
    %dma_start3A_135 = arith.constant 0 : i32
    %dma_start3A_136 = tpu.memref_slice %arg3[%dma_start3A_134, %dma_start3A_135] : memref<1000000x64xf32, #tpu.memory_space<hbm>> -> memref<1000000x64xf32, #tpu.memory_space<hbm>>
    %dma_start3A_137 = tpu.memref_slice %arg8[%dma_start3A_126] : memref<2x!tpu.dma_semaphore, #tpu.memory_space<semaphore_mem>> -> memref<1x!tpu.dma_semaphore, #tpu.memory_space<semaphore_mem>>
    %dma_start3A_138 = tpu.memref_squeeze %dma_start3A_137 : memref<1x!tpu.dma_semaphore, #tpu.memory_space<semaphore_mem>> -> memref<!tpu.dma_semaphore, #tpu.memory_space<semaphore_mem>>
    tpu.enqueue_indirect_dma source(%dma_start3A_136 : memref<1000000x64xf32, #tpu.memory_space<hbm>>) target(%dma_start3A_133 : memref<16x64xf32, #tpu.memory_space<vmem>>) offsets(%get3A_124 : vector<16xi32>) semaphore(%dma_start3A_138 : memref<!tpu.dma_semaphore, #tpu.memory_space<semaphore_mem>>)
    %get3A_139 = arith.constant 128 : index
    %get3A_140 = tpu.vector_load %arg5[%get3A_139] {strides = array<i32>} : memref<10240xi32, #tpu.memory_space<vmem>>, vector<16xi32>,
    %get3A_141 = vector.shape_cast %get3A_140 : vector<16xi32> to vector<16xi32>
    %dma_start3A_142 = arith.constant 0 : i32
    %dma_start3A_143 = arith.constant 0 : i32
    %dma_start3A_144 = arith.constant 0 : i32
    %dma_start3A_145 = arith.constant 0 : i32
    %dma_start3A_146 = tpu.memref_slice %arg6[%dma_start3A_142, %dma_start3A_144, %dma_start3A_145] : memref<2x640x64xf32, #tpu.memory_space<vmem>> -> memref<1x640x64xf32, #tpu.memory_space<vmem>>
    %dma_start3A_147 = tpu.memref_squeeze %dma_start3A_146 : memref<1x640x64xf32, #tpu.memory_space<vmem>> -> memref<640x64xf32, #tpu.memory_space<vmem>>
    %dma_start3A_148 = arith.constant 128 : i32
    %dma_start3A_149 = arith.constant 0 : i32
    %dma_start3A_150 = tpu.memref_slice %dma_start3A_147[%dma_start3A_148, %dma_start3A_149] : memref<640x64xf32, #tpu.memory_space<vmem>> -> memref<16x64xf32, #tpu.memory_space<vmem>>
    %dma_start3A_151 = arith.constant 0 : i32
    %dma_start3A_152 = arith.constant 0 : i32
    %dma_start3A_153 = tpu.memref_slice %arg3[%dma_start3A_151, %dma_start3A_152] : memref<1000000x64xf32, #tpu.memory_space<hbm>> -> memref<1000000x64xf32, #tpu.memory_space<hbm>>
    %dma_start3A_154 = tpu.memref_slice %arg8[%dma_start3A_143] : memref<2x!tpu.dma_semaphore, #tpu.memory_space<semaphore_mem>> -> memref<1x!tpu.dma_semaphore, #tpu.memory_space<semaphore_mem>>
    %dma_start3A_155 = tpu.memref_squeeze %dma_start3A_154 : memref<1x!tpu.dma_semaphore, #tpu.memory_space<semaphore_mem>> -> memref<!tpu.dma_semaphore, #tpu.memory_space<semaphore_mem>>
    tpu.enqueue_indirect_dma source(%dma_start3A_153 : memref<1000000x64xf32, #tpu.memory_space<hbm>>) target(%dma_start3A_150 : memref<16x64xf32, #tpu.memory_space<vmem>>) offsets(%get3A_141 : vector<16xi32>) semaphore(%dma_start3A_155 : memref<!tpu.dma_semaphore, #tpu.memory_space<semaphore_mem>>)
    %get3A_156 = arith.constant 144 : index
    %get3A_157 = tpu.vector_load %arg5[%get3A_156] {strides = array<i32>} : memref<10240xi32, #tpu.memory_space<vmem>>, vector<16xi32>,
    %get3A_158 = vector.shape_cast %get3A_157 : vector<16xi32> to vector<16xi32>
    %dma_start3A_159 = arith.constant 0 : i32
    %dma_start3A_160 = arith.constant 0 : i32
    %dma_start3A_161 = arith.constant 0 : i32
    %dma_start3A_162 = arith.constant 0 : i32
    %dma_start3A_163 = tpu.memref_slice %arg6[%dma_start3A_159, %dma_start3A_161, %dma_start3A_162] : memref<2x640x64xf32, #tpu.memory_space<vmem>> -> memref<1x640x64xf32, #tpu.memory_space<vmem>>
    %dma_start3A_164 = tpu.memref_squeeze %dma_start3A_163 : memref<1x640x64xf32, #tpu.memory_space<vmem>> -> memref<640x64xf32, #tpu.memory_space<vmem>>
    %dma_start3A_165 = arith.constant 144 : i32
    %dma_start3A_166 = arith.constant 0 : i32
    %dma_start3A_167 = tpu.memref_slice %dma_start3A_164[%dma_start3A_165, %dma_start3A_166] : memref<640x64xf32, #tpu.memory_space<vmem>> -> memref<16x64xf32, #tpu.memory_space<vmem>>
    %dma_start3A_168 = arith.constant 0 : i32
    %dma_start3A_169 = arith.constant 0 : i32
    %dma_start3A_170 = tpu.memref_slice %arg3[%dma_start3A_168, %dma_start3A_169] : memref<1000000x64xf32, #tpu.memory_space<hbm>> -> memref<1000000x64xf32, #tpu.memory_space<hbm>>
    %dma_start3A_171 = tpu.memref_slice %arg8[%dma_start3A_160] : memref<2x!tpu.dma_semaphore, #tpu.memory_space<semaphore_mem>> -> memref<1x!tpu.dma_semaphore, #tpu.memory_space<semaphore_mem>>
    %dma_start3A_172 = tpu.memref_squeeze %dma_start3A_171 : memref<1x!tpu.dma_semaphore, #tpu.memory_space<semaphore_mem>> -> memref<!tpu.dma_semaphore, #tpu.memory_space<semaphore_mem>>
    tpu.enqueue_indirect_dma source(%dma_start3A_170 : memref<1000000x64xf32, #tpu.memory_space<hbm>>) target(%dma_start3A_167 : memref<16x64xf32, #tpu.memory_space<vmem>>) offsets(%get3A_158 : vector<16xi32>) semaphore(%dma_start3A_172 : memref<!tpu.dma_semaphore, #tpu.memory_space<semaphore_mem>>)
    %get3A_173 = arith.constant 160 : index
    %get3A_174 = tpu.vector_load %arg5[%get3A_173] {strides = array<i32>} : memref<10240xi32, #tpu.memory_space<vmem>>, vector<16xi32>,
    %get3A_175 = vector.shape_cast %get3A_174 : vector<16xi32> to vector<16xi32>
    %dma_start3A_176 = arith.constant 0 : i32
    %dma_start3A_177 = arith.constant 0 : i32
    %dma_start3A_178 = arith.constant 0 : i32
    %dma_start3A_179 = arith.constant 0 : i32
    %dma_start3A_180 = tpu.memref_slice %arg6[%dma_start3A_176, %dma_start3A_178, %dma_start3A_179] : memref<2x640x64xf32, #tpu.memory_space<vmem>> -> memref<1x640x64xf32, #tpu.memory_space<vmem>>
    %dma_start3A_181 = tpu.memref_squeeze %dma_start3A_180 : memref<1x640x64xf32, #tpu.memory_space<vmem>> -> memref<640x64xf32, #tpu.memory_space<vmem>>
    %dma_start3A_182 = arith.constant 160 : i32
    %dma_start3A_183 = arith.constant 0 : i32
    %dma_start3A_184 = tpu.memref_slice %dma_start3A_181[%dma_start3A_182, %dma_start3A_183] : memref<640x64xf32, #tpu.memory_space<vmem>> -> memref<16x64xf32, #tpu.memory_space<vmem>>
    %dma_start3A_185 = arith.constant 0 : i32
    %dma_start3A_186 = arith.constant 0 : i32
    %dma_start3A_187 = tpu.memref_slice %arg3[%dma_start3A_185, %dma_start3A_186] : memref<1000000x64xf32, #tpu.memory_space<hbm>> -> memref<1000000x64xf32, #tpu.memory_space<hbm>>
    %dma_start3A_188 = tpu.memref_slice %arg8[%dma_start3A_177] : memref<2x!tpu.dma_semaphore, #tpu.memory_space<semaphore_mem>> -> memref<1x!tpu.dma_semaphore, #tpu.memory_space<semaphore_mem>>
    %dma_start3A_189 = tpu.memref_squeeze %dma_start3A_188 : memref<1x!tpu.dma_semaphore, #tpu.memory_space<semaphore_mem>> -> memref<!tpu.dma_semaphore, #tpu.memory_space<semaphore_mem>>
    tpu.enqueue_indirect_dma source(%dma_start3A_187 : memref<1000000x64xf32, #tpu.memory_space<hbm>>) target(%dma_start3A_184 : memref<16x64xf32, #tpu.memory_space<vmem>>) offsets(%get3A_175 : vector<16xi32>) semaphore(%dma_start3A_189 : memref<!tpu.dma_semaphore, #tpu.memory_space<semaphore_mem>>)
    %get3A_190 = arith.constant 176 : index
    %get3A_191 = tpu.vector_load %arg5[%get3A_190] {strides = array<i32>} : memref<10240xi32, #tpu.memory_space<vmem>>, vector<16xi32>,
    %get3A_192 = vector.shape_cast %get3A_191 : vector<16xi32> to vector<16xi32>
    %dma_start3A_193 = arith.constant 0 : i32
    %dma_start3A_194 = arith.constant 0 : i32
    %dma_start3A_195 = arith.constant 0 : i32
    %dma_start3A_196 = arith.constant 0 : i32
    %dma_start3A_197 = tpu.memref_slice %arg6[%dma_start3A_193, %dma_start3A_195, %dma_start3A_196] : memref<2x640x64xf32, #tpu.memory_space<vmem>> -> memref<1x640x64xf32, #tpu.memory_space<vmem>>
    %dma_start3A_198 = tpu.memref_squeeze %dma_start3A_197 : memref<1x640x64xf32, #tpu.memory_space<vmem>> -> memref<640x64xf32, #tpu.memory_space<vmem>>
    %dma_start3A_199 = arith.constant 176 : i32
    %dma_start3A_200 = arith.constant 0 : i32
    %dma_start3A_201 = tpu.memref_slice %dma_start3A_198[%dma_start3A_199, %dma_start3A_200] : memref<640x64xf32, #tpu.memory_space<vmem>> -> memref<16x64xf32, #tpu.memory_space<vmem>>
    %dma_start3A_202 = arith.constant 0 : i32
    %dma_start3A_203 = arith.constant 0 : i32
    %dma_start3A_204 = tpu.memref_slice %arg3[%dma_start3A_202, %dma_start3A_203] : memref<1000000x64xf32, #tpu.memory_space<hbm>> -> memref<1000000x64xf32, #tpu.memory_space<hbm>>
    %dma_start3A_205 = tpu.memref_slice %arg8[%dma_start3A_194] : memref<2x!tpu.dma_semaphore, #tpu.memory_space<semaphore_mem>> -> memref<1x!tpu.dma_semaphore, #tpu.memory_space<semaphore_mem>>
    %dma_start3A_206 = tpu.memref_squeeze %dma_start3A_205 : memref<1x!tpu.dma_semaphore, #tpu.memory_space<semaphore_mem>> -> memref<!tpu.dma_semaphore, #tpu.memory_space<semaphore_mem>>
    tpu.enqueue_indirect_dma source(%dma_start3A_204 : memref<1000000x64xf32, #tpu.memory_space<hbm>>) target(%dma_start3A_201 : memref<16x64xf32, #tpu.memory_space<vmem>>) offsets(%get3A_192 : vector<16xi32>) semaphore(%dma_start3A_206 : memref<!tpu.dma_semaphore, #tpu.memory_space<semaphore_mem>>)
    %get3A_207 = arith.constant 192 : index
    %get3A_208 = tpu.vector_load %arg5[%get3A_207] {strides = array<i32>} : memref<10240xi32, #tpu.memory_space<vmem>>, vector<16xi32>,
    %get3A_209 = vector.shape_cast %get3A_208 : vector<16xi32> to vector<16xi32>
    %dma_start3A_210 = arith.constant 0 : i32
    %dma_start3A_211 = arith.constant 0 : i32
    %dma_start3A_212 = arith.constant 0 : i32
    %dma_start3A_213 = arith.constant 0 : i32
    %dma_start3A_214 = tpu.memref_slice %arg6[%dma_start3A_210, %dma_start3A_212, %dma_start3A_213] : memref<2x640x64xf32, #tpu.memory_space<vmem>> -> memref<1x640x64xf32, #tpu.memory_space<vmem>>
    %dma_start3A_215 = tpu.memref_squeeze %dma_start3A_214 : memref<1x640x64xf32, #tpu.memory_space<vmem>> -> memref<640x64xf32, #tpu.memory_space<vmem>>
    %dma_start3A_216 = arith.constant 192 : i32
    %dma_start3A_217 = arith.constant 0 : i32
    %dma_start3A_218 = tpu.memref_slice %dma_start3A_215[%dma_start3A_216, %dma_start3A_217] : memref<640x64xf32, #tpu.memory_space<vmem>> -> memref<16x64xf32, #tpu.memory_space<vmem>>
    %dma_start3A_219 = arith.constant 0 : i32
    %dma_start3A_220 = arith.constant 0 : i32
    %dma_start3A_221 = tpu.memref_slice %arg3[%dma_start3A_219, %dma_start3A_220] : memref<1000000x64xf32, #tpu.memory_space<hbm>> -> memref<1000000x64xf32, #tpu.memory_space<hbm>>
    %dma_start3A_222 = tpu.memref_slice %arg8[%dma_start3A_211] : memref<2x!tpu.dma_semaphore, #tpu.memory_space<semaphore_mem>> -> memref<1x!tpu.dma_semaphore, #tpu.memory_space<semaphore_mem>>
    %dma_start3A_223 = tpu.memref_squeeze %dma_start3A_222 : memref<1x!tpu.dma_semaphore, #tpu.memory_space<semaphore_mem>> -> memref<!tpu.dma_semaphore, #tpu.memory_space<semaphore_mem>>
    tpu.enqueue_indirect_dma source(%dma_start3A_221 : memref<1000000x64xf32, #tpu.memory_space<hbm>>) target(%dma_start3A_218 : memref<16x64xf32, #tpu.memory_space<vmem>>) offsets(%get3A_209 : vector<16xi32>) semaphore(%dma_start3A_223 : memref<!tpu.dma_semaphore, #tpu.memory_space<semaphore_mem>>)
    %get3A_224 = arith.constant 208 : index
    %get3A_225 = tpu.vector_load %arg5[%get3A_224] {strides = array<i32>} : memref<10240xi32, #tpu.memory_space<vmem>>, vector<16xi32>,
    %get3A_226 = vector.shape_cast %get3A_225 : vector<16xi32> to vector<16xi32>
    %dma_start3A_227 = arith.constant 0 : i32
    %dma_start3A_228 = arith.constant 0 : i32
    %dma_start3A_229 = arith.constant 0 : i32
    %dma_start3A_230 = arith.constant 0 : i32
    %dma_start3A_231 = tpu.memref_slice %arg6[%dma_start3A_227, %dma_start3A_229, %dma_start3A_230] : memref<2x640x64xf32, #tpu.memory_space<vmem>> -> memref<1x640x64xf32, #tpu.memory_space<vmem>>
    %dma_start3A_232 = tpu.memref_squeeze %dma_start3A_231 : memref<1x640x64xf32, #tpu.memory_space<vmem>> -> memref<640x64xf32, #tpu.memory_space<vmem>>
    %dma_start3A_233 = arith.constant 208 : i32
    %dma_start3A_234 = arith.constant 0 : i32
    %dma_start3A_235 = tpu.memref_slice %dma_start3A_232[%dma_start3A_233, %dma_start3A_234] : memref<640x64xf32, #tpu.memory_space<vmem>> -> memref<16x64xf32, #tpu.memory_space<vmem>>
    %dma_start3A_236 = arith.constant 0 : i32
    %dma_start3A_237 = arith.constant 0 : i32
    %dma_start3A_238 = tpu.memref_slice %arg3[%dma_start3A_236, %dma_start3A_237] : memref<1000000x64xf32, #tpu.memory_space<hbm>> -> memref<1000000x64xf32, #tpu.memory_space<hbm>>
    %dma_start3A_239 = tpu.memref_slice %arg8[%dma_start3A_228] : memref<2x!tpu.dma_semaphore, #tpu.memory_space<semaphore_mem>> -> memref<1x!tpu.dma_semaphore, #tpu.memory_space<semaphore_mem>>
    %dma_start3A_240 = tpu.memref_squeeze %dma_start3A_239 : memref<1x!tpu.dma_semaphore, #tpu.memory_space<semaphore_mem>> -> memref<!tpu.dma_semaphore, #tpu.memory_space<semaphore_mem>>
    tpu.enqueue_indirect_dma source(%dma_start3A_238 : memref<1000000x64xf32, #tpu.memory_space<hbm>>) target(%dma_start3A_235 : memref<16x64xf32, #tpu.memory_space<vmem>>) offsets(%get3A_226 : vector<16xi32>) semaphore(%dma_start3A_240 : memref<!tpu.dma_semaphore, #tpu.memory_space<semaphore_mem>>)
    %get3A_241 = arith.constant 224 : index
    %get3A_242 = tpu.vector_load %arg5[%get3A_241] {strides = array<i32>} : memref<10240xi32, #tpu.memory_space<vmem>>, vector<16xi32>,
    %get3A_243 = vector.shape_cast %get3A_242 : vector<16xi32> to vector<16xi32>
    %dma_start3A_244 = arith.constant 0 : i32
    %dma_start3A_245 = arith.constant 0 : i32
    %dma_start3A_246 = arith.constant 0 : i32
    %dma_start3A_247 = arith.constant 0 : i32
    %dma_start3A_248 = tpu.memref_slice %arg6[%dma_start3A_244, %dma_start3A_246, %dma_start3A_247] : memref<2x640x64xf32, #tpu.memory_space<vmem>> -> memref<1x640x64xf32, #tpu.memory_space<vmem>>
    %dma_start3A_249 = tpu.memref_squeeze %dma_start3A_248 : memref<1x640x64xf32, #tpu.memory_space<vmem>> -> memref<640x64xf32, #tpu.memory_space<vmem>>
    %dma_start3A_250 = arith.constant 224 : i32
    %dma_start3A_251 = arith.constant 0 : i32
    %dma_start3A_252 = tpu.memref_slice %dma_start3A_249[%dma_start3A_250, %dma_start3A_251] : memref<640x64xf32, #tpu.memory_space<vmem>> -> memref<16x64xf32, #tpu.memory_space<vmem>>
    %dma_start3A_253 = arith.constant 0 : i32
    %dma_start3A_254 = arith.constant 0 : i32
    %dma_start3A_255 = tpu.memref_slice %arg3[%dma_start3A_253, %dma_start3A_254] : memref<1000000x64xf32, #tpu.memory_space<hbm>> -> memref<1000000x64xf32, #tpu.memory_space<hbm>>
    %dma_start3A_256 = tpu.memref_slice %arg8[%dma_start3A_245] : memref<2x!tpu.dma_semaphore, #tpu.memory_space<semaphore_mem>> -> memref<1x!tpu.dma_semaphore, #tpu.memory_space<semaphore_mem>>
    %dma_start3A_257 = tpu.memref_squeeze %dma_start3A_256 : memref<1x!tpu.dma_semaphore, #tpu.memory_space<semaphore_mem>> -> memref<!tpu.dma_semaphore, #tpu.memory_space<semaphore_mem>>
    tpu.enqueue_indirect_dma source(%dma_start3A_255 : memref<1000000x64xf32, #tpu.memory_space<hbm>>) target(%dma_start3A_252 : memref<16x64xf32, #tpu.memory_space<vmem>>) offsets(%get3A_243 : vector<16xi32>) semaphore(%dma_start3A_257 : memref<!tpu.dma_semaphore, #tpu.memory_space<semaphore_mem>>)
    %get3A_258 = arith.constant 240 : index
    %get3A_259 = tpu.vector_load %arg5[%get3A_258] {strides = array<i32>} : memref<10240xi32, #tpu.memory_space<vmem>>, vector<16xi32>,
    %get3A_260 = vector.shape_cast %get3A_259 : vector<16xi32> to vector<16xi32>
    %dma_start3A_261 = arith.constant 0 : i32
    %dma_start3A_262 = arith.constant 0 : i32
    %dma_start3A_263 = arith.constant 0 : i32
    %dma_start3A_264 = arith.constant 0 : i32
    %dma_start3A_265 = tpu.memref_slice %arg6[%dma_start3A_261, %dma_start3A_263, %dma_start3A_264] : memref<2x640x64xf32, #tpu.memory_space<vmem>> -> memref<1x640x64xf32, #tpu.memory_space<vmem>>
    %dma_start3A_266 = tpu.memref_squeeze %dma_start3A_265 : memref<1x640x64xf32, #tpu.memory_space<vmem>> -> memref<640x64xf32, #tpu.memory_space<vmem>>
    %dma_start3A_267 = arith.constant 240 : i32
    %dma_start3A_268 = arith.constant 0 : i32
    %dma_start3A_269 = tpu.memref_slice %dma_start3A_266[%dma_start3A_267, %dma_start3A_268] : memref<640x64xf32, #tpu.memory_space<vmem>> -> memref<16x64xf32, #tpu.memory_space<vmem>>
    %dma_start3A_270 = arith.constant 0 : i32
    %dma_start3A_271 = arith.constant 0 : i32
    %dma_start3A_272 = tpu.memref_slice %arg3[%dma_start3A_270, %dma_start3A_271] : memref<1000000x64xf32, #tpu.memory_space<hbm>> -> memref<1000000x64xf32, #tpu.memory_space<hbm>>
    %dma_start3A_273 = tpu.memref_slice %arg8[%dma_start3A_262] : memref<2x!tpu.dma_semaphore, #tpu.memory_space<semaphore_mem>> -> memref<1x!tpu.dma_semaphore, #tpu.memory_space<semaphore_mem>>
    %dma_start3A_274 = tpu.memref_squeeze %dma_start3A_273 : memref<1x!tpu.dma_semaphore, #tpu.memory_space<semaphore_mem>> -> memref<!tpu.dma_semaphore, #tpu.memory_space<semaphore_mem>>
    tpu.enqueue_indirect_dma source(%dma_start3A_272 : memref<1000000x64xf32, #tpu.memory_space<hbm>>) target(%dma_start3A_269 : memref<16x64xf32, #tpu.memory_space<vmem>>) offsets(%get3A_260 : vector<16xi32>) semaphore(%dma_start3A_274 : memref<!tpu.dma_semaphore, #tpu.memory_space<semaphore_mem>>)
    %get3A_275 = arith.constant 256 : index
    %get3A_276 = tpu.vector_load %arg5[%get3A_275] {strides = array<i32>} : memref<10240xi32, #tpu.memory_space<vmem>>, vector<16xi32>,
    %get3A_277 = vector.shape_cast %get3A_276 : vector<16xi32> to vector<16xi32>
    %dma_start3A_278 = arith.constant 0 : i32
    %dma_start3A_279 = arith.constant 0 : i32
    %dma_start3A_280 = arith.constant 0 : i32
    %dma_start3A_281 = arith.constant 0 : i32
    %dma_start3A_282 = tpu.memref_slice %arg6[%dma_start3A_278, %dma_start3A_280, %dma_start3A_281] : memref<2x640x64xf32, #tpu.memory_space<vmem>> -> memref<1x640x64xf32, #tpu.memory_space<vmem>>
    %dma_start3A_283 = tpu.memref_squeeze %dma_start3A_282 : memref<1x640x64xf32, #tpu.memory_space<vmem>> -> memref<640x64xf32, #tpu.memory_space<vmem>>
    %dma_start3A_284 = arith.constant 256 : i32
    %dma_start3A_285 = arith.constant 0 : i32
    %dma_start3A_286 = tpu.memref_slice %dma_start3A_283[%dma_start3A_284, %dma_start3A_285] : memref<640x64xf32, #tpu.memory_space<vmem>> -> memref<16x64xf32, #tpu.memory_space<vmem>>
    %dma_start3A_287 = arith.constant 0 : i32
    %dma_start3A_288 = arith.constant 0 : i32
    %dma_start3A_289 = tpu.memref_slice %arg3[%dma_start3A_287, %dma_start3A_288] : memref<1000000x64xf32, #tpu.memory_space<hbm>> -> memref<1000000x64xf32, #tpu.memory_space<hbm>>
    %dma_start3A_290 = tpu.memref_slice %arg8[%dma_start3A_279] : memref<2x!tpu.dma_semaphore, #tpu.memory_space<semaphore_mem>> -> memref<1x!tpu.dma_semaphore, #tpu.memory_space<semaphore_mem>>
    %dma_start3A_291 = tpu.memref_squeeze %dma_start3A_290 : memref<1x!tpu.dma_semaphore, #tpu.memory_space<semaphore_mem>> -> memref<!tpu.dma_semaphore, #tpu.memory_space<semaphore_mem>>
    tpu.enqueue_indirect_dma source(%dma_start3A_289 : memref<1000000x64xf32, #tpu.memory_space<hbm>>) target(%dma_start3A_286 : memref<16x64xf32, #tpu.memory_space<vmem>>) offsets(%get3A_277 : vector<16xi32>) semaphore(%dma_start3A_291 : memref<!tpu.dma_semaphore, #tpu.memory_space<semaphore_mem>>)
    %get3A_292 = arith.constant 272 : index
    %get3A_293 = tpu.vector_load %arg5[%get3A_292] {strides = array<i32>} : memref<10240xi32, #tpu.memory_space<vmem>>, vector<16xi32>,
    %get3A_294 = vector.shape_cast %get3A_293 : vector<16xi32> to vector<16xi32>
    %dma_start3A_295 = arith.constant 0 : i32
    %dma_start3A_296 = arith.constant 0 : i32
    %dma_start3A_297 = arith.constant 0 : i32
    %dma_start3A_298 = arith.constant 0 : i32
    %dma_start3A_299 = tpu.memref_slice %arg6[%dma_start3A_295, %dma_start3A_297, %dma_start3A_298] : memref<2x640x64xf32, #tpu.memory_space<vmem>> -> memref<1x640x64xf32, #tpu.memory_space<vmem>>
    %dma_start3A_300 = tpu.memref_squeeze %dma_start3A_299 : memref<1x640x64xf32, #tpu.memory_space<vmem>> -> memref<640x64xf32, #tpu.memory_space<vmem>>
    %dma_start3A_301 = arith.constant 272 : i32
    %dma_start3A_302 = arith.constant 0 : i32
    %dma_start3A_303 = tpu.memref_slice %dma_start3A_300[%dma_start3A_301, %dma_start3A_302] : memref<640x64xf32, #tpu.memory_space<vmem>> -> memref<16x64xf32, #tpu.memory_space<vmem>>
    %dma_start3A_304 = arith.constant 0 : i32
    %dma_start3A_305 = arith.constant 0 : i32
    %dma_start3A_306 = tpu.memref_slice %arg3[%dma_start3A_304, %dma_start3A_305] : memref<1000000x64xf32, #tpu.memory_space<hbm>> -> memref<1000000x64xf32, #tpu.memory_space<hbm>>
    %dma_start3A_307 = tpu.memref_slice %arg8[%dma_start3A_296] : memref<2x!tpu.dma_semaphore, #tpu.memory_space<semaphore_mem>> -> memref<1x!tpu.dma_semaphore, #tpu.memory_space<semaphore_mem>>
    %dma_start3A_308 = tpu.memref_squeeze %dma_start3A_307 : memref<1x!tpu.dma_semaphore, #tpu.memory_space<semaphore_mem>> -> memref<!tpu.dma_semaphore, #tpu.memory_space<semaphore_mem>>
    tpu.enqueue_indirect_dma source(%dma_start3A_306 : memref<1000000x64xf32, #tpu.memory_space<hbm>>) target(%dma_start3A_303 : memref<16x64xf32, #tpu.memory_space<vmem>>) offsets(%get3A_294 : vector<16xi32>) semaphore(%dma_start3A_308 : memref<!tpu.dma_semaphore, #tpu.memory_space<semaphore_mem>>)
    %get3A_309 = arith.constant 288 : index
    %get3A_310 = tpu.vector_load %arg5[%get3A_309] {strides = array<i32>} : memref<10240xi32, #tpu.memory_space<vmem>>, vector<16xi32>,
    %get3A_311 = vector.shape_cast %get3A_310 : vector<16xi32> to vector<16xi32>
    %dma_start3A_312 = arith.constant 0 : i32
    %dma_start3A_313 = arith.constant 0 : i32
    %dma_start3A_314 = arith.constant 0 : i32
    %dma_start3A_315 = arith.constant 0 : i32
    %dma_start3A_316 = tpu.memref_slice %arg6[%dma_start3A_312, %dma_start3A_314, %dma_start3A_315] : memref<2x640x64xf32, #tpu.memory_space<vmem>> -> memref<1x640x64xf32, #tpu.memory_space<vmem>>
    %dma_start3A_317 = tpu.memref_squeeze %dma_start3A_316 : memref<1x640x64xf32, #tpu.memory_space<vmem>> -> memref<640x64xf32, #tpu.memory_space<vmem>>
    %dma_start3A_318 = arith.constant 288 : i32
    %dma_start3A_319 = arith.constant 0 : i32
    %dma_start3A_320 = tpu.memref_slice %dma_start3A_317[%dma_start3A_318, %dma_start3A_319] : memref<640x64xf32, #tpu.memory_space<vmem>> -> memref<16x64xf32, #tpu.memory_space<vmem>>
    %dma_start3A_321 = arith.constant 0 : i32
    %dma_start3A_322 = arith.constant 0 : i32
    %dma_start3A_323 = tpu.memref_slice %arg3[%dma_start3A_321, %dma_start3A_322] : memref<1000000x64xf32, #tpu.memory_space<hbm>> -> memref<1000000x64xf32, #tpu.memory_space<hbm>>
    %dma_start3A_324 = tpu.memref_slice %arg8[%dma_start3A_313] : memref<2x!tpu.dma_semaphore, #tpu.memory_space<semaphore_mem>> -> memref<1x!tpu.dma_semaphore, #tpu.memory_space<semaphore_mem>>
    %dma_start3A_325 = tpu.memref_squeeze %dma_start3A_324 : memref<1x!tpu.dma_semaphore, #tpu.memory_space<semaphore_mem>> -> memref<!tpu.dma_semaphore, #tpu.memory_space<semaphore_mem>>
    tpu.enqueue_indirect_dma source(%dma_start3A_323 : memref<1000000x64xf32, #tpu.memory_space<hbm>>) target(%dma_start3A_320 : memref<16x64xf32, #tpu.memory_space<vmem>>) offsets(%get3A_311 : vector<16xi32>) semaphore(%dma_start3A_325 : memref<!tpu.dma_semaphore, #tpu.memory_space<semaphore_mem>>)
    %get3A_326 = arith.constant 304 : index
    %get3A_327 = tpu.vector_load %arg5[%get3A_326] {strides = array<i32>} : memref<10240xi32, #tpu.memory_space<vmem>>, vector<16xi32>,
    %get3A_328 = vector.shape_cast %get3A_327 : vector<16xi32> to vector<16xi32>
    %dma_start3A_329 = arith.constant 0 : i32
    %dma_start3A_330 = arith.constant 0 : i32
    %dma_start3A_331 = arith.constant 0 : i32
    %dma_start3A_332 = arith.constant 0 : i32
    %dma_start3A_333 = tpu.memref_slice %arg6[%dma_start3A_329, %dma_start3A_331, %dma_start3A_332] : memref<2x640x64xf32, #tpu.memory_space<vmem>> -> memref<1x640x64xf32, #tpu.memory_space<vmem>>
    %dma_start3A_334 = tpu.memref_squeeze %dma_start3A_333 : memref<1x640x64xf32, #tpu.memory_space<vmem>> -> memref<640x64xf32, #tpu.memory_space<vmem>>
    %dma_start3A_335 = arith.constant 304 : i32
    %dma_start3A_336 = arith.constant 0 : i32
    %dma_start3A_337 = tpu.memref_slice %dma_start3A_334[%dma_start3A_335, %dma_start3A_336] : memref<640x64xf32, #tpu.memory_space<vmem>> -> memref<16x64xf32, #tpu.memory_space<vmem>>
    %dma_start3A_338 = arith.constant 0 : i32
    %dma_start3A_339 = arith.constant 0 : i32
    %dma_start3A_340 = tpu.memref_slice %arg3[%dma_start3A_338, %dma_start3A_339] : memref<1000000x64xf32, #tpu.memory_space<hbm>> -> memref<1000000x64xf32, #tpu.memory_space<hbm>>
    %dma_start3A_341 = tpu.memref_slice %arg8[%dma_start3A_330] : memref<2x!tpu.dma_semaphore, #tpu.memory_space<semaphore_mem>> -> memref<1x!tpu.dma_semaphore, #tpu.memory_space<semaphore_mem>>
    %dma_start3A_342 = tpu.memref_squeeze %dma_start3A_341 : memref<1x!tpu.dma_semaphore, #tpu.memory_space<semaphore_mem>> -> memref<!tpu.dma_semaphore, #tpu.memory_space<semaphore_mem>>
    tpu.enqueue_indirect_dma source(%dma_start3A_340 : memref<1000000x64xf32, #tpu.memory_space<hbm>>) target(%dma_start3A_337 : memref<16x64xf32, #tpu.memory_space<vmem>>) offsets(%get3A_328 : vector<16xi32>) semaphore(%dma_start3A_342 : memref<!tpu.dma_semaphore, #tpu.memory_space<semaphore_mem>>)
    %get3A_343 = arith.constant 320 : index
    %get3A_344 = tpu.vector_load %arg5[%get3A_343] {strides = array<i32>} : memref<10240xi32, #tpu.memory_space<vmem>>, vector<16xi32>,
    %get3A_345 = vector.shape_cast %get3A_344 : vector<16xi32> to vector<16xi32>
    %dma_start3A_346 = arith.constant 0 : i32
    %dma_start3A_347 = arith.constant 0 : i32
    %dma_start3A_348 = arith.constant 0 : i32
    %dma_start3A_349 = arith.constant 0 : i32
    %dma_start3A_350 = tpu.memref_slice %arg6[%dma_start3A_346, %dma_start3A_348, %dma_start3A_349] : memref<2x640x64xf32, #tpu.memory_space<vmem>> -> memref<1x640x64xf32, #tpu.memory_space<vmem>>
    %dma_start3A_351 = tpu.memref_squeeze %dma_start3A_350 : memref<1x640x64xf32, #tpu.memory_space<vmem>> -> memref<640x64xf32, #tpu.memory_space<vmem>>
    %dma_start3A_352 = arith.constant 320 : i32
    %dma_start3A_353 = arith.constant 0 : i32
    %dma_start3A_354 = tpu.memref_slice %dma_start3A_351[%dma_start3A_352, %dma_start3A_353] : memref<640x64xf32, #tpu.memory_space<vmem>> -> memref<16x64xf32, #tpu.memory_space<vmem>>
    %dma_start3A_355 = arith.constant 0 : i32
    %dma_start3A_356 = arith.constant 0 : i32
    %dma_start3A_357 = tpu.memref_slice %arg3[%dma_start3A_355, %dma_start3A_356] : memref<1000000x64xf32, #tpu.memory_space<hbm>> -> memref<1000000x64xf32, #tpu.memory_space<hbm>>
    %dma_start3A_358 = tpu.memref_slice %arg8[%dma_start3A_347] : memref<2x!tpu.dma_semaphore, #tpu.memory_space<semaphore_mem>> -> memref<1x!tpu.dma_semaphore, #tpu.memory_space<semaphore_mem>>
    %dma_start3A_359 = tpu.memref_squeeze %dma_start3A_358 : memref<1x!tpu.dma_semaphore, #tpu.memory_space<semaphore_mem>> -> memref<!tpu.dma_semaphore, #tpu.memory_space<semaphore_mem>>
    tpu.enqueue_indirect_dma source(%dma_start3A_357 : memref<1000000x64xf32, #tpu.memory_space<hbm>>) target(%dma_start3A_354 : memref<16x64xf32, #tpu.memory_space<vmem>>) offsets(%get3A_345 : vector<16xi32>) semaphore(%dma_start3A_359 : memref<!tpu.dma_semaphore, #tpu.memory_space<semaphore_mem>>)
    %get3A_360 = arith.constant 336 : index
    %get3A_361 = tpu.vector_load %arg5[%get3A_360] {strides = array<i32>} : memref<10240xi32, #tpu.memory_space<vmem>>, vector<16xi32>,
    %get3A_362 = vector.shape_cast %get3A_361 : vector<16xi32> to vector<16xi32>
    %dma_start3A_363 = arith.constant 0 : i32
    %dma_start3A_364 = arith.constant 0 : i32
    %dma_start3A_365 = arith.constant 0 : i32
    %dma_start3A_366 = arith.constant 0 : i32
    %dma_start3A_367 = tpu.memref_slice %arg6[%dma_start3A_363, %dma_start3A_365, %dma_start3A_366] : memref<2x640x64xf32, #tpu.memory_space<vmem>> -> memref<1x640x64xf32, #tpu.memory_space<vmem>>
    %dma_start3A_368 = tpu.memref_squeeze %dma_start3A_367 : memref<1x640x64xf32, #tpu.memory_space<vmem>> -> memref<640x64xf32, #tpu.memory_space<vmem>>
    %dma_start3A_369 = arith.constant 336 : i32
    %dma_start3A_370 = arith.constant 0 : i32
    %dma_start3A_371 = tpu.memref_slice %dma_start3A_368[%dma_start3A_369, %dma_start3A_370] : memref<640x64xf32, #tpu.memory_space<vmem>> -> memref<16x64xf32, #tpu.memory_space<vmem>>
    %dma_start3A_372 = arith.constant 0 : i32
    %dma_start3A_373 = arith.constant 0 : i32
    %dma_start3A_374 = tpu.memref_slice %arg3[%dma_start3A_372, %dma_start3A_373] : memref<1000000x64xf32, #tpu.memory_space<hbm>> -> memref<1000000x64xf32, #tpu.memory_space<hbm>>
    %dma_start3A_375 = tpu.memref_slice %arg8[%dma_start3A_364] : memref<2x!tpu.dma_semaphore, #tpu.memory_space<semaphore_mem>> -> memref<1x!tpu.dma_semaphore, #tpu.memory_space<semaphore_mem>>
    %dma_start3A_376 = tpu.memref_squeeze %dma_start3A_375 : memref<1x!tpu.dma_semaphore, #tpu.memory_space<semaphore_mem>> -> memref<!tpu.dma_semaphore, #tpu.memory_space<semaphore_mem>>
    tpu.enqueue_indirect_dma source(%dma_start3A_374 : memref<1000000x64xf32, #tpu.memory_space<hbm>>) target(%dma_start3A_371 : memref<16x64xf32, #tpu.memory_space<vmem>>) offsets(%get3A_362 : vector<16xi32>) semaphore(%dma_start3A_376 : memref<!tpu.dma_semaphore, #tpu.memory_space<semaphore_mem>>)
    %get3A_377 = arith.constant 352 : index
    %get3A_378 = tpu.vector_load %arg5[%get3A_377] {strides = array<i32>} : memref<10240xi32, #tpu.memory_space<vmem>>, vector<16xi32>,
    %get3A_379 = vector.shape_cast %get3A_378 : vector<16xi32> to vector<16xi32>
    %dma_start3A_380 = arith.constant 0 : i32
    %dma_start3A_381 = arith.constant 0 : i32
    %dma_start3A_382 = arith.constant 0 : i32
    %dma_start3A_383 = arith.constant 0 : i32
    %dma_start3A_384 = tpu.memref_slice %arg6[%dma_start3A_380, %dma_start3A_382, %dma_start3A_383] : memref<2x640x64xf32, #tpu.memory_space<vmem>> -> memref<1x640x64xf32, #tpu.memory_space<vmem>>
    %dma_start3A_385 = tpu.memref_squeeze %dma_start3A_384 : memref<1x640x64xf32, #tpu.memory_space<vmem>> -> memref<640x64xf32, #tpu.memory_space<vmem>>
    %dma_start3A_386 = arith.constant 352 : i32
    %dma_start3A_387 = arith.constant 0 : i32
    %dma_start3A_388 = tpu.memref_slice %dma_start3A_385[%dma_start3A_386, %dma_start3A_387] : memref<640x64xf32, #tpu.memory_space<vmem>> -> memref<16x64xf32, #tpu.memory_space<vmem>>
    %dma_start3A_389 = arith.constant 0 : i32
    %dma_start3A_390 = arith.constant 0 : i32
    %dma_start3A_391 = tpu.memref_slice %arg3[%dma_start3A_389, %dma_start3A_390] : memref<1000000x64xf32, #tpu.memory_space<hbm>> -> memref<1000000x64xf32, #tpu.memory_space<hbm>>
    %dma_start3A_392 = tpu.memref_slice %arg8[%dma_start3A_381] : memref<2x!tpu.dma_semaphore, #tpu.memory_space<semaphore_mem>> -> memref<1x!tpu.dma_semaphore, #tpu.memory_space<semaphore_mem>>
    %dma_start3A_393 = tpu.memref_squeeze %dma_start3A_392 : memref<1x!tpu.dma_semaphore, #tpu.memory_space<semaphore_mem>> -> memref<!tpu.dma_semaphore, #tpu.memory_space<semaphore_mem>>
    tpu.enqueue_indirect_dma source(%dma_start3A_391 : memref<1000000x64xf32, #tpu.memory_space<hbm>>) target(%dma_start3A_388 : memref<16x64xf32, #tpu.memory_space<vmem>>) offsets(%get3A_379 : vector<16xi32>) semaphore(%dma_start3A_393 : memref<!tpu.dma_semaphore, #tpu.memory_space<semaphore_mem>>)
    %get3A_394 = arith.constant 368 : index
    %get3A_395 = tpu.vector_load %arg5[%get3A_394] {strides = array<i32>} : memref<10240xi32, #tpu.memory_space<vmem>>, vector<16xi32>,
    %get3A_396 = vector.shape_cast %get3A_395 : vector<16xi32> to vector<16xi32>
    %dma_start3A_397 = arith.constant 0 : i32
    %dma_start3A_398 = arith.constant 0 : i32
    %dma_start3A_399 = arith.constant 0 : i32
    %dma_start3A_400 = arith.constant 0 : i32
    %dma_start3A_401 = tpu.memref_slice %arg6[%dma_start3A_397, %dma_start3A_399, %dma_start3A_400] : memref<2x640x64xf32, #tpu.memory_space<vmem>> -> memref<1x640x64xf32, #tpu.memory_space<vmem>>
    %dma_start3A_402 = tpu.memref_squeeze %dma_start3A_401 : memref<1x640x64xf32, #tpu.memory_space<vmem>> -> memref<640x64xf32, #tpu.memory_space<vmem>>
    %dma_start3A_403 = arith.constant 368 : i32
    %dma_start3A_404 = arith.constant 0 : i32
    %dma_start3A_405 = tpu.memref_slice %dma_start3A_402[%dma_start3A_403, %dma_start3A_404] : memref<640x64xf32, #tpu.memory_space<vmem>> -> memref<16x64xf32, #tpu.memory_space<vmem>>
    %dma_start3A_406 = arith.constant 0 : i32
    %dma_start3A_407 = arith.constant 0 : i32
    %dma_start3A_408 = tpu.memref_slice %arg3[%dma_start3A_406, %dma_start3A_407] : memref<1000000x64xf32, #tpu.memory_space<hbm>> -> memref<1000000x64xf32, #tpu.memory_space<hbm>>
    %dma_start3A_409 = tpu.memref_slice %arg8[%dma_start3A_398] : memref<2x!tpu.dma_semaphore, #tpu.memory_space<semaphore_mem>> -> memref<1x!tpu.dma_semaphore, #tpu.memory_space<semaphore_mem>>
    %dma_start3A_410 = tpu.memref_squeeze %dma_start3A_409 : memref<1x!tpu.dma_semaphore, #tpu.memory_space<semaphore_mem>> -> memref<!tpu.dma_semaphore, #tpu.memory_space<semaphore_mem>>
    tpu.enqueue_indirect_dma source(%dma_start3A_408 : memref<1000000x64xf32, #tpu.memory_space<hbm>>) target(%dma_start3A_405 : memref<16x64xf32, #tpu.memory_space<vmem>>) offsets(%get3A_396 : vector<16xi32>) semaphore(%dma_start3A_410 : memref<!tpu.dma_semaphore, #tpu.memory_space<semaphore_mem>>)
    %get3A_411 = arith.constant 384 : index
    %get3A_412 = tpu.vector_load %arg5[%get3A_411] {strides = array<i32>} : memref<10240xi32, #tpu.memory_space<vmem>>, vector<16xi32>,
    %get3A_413 = vector.shape_cast %get3A_412 : vector<16xi32> to vector<16xi32>
    %dma_start3A_414 = arith.constant 0 : i32
    %dma_start3A_415 = arith.constant 0 : i32
    %dma_start3A_416 = arith.constant 0 : i32
    %dma_start3A_417 = arith.constant 0 : i32
    %dma_start3A_418 = tpu.memref_slice %arg6[%dma_start3A_414, %dma_start3A_416, %dma_start3A_417] : memref<2x640x64xf32, #tpu.memory_space<vmem>> -> memref<1x640x64xf32, #tpu.memory_space<vmem>>
    %dma_start3A_419 = tpu.memref_squeeze %dma_start3A_418 : memref<1x640x64xf32, #tpu.memory_space<vmem>> -> memref<640x64xf32, #tpu.memory_space<vmem>>
    %dma_start3A_420 = arith.constant 384 : i32
    %dma_start3A_421 = arith.constant 0 : i32
    %dma_start3A_422 = tpu.memref_slice %dma_start3A_419[%dma_start3A_420, %dma_start3A_421] : memref<640x64xf32, #tpu.memory_space<vmem>> -> memref<16x64xf32, #tpu.memory_space<vmem>>
    %dma_start3A_423 = arith.constant 0 : i32
    %dma_start3A_424 = arith.constant 0 : i32
    %dma_start3A_425 = tpu.memref_slice %arg3[%dma_start3A_423, %dma_start3A_424] : memref<1000000x64xf32, #tpu.memory_space<hbm>> -> memref<1000000x64xf32, #tpu.memory_space<hbm>>
    %dma_start3A_426 = tpu.memref_slice %arg8[%dma_start3A_415] : memref<2x!tpu.dma_semaphore, #tpu.memory_space<semaphore_mem>> -> memref<1x!tpu.dma_semaphore, #tpu.memory_space<semaphore_mem>>
    %dma_start3A_427 = tpu.memref_squeeze %dma_start3A_426 : memref<1x!tpu.dma_semaphore, #tpu.memory_space<semaphore_mem>> -> memref<!tpu.dma_semaphore, #tpu.memory_space<semaphore_mem>>
    tpu.enqueue_indirect_dma source(%dma_start3A_425 : memref<1000000x64xf32, #tpu.memory_space<hbm>>) target(%dma_start3A_422 : memref<16x64xf32, #tpu.memory_space<vmem>>) offsets(%get3A_413 : vector<16xi32>) semaphore(%dma_start3A_427 : memref<!tpu.dma_semaphore, #tpu.memory_space<semaphore_mem>>)
    %get3A_428 = arith.constant 400 : index
    %get3A_429 = tpu.vector_load %arg5[%get3A_428] {strides = array<i32>} : memref<10240xi32, #tpu.memory_space<vmem>>, vector<16xi32>,
    %get3A_430 = vector.shape_cast %get3A_429 : vector<16xi32> to vector<16xi32>
    %dma_start3A_431 = arith.constant 0 : i32
    %dma_start3A_432 = arith.constant 0 : i32
    %dma_start3A_433 = arith.constant 0 : i32
    %dma_start3A_434 = arith.constant 0 : i32
    %dma_start3A_435 = tpu.memref_slice %arg6[%dma_start3A_431, %dma_start3A_433, %dma_start3A_434] : memref<2x640x64xf32, #tpu.memory_space<vmem>> -> memref<1x640x64xf32, #tpu.memory_space<vmem>>
    %dma_start3A_436 = tpu.memref_squeeze %dma_start3A_435 : memref<1x640x64xf32, #tpu.memory_space<vmem>> -> memref<640x64xf32, #tpu.memory_space<vmem>>
    %dma_start3A_437 = arith.constant 400 : i32
    %dma_start3A_438 = arith.constant 0 : i32
    %dma_start3A_439 = tpu.memref_slice %dma_start3A_436[%dma_start3A_437, %dma_start3A_438] : memref<640x64xf32, #tpu.memory_space<vmem>> -> memref<16x64xf32, #tpu.memory_space<vmem>>
    %dma_start3A_440 = arith.constant 0 : i32
    %dma_start3A_441 = arith.constant 0 : i32
    %dma_start3A_442 = tpu.memref_slice %arg3[%dma_start3A_440, %dma_start3A_441] : memref<1000000x64xf32, #tpu.memory_space<hbm>> -> memref<1000000x64xf32, #tpu.memory_space<hbm>>
    %dma_start3A_443 = tpu.memref_slice %arg8[%dma_start3A_432] : memref<2x!tpu.dma_semaphore, #tpu.memory_space<semaphore_mem>> -> memref<1x!tpu.dma_semaphore, #tpu.memory_space<semaphore_mem>>
    %dma_start3A_444 = tpu.memref_squeeze %dma_start3A_443 : memref<1x!tpu.dma_semaphore, #tpu.memory_space<semaphore_mem>> -> memref<!tpu.dma_semaphore, #tpu.memory_space<semaphore_mem>>
    tpu.enqueue_indirect_dma source(%dma_start3A_442 : memref<1000000x64xf32, #tpu.memory_space<hbm>>) target(%dma_start3A_439 : memref<16x64xf32, #tpu.memory_space<vmem>>) offsets(%get3A_430 : vector<16xi32>) semaphore(%dma_start3A_444 : memref<!tpu.dma_semaphore, #tpu.memory_space<semaphore_mem>>)
    %get3A_445 = arith.constant 416 : index
    %get3A_446 = tpu.vector_load %arg5[%get3A_445] {strides = array<i32>} : memref<10240xi32, #tpu.memory_space<vmem>>, vector<16xi32>,
    %get3A_447 = vector.shape_cast %get3A_446 : vector<16xi32> to vector<16xi32>
    %dma_start3A_448 = arith.constant 0 : i32
    %dma_start3A_449 = arith.constant 0 : i32
    %dma_start3A_450 = arith.constant 0 : i32
    %dma_start3A_451 = arith.constant 0 : i32
    %dma_start3A_452 = tpu.memref_slice %arg6[%dma_start3A_448, %dma_start3A_450, %dma_start3A_451] : memref<2x640x64xf32, #tpu.memory_space<vmem>> -> memref<1x640x64xf32, #tpu.memory_space<vmem>>
    %dma_start3A_453 = tpu.memref_squeeze %dma_start3A_452 : memref<1x640x64xf32, #tpu.memory_space<vmem>> -> memref<640x64xf32, #tpu.memory_space<vmem>>
    %dma_start3A_454 = arith.constant 416 : i32
    %dma_start3A_455 = arith.constant 0 : i32
    %dma_start3A_456 = tpu.memref_slice %dma_start3A_453[%dma_start3A_454, %dma_start3A_455] : memref<640x64xf32, #tpu.memory_space<vmem>> -> memref<16x64xf32, #tpu.memory_space<vmem>>
    %dma_start3A_457 = arith.constant 0 : i32
    %dma_start3A_458 = arith.constant 0 : i32
    %dma_start3A_459 = tpu.memref_slice %arg3[%dma_start3A_457, %dma_start3A_458] : memref<1000000x64xf32, #tpu.memory_space<hbm>> -> memref<1000000x64xf32, #tpu.memory_space<hbm>>
    %dma_start3A_460 = tpu.memref_slice %arg8[%dma_start3A_449] : memref<2x!tpu.dma_semaphore, #tpu.memory_space<semaphore_mem>> -> memref<1x!tpu.dma_semaphore, #tpu.memory_space<semaphore_mem>>
    %dma_start3A_461 = tpu.memref_squeeze %dma_start3A_460 : memref<1x!tpu.dma_semaphore, #tpu.memory_space<semaphore_mem>> -> memref<!tpu.dma_semaphore, #tpu.memory_space<semaphore_mem>>
    tpu.enqueue_indirect_dma source(%dma_start3A_459 : memref<1000000x64xf32, #tpu.memory_space<hbm>>) target(%dma_start3A_456 : memref<16x64xf32, #tpu.memory_space<vmem>>) offsets(%get3A_447 : vector<16xi32>) semaphore(%dma_start3A_461 : memref<!tpu.dma_semaphore, #tpu.memory_space<semaphore_mem>>)
    %get3A_462 = arith.constant 432 : index
    %get3A_463 = tpu.vector_load %arg5[%get3A_462] {strides = array<i32>} : memref<10240xi32, #tpu.memory_space<vmem>>, vector<16xi32>,
    %get3A_464 = vector.shape_cast %get3A_463 : vector<16xi32> to vector<16xi32>
    %dma_start3A_465 = arith.constant 0 : i32
    %dma_start3A_466 = arith.constant 0 : i32
    %dma_start3A_467 = arith.constant 0 : i32
    %dma_start3A_468 = arith.constant 0 : i32
    %dma_start3A_469 = tpu.memref_slice %arg6[%dma_start3A_465, %dma_start3A_467, %dma_start3A_468] : memref<2x640x64xf32, #tpu.memory_space<vmem>> -> memref<1x640x64xf32, #tpu.memory_space<vmem>>
    %dma_start3A_470 = tpu.memref_squeeze %dma_start3A_469 : memref<1x640x64xf32, #tpu.memory_space<vmem>> -> memref<640x64xf32, #tpu.memory_space<vmem>>
    %dma_start3A_471 = arith.constant 432 : i32
    %dma_start3A_472 = arith.constant 0 : i32
    %dma_start3A_473 = tpu.memref_slice %dma_start3A_470[%dma_start3A_471, %dma_start3A_472] : memref<640x64xf32, #tpu.memory_space<vmem>> -> memref<16x64xf32, #tpu.memory_space<vmem>>
    %dma_start3A_474 = arith.constant 0 : i32
    %dma_start3A_475 = arith.constant 0 : i32
    %dma_start3A_476 = tpu.memref_slice %arg3[%dma_start3A_474, %dma_start3A_475] : memref<1000000x64xf32, #tpu.memory_space<hbm>> -> memref<1000000x64xf32, #tpu.memory_space<hbm>>
    %dma_start3A_477 = tpu.memref_slice %arg8[%dma_start3A_466] : memref<2x!tpu.dma_semaphore, #tpu.memory_space<semaphore_mem>> -> memref<1x!tpu.dma_semaphore, #tpu.memory_space<semaphore_mem>>
    %dma_start3A_478 = tpu.memref_squeeze %dma_start3A_477 : memref<1x!tpu.dma_semaphore, #tpu.memory_space<semaphore_mem>> -> memref<!tpu.dma_semaphore, #tpu.memory_space<semaphore_mem>>
    tpu.enqueue_indirect_dma source(%dma_start3A_476 : memref<1000000x64xf32, #tpu.memory_space<hbm>>) target(%dma_start3A_473 : memref<16x64xf32, #tpu.memory_space<vmem>>) offsets(%get3A_464 : vector<16xi32>) semaphore(%dma_start3A_478 : memref<!tpu.dma_semaphore, #tpu.memory_space<semaphore_mem>>)
    %get3A_479 = arith.constant 448 : index
    %get3A_480 = tpu.vector_load %arg5[%get3A_479] {strides = array<i32>} : memref<10240xi32, #tpu.memory_space<vmem>>, vector<16xi32>,
    %get3A_481 = vector.shape_cast %get3A_480 : vector<16xi32> to vector<16xi32>
    %dma_start3A_482 = arith.constant 0 : i32
    %dma_start3A_483 = arith.constant 0 : i32
    %dma_start3A_484 = arith.constant 0 : i32
    %dma_start3A_485 = arith.constant 0 : i32
    %dma_start3A_486 = tpu.memref_slice %arg6[%dma_start3A_482, %dma_start3A_484, %dma_start3A_485] : memref<2x640x64xf32, #tpu.memory_space<vmem>> -> memref<1x640x64xf32, #tpu.memory_space<vmem>>
    %dma_start3A_487 = tpu.memref_squeeze %dma_start3A_486 : memref<1x640x64xf32, #tpu.memory_space<vmem>> -> memref<640x64xf32, #tpu.memory_space<vmem>>
    %dma_start3A_488 = arith.constant 448 : i32
    %dma_start3A_489 = arith.constant 0 : i32
    %dma_start3A_490 = tpu.memref_slice %dma_start3A_487[%dma_start3A_488, %dma_start3A_489] : memref<640x64xf32, #tpu.memory_space<vmem>> -> memref<16x64xf32, #tpu.memory_space<vmem>>
    %dma_start3A_491 = arith.constant 0 : i32
    %dma_start3A_492 = arith.constant 0 : i32
    %dma_start3A_493 = tpu.memref_slice %arg3[%dma_start3A_491, %dma_start3A_492] : memref<1000000x64xf32, #tpu.memory_space<hbm>> -> memref<1000000x64xf32, #tpu.memory_space<hbm>>
    %dma_start3A_494 = tpu.memref_slice %arg8[%dma_start3A_483] : memref<2x!tpu.dma_semaphore, #tpu.memory_space<semaphore_mem>> -> memref<1x!tpu.dma_semaphore, #tpu.memory_space<semaphore_mem>>
    %dma_start3A_495 = tpu.memref_squeeze %dma_start3A_494 : memref<1x!tpu.dma_semaphore, #tpu.memory_space<semaphore_mem>> -> memref<!tpu.dma_semaphore, #tpu.memory_space<semaphore_mem>>
    tpu.enqueue_indirect_dma source(%dma_start3A_493 : memref<1000000x64xf32, #tpu.memory_space<hbm>>) target(%dma_start3A_490 : memref<16x64xf32, #tpu.memory_space<vmem>>) offsets(%get3A_481 : vector<16xi32>) semaphore(%dma_start3A_495 : memref<!tpu.dma_semaphore, #tpu.memory_space<semaphore_mem>>)
    %get3A_496 = arith.constant 464 : index
    %get3A_497 = tpu.vector_load %arg5[%get3A_496] {strides = array<i32>} : memref<10240xi32, #tpu.memory_space<vmem>>, vector<16xi32>,
    %get3A_498 = vector.shape_cast %get3A_497 : vector<16xi32> to vector<16xi32>
    %dma_start3A_499 = arith.constant 0 : i32
    %dma_start3A_500 = arith.constant 0 : i32
    %dma_start3A_501 = arith.constant 0 : i32
    %dma_start3A_502 = arith.constant 0 : i32
    %dma_start3A_503 = tpu.memref_slice %arg6[%dma_start3A_499, %dma_start3A_501, %dma_start3A_502] : memref<2x640x64xf32, #tpu.memory_space<vmem>> -> memref<1x640x64xf32, #tpu.memory_space<vmem>>
    %dma_start3A_504 = tpu.memref_squeeze %dma_start3A_503 : memref<1x640x64xf32, #tpu.memory_space<vmem>> -> memref<640x64xf32, #tpu.memory_space<vmem>>
    %dma_start3A_505 = arith.constant 464 : i32
    %dma_start3A_506 = arith.constant 0 : i32
    %dma_start3A_507 = tpu.memref_slice %dma_start3A_504[%dma_start3A_505, %dma_start3A_506] : memref<640x64xf32, #tpu.memory_space<vmem>> -> memref<16x64xf32, #tpu.memory_space<vmem>>
    %dma_start3A_508 = arith.constant 0 : i32
    %dma_start3A_509 = arith.constant 0 : i32
    %dma_start3A_510 = tpu.memref_slice %arg3[%dma_start3A_508, %dma_start3A_509] : memref<1000000x64xf32, #tpu.memory_space<hbm>> -> memref<1000000x64xf32, #tpu.memory_space<hbm>>
    %dma_start3A_511 = tpu.memref_slice %arg8[%dma_start3A_500] : memref<2x!tpu.dma_semaphore, #tpu.memory_space<semaphore_mem>> -> memref<1x!tpu.dma_semaphore, #tpu.memory_space<semaphore_mem>>
    %dma_start3A_512 = tpu.memref_squeeze %dma_start3A_511 : memref<1x!tpu.dma_semaphore, #tpu.memory_space<semaphore_mem>> -> memref<!tpu.dma_semaphore, #tpu.memory_space<semaphore_mem>>
    tpu.enqueue_indirect_dma source(%dma_start3A_510 : memref<1000000x64xf32, #tpu.memory_space<hbm>>) target(%dma_start3A_507 : memref<16x64xf32, #tpu.memory_space<vmem>>) offsets(%get3A_498 : vector<16xi32>) semaphore(%dma_start3A_512 : memref<!tpu.dma_semaphore, #tpu.memory_space<semaphore_mem>>)
    %get3A_513 = arith.constant 480 : index
    %get3A_514 = tpu.vector_load %arg5[%get3A_513] {strides = array<i32>} : memref<10240xi32, #tpu.memory_space<vmem>>, vector<16xi32>,
    %get3A_515 = vector.shape_cast %get3A_514 : vector<16xi32> to vector<16xi32>
    %dma_start3A_516 = arith.constant 0 : i32
    %dma_start3A_517 = arith.constant 0 : i32
    %dma_start3A_518 = arith.constant 0 : i32
    %dma_start3A_519 = arith.constant 0 : i32
    %dma_start3A_520 = tpu.memref_slice %arg6[%dma_start3A_516, %dma_start3A_518, %dma_start3A_519] : memref<2x640x64xf32, #tpu.memory_space<vmem>> -> memref<1x640x64xf32, #tpu.memory_space<vmem>>
    %dma_start3A_521 = tpu.memref_squeeze %dma_start3A_520 : memref<1x640x64xf32, #tpu.memory_space<vmem>> -> memref<640x64xf32, #tpu.memory_space<vmem>>
    %dma_start3A_522 = arith.constant 480 : i32
    %dma_start3A_523 = arith.constant 0 : i32
    %dma_start3A_524 = tpu.memref_slice %dma_start3A_521[%dma_start3A_522, %dma_start3A_523] : memref<640x64xf32, #tpu.memory_space<vmem>> -> memref<16x64xf32, #tpu.memory_space<vmem>>
    %dma_start3A_525 = arith.constant 0 : i32
    %dma_start3A_526 = arith.constant 0 : i32
    %dma_start3A_527 = tpu.memref_slice %arg3[%dma_start3A_525, %dma_start3A_526] : memref<1000000x64xf32, #tpu.memory_space<hbm>> -> memref<1000000x64xf32, #tpu.memory_space<hbm>>
    %dma_start3A_528 = tpu.memref_slice %arg8[%dma_start3A_517] : memref<2x!tpu.dma_semaphore, #tpu.memory_space<semaphore_mem>> -> memref<1x!tpu.dma_semaphore, #tpu.memory_space<semaphore_mem>>
    %dma_start3A_529 = tpu.memref_squeeze %dma_start3A_528 : memref<1x!tpu.dma_semaphore, #tpu.memory_space<semaphore_mem>> -> memref<!tpu.dma_semaphore, #tpu.memory_space<semaphore_mem>>
    tpu.enqueue_indirect_dma source(%dma_start3A_527 : memref<1000000x64xf32, #tpu.memory_space<hbm>>) target(%dma_start3A_524 : memref<16x64xf32, #tpu.memory_space<vmem>>) offsets(%get3A_515 : vector<16xi32>) semaphore(%dma_start3A_529 : memref<!tpu.dma_semaphore, #tpu.memory_space<semaphore_mem>>)
    %get3A_530 = arith.constant 496 : index
    %get3A_531 = tpu.vector_load %arg5[%get3A_530] {strides = array<i32>} : memref<10240xi32, #tpu.memory_space<vmem>>, vector<16xi32>,
    %get3A_532 = vector.shape_cast %get3A_531 : vector<16xi32> to vector<16xi32>
    %dma_start3A_533 = arith.constant 0 : i32
    %dma_start3A_534 = arith.constant 0 : i32
    %dma_start3A_535 = arith.constant 0 : i32
    %dma_start3A_536 = arith.constant 0 : i32
    %dma_start3A_537 = tpu.memref_slice %arg6[%dma_start3A_533, %dma_start3A_535, %dma_start3A_536] : memref<2x640x64xf32, #tpu.memory_space<vmem>> -> memref<1x640x64xf32, #tpu.memory_space<vmem>>
    %dma_start3A_538 = tpu.memref_squeeze %dma_start3A_537 : memref<1x640x64xf32, #tpu.memory_space<vmem>> -> memref<640x64xf32, #tpu.memory_space<vmem>>
    %dma_start3A_539 = arith.constant 496 : i32
    %dma_start3A_540 = arith.constant 0 : i32
    %dma_start3A_541 = tpu.memref_slice %dma_start3A_538[%dma_start3A_539, %dma_start3A_540] : memref<640x64xf32, #tpu.memory_space<vmem>> -> memref<16x64xf32, #tpu.memory_space<vmem>>
    %dma_start3A_542 = arith.constant 0 : i32
    %dma_start3A_543 = arith.constant 0 : i32
    %dma_start3A_544 = tpu.memref_slice %arg3[%dma_start3A_542, %dma_start3A_543] : memref<1000000x64xf32, #tpu.memory_space<hbm>> -> memref<1000000x64xf32, #tpu.memory_space<hbm>>
    %dma_start3A_545 = tpu.memref_slice %arg8[%dma_start3A_534] : memref<2x!tpu.dma_semaphore, #tpu.memory_space<semaphore_mem>> -> memref<1x!tpu.dma_semaphore, #tpu.memory_space<semaphore_mem>>
    %dma_start3A_546 = tpu.memref_squeeze %dma_start3A_545 : memref<1x!tpu.dma_semaphore, #tpu.memory_space<semaphore_mem>> -> memref<!tpu.dma_semaphore, #tpu.memory_space<semaphore_mem>>
    tpu.enqueue_indirect_dma source(%dma_start3A_544 : memref<1000000x64xf32, #tpu.memory_space<hbm>>) target(%dma_start3A_541 : memref<16x64xf32, #tpu.memory_space<vmem>>) offsets(%get3A_532 : vector<16xi32>) semaphore(%dma_start3A_546 : memref<!tpu.dma_semaphore, #tpu.memory_space<semaphore_mem>>)
    %get3A_547 = arith.constant 512 : index
    %get3A_548 = tpu.vector_load %arg5[%get3A_547] {strides = array<i32>} : memref<10240xi32, #tpu.memory_space<vmem>>, vector<16xi32>,
    %get3A_549 = vector.shape_cast %get3A_548 : vector<16xi32> to vector<16xi32>
    %dma_start3A_550 = arith.constant 0 : i32
    %dma_start3A_551 = arith.constant 0 : i32
    %dma_start3A_552 = arith.constant 0 : i32
    %dma_start3A_553 = arith.constant 0 : i32
    %dma_start3A_554 = tpu.memref_slice %arg6[%dma_start3A_550, %dma_start3A_552, %dma_start3A_553] : memref<2x640x64xf32, #tpu.memory_space<vmem>> -> memref<1x640x64xf32, #tpu.memory_space<vmem>>
    %dma_start3A_555 = tpu.memref_squeeze %dma_start3A_554 : memref<1x640x64xf32, #tpu.memory_space<vmem>> -> memref<640x64xf32, #tpu.memory_space<vmem>>
    %dma_start3A_556 = arith.constant 512 : i32
    %dma_start3A_557 = arith.constant 0 : i32
    %dma_start3A_558 = tpu.memref_slice %dma_start3A_555[%dma_start3A_556, %dma_start3A_557] : memref<640x64xf32, #tpu.memory_space<vmem>> -> memref<16x64xf32, #tpu.memory_space<vmem>>
    %dma_start3A_559 = arith.constant 0 : i32
    %dma_start3A_560 = arith.constant 0 : i32
    %dma_start3A_561 = tpu.memref_slice %arg3[%dma_start3A_559, %dma_start3A_560] : memref<1000000x64xf32, #tpu.memory_space<hbm>> -> memref<1000000x64xf32, #tpu.memory_space<hbm>>
    %dma_start3A_562 = tpu.memref_slice %arg8[%dma_start3A_551] : memref<2x!tpu.dma_semaphore, #tpu.memory_space<semaphore_mem>> -> memref<1x!tpu.dma_semaphore, #tpu.memory_space<semaphore_mem>>
    %dma_start3A_563 = tpu.memref_squeeze %dma_start3A_562 : memref<1x!tpu.dma_semaphore, #tpu.memory_space<semaphore_mem>> -> memref<!tpu.dma_semaphore, #tpu.memory_space<semaphore_mem>>
    tpu.enqueue_indirect_dma source(%dma_start3A_561 : memref<1000000x64xf32, #tpu.memory_space<hbm>>) target(%dma_start3A_558 : memref<16x64xf32, #tpu.memory_space<vmem>>) offsets(%get3A_549 : vector<16xi32>) semaphore(%dma_start3A_563 : memref<!tpu.dma_semaphore, #tpu.memory_space<semaphore_mem>>)
    %get3A_564 = arith.constant 528 : index
    %get3A_565 = tpu.vector_load %arg5[%get3A_564] {strides = array<i32>} : memref<10240xi32, #tpu.memory_space<vmem>>, vector<16xi32>,
    %get3A_566 = vector.shape_cast %get3A_565 : vector<16xi32> to vector<16xi32>
    %dma_start3A_567 = arith.constant 0 : i32
    %dma_start3A_568 = arith.constant 0 : i32
    %dma_start3A_569 = arith.constant 0 : i32
    %dma_start3A_570 = arith.constant 0 : i32
    %dma_start3A_571 = tpu.memref_slice %arg6[%dma_start3A_567, %dma_start3A_569, %dma_start3A_570] : memref<2x640x64xf32, #tpu.memory_space<vmem>> -> memref<1x640x64xf32, #tpu.memory_space<vmem>>
    %dma_start3A_572 = tpu.memref_squeeze %dma_start3A_571 : memref<1x640x64xf32, #tpu.memory_space<vmem>> -> memref<640x64xf32, #tpu.memory_space<vmem>>
    %dma_start3A_573 = arith.constant 528 : i32
    %dma_start3A_574 = arith.constant 0 : i32
    %dma_start3A_575 = tpu.memref_slice %dma_start3A_572[%dma_start3A_573, %dma_start3A_574] : memref<640x64xf32, #tpu.memory_space<vmem>> -> memref<16x64xf32, #tpu.memory_space<vmem>>
    %dma_start3A_576 = arith.constant 0 : i32
    %dma_start3A_577 = arith.constant 0 : i32
    %dma_start3A_578 = tpu.memref_slice %arg3[%dma_start3A_576, %dma_start3A_577] : memref<1000000x64xf32, #tpu.memory_space<hbm>> -> memref<1000000x64xf32, #tpu.memory_space<hbm>>
    %dma_start3A_579 = tpu.memref_slice %arg8[%dma_start3A_568] : memref<2x!tpu.dma_semaphore, #tpu.memory_space<semaphore_mem>> -> memref<1x!tpu.dma_semaphore, #tpu.memory_space<semaphore_mem>>
    %dma_start3A_580 = tpu.memref_squeeze %dma_start3A_579 : memref<1x!tpu.dma_semaphore, #tpu.memory_space<semaphore_mem>> -> memref<!tpu.dma_semaphore, #tpu.memory_space<semaphore_mem>>
    tpu.enqueue_indirect_dma source(%dma_start3A_578 : memref<1000000x64xf32, #tpu.memory_space<hbm>>) target(%dma_start3A_575 : memref<16x64xf32, #tpu.memory_space<vmem>>) offsets(%get3A_566 : vector<16xi32>) semaphore(%dma_start3A_580 : memref<!tpu.dma_semaphore, #tpu.memory_space<semaphore_mem>>)
    %get3A_581 = arith.constant 544 : index
    %get3A_582 = tpu.vector_load %arg5[%get3A_581] {strides = array<i32>} : memref<10240xi32, #tpu.memory_space<vmem>>, vector<16xi32>,
    %get3A_583 = vector.shape_cast %get3A_582 : vector<16xi32> to vector<16xi32>
    %dma_start3A_584 = arith.constant 0 : i32
    %dma_start3A_585 = arith.constant 0 : i32
    %dma_start3A_586 = arith.constant 0 : i32
    %dma_start3A_587 = arith.constant 0 : i32
    %dma_start3A_588 = tpu.memref_slice %arg6[%dma_start3A_584, %dma_start3A_586, %dma_start3A_587] : memref<2x640x64xf32, #tpu.memory_space<vmem>> -> memref<1x640x64xf32, #tpu.memory_space<vmem>>
    %dma_start3A_589 = tpu.memref_squeeze %dma_start3A_588 : memref<1x640x64xf32, #tpu.memory_space<vmem>> -> memref<640x64xf32, #tpu.memory_space<vmem>>
    %dma_start3A_590 = arith.constant 544 : i32
    %dma_start3A_591 = arith.constant 0 : i32
    %dma_start3A_592 = tpu.memref_slice %dma_start3A_589[%dma_start3A_590, %dma_start3A_591] : memref<640x64xf32, #tpu.memory_space<vmem>> -> memref<16x64xf32, #tpu.memory_space<vmem>>
    %dma_start3A_593 = arith.constant 0 : i32
    %dma_start3A_594 = arith.constant 0 : i32
    %dma_start3A_595 = tpu.memref_slice %arg3[%dma_start3A_593, %dma_start3A_594] : memref<1000000x64xf32, #tpu.memory_space<hbm>> -> memref<1000000x64xf32, #tpu.memory_space<hbm>>
    %dma_start3A_596 = tpu.memref_slice %arg8[%dma_start3A_585] : memref<2x!tpu.dma_semaphore, #tpu.memory_space<semaphore_mem>> -> memref<1x!tpu.dma_semaphore, #tpu.memory_space<semaphore_mem>>
    %dma_start3A_597 = tpu.memref_squeeze %dma_start3A_596 : memref<1x!tpu.dma_semaphore, #tpu.memory_space<semaphore_mem>> -> memref<!tpu.dma_semaphore, #tpu.memory_space<semaphore_mem>>
    tpu.enqueue_indirect_dma source(%dma_start3A_595 : memref<1000000x64xf32, #tpu.memory_space<hbm>>) target(%dma_start3A_592 : memref<16x64xf32, #tpu.memory_space<vmem>>) offsets(%get3A_583 : vector<16xi32>) semaphore(%dma_start3A_597 : memref<!tpu.dma_semaphore, #tpu.memory_space<semaphore_mem>>)
    %get3A_598 = arith.constant 560 : index
    %get3A_599 = tpu.vector_load %arg5[%get3A_598] {strides = array<i32>} : memref<10240xi32, #tpu.memory_space<vmem>>, vector<16xi32>,
    %get3A_600 = vector.shape_cast %get3A_599 : vector<16xi32> to vector<16xi32>
    %dma_start3A_601 = arith.constant 0 : i32
    %dma_start3A_602 = arith.constant 0 : i32
    %dma_start3A_603 = arith.constant 0 : i32
    %dma_start3A_604 = arith.constant 0 : i32
    %dma_start3A_605 = tpu.memref_slice %arg6[%dma_start3A_601, %dma_start3A_603, %dma_start3A_604] : memref<2x640x64xf32, #tpu.memory_space<vmem>> -> memref<1x640x64xf32, #tpu.memory_space<vmem>>
    %dma_start3A_606 = tpu.memref_squeeze %dma_start3A_605 : memref<1x640x64xf32, #tpu.memory_space<vmem>> -> memref<640x64xf32, #tpu.memory_space<vmem>>
    %dma_start3A_607 = arith.constant 560 : i32
    %dma_start3A_608 = arith.constant 0 : i32
    %dma_start3A_609 = tpu.memref_slice %dma_start3A_606[%dma_start3A_607, %dma_start3A_608] : memref<640x64xf32, #tpu.memory_space<vmem>> -> memref<16x64xf32, #tpu.memory_space<vmem>>
    %dma_start3A_610 = arith.constant 0 : i32
    %dma_start3A_611 = arith.constant 0 : i32
    %dma_start3A_612 = tpu.memref_slice %arg3[%dma_start3A_610, %dma_start3A_611] : memref<1000000x64xf32, #tpu.memory_space<hbm>> -> memref<1000000x64xf32, #tpu.memory_space<hbm>>
    %dma_start3A_613 = tpu.memref_slice %arg8[%dma_start3A_602] : memref<2x!tpu.dma_semaphore, #tpu.memory_space<semaphore_mem>> -> memref<1x!tpu.dma_semaphore, #tpu.memory_space<semaphore_mem>>
    %dma_start3A_614 = tpu.memref_squeeze %dma_start3A_613 : memref<1x!tpu.dma_semaphore, #tpu.memory_space<semaphore_mem>> -> memref<!tpu.dma_semaphore, #tpu.memory_space<semaphore_mem>>
    tpu.enqueue_indirect_dma source(%dma_start3A_612 : memref<1000000x64xf32, #tpu.memory_space<hbm>>) target(%dma_start3A_609 : memref<16x64xf32, #tpu.memory_space<vmem>>) offsets(%get3A_600 : vector<16xi32>) semaphore(%dma_start3A_614 : memref<!tpu.dma_semaphore, #tpu.memory_space<semaphore_mem>>)
    %get3A_615 = arith.constant 576 : index
    %get3A_616 = tpu.vector_load %arg5[%get3A_615] {strides = array<i32>} : memref<10240xi32, #tpu.memory_space<vmem>>, vector<16xi32>,
    %get3A_617 = vector.shape_cast %get3A_616 : vector<16xi32> to vector<16xi32>
    %dma_start3A_618 = arith.constant 0 : i32
    %dma_start3A_619 = arith.constant 0 : i32
    %dma_start3A_620 = arith.constant 0 : i32
    %dma_start3A_621 = arith.constant 0 : i32
    %dma_start3A_622 = tpu.memref_slice %arg6[%dma_start3A_618, %dma_start3A_620, %dma_start3A_621] : memref<2x640x64xf32, #tpu.memory_space<vmem>> -> memref<1x640x64xf32, #tpu.memory_space<vmem>>
    %dma_start3A_623 = tpu.memref_squeeze %dma_start3A_622 : memref<1x640x64xf32, #tpu.memory_space<vmem>> -> memref<640x64xf32, #tpu.memory_space<vmem>>
    %dma_start3A_624 = arith.constant 576 : i32
    %dma_start3A_625 = arith.constant 0 : i32
    %dma_start3A_626 = tpu.memref_slice %dma_start3A_623[%dma_start3A_624, %dma_start3A_625] : memref<640x64xf32, #tpu.memory_space<vmem>> -> memref<16x64xf32, #tpu.memory_space<vmem>>
    %dma_start3A_627 = arith.constant 0 : i32
    %dma_start3A_628 = arith.constant 0 : i32
    %dma_start3A_629 = tpu.memref_slice %arg3[%dma_start3A_627, %dma_start3A_628] : memref<1000000x64xf32, #tpu.memory_space<hbm>> -> memref<1000000x64xf32, #tpu.memory_space<hbm>>
    %dma_start3A_630 = tpu.memref_slice %arg8[%dma_start3A_619] : memref<2x!tpu.dma_semaphore, #tpu.memory_space<semaphore_mem>> -> memref<1x!tpu.dma_semaphore, #tpu.memory_space<semaphore_mem>>
    %dma_start3A_631 = tpu.memref_squeeze %dma_start3A_630 : memref<1x!tpu.dma_semaphore, #tpu.memory_space<semaphore_mem>> -> memref<!tpu.dma_semaphore, #tpu.memory_space<semaphore_mem>>
    tpu.enqueue_indirect_dma source(%dma_start3A_629 : memref<1000000x64xf32, #tpu.memory_space<hbm>>) target(%dma_start3A_626 : memref<16x64xf32, #tpu.memory_space<vmem>>) offsets(%get3A_617 : vector<16xi32>) semaphore(%dma_start3A_631 : memref<!tpu.dma_semaphore, #tpu.memory_space<semaphore_mem>>)
    %get3A_632 = arith.constant 592 : index
    %get3A_633 = tpu.vector_load %arg5[%get3A_632] {strides = array<i32>} : memref<10240xi32, #tpu.memory_space<vmem>>, vector<16xi32>,
    %get3A_634 = vector.shape_cast %get3A_633 : vector<16xi32> to vector<16xi32>
    %dma_start3A_635 = arith.constant 0 : i32
    %dma_start3A_636 = arith.constant 0 : i32
    %dma_start3A_637 = arith.constant 0 : i32
    %dma_start3A_638 = arith.constant 0 : i32
    %dma_start3A_639 = tpu.memref_slice %arg6[%dma_start3A_635, %dma_start3A_637, %dma_start3A_638] : memref<2x640x64xf32, #tpu.memory_space<vmem>> -> memref<1x640x64xf32, #tpu.memory_space<vmem>>
    %dma_start3A_640 = tpu.memref_squeeze %dma_start3A_639 : memref<1x640x64xf32, #tpu.memory_space<vmem>> -> memref<640x64xf32, #tpu.memory_space<vmem>>
    %dma_start3A_641 = arith.constant 592 : i32
    %dma_start3A_642 = arith.constant 0 : i32
    %dma_start3A_643 = tpu.memref_slice %dma_start3A_640[%dma_start3A_641, %dma_start3A_642] : memref<640x64xf32, #tpu.memory_space<vmem>> -> memref<16x64xf32, #tpu.memory_space<vmem>>
    %dma_start3A_644 = arith.constant 0 : i32
    %dma_start3A_645 = arith.constant 0 : i32
    %dma_start3A_646 = tpu.memref_slice %arg3[%dma_start3A_644, %dma_start3A_645] : memref<1000000x64xf32, #tpu.memory_space<hbm>> -> memref<1000000x64xf32, #tpu.memory_space<hbm>>
    %dma_start3A_647 = tpu.memref_slice %arg8[%dma_start3A_636] : memref<2x!tpu.dma_semaphore, #tpu.memory_space<semaphore_mem>> -> memref<1x!tpu.dma_semaphore, #tpu.memory_space<semaphore_mem>>
    %dma_start3A_648 = tpu.memref_squeeze %dma_start3A_647 : memref<1x!tpu.dma_semaphore, #tpu.memory_space<semaphore_mem>> -> memref<!tpu.dma_semaphore, #tpu.memory_space<semaphore_mem>>
    tpu.enqueue_indirect_dma source(%dma_start3A_646 : memref<1000000x64xf32, #tpu.memory_space<hbm>>) target(%dma_start3A_643 : memref<16x64xf32, #tpu.memory_space<vmem>>) offsets(%get3A_634 : vector<16xi32>) semaphore(%dma_start3A_648 : memref<!tpu.dma_semaphore, #tpu.memory_space<semaphore_mem>>)
    %get3A_649 = arith.constant 608 : index
    %get3A_650 = tpu.vector_load %arg5[%get3A_649] {strides = array<i32>} : memref<10240xi32, #tpu.memory_space<vmem>>, vector<16xi32>,
    %get3A_651 = vector.shape_cast %get3A_650 : vector<16xi32> to vector<16xi32>
    %dma_start3A_652 = arith.constant 0 : i32
    %dma_start3A_653 = arith.constant 0 : i32
    %dma_start3A_654 = arith.constant 0 : i32
    %dma_start3A_655 = arith.constant 0 : i32
    %dma_start3A_656 = tpu.memref_slice %arg6[%dma_start3A_652, %dma_start3A_654, %dma_start3A_655] : memref<2x640x64xf32, #tpu.memory_space<vmem>> -> memref<1x640x64xf32, #tpu.memory_space<vmem>>
    %dma_start3A_657 = tpu.memref_squeeze %dma_start3A_656 : memref<1x640x64xf32, #tpu.memory_space<vmem>> -> memref<640x64xf32, #tpu.memory_space<vmem>>
    %dma_start3A_658 = arith.constant 608 : i32
    %dma_start3A_659 = arith.constant 0 : i32
    %dma_start3A_660 = tpu.memref_slice %dma_start3A_657[%dma_start3A_658, %dma_start3A_659] : memref<640x64xf32, #tpu.memory_space<vmem>> -> memref<16x64xf32, #tpu.memory_space<vmem>>
    %dma_start3A_661 = arith.constant 0 : i32
    %dma_start3A_662 = arith.constant 0 : i32
    %dma_start3A_663 = tpu.memref_slice %arg3[%dma_start3A_661, %dma_start3A_662] : memref<1000000x64xf32, #tpu.memory_space<hbm>> -> memref<1000000x64xf32, #tpu.memory_space<hbm>>
    %dma_start3A_664 = tpu.memref_slice %arg8[%dma_start3A_653] : memref<2x!tpu.dma_semaphore, #tpu.memory_space<semaphore_mem>> -> memref<1x!tpu.dma_semaphore, #tpu.memory_space<semaphore_mem>>
    %dma_start3A_665 = tpu.memref_squeeze %dma_start3A_664 : memref<1x!tpu.dma_semaphore, #tpu.memory_space<semaphore_mem>> -> memref<!tpu.dma_semaphore, #tpu.memory_space<semaphore_mem>>
    tpu.enqueue_indirect_dma source(%dma_start3A_663 : memref<1000000x64xf32, #tpu.memory_space<hbm>>) target(%dma_start3A_660 : memref<16x64xf32, #tpu.memory_space<vmem>>) offsets(%get3A_651 : vector<16xi32>) semaphore(%dma_start3A_665 : memref<!tpu.dma_semaphore, #tpu.memory_space<semaphore_mem>>)
    %get3A_666 = arith.constant 624 : index
    %get3A_667 = tpu.vector_load %arg5[%get3A_666] {strides = array<i32>} : memref<10240xi32, #tpu.memory_space<vmem>>, vector<16xi32>,
    %get3A_668 = vector.shape_cast %get3A_667 : vector<16xi32> to vector<16xi32>
    %dma_start3A_669 = arith.constant 0 : i32
    %dma_start3A_670 = arith.constant 0 : i32
    %dma_start3A_671 = arith.constant 0 : i32
    %dma_start3A_672 = arith.constant 0 : i32
    %dma_start3A_673 = tpu.memref_slice %arg6[%dma_start3A_669, %dma_start3A_671, %dma_start3A_672] : memref<2x640x64xf32, #tpu.memory_space<vmem>> -> memref<1x640x64xf32, #tpu.memory_space<vmem>>
    %dma_start3A_674 = tpu.memref_squeeze %dma_start3A_673 : memref<1x640x64xf32, #tpu.memory_space<vmem>> -> memref<640x64xf32, #tpu.memory_space<vmem>>
    %dma_start3A_675 = arith.constant 624 : i32
    %dma_start3A_676 = arith.constant 0 : i32
    %dma_start3A_677 = tpu.memref_slice %dma_start3A_674[%dma_start3A_675, %dma_start3A_676] : memref<640x64xf32, #tpu.memory_space<vmem>> -> memref<16x64xf32, #tpu.memory_space<vmem>>
    %dma_start3A_678 = arith.constant 0 : i32
    %dma_start3A_679 = arith.constant 0 : i32
    %dma_start3A_680 = tpu.memref_slice %arg3[%dma_start3A_678, %dma_start3A_679] : memref<1000000x64xf32, #tpu.memory_space<hbm>> -> memref<1000000x64xf32, #tpu.memory_space<hbm>>
    %dma_start3A_681 = tpu.memref_slice %arg8[%dma_start3A_670] : memref<2x!tpu.dma_semaphore, #tpu.memory_space<semaphore_mem>> -> memref<1x!tpu.dma_semaphore, #tpu.memory_space<semaphore_mem>>
    %dma_start3A_682 = tpu.memref_squeeze %dma_start3A_681 : memref<1x!tpu.dma_semaphore, #tpu.memory_space<semaphore_mem>> -> memref<!tpu.dma_semaphore, #tpu.memory_space<semaphore_mem>>
    tpu.enqueue_indirect_dma source(%dma_start3A_680 : memref<1000000x64xf32, #tpu.memory_space<hbm>>) target(%dma_start3A_677 : memref<16x64xf32, #tpu.memory_space<vmem>>) offsets(%get3A_668 : vector<16xi32>) semaphore(%dma_start3A_682 : memref<!tpu.dma_semaphore, #tpu.memory_space<semaphore_mem>>)
    %mul3A_683 = arith.constant 10240 : i32
    %mul3A_684 = arith.muli %add3A, %mul3A_683 : i32
    %add3A_685 = arith.constant 640 : i32
    %add3A_686 = arith.addi %mul3A_684, %add3A_685 : i32
    "tpu.region"() ({
      %run_scoped3A = tpu.sem_alloc : memref<!tpu.dma_semaphore, #tpu.memory_space<semaphore_mem>>
      %dma_start3A_768 = arith.constant 640 : i32
      %dma_start3A_769 = tpu.memref_slice %arg5[%dma_start3A_768] : memref<10240xi32, #tpu.memory_space<vmem>> -> memref<9600xi32, #tpu.memory_space<vmem>>
      %dma_start3A_770 = tpu.memref_slice %arg2[%add3A_686] : memref<327680xi32, #tpu.memory_space<hbm>> -> memref<9600xi32, #tpu.memory_space<hbm>>
      %dma_start3A_771 = arith.constant 640 : i32
      %dma_start3A_772 = tpu.memref_slice %arg5[%dma_start3A_771] : memref<10240xi32, #tpu.memory_space<vmem>> -> memref<9600xi32, #tpu.memory_space<vmem>>
      %dma_start3A_773 = tpu.memref_slice %arg2[%add3A_686] : memref<327680xi32, #tpu.memory_space<hbm>> -> memref<9600xi32, #tpu.memory_space<hbm>>
      tpu.enqueue_dma source(%dma_start3A_773 : memref<9600xi32, #tpu.memory_space<hbm>>) target(%dma_start3A_772 : memref<9600xi32, #tpu.memory_space<vmem>>) target_semaphore(%run_scoped3A : memref<!tpu.dma_semaphore, #tpu.memory_space<semaphore_mem>>)
      %dma_wait3A_774 = arith.constant 640 : i32
      %dma_wait3A_775 = tpu.memref_slice %arg5[%dma_wait3A_774] : memref<10240xi32, #tpu.memory_space<vmem>> -> memref<9600xi32, #tpu.memory_space<vmem>>
      %dma_wait3A_776 = tpu.memref_slice %arg2[%add3A_686] : memref<327680xi32, #tpu.memory_space<hbm>> -> memref<9600xi32, #tpu.memory_space<hbm>>
      %dma_wait3A_777 = arith.constant 640 : i32
      %dma_wait3A_778 = tpu.memref_slice %arg5[%dma_wait3A_777] : memref<10240xi32, #tpu.memory_space<vmem>> -> memref<9600xi32, #tpu.memory_space<vmem>>
      %dma_wait3A_779 = tpu.memref_slice %arg2[%add3A_686] : memref<327680xi32, #tpu.memory_space<hbm>> -> memref<9600xi32, #tpu.memory_space<hbm>>
      tpu.wait_dma2 semaphore(%run_scoped3A : memref<!tpu.dma_semaphore, #tpu.memory_space<semaphore_mem>>) src(%dma_wait3A_779 : memref<9600xi32, #tpu.memory_space<hbm>>) dst(%dma_wait3A_778 : memref<9600xi32, #tpu.memory_space<vmem>>)
      tpu.yield
    }) : () -> ()
    %scan3A = arith.constant 0 : i32
    %scan3A_687 = arith.constant 5.000000e-02 : f32
    %scan3A_688 = arith.constant 0 : i32
    %scan3A_689 = arith.constant 8 : i32
    %scan3A_690 = arith.addi %scan3A_688, %scan3A_689 : i32
    %scan3A_691 = arith.constant 1 : i32
    scf.for %scan3A_768 = %scan3A_688 to %scan3A_690 step %scan3A_691  : i32 {
      %mul3A_769 = arith.constant 2 : i32
      %mul3A_770 = arith.muli %scan3A_768, %mul3A_769 : i32
      %add3A_771 = arith.constant 0 : i32
      %add3A_772 = arith.addi %mul3A_770, %add3A_771 : i32
      %add3A_773 = arith.constant 1 : i32
      %add3A_774 = arith.addi %add3A_772, %add3A_773 : i32
      %lt3A = arith.constant 16 : i32
      %lt3A_775 = arith.cmpi slt, %add3A_774, %lt3A : i32
      %convert_element_type3A = arith.extui %lt3A_775 : i1 to i32
      %cond3A = arith.constant 0 : i32
      %cond3A_776 = arith.cmpi ne, %convert_element_type3A, %cond3A : i32
      scf.if %cond3A_776 {
        %mul3A_933 = arith.constant 640 : i32
        %mul3A_934 = arith.muli %add3A_774, %mul3A_933 : i32
        %add3A_935 = arith.constant 0 : i32
        %add3A_936 = arith.addi %mul3A_934, %add3A_935 : i32
        %get3A_937 = arith.index_cast %add3A_936 : i32 to index
        %get3A_938 = tpu.vector_load %arg5[%get3A_937] {strides = array<i32>} : memref<10240xi32, #tpu.memory_space<vmem>>, vector<16xi32>,
        %get3A_939 = vector.shape_cast %get3A_938 : vector<16xi32> to vector<16xi32>
        %dma_start3A_940 = arith.constant 1 : i32
        %dma_start3A_941 = arith.constant 1 : i32
        %dma_start3A_942 = arith.constant 0 : i32
        %dma_start3A_943 = arith.constant 0 : i32
        %dma_start3A_944 = tpu.memref_slice %arg6[%dma_start3A_940, %dma_start3A_942, %dma_start3A_943] : memref<2x640x64xf32, #tpu.memory_space<vmem>> -> memref<1x640x64xf32, #tpu.memory_space<vmem>>
        %dma_start3A_945 = tpu.memref_squeeze %dma_start3A_944 : memref<1x640x64xf32, #tpu.memory_space<vmem>> -> memref<640x64xf32, #tpu.memory_space<vmem>>
        %dma_start3A_946 = arith.constant 0 : i32
        %dma_start3A_947 = arith.constant 0 : i32
        %dma_start3A_948 = tpu.memref_slice %dma_start3A_945[%dma_start3A_946, %dma_start3A_947] : memref<640x64xf32, #tpu.memory_space<vmem>> -> memref<16x64xf32, #tpu.memory_space<vmem>>
        %dma_start3A_949 = arith.constant 0 : i32
        %dma_start3A_950 = arith.constant 0 : i32
        %dma_start3A_951 = tpu.memref_slice %arg3[%dma_start3A_949, %dma_start3A_950] : memref<1000000x64xf32, #tpu.memory_space<hbm>> -> memref<1000000x64xf32, #tpu.memory_space<hbm>>
        %dma_start3A_952 = tpu.memref_slice %arg8[%dma_start3A_941] : memref<2x!tpu.dma_semaphore, #tpu.memory_space<semaphore_mem>> -> memref<1x!tpu.dma_semaphore, #tpu.memory_space<semaphore_mem>>
        %dma_start3A_953 = tpu.memref_squeeze %dma_start3A_952 : memref<1x!tpu.dma_semaphore, #tpu.memory_space<semaphore_mem>> -> memref<!tpu.dma_semaphore, #tpu.memory_space<semaphore_mem>>
        tpu.enqueue_indirect_dma source(%dma_start3A_951 : memref<1000000x64xf32, #tpu.memory_space<hbm>>) target(%dma_start3A_948 : memref<16x64xf32, #tpu.memory_space<vmem>>) offsets(%get3A_939 : vector<16xi32>) semaphore(%dma_start3A_953 : memref<!tpu.dma_semaphore, #tpu.memory_space<semaphore_mem>>)
        %mul3A_954 = arith.constant 640 : i32
        %mul3A_955 = arith.muli %add3A_774, %mul3A_954 : i32
        %add3A_956 = arith.constant 16 : i32
        %add3A_957 = arith.addi %mul3A_955, %add3A_956 : i32
        %get3A_958 = arith.index_cast %add3A_957 : i32 to index
        %get3A_959 = tpu.vector_load %arg5[%get3A_958] {strides = array<i32>} : memref<10240xi32, #tpu.memory_space<vmem>>, vector<16xi32>,
        %get3A_960 = vector.shape_cast %get3A_959 : vector<16xi32> to vector<16xi32>
        %dma_start3A_961 = arith.constant 1 : i32
        %dma_start3A_962 = arith.constant 1 : i32
        %dma_start3A_963 = arith.constant 0 : i32
        %dma_start3A_964 = arith.constant 0 : i32
        %dma_start3A_965 = tpu.memref_slice %arg6[%dma_start3A_961, %dma_start3A_963, %dma_start3A_964] : memref<2x640x64xf32, #tpu.memory_space<vmem>> -> memref<1x640x64xf32, #tpu.memory_space<vmem>>
        %dma_start3A_966 = tpu.memref_squeeze %dma_start3A_965 : memref<1x640x64xf32, #tpu.memory_space<vmem>> -> memref<640x64xf32, #tpu.memory_space<vmem>>
        %dma_start3A_967 = arith.constant 16 : i32
        %dma_start3A_968 = arith.constant 0 : i32
        %dma_start3A_969 = tpu.memref_slice %dma_start3A_966[%dma_start3A_967, %dma_start3A_968] : memref<640x64xf32, #tpu.memory_space<vmem>> -> memref<16x64xf32, #tpu.memory_space<vmem>>
        %dma_start3A_970 = arith.constant 0 : i32
        %dma_start3A_971 = arith.constant 0 : i32
        %dma_start3A_972 = tpu.memref_slice %arg3[%dma_start3A_970, %dma_start3A_971] : memref<1000000x64xf32, #tpu.memory_space<hbm>> -> memref<1000000x64xf32, #tpu.memory_space<hbm>>
        %dma_start3A_973 = tpu.memref_slice %arg8[%dma_start3A_962] : memref<2x!tpu.dma_semaphore, #tpu.memory_space<semaphore_mem>> -> memref<1x!tpu.dma_semaphore, #tpu.memory_space<semaphore_mem>>
        %dma_start3A_974 = tpu.memref_squeeze %dma_start3A_973 : memref<1x!tpu.dma_semaphore, #tpu.memory_space<semaphore_mem>> -> memref<!tpu.dma_semaphore, #tpu.memory_space<semaphore_mem>>
        tpu.enqueue_indirect_dma source(%dma_start3A_972 : memref<1000000x64xf32, #tpu.memory_space<hbm>>) target(%dma_start3A_969 : memref<16x64xf32, #tpu.memory_space<vmem>>) offsets(%get3A_960 : vector<16xi32>) semaphore(%dma_start3A_974 : memref<!tpu.dma_semaphore, #tpu.memory_space<semaphore_mem>>)
        %mul3A_975 = arith.constant 640 : i32
        %mul3A_976 = arith.muli %add3A_774, %mul3A_975 : i32
        %add3A_977 = arith.constant 32 : i32
        %add3A_978 = arith.addi %mul3A_976, %add3A_977 : i32
        %get3A_979 = arith.index_cast %add3A_978 : i32 to index
        %get3A_980 = tpu.vector_load %arg5[%get3A_979] {strides = array<i32>} : memref<10240xi32, #tpu.memory_space<vmem>>, vector<16xi32>,
        %get3A_981 = vector.shape_cast %get3A_980 : vector<16xi32> to vector<16xi32>
        %dma_start3A_982 = arith.constant 1 : i32
        %dma_start3A_983 = arith.constant 1 : i32
        %dma_start3A_984 = arith.constant 0 : i32
        %dma_start3A_985 = arith.constant 0 : i32
        %dma_start3A_986 = tpu.memref_slice %arg6[%dma_start3A_982, %dma_start3A_984, %dma_start3A_985] : memref<2x640x64xf32, #tpu.memory_space<vmem>> -> memref<1x640x64xf32, #tpu.memory_space<vmem>>
        %dma_start3A_987 = tpu.memref_squeeze %dma_start3A_986 : memref<1x640x64xf32, #tpu.memory_space<vmem>> -> memref<640x64xf32, #tpu.memory_space<vmem>>
        %dma_start3A_988 = arith.constant 32 : i32
        %dma_start3A_989 = arith.constant 0 : i32
        %dma_start3A_990 = tpu.memref_slice %dma_start3A_987[%dma_start3A_988, %dma_start3A_989] : memref<640x64xf32, #tpu.memory_space<vmem>> -> memref<16x64xf32, #tpu.memory_space<vmem>>
        %dma_start3A_991 = arith.constant 0 : i32
        %dma_start3A_992 = arith.constant 0 : i32
        %dma_start3A_993 = tpu.memref_slice %arg3[%dma_start3A_991, %dma_start3A_992] : memref<1000000x64xf32, #tpu.memory_space<hbm>> -> memref<1000000x64xf32, #tpu.memory_space<hbm>>
        %dma_start3A_994 = tpu.memref_slice %arg8[%dma_start3A_983] : memref<2x!tpu.dma_semaphore, #tpu.memory_space<semaphore_mem>> -> memref<1x!tpu.dma_semaphore, #tpu.memory_space<semaphore_mem>>
        %dma_start3A_995 = tpu.memref_squeeze %dma_start3A_994 : memref<1x!tpu.dma_semaphore, #tpu.memory_space<semaphore_mem>> -> memref<!tpu.dma_semaphore, #tpu.memory_space<semaphore_mem>>
        tpu.enqueue_indirect_dma source(%dma_start3A_993 : memref<1000000x64xf32, #tpu.memory_space<hbm>>) target(%dma_start3A_990 : memref<16x64xf32, #tpu.memory_space<vmem>>) offsets(%get3A_981 : vector<16xi32>) semaphore(%dma_start3A_995 : memref<!tpu.dma_semaphore, #tpu.memory_space<semaphore_mem>>)
        %mul3A_996 = arith.constant 640 : i32
        %mul3A_997 = arith.muli %add3A_774, %mul3A_996 : i32
        %add3A_998 = arith.constant 48 : i32
        %add3A_999 = arith.addi %mul3A_997, %add3A_998 : i32
        %get3A_1000 = arith.index_cast %add3A_999 : i32 to index
        %get3A_1001 = tpu.vector_load %arg5[%get3A_1000] {strides = array<i32>} : memref<10240xi32, #tpu.memory_space<vmem>>, vector<16xi32>,
        %get3A_1002 = vector.shape_cast %get3A_1001 : vector<16xi32> to vector<16xi32>
        %dma_start3A_1003 = arith.constant 1 : i32
        %dma_start3A_1004 = arith.constant 1 : i32
        %dma_start3A_1005 = arith.constant 0 : i32
        %dma_start3A_1006 = arith.constant 0 : i32
        %dma_start3A_1007 = tpu.memref_slice %arg6[%dma_start3A_1003, %dma_start3A_1005, %dma_start3A_1006] : memref<2x640x64xf32, #tpu.memory_space<vmem>> -> memref<1x640x64xf32, #tpu.memory_space<vmem>>
        %dma_start3A_1008 = tpu.memref_squeeze %dma_start3A_1007 : memref<1x640x64xf32, #tpu.memory_space<vmem>> -> memref<640x64xf32, #tpu.memory_space<vmem>>
        %dma_start3A_1009 = arith.constant 48 : i32
        %dma_start3A_1010 = arith.constant 0 : i32
        %dma_start3A_1011 = tpu.memref_slice %dma_start3A_1008[%dma_start3A_1009, %dma_start3A_1010] : memref<640x64xf32, #tpu.memory_space<vmem>> -> memref<16x64xf32, #tpu.memory_space<vmem>>
        %dma_start3A_1012 = arith.constant 0 : i32
        %dma_start3A_1013 = arith.constant 0 : i32
        %dma_start3A_1014 = tpu.memref_slice %arg3[%dma_start3A_1012, %dma_start3A_1013] : memref<1000000x64xf32, #tpu.memory_space<hbm>> -> memref<1000000x64xf32, #tpu.memory_space<hbm>>
        %dma_start3A_1015 = tpu.memref_slice %arg8[%dma_start3A_1004] : memref<2x!tpu.dma_semaphore, #tpu.memory_space<semaphore_mem>> -> memref<1x!tpu.dma_semaphore, #tpu.memory_space<semaphore_mem>>
        %dma_start3A_1016 = tpu.memref_squeeze %dma_start3A_1015 : memref<1x!tpu.dma_semaphore, #tpu.memory_space<semaphore_mem>> -> memref<!tpu.dma_semaphore, #tpu.memory_space<semaphore_mem>>
        tpu.enqueue_indirect_dma source(%dma_start3A_1014 : memref<1000000x64xf32, #tpu.memory_space<hbm>>) target(%dma_start3A_1011 : memref<16x64xf32, #tpu.memory_space<vmem>>) offsets(%get3A_1002 : vector<16xi32>) semaphore(%dma_start3A_1016 : memref<!tpu.dma_semaphore, #tpu.memory_space<semaphore_mem>>)
        %mul3A_1017 = arith.constant 640 : i32
        %mul3A_1018 = arith.muli %add3A_774, %mul3A_1017 : i32
        %add3A_1019 = arith.constant 64 : i32
        %add3A_1020 = arith.addi %mul3A_1018, %add3A_1019 : i32
        %get3A_1021 = arith.index_cast %add3A_1020 : i32 to index
        %get3A_1022 = tpu.vector_load %arg5[%get3A_1021] {strides = array<i32>} : memref<10240xi32, #tpu.memory_space<vmem>>, vector<16xi32>,
        %get3A_1023 = vector.shape_cast %get3A_1022 : vector<16xi32> to vector<16xi32>
        %dma_start3A_1024 = arith.constant 1 : i32
        %dma_start3A_1025 = arith.constant 1 : i32
        %dma_start3A_1026 = arith.constant 0 : i32
        %dma_start3A_1027 = arith.constant 0 : i32
        %dma_start3A_1028 = tpu.memref_slice %arg6[%dma_start3A_1024, %dma_start3A_1026, %dma_start3A_1027] : memref<2x640x64xf32, #tpu.memory_space<vmem>> -> memref<1x640x64xf32, #tpu.memory_space<vmem>>
        %dma_start3A_1029 = tpu.memref_squeeze %dma_start3A_1028 : memref<1x640x64xf32, #tpu.memory_space<vmem>> -> memref<640x64xf32, #tpu.memory_space<vmem>>
        %dma_start3A_1030 = arith.constant 64 : i32
        %dma_start3A_1031 = arith.constant 0 : i32
        %dma_start3A_1032 = tpu.memref_slice %dma_start3A_1029[%dma_start3A_1030, %dma_start3A_1031] : memref<640x64xf32, #tpu.memory_space<vmem>> -> memref<16x64xf32, #tpu.memory_space<vmem>>
        %dma_start3A_1033 = arith.constant 0 : i32
        %dma_start3A_1034 = arith.constant 0 : i32
        %dma_start3A_1035 = tpu.memref_slice %arg3[%dma_start3A_1033, %dma_start3A_1034] : memref<1000000x64xf32, #tpu.memory_space<hbm>> -> memref<1000000x64xf32, #tpu.memory_space<hbm>>
        %dma_start3A_1036 = tpu.memref_slice %arg8[%dma_start3A_1025] : memref<2x!tpu.dma_semaphore, #tpu.memory_space<semaphore_mem>> -> memref<1x!tpu.dma_semaphore, #tpu.memory_space<semaphore_mem>>
        %dma_start3A_1037 = tpu.memref_squeeze %dma_start3A_1036 : memref<1x!tpu.dma_semaphore, #tpu.memory_space<semaphore_mem>> -> memref<!tpu.dma_semaphore, #tpu.memory_space<semaphore_mem>>
        tpu.enqueue_indirect_dma source(%dma_start3A_1035 : memref<1000000x64xf32, #tpu.memory_space<hbm>>) target(%dma_start3A_1032 : memref<16x64xf32, #tpu.memory_space<vmem>>) offsets(%get3A_1023 : vector<16xi32>) semaphore(%dma_start3A_1037 : memref<!tpu.dma_semaphore, #tpu.memory_space<semaphore_mem>>)
        %mul3A_1038 = arith.constant 640 : i32
        %mul3A_1039 = arith.muli %add3A_774, %mul3A_1038 : i32
        %add3A_1040 = arith.constant 80 : i32
        %add3A_1041 = arith.addi %mul3A_1039, %add3A_1040 : i32
        %get3A_1042 = arith.index_cast %add3A_1041 : i32 to index
        %get3A_1043 = tpu.vector_load %arg5[%get3A_1042] {strides = array<i32>} : memref<10240xi32, #tpu.memory_space<vmem>>, vector<16xi32>,
        %get3A_1044 = vector.shape_cast %get3A_1043 : vector<16xi32> to vector<16xi32>
        %dma_start3A_1045 = arith.constant 1 : i32
        %dma_start3A_1046 = arith.constant 1 : i32
        %dma_start3A_1047 = arith.constant 0 : i32
        %dma_start3A_1048 = arith.constant 0 : i32
        %dma_start3A_1049 = tpu.memref_slice %arg6[%dma_start3A_1045, %dma_start3A_1047, %dma_start3A_1048] : memref<2x640x64xf32, #tpu.memory_space<vmem>> -> memref<1x640x64xf32, #tpu.memory_space<vmem>>
        %dma_start3A_1050 = tpu.memref_squeeze %dma_start3A_1049 : memref<1x640x64xf32, #tpu.memory_space<vmem>> -> memref<640x64xf32, #tpu.memory_space<vmem>>
        %dma_start3A_1051 = arith.constant 80 : i32
        %dma_start3A_1052 = arith.constant 0 : i32
        %dma_start3A_1053 = tpu.memref_slice %dma_start3A_1050[%dma_start3A_1051, %dma_start3A_1052] : memref<640x64xf32, #tpu.memory_space<vmem>> -> memref<16x64xf32, #tpu.memory_space<vmem>>
        %dma_start3A_1054 = arith.constant 0 : i32
        %dma_start3A_1055 = arith.constant 0 : i32
        %dma_start3A_1056 = tpu.memref_slice %arg3[%dma_start3A_1054, %dma_start3A_1055] : memref<1000000x64xf32, #tpu.memory_space<hbm>> -> memref<1000000x64xf32, #tpu.memory_space<hbm>>
        %dma_start3A_1057 = tpu.memref_slice %arg8[%dma_start3A_1046] : memref<2x!tpu.dma_semaphore, #tpu.memory_space<semaphore_mem>> -> memref<1x!tpu.dma_semaphore, #tpu.memory_space<semaphore_mem>>
        %dma_start3A_1058 = tpu.memref_squeeze %dma_start3A_1057 : memref<1x!tpu.dma_semaphore, #tpu.memory_space<semaphore_mem>> -> memref<!tpu.dma_semaphore, #tpu.memory_space<semaphore_mem>>
        tpu.enqueue_indirect_dma source(%dma_start3A_1056 : memref<1000000x64xf32, #tpu.memory_space<hbm>>) target(%dma_start3A_1053 : memref<16x64xf32, #tpu.memory_space<vmem>>) offsets(%get3A_1044 : vector<16xi32>) semaphore(%dma_start3A_1058 : memref<!tpu.dma_semaphore, #tpu.memory_space<semaphore_mem>>)
        %mul3A_1059 = arith.constant 640 : i32
        %mul3A_1060 = arith.muli %add3A_774, %mul3A_1059 : i32
        %add3A_1061 = arith.constant 96 : i32
        %add3A_1062 = arith.addi %mul3A_1060, %add3A_1061 : i32
        %get3A_1063 = arith.index_cast %add3A_1062 : i32 to index
        %get3A_1064 = tpu.vector_load %arg5[%get3A_1063] {strides = array<i32>} : memref<10240xi32, #tpu.memory_space<vmem>>, vector<16xi32>,
        %get3A_1065 = vector.shape_cast %get3A_1064 : vector<16xi32> to vector<16xi32>
        %dma_start3A_1066 = arith.constant 1 : i32
        %dma_start3A_1067 = arith.constant 1 : i32
        %dma_start3A_1068 = arith.constant 0 : i32
        %dma_start3A_1069 = arith.constant 0 : i32
        %dma_start3A_1070 = tpu.memref_slice %arg6[%dma_start3A_1066, %dma_start3A_1068, %dma_start3A_1069] : memref<2x640x64xf32, #tpu.memory_space<vmem>> -> memref<1x640x64xf32, #tpu.memory_space<vmem>>
        %dma_start3A_1071 = tpu.memref_squeeze %dma_start3A_1070 : memref<1x640x64xf32, #tpu.memory_space<vmem>> -> memref<640x64xf32, #tpu.memory_space<vmem>>
        %dma_start3A_1072 = arith.constant 96 : i32
        %dma_start3A_1073 = arith.constant 0 : i32
        %dma_start3A_1074 = tpu.memref_slice %dma_start3A_1071[%dma_start3A_1072, %dma_start3A_1073] : memref<640x64xf32, #tpu.memory_space<vmem>> -> memref<16x64xf32, #tpu.memory_space<vmem>>
        %dma_start3A_1075 = arith.constant 0 : i32
        %dma_start3A_1076 = arith.constant 0 : i32
        %dma_start3A_1077 = tpu.memref_slice %arg3[%dma_start3A_1075, %dma_start3A_1076] : memref<1000000x64xf32, #tpu.memory_space<hbm>> -> memref<1000000x64xf32, #tpu.memory_space<hbm>>
        %dma_start3A_1078 = tpu.memref_slice %arg8[%dma_start3A_1067] : memref<2x!tpu.dma_semaphore, #tpu.memory_space<semaphore_mem>> -> memref<1x!tpu.dma_semaphore, #tpu.memory_space<semaphore_mem>>
        %dma_start3A_1079 = tpu.memref_squeeze %dma_start3A_1078 : memref<1x!tpu.dma_semaphore, #tpu.memory_space<semaphore_mem>> -> memref<!tpu.dma_semaphore, #tpu.memory_space<semaphore_mem>>
        tpu.enqueue_indirect_dma source(%dma_start3A_1077 : memref<1000000x64xf32, #tpu.memory_space<hbm>>) target(%dma_start3A_1074 : memref<16x64xf32, #tpu.memory_space<vmem>>) offsets(%get3A_1065 : vector<16xi32>) semaphore(%dma_start3A_1079 : memref<!tpu.dma_semaphore, #tpu.memory_space<semaphore_mem>>)
        %mul3A_1080 = arith.constant 640 : i32
        %mul3A_1081 = arith.muli %add3A_774, %mul3A_1080 : i32
        %add3A_1082 = arith.constant 112 : i32
        %add3A_1083 = arith.addi %mul3A_1081, %add3A_1082 : i32
        %get3A_1084 = arith.index_cast %add3A_1083 : i32 to index
        %get3A_1085 = tpu.vector_load %arg5[%get3A_1084] {strides = array<i32>} : memref<10240xi32, #tpu.memory_space<vmem>>, vector<16xi32>,
        %get3A_1086 = vector.shape_cast %get3A_1085 : vector<16xi32> to vector<16xi32>
        %dma_start3A_1087 = arith.constant 1 : i32
        %dma_start3A_1088 = arith.constant 1 : i32
        %dma_start3A_1089 = arith.constant 0 : i32
        %dma_start3A_1090 = arith.constant 0 : i32
        %dma_start3A_1091 = tpu.memref_slice %arg6[%dma_start3A_1087, %dma_start3A_1089, %dma_start3A_1090] : memref<2x640x64xf32, #tpu.memory_space<vmem>> -> memref<1x640x64xf32, #tpu.memory_space<vmem>>
        %dma_start3A_1092 = tpu.memref_squeeze %dma_start3A_1091 : memref<1x640x64xf32, #tpu.memory_space<vmem>> -> memref<640x64xf32, #tpu.memory_space<vmem>>
        %dma_start3A_1093 = arith.constant 112 : i32
        %dma_start3A_1094 = arith.constant 0 : i32
        %dma_start3A_1095 = tpu.memref_slice %dma_start3A_1092[%dma_start3A_1093, %dma_start3A_1094] : memref<640x64xf32, #tpu.memory_space<vmem>> -> memref<16x64xf32, #tpu.memory_space<vmem>>
        %dma_start3A_1096 = arith.constant 0 : i32
        %dma_start3A_1097 = arith.constant 0 : i32
        %dma_start3A_1098 = tpu.memref_slice %arg3[%dma_start3A_1096, %dma_start3A_1097] : memref<1000000x64xf32, #tpu.memory_space<hbm>> -> memref<1000000x64xf32, #tpu.memory_space<hbm>>
        %dma_start3A_1099 = tpu.memref_slice %arg8[%dma_start3A_1088] : memref<2x!tpu.dma_semaphore, #tpu.memory_space<semaphore_mem>> -> memref<1x!tpu.dma_semaphore, #tpu.memory_space<semaphore_mem>>
        %dma_start3A_1100 = tpu.memref_squeeze %dma_start3A_1099 : memref<1x!tpu.dma_semaphore, #tpu.memory_space<semaphore_mem>> -> memref<!tpu.dma_semaphore, #tpu.memory_space<semaphore_mem>>
        tpu.enqueue_indirect_dma source(%dma_start3A_1098 : memref<1000000x64xf32, #tpu.memory_space<hbm>>) target(%dma_start3A_1095 : memref<16x64xf32, #tpu.memory_space<vmem>>) offsets(%get3A_1086 : vector<16xi32>) semaphore(%dma_start3A_1100 : memref<!tpu.dma_semaphore, #tpu.memory_space<semaphore_mem>>)
        %mul3A_1101 = arith.constant 640 : i32
        %mul3A_1102 = arith.muli %add3A_774, %mul3A_1101 : i32
        %add3A_1103 = arith.constant 128 : i32
        %add3A_1104 = arith.addi %mul3A_1102, %add3A_1103 : i32
        %get3A_1105 = arith.index_cast %add3A_1104 : i32 to index
        %get3A_1106 = tpu.vector_load %arg5[%get3A_1105] {strides = array<i32>} : memref<10240xi32, #tpu.memory_space<vmem>>, vector<16xi32>,
        %get3A_1107 = vector.shape_cast %get3A_1106 : vector<16xi32> to vector<16xi32>
        %dma_start3A_1108 = arith.constant 1 : i32
        %dma_start3A_1109 = arith.constant 1 : i32
        %dma_start3A_1110 = arith.constant 0 : i32
        %dma_start3A_1111 = arith.constant 0 : i32
        %dma_start3A_1112 = tpu.memref_slice %arg6[%dma_start3A_1108, %dma_start3A_1110, %dma_start3A_1111] : memref<2x640x64xf32, #tpu.memory_space<vmem>> -> memref<1x640x64xf32, #tpu.memory_space<vmem>>
        %dma_start3A_1113 = tpu.memref_squeeze %dma_start3A_1112 : memref<1x640x64xf32, #tpu.memory_space<vmem>> -> memref<640x64xf32, #tpu.memory_space<vmem>>
        %dma_start3A_1114 = arith.constant 128 : i32
        %dma_start3A_1115 = arith.constant 0 : i32
        %dma_start3A_1116 = tpu.memref_slice %dma_start3A_1113[%dma_start3A_1114, %dma_start3A_1115] : memref<640x64xf32, #tpu.memory_space<vmem>> -> memref<16x64xf32, #tpu.memory_space<vmem>>
        %dma_start3A_1117 = arith.constant 0 : i32
        %dma_start3A_1118 = arith.constant 0 : i32
        %dma_start3A_1119 = tpu.memref_slice %arg3[%dma_start3A_1117, %dma_start3A_1118] : memref<1000000x64xf32, #tpu.memory_space<hbm>> -> memref<1000000x64xf32, #tpu.memory_space<hbm>>
        %dma_start3A_1120 = tpu.memref_slice %arg8[%dma_start3A_1109] : memref<2x!tpu.dma_semaphore, #tpu.memory_space<semaphore_mem>> -> memref<1x!tpu.dma_semaphore, #tpu.memory_space<semaphore_mem>>
        %dma_start3A_1121 = tpu.memref_squeeze %dma_start3A_1120 : memref<1x!tpu.dma_semaphore, #tpu.memory_space<semaphore_mem>> -> memref<!tpu.dma_semaphore, #tpu.memory_space<semaphore_mem>>
        tpu.enqueue_indirect_dma source(%dma_start3A_1119 : memref<1000000x64xf32, #tpu.memory_space<hbm>>) target(%dma_start3A_1116 : memref<16x64xf32, #tpu.memory_space<vmem>>) offsets(%get3A_1107 : vector<16xi32>) semaphore(%dma_start3A_1121 : memref<!tpu.dma_semaphore, #tpu.memory_space<semaphore_mem>>)
        %mul3A_1122 = arith.constant 640 : i32
        %mul3A_1123 = arith.muli %add3A_774, %mul3A_1122 : i32
        %add3A_1124 = arith.constant 144 : i32
        %add3A_1125 = arith.addi %mul3A_1123, %add3A_1124 : i32
        %get3A_1126 = arith.index_cast %add3A_1125 : i32 to index
        %get3A_1127 = tpu.vector_load %arg5[%get3A_1126] {strides = array<i32>} : memref<10240xi32, #tpu.memory_space<vmem>>, vector<16xi32>,
        %get3A_1128 = vector.shape_cast %get3A_1127 : vector<16xi32> to vector<16xi32>
        %dma_start3A_1129 = arith.constant 1 : i32
        %dma_start3A_1130 = arith.constant 1 : i32
        %dma_start3A_1131 = arith.constant 0 : i32
        %dma_start3A_1132 = arith.constant 0 : i32
        %dma_start3A_1133 = tpu.memref_slice %arg6[%dma_start3A_1129, %dma_start3A_1131, %dma_start3A_1132] : memref<2x640x64xf32, #tpu.memory_space<vmem>> -> memref<1x640x64xf32, #tpu.memory_space<vmem>>
        %dma_start3A_1134 = tpu.memref_squeeze %dma_start3A_1133 : memref<1x640x64xf32, #tpu.memory_space<vmem>> -> memref<640x64xf32, #tpu.memory_space<vmem>>
        %dma_start3A_1135 = arith.constant 144 : i32
        %dma_start3A_1136 = arith.constant 0 : i32
        %dma_start3A_1137 = tpu.memref_slice %dma_start3A_1134[%dma_start3A_1135, %dma_start3A_1136] : memref<640x64xf32, #tpu.memory_space<vmem>> -> memref<16x64xf32, #tpu.memory_space<vmem>>
        %dma_start3A_1138 = arith.constant 0 : i32
        %dma_start3A_1139 = arith.constant 0 : i32
        %dma_start3A_1140 = tpu.memref_slice %arg3[%dma_start3A_1138, %dma_start3A_1139] : memref<1000000x64xf32, #tpu.memory_space<hbm>> -> memref<1000000x64xf32, #tpu.memory_space<hbm>>
        %dma_start3A_1141 = tpu.memref_slice %arg8[%dma_start3A_1130] : memref<2x!tpu.dma_semaphore, #tpu.memory_space<semaphore_mem>> -> memref<1x!tpu.dma_semaphore, #tpu.memory_space<semaphore_mem>>
        %dma_start3A_1142 = tpu.memref_squeeze %dma_start3A_1141 : memref<1x!tpu.dma_semaphore, #tpu.memory_space<semaphore_mem>> -> memref<!tpu.dma_semaphore, #tpu.memory_space<semaphore_mem>>
        tpu.enqueue_indirect_dma source(%dma_start3A_1140 : memref<1000000x64xf32, #tpu.memory_space<hbm>>) target(%dma_start3A_1137 : memref<16x64xf32, #tpu.memory_space<vmem>>) offsets(%get3A_1128 : vector<16xi32>) semaphore(%dma_start3A_1142 : memref<!tpu.dma_semaphore, #tpu.memory_space<semaphore_mem>>)
        %mul3A_1143 = arith.constant 640 : i32
        %mul3A_1144 = arith.muli %add3A_774, %mul3A_1143 : i32
        %add3A_1145 = arith.constant 160 : i32
        %add3A_1146 = arith.addi %mul3A_1144, %add3A_1145 : i32
        %get3A_1147 = arith.index_cast %add3A_1146 : i32 to index
        %get3A_1148 = tpu.vector_load %arg5[%get3A_1147] {strides = array<i32>} : memref<10240xi32, #tpu.memory_space<vmem>>, vector<16xi32>,
        %get3A_1149 = vector.shape_cast %get3A_1148 : vector<16xi32> to vector<16xi32>
        %dma_start3A_1150 = arith.constant 1 : i32
        %dma_start3A_1151 = arith.constant 1 : i32
        %dma_start3A_1152 = arith.constant 0 : i32
        %dma_start3A_1153 = arith.constant 0 : i32
        %dma_start3A_1154 = tpu.memref_slice %arg6[%dma_start3A_1150, %dma_start3A_1152, %dma_start3A_1153] : memref<2x640x64xf32, #tpu.memory_space<vmem>> -> memref<1x640x64xf32, #tpu.memory_space<vmem>>
        %dma_start3A_1155 = tpu.memref_squeeze %dma_start3A_1154 : memref<1x640x64xf32, #tpu.memory_space<vmem>> -> memref<640x64xf32, #tpu.memory_space<vmem>>
        %dma_start3A_1156 = arith.constant 160 : i32
        %dma_start3A_1157 = arith.constant 0 : i32
        %dma_start3A_1158 = tpu.memref_slice %dma_start3A_1155[%dma_start3A_1156, %dma_start3A_1157] : memref<640x64xf32, #tpu.memory_space<vmem>> -> memref<16x64xf32, #tpu.memory_space<vmem>>
        %dma_start3A_1159 = arith.constant 0 : i32
        %dma_start3A_1160 = arith.constant 0 : i32
        %dma_start3A_1161 = tpu.memref_slice %arg3[%dma_start3A_1159, %dma_start3A_1160] : memref<1000000x64xf32, #tpu.memory_space<hbm>> -> memref<1000000x64xf32, #tpu.memory_space<hbm>>
        %dma_start3A_1162 = tpu.memref_slice %arg8[%dma_start3A_1151] : memref<2x!tpu.dma_semaphore, #tpu.memory_space<semaphore_mem>> -> memref<1x!tpu.dma_semaphore, #tpu.memory_space<semaphore_mem>>
        %dma_start3A_1163 = tpu.memref_squeeze %dma_start3A_1162 : memref<1x!tpu.dma_semaphore, #tpu.memory_space<semaphore_mem>> -> memref<!tpu.dma_semaphore, #tpu.memory_space<semaphore_mem>>
        tpu.enqueue_indirect_dma source(%dma_start3A_1161 : memref<1000000x64xf32, #tpu.memory_space<hbm>>) target(%dma_start3A_1158 : memref<16x64xf32, #tpu.memory_space<vmem>>) offsets(%get3A_1149 : vector<16xi32>) semaphore(%dma_start3A_1163 : memref<!tpu.dma_semaphore, #tpu.memory_space<semaphore_mem>>)
        %mul3A_1164 = arith.constant 640 : i32
        %mul3A_1165 = arith.muli %add3A_774, %mul3A_1164 : i32
        %add3A_1166 = arith.constant 176 : i32
        %add3A_1167 = arith.addi %mul3A_1165, %add3A_1166 : i32
        %get3A_1168 = arith.index_cast %add3A_1167 : i32 to index
        %get3A_1169 = tpu.vector_load %arg5[%get3A_1168] {strides = array<i32>} : memref<10240xi32, #tpu.memory_space<vmem>>, vector<16xi32>,
        %get3A_1170 = vector.shape_cast %get3A_1169 : vector<16xi32> to vector<16xi32>
        %dma_start3A_1171 = arith.constant 1 : i32
        %dma_start3A_1172 = arith.constant 1 : i32
        %dma_start3A_1173 = arith.constant 0 : i32
        %dma_start3A_1174 = arith.constant 0 : i32
        %dma_start3A_1175 = tpu.memref_slice %arg6[%dma_start3A_1171, %dma_start3A_1173, %dma_start3A_1174] : memref<2x640x64xf32, #tpu.memory_space<vmem>> -> memref<1x640x64xf32, #tpu.memory_space<vmem>>
        %dma_start3A_1176 = tpu.memref_squeeze %dma_start3A_1175 : memref<1x640x64xf32, #tpu.memory_space<vmem>> -> memref<640x64xf32, #tpu.memory_space<vmem>>
        %dma_start3A_1177 = arith.constant 176 : i32
        %dma_start3A_1178 = arith.constant 0 : i32
        %dma_start3A_1179 = tpu.memref_slice %dma_start3A_1176[%dma_start3A_1177, %dma_start3A_1178] : memref<640x64xf32, #tpu.memory_space<vmem>> -> memref<16x64xf32, #tpu.memory_space<vmem>>
        %dma_start3A_1180 = arith.constant 0 : i32
        %dma_start3A_1181 = arith.constant 0 : i32
        %dma_start3A_1182 = tpu.memref_slice %arg3[%dma_start3A_1180, %dma_start3A_1181] : memref<1000000x64xf32, #tpu.memory_space<hbm>> -> memref<1000000x64xf32, #tpu.memory_space<hbm>>
        %dma_start3A_1183 = tpu.memref_slice %arg8[%dma_start3A_1172] : memref<2x!tpu.dma_semaphore, #tpu.memory_space<semaphore_mem>> -> memref<1x!tpu.dma_semaphore, #tpu.memory_space<semaphore_mem>>
        %dma_start3A_1184 = tpu.memref_squeeze %dma_start3A_1183 : memref<1x!tpu.dma_semaphore, #tpu.memory_space<semaphore_mem>> -> memref<!tpu.dma_semaphore, #tpu.memory_space<semaphore_mem>>
        tpu.enqueue_indirect_dma source(%dma_start3A_1182 : memref<1000000x64xf32, #tpu.memory_space<hbm>>) target(%dma_start3A_1179 : memref<16x64xf32, #tpu.memory_space<vmem>>) offsets(%get3A_1170 : vector<16xi32>) semaphore(%dma_start3A_1184 : memref<!tpu.dma_semaphore, #tpu.memory_space<semaphore_mem>>)
        %mul3A_1185 = arith.constant 640 : i32
        %mul3A_1186 = arith.muli %add3A_774, %mul3A_1185 : i32
        %add3A_1187 = arith.constant 192 : i32
        %add3A_1188 = arith.addi %mul3A_1186, %add3A_1187 : i32
        %get3A_1189 = arith.index_cast %add3A_1188 : i32 to index
        %get3A_1190 = tpu.vector_load %arg5[%get3A_1189] {strides = array<i32>} : memref<10240xi32, #tpu.memory_space<vmem>>, vector<16xi32>,
        %get3A_1191 = vector.shape_cast %get3A_1190 : vector<16xi32> to vector<16xi32>
        %dma_start3A_1192 = arith.constant 1 : i32
        %dma_start3A_1193 = arith.constant 1 : i32
        %dma_start3A_1194 = arith.constant 0 : i32
        %dma_start3A_1195 = arith.constant 0 : i32
        %dma_start3A_1196 = tpu.memref_slice %arg6[%dma_start3A_1192, %dma_start3A_1194, %dma_start3A_1195] : memref<2x640x64xf32, #tpu.memory_space<vmem>> -> memref<1x640x64xf32, #tpu.memory_space<vmem>>
        %dma_start3A_1197 = tpu.memref_squeeze %dma_start3A_1196 : memref<1x640x64xf32, #tpu.memory_space<vmem>> -> memref<640x64xf32, #tpu.memory_space<vmem>>
        %dma_start3A_1198 = arith.constant 192 : i32
        %dma_start3A_1199 = arith.constant 0 : i32
        %dma_start3A_1200 = tpu.memref_slice %dma_start3A_1197[%dma_start3A_1198, %dma_start3A_1199] : memref<640x64xf32, #tpu.memory_space<vmem>> -> memref<16x64xf32, #tpu.memory_space<vmem>>
        %dma_start3A_1201 = arith.constant 0 : i32
        %dma_start3A_1202 = arith.constant 0 : i32
        %dma_start3A_1203 = tpu.memref_slice %arg3[%dma_start3A_1201, %dma_start3A_1202] : memref<1000000x64xf32, #tpu.memory_space<hbm>> -> memref<1000000x64xf32, #tpu.memory_space<hbm>>
        %dma_start3A_1204 = tpu.memref_slice %arg8[%dma_start3A_1193] : memref<2x!tpu.dma_semaphore, #tpu.memory_space<semaphore_mem>> -> memref<1x!tpu.dma_semaphore, #tpu.memory_space<semaphore_mem>>
        %dma_start3A_1205 = tpu.memref_squeeze %dma_start3A_1204 : memref<1x!tpu.dma_semaphore, #tpu.memory_space<semaphore_mem>> -> memref<!tpu.dma_semaphore, #tpu.memory_space<semaphore_mem>>
        tpu.enqueue_indirect_dma source(%dma_start3A_1203 : memref<1000000x64xf32, #tpu.memory_space<hbm>>) target(%dma_start3A_1200 : memref<16x64xf32, #tpu.memory_space<vmem>>) offsets(%get3A_1191 : vector<16xi32>) semaphore(%dma_start3A_1205 : memref<!tpu.dma_semaphore, #tpu.memory_space<semaphore_mem>>)
        %mul3A_1206 = arith.constant 640 : i32
        %mul3A_1207 = arith.muli %add3A_774, %mul3A_1206 : i32
        %add3A_1208 = arith.constant 208 : i32
        %add3A_1209 = arith.addi %mul3A_1207, %add3A_1208 : i32
        %get3A_1210 = arith.index_cast %add3A_1209 : i32 to index
        %get3A_1211 = tpu.vector_load %arg5[%get3A_1210] {strides = array<i32>} : memref<10240xi32, #tpu.memory_space<vmem>>, vector<16xi32>,
        %get3A_1212 = vector.shape_cast %get3A_1211 : vector<16xi32> to vector<16xi32>
        %dma_start3A_1213 = arith.constant 1 : i32
        %dma_start3A_1214 = arith.constant 1 : i32
        %dma_start3A_1215 = arith.constant 0 : i32
        %dma_start3A_1216 = arith.constant 0 : i32
        %dma_start3A_1217 = tpu.memref_slice %arg6[%dma_start3A_1213, %dma_start3A_1215, %dma_start3A_1216] : memref<2x640x64xf32, #tpu.memory_space<vmem>> -> memref<1x640x64xf32, #tpu.memory_space<vmem>>
        %dma_start3A_1218 = tpu.memref_squeeze %dma_start3A_1217 : memref<1x640x64xf32, #tpu.memory_space<vmem>> -> memref<640x64xf32, #tpu.memory_space<vmem>>
        %dma_start3A_1219 = arith.constant 208 : i32
        %dma_start3A_1220 = arith.constant 0 : i32
        %dma_start3A_1221 = tpu.memref_slice %dma_start3A_1218[%dma_start3A_1219, %dma_start3A_1220] : memref<640x64xf32, #tpu.memory_space<vmem>> -> memref<16x64xf32, #tpu.memory_space<vmem>>
        %dma_start3A_1222 = arith.constant 0 : i32
        %dma_start3A_1223 = arith.constant 0 : i32
        %dma_start3A_1224 = tpu.memref_slice %arg3[%dma_start3A_1222, %dma_start3A_1223] : memref<1000000x64xf32, #tpu.memory_space<hbm>> -> memref<1000000x64xf32, #tpu.memory_space<hbm>>
        %dma_start3A_1225 = tpu.memref_slice %arg8[%dma_start3A_1214] : memref<2x!tpu.dma_semaphore, #tpu.memory_space<semaphore_mem>> -> memref<1x!tpu.dma_semaphore, #tpu.memory_space<semaphore_mem>>
        %dma_start3A_1226 = tpu.memref_squeeze %dma_start3A_1225 : memref<1x!tpu.dma_semaphore, #tpu.memory_space<semaphore_mem>> -> memref<!tpu.dma_semaphore, #tpu.memory_space<semaphore_mem>>
        tpu.enqueue_indirect_dma source(%dma_start3A_1224 : memref<1000000x64xf32, #tpu.memory_space<hbm>>) target(%dma_start3A_1221 : memref<16x64xf32, #tpu.memory_space<vmem>>) offsets(%get3A_1212 : vector<16xi32>) semaphore(%dma_start3A_1226 : memref<!tpu.dma_semaphore, #tpu.memory_space<semaphore_mem>>)
        %mul3A_1227 = arith.constant 640 : i32
        %mul3A_1228 = arith.muli %add3A_774, %mul3A_1227 : i32
        %add3A_1229 = arith.constant 224 : i32
        %add3A_1230 = arith.addi %mul3A_1228, %add3A_1229 : i32
        %get3A_1231 = arith.index_cast %add3A_1230 : i32 to index
        %get3A_1232 = tpu.vector_load %arg5[%get3A_1231] {strides = array<i32>} : memref<10240xi32, #tpu.memory_space<vmem>>, vector<16xi32>,
        %get3A_1233 = vector.shape_cast %get3A_1232 : vector<16xi32> to vector<16xi32>
        %dma_start3A_1234 = arith.constant 1 : i32
        %dma_start3A_1235 = arith.constant 1 : i32
        %dma_start3A_1236 = arith.constant 0 : i32
        %dma_start3A_1237 = arith.constant 0 : i32
        %dma_start3A_1238 = tpu.memref_slice %arg6[%dma_start3A_1234, %dma_start3A_1236, %dma_start3A_1237] : memref<2x640x64xf32, #tpu.memory_space<vmem>> -> memref<1x640x64xf32, #tpu.memory_space<vmem>>
        %dma_start3A_1239 = tpu.memref_squeeze %dma_start3A_1238 : memref<1x640x64xf32, #tpu.memory_space<vmem>> -> memref<640x64xf32, #tpu.memory_space<vmem>>
        %dma_start3A_1240 = arith.constant 224 : i32
        %dma_start3A_1241 = arith.constant 0 : i32
        %dma_start3A_1242 = tpu.memref_slice %dma_start3A_1239[%dma_start3A_1240, %dma_start3A_1241] : memref<640x64xf32, #tpu.memory_space<vmem>> -> memref<16x64xf32, #tpu.memory_space<vmem>>
        %dma_start3A_1243 = arith.constant 0 : i32
        %dma_start3A_1244 = arith.constant 0 : i32
        %dma_start3A_1245 = tpu.memref_slice %arg3[%dma_start3A_1243, %dma_start3A_1244] : memref<1000000x64xf32, #tpu.memory_space<hbm>> -> memref<1000000x64xf32, #tpu.memory_space<hbm>>
        %dma_start3A_1246 = tpu.memref_slice %arg8[%dma_start3A_1235] : memref<2x!tpu.dma_semaphore, #tpu.memory_space<semaphore_mem>> -> memref<1x!tpu.dma_semaphore, #tpu.memory_space<semaphore_mem>>
        %dma_start3A_1247 = tpu.memref_squeeze %dma_start3A_1246 : memref<1x!tpu.dma_semaphore, #tpu.memory_space<semaphore_mem>> -> memref<!tpu.dma_semaphore, #tpu.memory_space<semaphore_mem>>
        tpu.enqueue_indirect_dma source(%dma_start3A_1245 : memref<1000000x64xf32, #tpu.memory_space<hbm>>) target(%dma_start3A_1242 : memref<16x64xf32, #tpu.memory_space<vmem>>) offsets(%get3A_1233 : vector<16xi32>) semaphore(%dma_start3A_1247 : memref<!tpu.dma_semaphore, #tpu.memory_space<semaphore_mem>>)
        %mul3A_1248 = arith.constant 640 : i32
        %mul3A_1249 = arith.muli %add3A_774, %mul3A_1248 : i32
        %add3A_1250 = arith.constant 240 : i32
        %add3A_1251 = arith.addi %mul3A_1249, %add3A_1250 : i32
        %get3A_1252 = arith.index_cast %add3A_1251 : i32 to index
        %get3A_1253 = tpu.vector_load %arg5[%get3A_1252] {strides = array<i32>} : memref<10240xi32, #tpu.memory_space<vmem>>, vector<16xi32>,
        %get3A_1254 = vector.shape_cast %get3A_1253 : vector<16xi32> to vector<16xi32>
        %dma_start3A_1255 = arith.constant 1 : i32
        %dma_start3A_1256 = arith.constant 1 : i32
        %dma_start3A_1257 = arith.constant 0 : i32
        %dma_start3A_1258 = arith.constant 0 : i32
        %dma_start3A_1259 = tpu.memref_slice %arg6[%dma_start3A_1255, %dma_start3A_1257, %dma_start3A_1258] : memref<2x640x64xf32, #tpu.memory_space<vmem>> -> memref<1x640x64xf32, #tpu.memory_space<vmem>>
        %dma_start3A_1260 = tpu.memref_squeeze %dma_start3A_1259 : memref<1x640x64xf32, #tpu.memory_space<vmem>> -> memref<640x64xf32, #tpu.memory_space<vmem>>
        %dma_start3A_1261 = arith.constant 240 : i32
        %dma_start3A_1262 = arith.constant 0 : i32
        %dma_start3A_1263 = tpu.memref_slice %dma_start3A_1260[%dma_start3A_1261, %dma_start3A_1262] : memref<640x64xf32, #tpu.memory_space<vmem>> -> memref<16x64xf32, #tpu.memory_space<vmem>>
        %dma_start3A_1264 = arith.constant 0 : i32
        %dma_start3A_1265 = arith.constant 0 : i32
        %dma_start3A_1266 = tpu.memref_slice %arg3[%dma_start3A_1264, %dma_start3A_1265] : memref<1000000x64xf32, #tpu.memory_space<hbm>> -> memref<1000000x64xf32, #tpu.memory_space<hbm>>
        %dma_start3A_1267 = tpu.memref_slice %arg8[%dma_start3A_1256] : memref<2x!tpu.dma_semaphore, #tpu.memory_space<semaphore_mem>> -> memref<1x!tpu.dma_semaphore, #tpu.memory_space<semaphore_mem>>
        %dma_start3A_1268 = tpu.memref_squeeze %dma_start3A_1267 : memref<1x!tpu.dma_semaphore, #tpu.memory_space<semaphore_mem>> -> memref<!tpu.dma_semaphore, #tpu.memory_space<semaphore_mem>>
        tpu.enqueue_indirect_dma source(%dma_start3A_1266 : memref<1000000x64xf32, #tpu.memory_space<hbm>>) target(%dma_start3A_1263 : memref<16x64xf32, #tpu.memory_space<vmem>>) offsets(%get3A_1254 : vector<16xi32>) semaphore(%dma_start3A_1268 : memref<!tpu.dma_semaphore, #tpu.memory_space<semaphore_mem>>)
        %mul3A_1269 = arith.constant 640 : i32
        %mul3A_1270 = arith.muli %add3A_774, %mul3A_1269 : i32
        %add3A_1271 = arith.constant 256 : i32
        %add3A_1272 = arith.addi %mul3A_1270, %add3A_1271 : i32
        %get3A_1273 = arith.index_cast %add3A_1272 : i32 to index
        %get3A_1274 = tpu.vector_load %arg5[%get3A_1273] {strides = array<i32>} : memref<10240xi32, #tpu.memory_space<vmem>>, vector<16xi32>,
        %get3A_1275 = vector.shape_cast %get3A_1274 : vector<16xi32> to vector<16xi32>
        %dma_start3A_1276 = arith.constant 1 : i32
        %dma_start3A_1277 = arith.constant 1 : i32
        %dma_start3A_1278 = arith.constant 0 : i32
        %dma_start3A_1279 = arith.constant 0 : i32
        %dma_start3A_1280 = tpu.memref_slice %arg6[%dma_start3A_1276, %dma_start3A_1278, %dma_start3A_1279] : memref<2x640x64xf32, #tpu.memory_space<vmem>> -> memref<1x640x64xf32, #tpu.memory_space<vmem>>
        %dma_start3A_1281 = tpu.memref_squeeze %dma_start3A_1280 : memref<1x640x64xf32, #tpu.memory_space<vmem>> -> memref<640x64xf32, #tpu.memory_space<vmem>>
        %dma_start3A_1282 = arith.constant 256 : i32
        %dma_start3A_1283 = arith.constant 0 : i32
        %dma_start3A_1284 = tpu.memref_slice %dma_start3A_1281[%dma_start3A_1282, %dma_start3A_1283] : memref<640x64xf32, #tpu.memory_space<vmem>> -> memref<16x64xf32, #tpu.memory_space<vmem>>
        %dma_start3A_1285 = arith.constant 0 : i32
        %dma_start3A_1286 = arith.constant 0 : i32
        %dma_start3A_1287 = tpu.memref_slice %arg3[%dma_start3A_1285, %dma_start3A_1286] : memref<1000000x64xf32, #tpu.memory_space<hbm>> -> memref<1000000x64xf32, #tpu.memory_space<hbm>>
        %dma_start3A_1288 = tpu.memref_slice %arg8[%dma_start3A_1277] : memref<2x!tpu.dma_semaphore, #tpu.memory_space<semaphore_mem>> -> memref<1x!tpu.dma_semaphore, #tpu.memory_space<semaphore_mem>>
        %dma_start3A_1289 = tpu.memref_squeeze %dma_start3A_1288 : memref<1x!tpu.dma_semaphore, #tpu.memory_space<semaphore_mem>> -> memref<!tpu.dma_semaphore, #tpu.memory_space<semaphore_mem>>
        tpu.enqueue_indirect_dma source(%dma_start3A_1287 : memref<1000000x64xf32, #tpu.memory_space<hbm>>) target(%dma_start3A_1284 : memref<16x64xf32, #tpu.memory_space<vmem>>) offsets(%get3A_1275 : vector<16xi32>) semaphore(%dma_start3A_1289 : memref<!tpu.dma_semaphore, #tpu.memory_space<semaphore_mem>>)
        %mul3A_1290 = arith.constant 640 : i32
        %mul3A_1291 = arith.muli %add3A_774, %mul3A_1290 : i32
        %add3A_1292 = arith.constant 272 : i32
        %add3A_1293 = arith.addi %mul3A_1291, %add3A_1292 : i32
        %get3A_1294 = arith.index_cast %add3A_1293 : i32 to index
        %get3A_1295 = tpu.vector_load %arg5[%get3A_1294] {strides = array<i32>} : memref<10240xi32, #tpu.memory_space<vmem>>, vector<16xi32>,
        %get3A_1296 = vector.shape_cast %get3A_1295 : vector<16xi32> to vector<16xi32>
        %dma_start3A_1297 = arith.constant 1 : i32
        %dma_start3A_1298 = arith.constant 1 : i32
        %dma_start3A_1299 = arith.constant 0 : i32
        %dma_start3A_1300 = arith.constant 0 : i32
        %dma_start3A_1301 = tpu.memref_slice %arg6[%dma_start3A_1297, %dma_start3A_1299, %dma_start3A_1300] : memref<2x640x64xf32, #tpu.memory_space<vmem>> -> memref<1x640x64xf32, #tpu.memory_space<vmem>>
        %dma_start3A_1302 = tpu.memref_squeeze %dma_start3A_1301 : memref<1x640x64xf32, #tpu.memory_space<vmem>> -> memref<640x64xf32, #tpu.memory_space<vmem>>
        %dma_start3A_1303 = arith.constant 272 : i32
        %dma_start3A_1304 = arith.constant 0 : i32
        %dma_start3A_1305 = tpu.memref_slice %dma_start3A_1302[%dma_start3A_1303, %dma_start3A_1304] : memref<640x64xf32, #tpu.memory_space<vmem>> -> memref<16x64xf32, #tpu.memory_space<vmem>>
        %dma_start3A_1306 = arith.constant 0 : i32
        %dma_start3A_1307 = arith.constant 0 : i32
        %dma_start3A_1308 = tpu.memref_slice %arg3[%dma_start3A_1306, %dma_start3A_1307] : memref<1000000x64xf32, #tpu.memory_space<hbm>> -> memref<1000000x64xf32, #tpu.memory_space<hbm>>
        %dma_start3A_1309 = tpu.memref_slice %arg8[%dma_start3A_1298] : memref<2x!tpu.dma_semaphore, #tpu.memory_space<semaphore_mem>> -> memref<1x!tpu.dma_semaphore, #tpu.memory_space<semaphore_mem>>
        %dma_start3A_1310 = tpu.memref_squeeze %dma_start3A_1309 : memref<1x!tpu.dma_semaphore, #tpu.memory_space<semaphore_mem>> -> memref<!tpu.dma_semaphore, #tpu.memory_space<semaphore_mem>>
        tpu.enqueue_indirect_dma source(%dma_start3A_1308 : memref<1000000x64xf32, #tpu.memory_space<hbm>>) target(%dma_start3A_1305 : memref<16x64xf32, #tpu.memory_space<vmem>>) offsets(%get3A_1296 : vector<16xi32>) semaphore(%dma_start3A_1310 : memref<!tpu.dma_semaphore, #tpu.memory_space<semaphore_mem>>)
        %mul3A_1311 = arith.constant 640 : i32
        %mul3A_1312 = arith.muli %add3A_774, %mul3A_1311 : i32
        %add3A_1313 = arith.constant 288 : i32
        %add3A_1314 = arith.addi %mul3A_1312, %add3A_1313 : i32
        %get3A_1315 = arith.index_cast %add3A_1314 : i32 to index
        %get3A_1316 = tpu.vector_load %arg5[%get3A_1315] {strides = array<i32>} : memref<10240xi32, #tpu.memory_space<vmem>>, vector<16xi32>,
        %get3A_1317 = vector.shape_cast %get3A_1316 : vector<16xi32> to vector<16xi32>
        %dma_start3A_1318 = arith.constant 1 : i32
        %dma_start3A_1319 = arith.constant 1 : i32
        %dma_start3A_1320 = arith.constant 0 : i32
        %dma_start3A_1321 = arith.constant 0 : i32
        %dma_start3A_1322 = tpu.memref_slice %arg6[%dma_start3A_1318, %dma_start3A_1320, %dma_start3A_1321] : memref<2x640x64xf32, #tpu.memory_space<vmem>> -> memref<1x640x64xf32, #tpu.memory_space<vmem>>
        %dma_start3A_1323 = tpu.memref_squeeze %dma_start3A_1322 : memref<1x640x64xf32, #tpu.memory_space<vmem>> -> memref<640x64xf32, #tpu.memory_space<vmem>>
        %dma_start3A_1324 = arith.constant 288 : i32
        %dma_start3A_1325 = arith.constant 0 : i32
        %dma_start3A_1326 = tpu.memref_slice %dma_start3A_1323[%dma_start3A_1324, %dma_start3A_1325] : memref<640x64xf32, #tpu.memory_space<vmem>> -> memref<16x64xf32, #tpu.memory_space<vmem>>
        %dma_start3A_1327 = arith.constant 0 : i32
        %dma_start3A_1328 = arith.constant 0 : i32
        %dma_start3A_1329 = tpu.memref_slice %arg3[%dma_start3A_1327, %dma_start3A_1328] : memref<1000000x64xf32, #tpu.memory_space<hbm>> -> memref<1000000x64xf32, #tpu.memory_space<hbm>>
        %dma_start3A_1330 = tpu.memref_slice %arg8[%dma_start3A_1319] : memref<2x!tpu.dma_semaphore, #tpu.memory_space<semaphore_mem>> -> memref<1x!tpu.dma_semaphore, #tpu.memory_space<semaphore_mem>>
        %dma_start3A_1331 = tpu.memref_squeeze %dma_start3A_1330 : memref<1x!tpu.dma_semaphore, #tpu.memory_space<semaphore_mem>> -> memref<!tpu.dma_semaphore, #tpu.memory_space<semaphore_mem>>
        tpu.enqueue_indirect_dma source(%dma_start3A_1329 : memref<1000000x64xf32, #tpu.memory_space<hbm>>) target(%dma_start3A_1326 : memref<16x64xf32, #tpu.memory_space<vmem>>) offsets(%get3A_1317 : vector<16xi32>) semaphore(%dma_start3A_1331 : memref<!tpu.dma_semaphore, #tpu.memory_space<semaphore_mem>>)
        %mul3A_1332 = arith.constant 640 : i32
        %mul3A_1333 = arith.muli %add3A_774, %mul3A_1332 : i32
        %add3A_1334 = arith.constant 304 : i32
        %add3A_1335 = arith.addi %mul3A_1333, %add3A_1334 : i32
        %get3A_1336 = arith.index_cast %add3A_1335 : i32 to index
        %get3A_1337 = tpu.vector_load %arg5[%get3A_1336] {strides = array<i32>} : memref<10240xi32, #tpu.memory_space<vmem>>, vector<16xi32>,
        %get3A_1338 = vector.shape_cast %get3A_1337 : vector<16xi32> to vector<16xi32>
        %dma_start3A_1339 = arith.constant 1 : i32
        %dma_start3A_1340 = arith.constant 1 : i32
        %dma_start3A_1341 = arith.constant 0 : i32
        %dma_start3A_1342 = arith.constant 0 : i32
        %dma_start3A_1343 = tpu.memref_slice %arg6[%dma_start3A_1339, %dma_start3A_1341, %dma_start3A_1342] : memref<2x640x64xf32, #tpu.memory_space<vmem>> -> memref<1x640x64xf32, #tpu.memory_space<vmem>>
        %dma_start3A_1344 = tpu.memref_squeeze %dma_start3A_1343 : memref<1x640x64xf32, #tpu.memory_space<vmem>> -> memref<640x64xf32, #tpu.memory_space<vmem>>
        %dma_start3A_1345 = arith.constant 304 : i32
        %dma_start3A_1346 = arith.constant 0 : i32
        %dma_start3A_1347 = tpu.memref_slice %dma_start3A_1344[%dma_start3A_1345, %dma_start3A_1346] : memref<640x64xf32, #tpu.memory_space<vmem>> -> memref<16x64xf32, #tpu.memory_space<vmem>>
        %dma_start3A_1348 = arith.constant 0 : i32
        %dma_start3A_1349 = arith.constant 0 : i32
        %dma_start3A_1350 = tpu.memref_slice %arg3[%dma_start3A_1348, %dma_start3A_1349] : memref<1000000x64xf32, #tpu.memory_space<hbm>> -> memref<1000000x64xf32, #tpu.memory_space<hbm>>
        %dma_start3A_1351 = tpu.memref_slice %arg8[%dma_start3A_1340] : memref<2x!tpu.dma_semaphore, #tpu.memory_space<semaphore_mem>> -> memref<1x!tpu.dma_semaphore, #tpu.memory_space<semaphore_mem>>
        %dma_start3A_1352 = tpu.memref_squeeze %dma_start3A_1351 : memref<1x!tpu.dma_semaphore, #tpu.memory_space<semaphore_mem>> -> memref<!tpu.dma_semaphore, #tpu.memory_space<semaphore_mem>>
        tpu.enqueue_indirect_dma source(%dma_start3A_1350 : memref<1000000x64xf32, #tpu.memory_space<hbm>>) target(%dma_start3A_1347 : memref<16x64xf32, #tpu.memory_space<vmem>>) offsets(%get3A_1338 : vector<16xi32>) semaphore(%dma_start3A_1352 : memref<!tpu.dma_semaphore, #tpu.memory_space<semaphore_mem>>)
        %mul3A_1353 = arith.constant 640 : i32
        %mul3A_1354 = arith.muli %add3A_774, %mul3A_1353 : i32
        %add3A_1355 = arith.constant 320 : i32
        %add3A_1356 = arith.addi %mul3A_1354, %add3A_1355 : i32
        %get3A_1357 = arith.index_cast %add3A_1356 : i32 to index
        %get3A_1358 = tpu.vector_load %arg5[%get3A_1357] {strides = array<i32>} : memref<10240xi32, #tpu.memory_space<vmem>>, vector<16xi32>,
        %get3A_1359 = vector.shape_cast %get3A_1358 : vector<16xi32> to vector<16xi32>
        %dma_start3A_1360 = arith.constant 1 : i32
        %dma_start3A_1361 = arith.constant 1 : i32
        %dma_start3A_1362 = arith.constant 0 : i32
        %dma_start3A_1363 = arith.constant 0 : i32
        %dma_start3A_1364 = tpu.memref_slice %arg6[%dma_start3A_1360, %dma_start3A_1362, %dma_start3A_1363] : memref<2x640x64xf32, #tpu.memory_space<vmem>> -> memref<1x640x64xf32, #tpu.memory_space<vmem>>
        %dma_start3A_1365 = tpu.memref_squeeze %dma_start3A_1364 : memref<1x640x64xf32, #tpu.memory_space<vmem>> -> memref<640x64xf32, #tpu.memory_space<vmem>>
        %dma_start3A_1366 = arith.constant 320 : i32
        %dma_start3A_1367 = arith.constant 0 : i32
        %dma_start3A_1368 = tpu.memref_slice %dma_start3A_1365[%dma_start3A_1366, %dma_start3A_1367] : memref<640x64xf32, #tpu.memory_space<vmem>> -> memref<16x64xf32, #tpu.memory_space<vmem>>
        %dma_start3A_1369 = arith.constant 0 : i32
        %dma_start3A_1370 = arith.constant 0 : i32
        %dma_start3A_1371 = tpu.memref_slice %arg3[%dma_start3A_1369, %dma_start3A_1370] : memref<1000000x64xf32, #tpu.memory_space<hbm>> -> memref<1000000x64xf32, #tpu.memory_space<hbm>>
        %dma_start3A_1372 = tpu.memref_slice %arg8[%dma_start3A_1361] : memref<2x!tpu.dma_semaphore, #tpu.memory_space<semaphore_mem>> -> memref<1x!tpu.dma_semaphore, #tpu.memory_space<semaphore_mem>>
        %dma_start3A_1373 = tpu.memref_squeeze %dma_start3A_1372 : memref<1x!tpu.dma_semaphore, #tpu.memory_space<semaphore_mem>> -> memref<!tpu.dma_semaphore, #tpu.memory_space<semaphore_mem>>
        tpu.enqueue_indirect_dma source(%dma_start3A_1371 : memref<1000000x64xf32, #tpu.memory_space<hbm>>) target(%dma_start3A_1368 : memref<16x64xf32, #tpu.memory_space<vmem>>) offsets(%get3A_1359 : vector<16xi32>) semaphore(%dma_start3A_1373 : memref<!tpu.dma_semaphore, #tpu.memory_space<semaphore_mem>>)
        %mul3A_1374 = arith.constant 640 : i32
        %mul3A_1375 = arith.muli %add3A_774, %mul3A_1374 : i32
        %add3A_1376 = arith.constant 336 : i32
        %add3A_1377 = arith.addi %mul3A_1375, %add3A_1376 : i32
        %get3A_1378 = arith.index_cast %add3A_1377 : i32 to index
        %get3A_1379 = tpu.vector_load %arg5[%get3A_1378] {strides = array<i32>} : memref<10240xi32, #tpu.memory_space<vmem>>, vector<16xi32>,
        %get3A_1380 = vector.shape_cast %get3A_1379 : vector<16xi32> to vector<16xi32>
        %dma_start3A_1381 = arith.constant 1 : i32
        %dma_start3A_1382 = arith.constant 1 : i32
        %dma_start3A_1383 = arith.constant 0 : i32
        %dma_start3A_1384 = arith.constant 0 : i32
        %dma_start3A_1385 = tpu.memref_slice %arg6[%dma_start3A_1381, %dma_start3A_1383, %dma_start3A_1384] : memref<2x640x64xf32, #tpu.memory_space<vmem>> -> memref<1x640x64xf32, #tpu.memory_space<vmem>>
        %dma_start3A_1386 = tpu.memref_squeeze %dma_start3A_1385 : memref<1x640x64xf32, #tpu.memory_space<vmem>> -> memref<640x64xf32, #tpu.memory_space<vmem>>
        %dma_start3A_1387 = arith.constant 336 : i32
        %dma_start3A_1388 = arith.constant 0 : i32
        %dma_start3A_1389 = tpu.memref_slice %dma_start3A_1386[%dma_start3A_1387, %dma_start3A_1388] : memref<640x64xf32, #tpu.memory_space<vmem>> -> memref<16x64xf32, #tpu.memory_space<vmem>>
        %dma_start3A_1390 = arith.constant 0 : i32
        %dma_start3A_1391 = arith.constant 0 : i32
        %dma_start3A_1392 = tpu.memref_slice %arg3[%dma_start3A_1390, %dma_start3A_1391] : memref<1000000x64xf32, #tpu.memory_space<hbm>> -> memref<1000000x64xf32, #tpu.memory_space<hbm>>
        %dma_start3A_1393 = tpu.memref_slice %arg8[%dma_start3A_1382] : memref<2x!tpu.dma_semaphore, #tpu.memory_space<semaphore_mem>> -> memref<1x!tpu.dma_semaphore, #tpu.memory_space<semaphore_mem>>
        %dma_start3A_1394 = tpu.memref_squeeze %dma_start3A_1393 : memref<1x!tpu.dma_semaphore, #tpu.memory_space<semaphore_mem>> -> memref<!tpu.dma_semaphore, #tpu.memory_space<semaphore_mem>>
        tpu.enqueue_indirect_dma source(%dma_start3A_1392 : memref<1000000x64xf32, #tpu.memory_space<hbm>>) target(%dma_start3A_1389 : memref<16x64xf32, #tpu.memory_space<vmem>>) offsets(%get3A_1380 : vector<16xi32>) semaphore(%dma_start3A_1394 : memref<!tpu.dma_semaphore, #tpu.memory_space<semaphore_mem>>)
        %mul3A_1395 = arith.constant 640 : i32
        %mul3A_1396 = arith.muli %add3A_774, %mul3A_1395 : i32
        %add3A_1397 = arith.constant 352 : i32
        %add3A_1398 = arith.addi %mul3A_1396, %add3A_1397 : i32
        %get3A_1399 = arith.index_cast %add3A_1398 : i32 to index
        %get3A_1400 = tpu.vector_load %arg5[%get3A_1399] {strides = array<i32>} : memref<10240xi32, #tpu.memory_space<vmem>>, vector<16xi32>,
        %get3A_1401 = vector.shape_cast %get3A_1400 : vector<16xi32> to vector<16xi32>
        %dma_start3A_1402 = arith.constant 1 : i32
        %dma_start3A_1403 = arith.constant 1 : i32
        %dma_start3A_1404 = arith.constant 0 : i32
        %dma_start3A_1405 = arith.constant 0 : i32
        %dma_start3A_1406 = tpu.memref_slice %arg6[%dma_start3A_1402, %dma_start3A_1404, %dma_start3A_1405] : memref<2x640x64xf32, #tpu.memory_space<vmem>> -> memref<1x640x64xf32, #tpu.memory_space<vmem>>
        %dma_start3A_1407 = tpu.memref_squeeze %dma_start3A_1406 : memref<1x640x64xf32, #tpu.memory_space<vmem>> -> memref<640x64xf32, #tpu.memory_space<vmem>>
        %dma_start3A_1408 = arith.constant 352 : i32
        %dma_start3A_1409 = arith.constant 0 : i32
        %dma_start3A_1410 = tpu.memref_slice %dma_start3A_1407[%dma_start3A_1408, %dma_start3A_1409] : memref<640x64xf32, #tpu.memory_space<vmem>> -> memref<16x64xf32, #tpu.memory_space<vmem>>
        %dma_start3A_1411 = arith.constant 0 : i32
        %dma_start3A_1412 = arith.constant 0 : i32
        %dma_start3A_1413 = tpu.memref_slice %arg3[%dma_start3A_1411, %dma_start3A_1412] : memref<1000000x64xf32, #tpu.memory_space<hbm>> -> memref<1000000x64xf32, #tpu.memory_space<hbm>>
        %dma_start3A_1414 = tpu.memref_slice %arg8[%dma_start3A_1403] : memref<2x!tpu.dma_semaphore, #tpu.memory_space<semaphore_mem>> -> memref<1x!tpu.dma_semaphore, #tpu.memory_space<semaphore_mem>>
        %dma_start3A_1415 = tpu.memref_squeeze %dma_start3A_1414 : memref<1x!tpu.dma_semaphore, #tpu.memory_space<semaphore_mem>> -> memref<!tpu.dma_semaphore, #tpu.memory_space<semaphore_mem>>
        tpu.enqueue_indirect_dma source(%dma_start3A_1413 : memref<1000000x64xf32, #tpu.memory_space<hbm>>) target(%dma_start3A_1410 : memref<16x64xf32, #tpu.memory_space<vmem>>) offsets(%get3A_1401 : vector<16xi32>) semaphore(%dma_start3A_1415 : memref<!tpu.dma_semaphore, #tpu.memory_space<semaphore_mem>>)
        %mul3A_1416 = arith.constant 640 : i32
        %mul3A_1417 = arith.muli %add3A_774, %mul3A_1416 : i32
        %add3A_1418 = arith.constant 368 : i32
        %add3A_1419 = arith.addi %mul3A_1417, %add3A_1418 : i32
        %get3A_1420 = arith.index_cast %add3A_1419 : i32 to index
        %get3A_1421 = tpu.vector_load %arg5[%get3A_1420] {strides = array<i32>} : memref<10240xi32, #tpu.memory_space<vmem>>, vector<16xi32>,
        %get3A_1422 = vector.shape_cast %get3A_1421 : vector<16xi32> to vector<16xi32>
        %dma_start3A_1423 = arith.constant 1 : i32
        %dma_start3A_1424 = arith.constant 1 : i32
        %dma_start3A_1425 = arith.constant 0 : i32
        %dma_start3A_1426 = arith.constant 0 : i32
        %dma_start3A_1427 = tpu.memref_slice %arg6[%dma_start3A_1423, %dma_start3A_1425, %dma_start3A_1426] : memref<2x640x64xf32, #tpu.memory_space<vmem>> -> memref<1x640x64xf32, #tpu.memory_space<vmem>>
        %dma_start3A_1428 = tpu.memref_squeeze %dma_start3A_1427 : memref<1x640x64xf32, #tpu.memory_space<vmem>> -> memref<640x64xf32, #tpu.memory_space<vmem>>
        %dma_start3A_1429 = arith.constant 368 : i32
        %dma_start3A_1430 = arith.constant 0 : i32
        %dma_start3A_1431 = tpu.memref_slice %dma_start3A_1428[%dma_start3A_1429, %dma_start3A_1430] : memref<640x64xf32, #tpu.memory_space<vmem>> -> memref<16x64xf32, #tpu.memory_space<vmem>>
        %dma_start3A_1432 = arith.constant 0 : i32
        %dma_start3A_1433 = arith.constant 0 : i32
        %dma_start3A_1434 = tpu.memref_slice %arg3[%dma_start3A_1432, %dma_start3A_1433] : memref<1000000x64xf32, #tpu.memory_space<hbm>> -> memref<1000000x64xf32, #tpu.memory_space<hbm>>
        %dma_start3A_1435 = tpu.memref_slice %arg8[%dma_start3A_1424] : memref<2x!tpu.dma_semaphore, #tpu.memory_space<semaphore_mem>> -> memref<1x!tpu.dma_semaphore, #tpu.memory_space<semaphore_mem>>
        %dma_start3A_1436 = tpu.memref_squeeze %dma_start3A_1435 : memref<1x!tpu.dma_semaphore, #tpu.memory_space<semaphore_mem>> -> memref<!tpu.dma_semaphore, #tpu.memory_space<semaphore_mem>>
        tpu.enqueue_indirect_dma source(%dma_start3A_1434 : memref<1000000x64xf32, #tpu.memory_space<hbm>>) target(%dma_start3A_1431 : memref<16x64xf32, #tpu.memory_space<vmem>>) offsets(%get3A_1422 : vector<16xi32>) semaphore(%dma_start3A_1436 : memref<!tpu.dma_semaphore, #tpu.memory_space<semaphore_mem>>)
        %mul3A_1437 = arith.constant 640 : i32
        %mul3A_1438 = arith.muli %add3A_774, %mul3A_1437 : i32
        %add3A_1439 = arith.constant 384 : i32
        %add3A_1440 = arith.addi %mul3A_1438, %add3A_1439 : i32
        %get3A_1441 = arith.index_cast %add3A_1440 : i32 to index
        %get3A_1442 = tpu.vector_load %arg5[%get3A_1441] {strides = array<i32>} : memref<10240xi32, #tpu.memory_space<vmem>>, vector<16xi32>,
        %get3A_1443 = vector.shape_cast %get3A_1442 : vector<16xi32> to vector<16xi32>
        %dma_start3A_1444 = arith.constant 1 : i32
        %dma_start3A_1445 = arith.constant 1 : i32
        %dma_start3A_1446 = arith.constant 0 : i32
        %dma_start3A_1447 = arith.constant 0 : i32
        %dma_start3A_1448 = tpu.memref_slice %arg6[%dma_start3A_1444, %dma_start3A_1446, %dma_start3A_1447] : memref<2x640x64xf32, #tpu.memory_space<vmem>> -> memref<1x640x64xf32, #tpu.memory_space<vmem>>
        %dma_start3A_1449 = tpu.memref_squeeze %dma_start3A_1448 : memref<1x640x64xf32, #tpu.memory_space<vmem>> -> memref<640x64xf32, #tpu.memory_space<vmem>>
        %dma_start3A_1450 = arith.constant 384 : i32
        %dma_start3A_1451 = arith.constant 0 : i32
        %dma_start3A_1452 = tpu.memref_slice %dma_start3A_1449[%dma_start3A_1450, %dma_start3A_1451] : memref<640x64xf32, #tpu.memory_space<vmem>> -> memref<16x64xf32, #tpu.memory_space<vmem>>
        %dma_start3A_1453 = arith.constant 0 : i32
        %dma_start3A_1454 = arith.constant 0 : i32
        %dma_start3A_1455 = tpu.memref_slice %arg3[%dma_start3A_1453, %dma_start3A_1454] : memref<1000000x64xf32, #tpu.memory_space<hbm>> -> memref<1000000x64xf32, #tpu.memory_space<hbm>>
        %dma_start3A_1456 = tpu.memref_slice %arg8[%dma_start3A_1445] : memref<2x!tpu.dma_semaphore, #tpu.memory_space<semaphore_mem>> -> memref<1x!tpu.dma_semaphore, #tpu.memory_space<semaphore_mem>>
        %dma_start3A_1457 = tpu.memref_squeeze %dma_start3A_1456 : memref<1x!tpu.dma_semaphore, #tpu.memory_space<semaphore_mem>> -> memref<!tpu.dma_semaphore, #tpu.memory_space<semaphore_mem>>
        tpu.enqueue_indirect_dma source(%dma_start3A_1455 : memref<1000000x64xf32, #tpu.memory_space<hbm>>) target(%dma_start3A_1452 : memref<16x64xf32, #tpu.memory_space<vmem>>) offsets(%get3A_1443 : vector<16xi32>) semaphore(%dma_start3A_1457 : memref<!tpu.dma_semaphore, #tpu.memory_space<semaphore_mem>>)
        %mul3A_1458 = arith.constant 640 : i32
        %mul3A_1459 = arith.muli %add3A_774, %mul3A_1458 : i32
        %add3A_1460 = arith.constant 400 : i32
        %add3A_1461 = arith.addi %mul3A_1459, %add3A_1460 : i32
        %get3A_1462 = arith.index_cast %add3A_1461 : i32 to index
        %get3A_1463 = tpu.vector_load %arg5[%get3A_1462] {strides = array<i32>} : memref<10240xi32, #tpu.memory_space<vmem>>, vector<16xi32>,
        %get3A_1464 = vector.shape_cast %get3A_1463 : vector<16xi32> to vector<16xi32>
        %dma_start3A_1465 = arith.constant 1 : i32
        %dma_start3A_1466 = arith.constant 1 : i32
        %dma_start3A_1467 = arith.constant 0 : i32
        %dma_start3A_1468 = arith.constant 0 : i32
        %dma_start3A_1469 = tpu.memref_slice %arg6[%dma_start3A_1465, %dma_start3A_1467, %dma_start3A_1468] : memref<2x640x64xf32, #tpu.memory_space<vmem>> -> memref<1x640x64xf32, #tpu.memory_space<vmem>>
        %dma_start3A_1470 = tpu.memref_squeeze %dma_start3A_1469 : memref<1x640x64xf32, #tpu.memory_space<vmem>> -> memref<640x64xf32, #tpu.memory_space<vmem>>
        %dma_start3A_1471 = arith.constant 400 : i32
        %dma_start3A_1472 = arith.constant 0 : i32
        %dma_start3A_1473 = tpu.memref_slice %dma_start3A_1470[%dma_start3A_1471, %dma_start3A_1472] : memref<640x64xf32, #tpu.memory_space<vmem>> -> memref<16x64xf32, #tpu.memory_space<vmem>>
        %dma_start3A_1474 = arith.constant 0 : i32
        %dma_start3A_1475 = arith.constant 0 : i32
        %dma_start3A_1476 = tpu.memref_slice %arg3[%dma_start3A_1474, %dma_start3A_1475] : memref<1000000x64xf32, #tpu.memory_space<hbm>> -> memref<1000000x64xf32, #tpu.memory_space<hbm>>
        %dma_start3A_1477 = tpu.memref_slice %arg8[%dma_start3A_1466] : memref<2x!tpu.dma_semaphore, #tpu.memory_space<semaphore_mem>> -> memref<1x!tpu.dma_semaphore, #tpu.memory_space<semaphore_mem>>
        %dma_start3A_1478 = tpu.memref_squeeze %dma_start3A_1477 : memref<1x!tpu.dma_semaphore, #tpu.memory_space<semaphore_mem>> -> memref<!tpu.dma_semaphore, #tpu.memory_space<semaphore_mem>>
        tpu.enqueue_indirect_dma source(%dma_start3A_1476 : memref<1000000x64xf32, #tpu.memory_space<hbm>>) target(%dma_start3A_1473 : memref<16x64xf32, #tpu.memory_space<vmem>>) offsets(%get3A_1464 : vector<16xi32>) semaphore(%dma_start3A_1478 : memref<!tpu.dma_semaphore, #tpu.memory_space<semaphore_mem>>)
        %mul3A_1479 = arith.constant 640 : i32
        %mul3A_1480 = arith.muli %add3A_774, %mul3A_1479 : i32
        %add3A_1481 = arith.constant 416 : i32
        %add3A_1482 = arith.addi %mul3A_1480, %add3A_1481 : i32
        %get3A_1483 = arith.index_cast %add3A_1482 : i32 to index
        %get3A_1484 = tpu.vector_load %arg5[%get3A_1483] {strides = array<i32>} : memref<10240xi32, #tpu.memory_space<vmem>>, vector<16xi32>,
        %get3A_1485 = vector.shape_cast %get3A_1484 : vector<16xi32> to vector<16xi32>
        %dma_start3A_1486 = arith.constant 1 : i32
        %dma_start3A_1487 = arith.constant 1 : i32
        %dma_start3A_1488 = arith.constant 0 : i32
        %dma_start3A_1489 = arith.constant 0 : i32
        %dma_start3A_1490 = tpu.memref_slice %arg6[%dma_start3A_1486, %dma_start3A_1488, %dma_start3A_1489] : memref<2x640x64xf32, #tpu.memory_space<vmem>> -> memref<1x640x64xf32, #tpu.memory_space<vmem>>
        %dma_start3A_1491 = tpu.memref_squeeze %dma_start3A_1490 : memref<1x640x64xf32, #tpu.memory_space<vmem>> -> memref<640x64xf32, #tpu.memory_space<vmem>>
        %dma_start3A_1492 = arith.constant 416 : i32
        %dma_start3A_1493 = arith.constant 0 : i32
        %dma_start3A_1494 = tpu.memref_slice %dma_start3A_1491[%dma_start3A_1492, %dma_start3A_1493] : memref<640x64xf32, #tpu.memory_space<vmem>> -> memref<16x64xf32, #tpu.memory_space<vmem>>
        %dma_start3A_1495 = arith.constant 0 : i32
        %dma_start3A_1496 = arith.constant 0 : i32
        %dma_start3A_1497 = tpu.memref_slice %arg3[%dma_start3A_1495, %dma_start3A_1496] : memref<1000000x64xf32, #tpu.memory_space<hbm>> -> memref<1000000x64xf32, #tpu.memory_space<hbm>>
        %dma_start3A_1498 = tpu.memref_slice %arg8[%dma_start3A_1487] : memref<2x!tpu.dma_semaphore, #tpu.memory_space<semaphore_mem>> -> memref<1x!tpu.dma_semaphore, #tpu.memory_space<semaphore_mem>>
        %dma_start3A_1499 = tpu.memref_squeeze %dma_start3A_1498 : memref<1x!tpu.dma_semaphore, #tpu.memory_space<semaphore_mem>> -> memref<!tpu.dma_semaphore, #tpu.memory_space<semaphore_mem>>
        tpu.enqueue_indirect_dma source(%dma_start3A_1497 : memref<1000000x64xf32, #tpu.memory_space<hbm>>) target(%dma_start3A_1494 : memref<16x64xf32, #tpu.memory_space<vmem>>) offsets(%get3A_1485 : vector<16xi32>) semaphore(%dma_start3A_1499 : memref<!tpu.dma_semaphore, #tpu.memory_space<semaphore_mem>>)
        %mul3A_1500 = arith.constant 640 : i32
        %mul3A_1501 = arith.muli %add3A_774, %mul3A_1500 : i32
        %add3A_1502 = arith.constant 432 : i32
        %add3A_1503 = arith.addi %mul3A_1501, %add3A_1502 : i32
        %get3A_1504 = arith.index_cast %add3A_1503 : i32 to index
        %get3A_1505 = tpu.vector_load %arg5[%get3A_1504] {strides = array<i32>} : memref<10240xi32, #tpu.memory_space<vmem>>, vector<16xi32>,
        %get3A_1506 = vector.shape_cast %get3A_1505 : vector<16xi32> to vector<16xi32>
        %dma_start3A_1507 = arith.constant 1 : i32
        %dma_start3A_1508 = arith.constant 1 : i32
        %dma_start3A_1509 = arith.constant 0 : i32
        %dma_start3A_1510 = arith.constant 0 : i32
        %dma_start3A_1511 = tpu.memref_slice %arg6[%dma_start3A_1507, %dma_start3A_1509, %dma_start3A_1510] : memref<2x640x64xf32, #tpu.memory_space<vmem>> -> memref<1x640x64xf32, #tpu.memory_space<vmem>>
        %dma_start3A_1512 = tpu.memref_squeeze %dma_start3A_1511 : memref<1x640x64xf32, #tpu.memory_space<vmem>> -> memref<640x64xf32, #tpu.memory_space<vmem>>
        %dma_start3A_1513 = arith.constant 432 : i32
        %dma_start3A_1514 = arith.constant 0 : i32
        %dma_start3A_1515 = tpu.memref_slice %dma_start3A_1512[%dma_start3A_1513, %dma_start3A_1514] : memref<640x64xf32, #tpu.memory_space<vmem>> -> memref<16x64xf32, #tpu.memory_space<vmem>>
        %dma_start3A_1516 = arith.constant 0 : i32
        %dma_start3A_1517 = arith.constant 0 : i32
        %dma_start3A_1518 = tpu.memref_slice %arg3[%dma_start3A_1516, %dma_start3A_1517] : memref<1000000x64xf32, #tpu.memory_space<hbm>> -> memref<1000000x64xf32, #tpu.memory_space<hbm>>
        %dma_start3A_1519 = tpu.memref_slice %arg8[%dma_start3A_1508] : memref<2x!tpu.dma_semaphore, #tpu.memory_space<semaphore_mem>> -> memref<1x!tpu.dma_semaphore, #tpu.memory_space<semaphore_mem>>
        %dma_start3A_1520 = tpu.memref_squeeze %dma_start3A_1519 : memref<1x!tpu.dma_semaphore, #tpu.memory_space<semaphore_mem>> -> memref<!tpu.dma_semaphore, #tpu.memory_space<semaphore_mem>>
        tpu.enqueue_indirect_dma source(%dma_start3A_1518 : memref<1000000x64xf32, #tpu.memory_space<hbm>>) target(%dma_start3A_1515 : memref<16x64xf32, #tpu.memory_space<vmem>>) offsets(%get3A_1506 : vector<16xi32>) semaphore(%dma_start3A_1520 : memref<!tpu.dma_semaphore, #tpu.memory_space<semaphore_mem>>)
        %mul3A_1521 = arith.constant 640 : i32
        %mul3A_1522 = arith.muli %add3A_774, %mul3A_1521 : i32
        %add3A_1523 = arith.constant 448 : i32
        %add3A_1524 = arith.addi %mul3A_1522, %add3A_1523 : i32
        %get3A_1525 = arith.index_cast %add3A_1524 : i32 to index
        %get3A_1526 = tpu.vector_load %arg5[%get3A_1525] {strides = array<i32>} : memref<10240xi32, #tpu.memory_space<vmem>>, vector<16xi32>,
        %get3A_1527 = vector.shape_cast %get3A_1526 : vector<16xi32> to vector<16xi32>
        %dma_start3A_1528 = arith.constant 1 : i32
        %dma_start3A_1529 = arith.constant 1 : i32
        %dma_start3A_1530 = arith.constant 0 : i32
        %dma_start3A_1531 = arith.constant 0 : i32
        %dma_start3A_1532 = tpu.memref_slice %arg6[%dma_start3A_1528, %dma_start3A_1530, %dma_start3A_1531] : memref<2x640x64xf32, #tpu.memory_space<vmem>> -> memref<1x640x64xf32, #tpu.memory_space<vmem>>
        %dma_start3A_1533 = tpu.memref_squeeze %dma_start3A_1532 : memref<1x640x64xf32, #tpu.memory_space<vmem>> -> memref<640x64xf32, #tpu.memory_space<vmem>>
        %dma_start3A_1534 = arith.constant 448 : i32
        %dma_start3A_1535 = arith.constant 0 : i32
        %dma_start3A_1536 = tpu.memref_slice %dma_start3A_1533[%dma_start3A_1534, %dma_start3A_1535] : memref<640x64xf32, #tpu.memory_space<vmem>> -> memref<16x64xf32, #tpu.memory_space<vmem>>
        %dma_start3A_1537 = arith.constant 0 : i32
        %dma_start3A_1538 = arith.constant 0 : i32
        %dma_start3A_1539 = tpu.memref_slice %arg3[%dma_start3A_1537, %dma_start3A_1538] : memref<1000000x64xf32, #tpu.memory_space<hbm>> -> memref<1000000x64xf32, #tpu.memory_space<hbm>>
        %dma_start3A_1540 = tpu.memref_slice %arg8[%dma_start3A_1529] : memref<2x!tpu.dma_semaphore, #tpu.memory_space<semaphore_mem>> -> memref<1x!tpu.dma_semaphore, #tpu.memory_space<semaphore_mem>>
        %dma_start3A_1541 = tpu.memref_squeeze %dma_start3A_1540 : memref<1x!tpu.dma_semaphore, #tpu.memory_space<semaphore_mem>> -> memref<!tpu.dma_semaphore, #tpu.memory_space<semaphore_mem>>
        tpu.enqueue_indirect_dma source(%dma_start3A_1539 : memref<1000000x64xf32, #tpu.memory_space<hbm>>) target(%dma_start3A_1536 : memref<16x64xf32, #tpu.memory_space<vmem>>) offsets(%get3A_1527 : vector<16xi32>) semaphore(%dma_start3A_1541 : memref<!tpu.dma_semaphore, #tpu.memory_space<semaphore_mem>>)
        %mul3A_1542 = arith.constant 640 : i32
        %mul3A_1543 = arith.muli %add3A_774, %mul3A_1542 : i32
        %add3A_1544 = arith.constant 464 : i32
        %add3A_1545 = arith.addi %mul3A_1543, %add3A_1544 : i32
        %get3A_1546 = arith.index_cast %add3A_1545 : i32 to index
        %get3A_1547 = tpu.vector_load %arg5[%get3A_1546] {strides = array<i32>} : memref<10240xi32, #tpu.memory_space<vmem>>, vector<16xi32>,
        %get3A_1548 = vector.shape_cast %get3A_1547 : vector<16xi32> to vector<16xi32>
        %dma_start3A_1549 = arith.constant 1 : i32
        %dma_start3A_1550 = arith.constant 1 : i32
        %dma_start3A_1551 = arith.constant 0 : i32
        %dma_start3A_1552 = arith.constant 0 : i32
        %dma_start3A_1553 = tpu.memref_slice %arg6[%dma_start3A_1549, %dma_start3A_1551, %dma_start3A_1552] : memref<2x640x64xf32, #tpu.memory_space<vmem>> -> memref<1x640x64xf32, #tpu.memory_space<vmem>>
        %dma_start3A_1554 = tpu.memref_squeeze %dma_start3A_1553 : memref<1x640x64xf32, #tpu.memory_space<vmem>> -> memref<640x64xf32, #tpu.memory_space<vmem>>
        %dma_start3A_1555 = arith.constant 464 : i32
        %dma_start3A_1556 = arith.constant 0 : i32
        %dma_start3A_1557 = tpu.memref_slice %dma_start3A_1554[%dma_start3A_1555, %dma_start3A_1556] : memref<640x64xf32, #tpu.memory_space<vmem>> -> memref<16x64xf32, #tpu.memory_space<vmem>>
        %dma_start3A_1558 = arith.constant 0 : i32
        %dma_start3A_1559 = arith.constant 0 : i32
        %dma_start3A_1560 = tpu.memref_slice %arg3[%dma_start3A_1558, %dma_start3A_1559] : memref<1000000x64xf32, #tpu.memory_space<hbm>> -> memref<1000000x64xf32, #tpu.memory_space<hbm>>
        %dma_start3A_1561 = tpu.memref_slice %arg8[%dma_start3A_1550] : memref<2x!tpu.dma_semaphore, #tpu.memory_space<semaphore_mem>> -> memref<1x!tpu.dma_semaphore, #tpu.memory_space<semaphore_mem>>
        %dma_start3A_1562 = tpu.memref_squeeze %dma_start3A_1561 : memref<1x!tpu.dma_semaphore, #tpu.memory_space<semaphore_mem>> -> memref<!tpu.dma_semaphore, #tpu.memory_space<semaphore_mem>>
        tpu.enqueue_indirect_dma source(%dma_start3A_1560 : memref<1000000x64xf32, #tpu.memory_space<hbm>>) target(%dma_start3A_1557 : memref<16x64xf32, #tpu.memory_space<vmem>>) offsets(%get3A_1548 : vector<16xi32>) semaphore(%dma_start3A_1562 : memref<!tpu.dma_semaphore, #tpu.memory_space<semaphore_mem>>)
        %mul3A_1563 = arith.constant 640 : i32
        %mul3A_1564 = arith.muli %add3A_774, %mul3A_1563 : i32
        %add3A_1565 = arith.constant 480 : i32
        %add3A_1566 = arith.addi %mul3A_1564, %add3A_1565 : i32
        %get3A_1567 = arith.index_cast %add3A_1566 : i32 to index
        %get3A_1568 = tpu.vector_load %arg5[%get3A_1567] {strides = array<i32>} : memref<10240xi32, #tpu.memory_space<vmem>>, vector<16xi32>,
        %get3A_1569 = vector.shape_cast %get3A_1568 : vector<16xi32> to vector<16xi32>
        %dma_start3A_1570 = arith.constant 1 : i32
        %dma_start3A_1571 = arith.constant 1 : i32
        %dma_start3A_1572 = arith.constant 0 : i32
        %dma_start3A_1573 = arith.constant 0 : i32
        %dma_start3A_1574 = tpu.memref_slice %arg6[%dma_start3A_1570, %dma_start3A_1572, %dma_start3A_1573] : memref<2x640x64xf32, #tpu.memory_space<vmem>> -> memref<1x640x64xf32, #tpu.memory_space<vmem>>
        %dma_start3A_1575 = tpu.memref_squeeze %dma_start3A_1574 : memref<1x640x64xf32, #tpu.memory_space<vmem>> -> memref<640x64xf32, #tpu.memory_space<vmem>>
        %dma_start3A_1576 = arith.constant 480 : i32
        %dma_start3A_1577 = arith.constant 0 : i32
        %dma_start3A_1578 = tpu.memref_slice %dma_start3A_1575[%dma_start3A_1576, %dma_start3A_1577] : memref<640x64xf32, #tpu.memory_space<vmem>> -> memref<16x64xf32, #tpu.memory_space<vmem>>
        %dma_start3A_1579 = arith.constant 0 : i32
        %dma_start3A_1580 = arith.constant 0 : i32
        %dma_start3A_1581 = tpu.memref_slice %arg3[%dma_start3A_1579, %dma_start3A_1580] : memref<1000000x64xf32, #tpu.memory_space<hbm>> -> memref<1000000x64xf32, #tpu.memory_space<hbm>>
        %dma_start3A_1582 = tpu.memref_slice %arg8[%dma_start3A_1571] : memref<2x!tpu.dma_semaphore, #tpu.memory_space<semaphore_mem>> -> memref<1x!tpu.dma_semaphore, #tpu.memory_space<semaphore_mem>>
        %dma_start3A_1583 = tpu.memref_squeeze %dma_start3A_1582 : memref<1x!tpu.dma_semaphore, #tpu.memory_space<semaphore_mem>> -> memref<!tpu.dma_semaphore, #tpu.memory_space<semaphore_mem>>
        tpu.enqueue_indirect_dma source(%dma_start3A_1581 : memref<1000000x64xf32, #tpu.memory_space<hbm>>) target(%dma_start3A_1578 : memref<16x64xf32, #tpu.memory_space<vmem>>) offsets(%get3A_1569 : vector<16xi32>) semaphore(%dma_start3A_1583 : memref<!tpu.dma_semaphore, #tpu.memory_space<semaphore_mem>>)
        %mul3A_1584 = arith.constant 640 : i32
        %mul3A_1585 = arith.muli %add3A_774, %mul3A_1584 : i32
        %add3A_1586 = arith.constant 496 : i32
        %add3A_1587 = arith.addi %mul3A_1585, %add3A_1586 : i32
        %get3A_1588 = arith.index_cast %add3A_1587 : i32 to index
        %get3A_1589 = tpu.vector_load %arg5[%get3A_1588] {strides = array<i32>} : memref<10240xi32, #tpu.memory_space<vmem>>, vector<16xi32>,
        %get3A_1590 = vector.shape_cast %get3A_1589 : vector<16xi32> to vector<16xi32>
        %dma_start3A_1591 = arith.constant 1 : i32
        %dma_start3A_1592 = arith.constant 1 : i32
        %dma_start3A_1593 = arith.constant 0 : i32
        %dma_start3A_1594 = arith.constant 0 : i32
        %dma_start3A_1595 = tpu.memref_slice %arg6[%dma_start3A_1591, %dma_start3A_1593, %dma_start3A_1594] : memref<2x640x64xf32, #tpu.memory_space<vmem>> -> memref<1x640x64xf32, #tpu.memory_space<vmem>>
        %dma_start3A_1596 = tpu.memref_squeeze %dma_start3A_1595 : memref<1x640x64xf32, #tpu.memory_space<vmem>> -> memref<640x64xf32, #tpu.memory_space<vmem>>
        %dma_start3A_1597 = arith.constant 496 : i32
        %dma_start3A_1598 = arith.constant 0 : i32
        %dma_start3A_1599 = tpu.memref_slice %dma_start3A_1596[%dma_start3A_1597, %dma_start3A_1598] : memref<640x64xf32, #tpu.memory_space<vmem>> -> memref<16x64xf32, #tpu.memory_space<vmem>>
        %dma_start3A_1600 = arith.constant 0 : i32
        %dma_start3A_1601 = arith.constant 0 : i32
        %dma_start3A_1602 = tpu.memref_slice %arg3[%dma_start3A_1600, %dma_start3A_1601] : memref<1000000x64xf32, #tpu.memory_space<hbm>> -> memref<1000000x64xf32, #tpu.memory_space<hbm>>
        %dma_start3A_1603 = tpu.memref_slice %arg8[%dma_start3A_1592] : memref<2x!tpu.dma_semaphore, #tpu.memory_space<semaphore_mem>> -> memref<1x!tpu.dma_semaphore, #tpu.memory_space<semaphore_mem>>
        %dma_start3A_1604 = tpu.memref_squeeze %dma_start3A_1603 : memref<1x!tpu.dma_semaphore, #tpu.memory_space<semaphore_mem>> -> memref<!tpu.dma_semaphore, #tpu.memory_space<semaphore_mem>>
        tpu.enqueue_indirect_dma source(%dma_start3A_1602 : memref<1000000x64xf32, #tpu.memory_space<hbm>>) target(%dma_start3A_1599 : memref<16x64xf32, #tpu.memory_space<vmem>>) offsets(%get3A_1590 : vector<16xi32>) semaphore(%dma_start3A_1604 : memref<!tpu.dma_semaphore, #tpu.memory_space<semaphore_mem>>)
        %mul3A_1605 = arith.constant 640 : i32
        %mul3A_1606 = arith.muli %add3A_774, %mul3A_1605 : i32
        %add3A_1607 = arith.constant 512 : i32
        %add3A_1608 = arith.addi %mul3A_1606, %add3A_1607 : i32
        %get3A_1609 = arith.index_cast %add3A_1608 : i32 to index
        %get3A_1610 = tpu.vector_load %arg5[%get3A_1609] {strides = array<i32>} : memref<10240xi32, #tpu.memory_space<vmem>>, vector<16xi32>,
        %get3A_1611 = vector.shape_cast %get3A_1610 : vector<16xi32> to vector<16xi32>
        %dma_start3A_1612 = arith.constant 1 : i32
        %dma_start3A_1613 = arith.constant 1 : i32
        %dma_start3A_1614 = arith.constant 0 : i32
        %dma_start3A_1615 = arith.constant 0 : i32
        %dma_start3A_1616 = tpu.memref_slice %arg6[%dma_start3A_1612, %dma_start3A_1614, %dma_start3A_1615] : memref<2x640x64xf32, #tpu.memory_space<vmem>> -> memref<1x640x64xf32, #tpu.memory_space<vmem>>
        %dma_start3A_1617 = tpu.memref_squeeze %dma_start3A_1616 : memref<1x640x64xf32, #tpu.memory_space<vmem>> -> memref<640x64xf32, #tpu.memory_space<vmem>>
        %dma_start3A_1618 = arith.constant 512 : i32
        %dma_start3A_1619 = arith.constant 0 : i32
        %dma_start3A_1620 = tpu.memref_slice %dma_start3A_1617[%dma_start3A_1618, %dma_start3A_1619] : memref<640x64xf32, #tpu.memory_space<vmem>> -> memref<16x64xf32, #tpu.memory_space<vmem>>
        %dma_start3A_1621 = arith.constant 0 : i32
        %dma_start3A_1622 = arith.constant 0 : i32
        %dma_start3A_1623 = tpu.memref_slice %arg3[%dma_start3A_1621, %dma_start3A_1622] : memref<1000000x64xf32, #tpu.memory_space<hbm>> -> memref<1000000x64xf32, #tpu.memory_space<hbm>>
        %dma_start3A_1624 = tpu.memref_slice %arg8[%dma_start3A_1613] : memref<2x!tpu.dma_semaphore, #tpu.memory_space<semaphore_mem>> -> memref<1x!tpu.dma_semaphore, #tpu.memory_space<semaphore_mem>>
        %dma_start3A_1625 = tpu.memref_squeeze %dma_start3A_1624 : memref<1x!tpu.dma_semaphore, #tpu.memory_space<semaphore_mem>> -> memref<!tpu.dma_semaphore, #tpu.memory_space<semaphore_mem>>
        tpu.enqueue_indirect_dma source(%dma_start3A_1623 : memref<1000000x64xf32, #tpu.memory_space<hbm>>) target(%dma_start3A_1620 : memref<16x64xf32, #tpu.memory_space<vmem>>) offsets(%get3A_1611 : vector<16xi32>) semaphore(%dma_start3A_1625 : memref<!tpu.dma_semaphore, #tpu.memory_space<semaphore_mem>>)
        %mul3A_1626 = arith.constant 640 : i32
        %mul3A_1627 = arith.muli %add3A_774, %mul3A_1626 : i32
        %add3A_1628 = arith.constant 528 : i32
        %add3A_1629 = arith.addi %mul3A_1627, %add3A_1628 : i32
        %get3A_1630 = arith.index_cast %add3A_1629 : i32 to index
        %get3A_1631 = tpu.vector_load %arg5[%get3A_1630] {strides = array<i32>} : memref<10240xi32, #tpu.memory_space<vmem>>, vector<16xi32>,
        %get3A_1632 = vector.shape_cast %get3A_1631 : vector<16xi32> to vector<16xi32>
        %dma_start3A_1633 = arith.constant 1 : i32
        %dma_start3A_1634 = arith.constant 1 : i32
        %dma_start3A_1635 = arith.constant 0 : i32
        %dma_start3A_1636 = arith.constant 0 : i32
        %dma_start3A_1637 = tpu.memref_slice %arg6[%dma_start3A_1633, %dma_start3A_1635, %dma_start3A_1636] : memref<2x640x64xf32, #tpu.memory_space<vmem>> -> memref<1x640x64xf32, #tpu.memory_space<vmem>>
        %dma_start3A_1638 = tpu.memref_squeeze %dma_start3A_1637 : memref<1x640x64xf32, #tpu.memory_space<vmem>> -> memref<640x64xf32, #tpu.memory_space<vmem>>
        %dma_start3A_1639 = arith.constant 528 : i32
        %dma_start3A_1640 = arith.constant 0 : i32
        %dma_start3A_1641 = tpu.memref_slice %dma_start3A_1638[%dma_start3A_1639, %dma_start3A_1640] : memref<640x64xf32, #tpu.memory_space<vmem>> -> memref<16x64xf32, #tpu.memory_space<vmem>>
        %dma_start3A_1642 = arith.constant 0 : i32
        %dma_start3A_1643 = arith.constant 0 : i32
        %dma_start3A_1644 = tpu.memref_slice %arg3[%dma_start3A_1642, %dma_start3A_1643] : memref<1000000x64xf32, #tpu.memory_space<hbm>> -> memref<1000000x64xf32, #tpu.memory_space<hbm>>
        %dma_start3A_1645 = tpu.memref_slice %arg8[%dma_start3A_1634] : memref<2x!tpu.dma_semaphore, #tpu.memory_space<semaphore_mem>> -> memref<1x!tpu.dma_semaphore, #tpu.memory_space<semaphore_mem>>
        %dma_start3A_1646 = tpu.memref_squeeze %dma_start3A_1645 : memref<1x!tpu.dma_semaphore, #tpu.memory_space<semaphore_mem>> -> memref<!tpu.dma_semaphore, #tpu.memory_space<semaphore_mem>>
        tpu.enqueue_indirect_dma source(%dma_start3A_1644 : memref<1000000x64xf32, #tpu.memory_space<hbm>>) target(%dma_start3A_1641 : memref<16x64xf32, #tpu.memory_space<vmem>>) offsets(%get3A_1632 : vector<16xi32>) semaphore(%dma_start3A_1646 : memref<!tpu.dma_semaphore, #tpu.memory_space<semaphore_mem>>)
        %mul3A_1647 = arith.constant 640 : i32
        %mul3A_1648 = arith.muli %add3A_774, %mul3A_1647 : i32
        %add3A_1649 = arith.constant 544 : i32
        %add3A_1650 = arith.addi %mul3A_1648, %add3A_1649 : i32
        %get3A_1651 = arith.index_cast %add3A_1650 : i32 to index
        %get3A_1652 = tpu.vector_load %arg5[%get3A_1651] {strides = array<i32>} : memref<10240xi32, #tpu.memory_space<vmem>>, vector<16xi32>,
        %get3A_1653 = vector.shape_cast %get3A_1652 : vector<16xi32> to vector<16xi32>
        %dma_start3A_1654 = arith.constant 1 : i32
        %dma_start3A_1655 = arith.constant 1 : i32
        %dma_start3A_1656 = arith.constant 0 : i32
        %dma_start3A_1657 = arith.constant 0 : i32
        %dma_start3A_1658 = tpu.memref_slice %arg6[%dma_start3A_1654, %dma_start3A_1656, %dma_start3A_1657] : memref<2x640x64xf32, #tpu.memory_space<vmem>> -> memref<1x640x64xf32, #tpu.memory_space<vmem>>
        %dma_start3A_1659 = tpu.memref_squeeze %dma_start3A_1658 : memref<1x640x64xf32, #tpu.memory_space<vmem>> -> memref<640x64xf32, #tpu.memory_space<vmem>>
        %dma_start3A_1660 = arith.constant 544 : i32
        %dma_start3A_1661 = arith.constant 0 : i32
        %dma_start3A_1662 = tpu.memref_slice %dma_start3A_1659[%dma_start3A_1660, %dma_start3A_1661] : memref<640x64xf32, #tpu.memory_space<vmem>> -> memref<16x64xf32, #tpu.memory_space<vmem>>
        %dma_start3A_1663 = arith.constant 0 : i32
        %dma_start3A_1664 = arith.constant 0 : i32
        %dma_start3A_1665 = tpu.memref_slice %arg3[%dma_start3A_1663, %dma_start3A_1664] : memref<1000000x64xf32, #tpu.memory_space<hbm>> -> memref<1000000x64xf32, #tpu.memory_space<hbm>>
        %dma_start3A_1666 = tpu.memref_slice %arg8[%dma_start3A_1655] : memref<2x!tpu.dma_semaphore, #tpu.memory_space<semaphore_mem>> -> memref<1x!tpu.dma_semaphore, #tpu.memory_space<semaphore_mem>>
        %dma_start3A_1667 = tpu.memref_squeeze %dma_start3A_1666 : memref<1x!tpu.dma_semaphore, #tpu.memory_space<semaphore_mem>> -> memref<!tpu.dma_semaphore, #tpu.memory_space<semaphore_mem>>
        tpu.enqueue_indirect_dma source(%dma_start3A_1665 : memref<1000000x64xf32, #tpu.memory_space<hbm>>) target(%dma_start3A_1662 : memref<16x64xf32, #tpu.memory_space<vmem>>) offsets(%get3A_1653 : vector<16xi32>) semaphore(%dma_start3A_1667 : memref<!tpu.dma_semaphore, #tpu.memory_space<semaphore_mem>>)
        %mul3A_1668 = arith.constant 640 : i32
        %mul3A_1669 = arith.muli %add3A_774, %mul3A_1668 : i32
        %add3A_1670 = arith.constant 560 : i32
        %add3A_1671 = arith.addi %mul3A_1669, %add3A_1670 : i32
        %get3A_1672 = arith.index_cast %add3A_1671 : i32 to index
        %get3A_1673 = tpu.vector_load %arg5[%get3A_1672] {strides = array<i32>} : memref<10240xi32, #tpu.memory_space<vmem>>, vector<16xi32>,
        %get3A_1674 = vector.shape_cast %get3A_1673 : vector<16xi32> to vector<16xi32>
        %dma_start3A_1675 = arith.constant 1 : i32
        %dma_start3A_1676 = arith.constant 1 : i32
        %dma_start3A_1677 = arith.constant 0 : i32
        %dma_start3A_1678 = arith.constant 0 : i32
        %dma_start3A_1679 = tpu.memref_slice %arg6[%dma_start3A_1675, %dma_start3A_1677, %dma_start3A_1678] : memref<2x640x64xf32, #tpu.memory_space<vmem>> -> memref<1x640x64xf32, #tpu.memory_space<vmem>>
        %dma_start3A_1680 = tpu.memref_squeeze %dma_start3A_1679 : memref<1x640x64xf32, #tpu.memory_space<vmem>> -> memref<640x64xf32, #tpu.memory_space<vmem>>
        %dma_start3A_1681 = arith.constant 560 : i32
        %dma_start3A_1682 = arith.constant 0 : i32
        %dma_start3A_1683 = tpu.memref_slice %dma_start3A_1680[%dma_start3A_1681, %dma_start3A_1682] : memref<640x64xf32, #tpu.memory_space<vmem>> -> memref<16x64xf32, #tpu.memory_space<vmem>>
        %dma_start3A_1684 = arith.constant 0 : i32
        %dma_start3A_1685 = arith.constant 0 : i32
        %dma_start3A_1686 = tpu.memref_slice %arg3[%dma_start3A_1684, %dma_start3A_1685] : memref<1000000x64xf32, #tpu.memory_space<hbm>> -> memref<1000000x64xf32, #tpu.memory_space<hbm>>
        %dma_start3A_1687 = tpu.memref_slice %arg8[%dma_start3A_1676] : memref<2x!tpu.dma_semaphore, #tpu.memory_space<semaphore_mem>> -> memref<1x!tpu.dma_semaphore, #tpu.memory_space<semaphore_mem>>
        %dma_start3A_1688 = tpu.memref_squeeze %dma_start3A_1687 : memref<1x!tpu.dma_semaphore, #tpu.memory_space<semaphore_mem>> -> memref<!tpu.dma_semaphore, #tpu.memory_space<semaphore_mem>>
        tpu.enqueue_indirect_dma source(%dma_start3A_1686 : memref<1000000x64xf32, #tpu.memory_space<hbm>>) target(%dma_start3A_1683 : memref<16x64xf32, #tpu.memory_space<vmem>>) offsets(%get3A_1674 : vector<16xi32>) semaphore(%dma_start3A_1688 : memref<!tpu.dma_semaphore, #tpu.memory_space<semaphore_mem>>)
        %mul3A_1689 = arith.constant 640 : i32
        %mul3A_1690 = arith.muli %add3A_774, %mul3A_1689 : i32
        %add3A_1691 = arith.constant 576 : i32
        %add3A_1692 = arith.addi %mul3A_1690, %add3A_1691 : i32
        %get3A_1693 = arith.index_cast %add3A_1692 : i32 to index
        %get3A_1694 = tpu.vector_load %arg5[%get3A_1693] {strides = array<i32>} : memref<10240xi32, #tpu.memory_space<vmem>>, vector<16xi32>,
        %get3A_1695 = vector.shape_cast %get3A_1694 : vector<16xi32> to vector<16xi32>
        %dma_start3A_1696 = arith.constant 1 : i32
        %dma_start3A_1697 = arith.constant 1 : i32
        %dma_start3A_1698 = arith.constant 0 : i32
        %dma_start3A_1699 = arith.constant 0 : i32
        %dma_start3A_1700 = tpu.memref_slice %arg6[%dma_start3A_1696, %dma_start3A_1698, %dma_start3A_1699] : memref<2x640x64xf32, #tpu.memory_space<vmem>> -> memref<1x640x64xf32, #tpu.memory_space<vmem>>
        %dma_start3A_1701 = tpu.memref_squeeze %dma_start3A_1700 : memref<1x640x64xf32, #tpu.memory_space<vmem>> -> memref<640x64xf32, #tpu.memory_space<vmem>>
        %dma_start3A_1702 = arith.constant 576 : i32
        %dma_start3A_1703 = arith.constant 0 : i32
        %dma_start3A_1704 = tpu.memref_slice %dma_start3A_1701[%dma_start3A_1702, %dma_start3A_1703] : memref<640x64xf32, #tpu.memory_space<vmem>> -> memref<16x64xf32, #tpu.memory_space<vmem>>
        %dma_start3A_1705 = arith.constant 0 : i32
        %dma_start3A_1706 = arith.constant 0 : i32
        %dma_start3A_1707 = tpu.memref_slice %arg3[%dma_start3A_1705, %dma_start3A_1706] : memref<1000000x64xf32, #tpu.memory_space<hbm>> -> memref<1000000x64xf32, #tpu.memory_space<hbm>>
        %dma_start3A_1708 = tpu.memref_slice %arg8[%dma_start3A_1697] : memref<2x!tpu.dma_semaphore, #tpu.memory_space<semaphore_mem>> -> memref<1x!tpu.dma_semaphore, #tpu.memory_space<semaphore_mem>>
        %dma_start3A_1709 = tpu.memref_squeeze %dma_start3A_1708 : memref<1x!tpu.dma_semaphore, #tpu.memory_space<semaphore_mem>> -> memref<!tpu.dma_semaphore, #tpu.memory_space<semaphore_mem>>
        tpu.enqueue_indirect_dma source(%dma_start3A_1707 : memref<1000000x64xf32, #tpu.memory_space<hbm>>) target(%dma_start3A_1704 : memref<16x64xf32, #tpu.memory_space<vmem>>) offsets(%get3A_1695 : vector<16xi32>) semaphore(%dma_start3A_1709 : memref<!tpu.dma_semaphore, #tpu.memory_space<semaphore_mem>>)
        %mul3A_1710 = arith.constant 640 : i32
        %mul3A_1711 = arith.muli %add3A_774, %mul3A_1710 : i32
        %add3A_1712 = arith.constant 592 : i32
        %add3A_1713 = arith.addi %mul3A_1711, %add3A_1712 : i32
        %get3A_1714 = arith.index_cast %add3A_1713 : i32 to index
        %get3A_1715 = tpu.vector_load %arg5[%get3A_1714] {strides = array<i32>} : memref<10240xi32, #tpu.memory_space<vmem>>, vector<16xi32>,
        %get3A_1716 = vector.shape_cast %get3A_1715 : vector<16xi32> to vector<16xi32>
        %dma_start3A_1717 = arith.constant 1 : i32
        %dma_start3A_1718 = arith.constant 1 : i32
        %dma_start3A_1719 = arith.constant 0 : i32
        %dma_start3A_1720 = arith.constant 0 : i32
        %dma_start3A_1721 = tpu.memref_slice %arg6[%dma_start3A_1717, %dma_start3A_1719, %dma_start3A_1720] : memref<2x640x64xf32, #tpu.memory_space<vmem>> -> memref<1x640x64xf32, #tpu.memory_space<vmem>>
        %dma_start3A_1722 = tpu.memref_squeeze %dma_start3A_1721 : memref<1x640x64xf32, #tpu.memory_space<vmem>> -> memref<640x64xf32, #tpu.memory_space<vmem>>
        %dma_start3A_1723 = arith.constant 592 : i32
        %dma_start3A_1724 = arith.constant 0 : i32
        %dma_start3A_1725 = tpu.memref_slice %dma_start3A_1722[%dma_start3A_1723, %dma_start3A_1724] : memref<640x64xf32, #tpu.memory_space<vmem>> -> memref<16x64xf32, #tpu.memory_space<vmem>>
        %dma_start3A_1726 = arith.constant 0 : i32
        %dma_start3A_1727 = arith.constant 0 : i32
        %dma_start3A_1728 = tpu.memref_slice %arg3[%dma_start3A_1726, %dma_start3A_1727] : memref<1000000x64xf32, #tpu.memory_space<hbm>> -> memref<1000000x64xf32, #tpu.memory_space<hbm>>
        %dma_start3A_1729 = tpu.memref_slice %arg8[%dma_start3A_1718] : memref<2x!tpu.dma_semaphore, #tpu.memory_space<semaphore_mem>> -> memref<1x!tpu.dma_semaphore, #tpu.memory_space<semaphore_mem>>
        %dma_start3A_1730 = tpu.memref_squeeze %dma_start3A_1729 : memref<1x!tpu.dma_semaphore, #tpu.memory_space<semaphore_mem>> -> memref<!tpu.dma_semaphore, #tpu.memory_space<semaphore_mem>>
        tpu.enqueue_indirect_dma source(%dma_start3A_1728 : memref<1000000x64xf32, #tpu.memory_space<hbm>>) target(%dma_start3A_1725 : memref<16x64xf32, #tpu.memory_space<vmem>>) offsets(%get3A_1716 : vector<16xi32>) semaphore(%dma_start3A_1730 : memref<!tpu.dma_semaphore, #tpu.memory_space<semaphore_mem>>)
        %mul3A_1731 = arith.constant 640 : i32
        %mul3A_1732 = arith.muli %add3A_774, %mul3A_1731 : i32
        %add3A_1733 = arith.constant 608 : i32
        %add3A_1734 = arith.addi %mul3A_1732, %add3A_1733 : i32
        %get3A_1735 = arith.index_cast %add3A_1734 : i32 to index
        %get3A_1736 = tpu.vector_load %arg5[%get3A_1735] {strides = array<i32>} : memref<10240xi32, #tpu.memory_space<vmem>>, vector<16xi32>,
        %get3A_1737 = vector.shape_cast %get3A_1736 : vector<16xi32> to vector<16xi32>
        %dma_start3A_1738 = arith.constant 1 : i32
        %dma_start3A_1739 = arith.constant 1 : i32
        %dma_start3A_1740 = arith.constant 0 : i32
        %dma_start3A_1741 = arith.constant 0 : i32
        %dma_start3A_1742 = tpu.memref_slice %arg6[%dma_start3A_1738, %dma_start3A_1740, %dma_start3A_1741] : memref<2x640x64xf32, #tpu.memory_space<vmem>> -> memref<1x640x64xf32, #tpu.memory_space<vmem>>
        %dma_start3A_1743 = tpu.memref_squeeze %dma_start3A_1742 : memref<1x640x64xf32, #tpu.memory_space<vmem>> -> memref<640x64xf32, #tpu.memory_space<vmem>>
        %dma_start3A_1744 = arith.constant 608 : i32
        %dma_start3A_1745 = arith.constant 0 : i32
        %dma_start3A_1746 = tpu.memref_slice %dma_start3A_1743[%dma_start3A_1744, %dma_start3A_1745] : memref<640x64xf32, #tpu.memory_space<vmem>> -> memref<16x64xf32, #tpu.memory_space<vmem>>
        %dma_start3A_1747 = arith.constant 0 : i32
        %dma_start3A_1748 = arith.constant 0 : i32
        %dma_start3A_1749 = tpu.memref_slice %arg3[%dma_start3A_1747, %dma_start3A_1748] : memref<1000000x64xf32, #tpu.memory_space<hbm>> -> memref<1000000x64xf32, #tpu.memory_space<hbm>>
        %dma_start3A_1750 = tpu.memref_slice %arg8[%dma_start3A_1739] : memref<2x!tpu.dma_semaphore, #tpu.memory_space<semaphore_mem>> -> memref<1x!tpu.dma_semaphore, #tpu.memory_space<semaphore_mem>>
        %dma_start3A_1751 = tpu.memref_squeeze %dma_start3A_1750 : memref<1x!tpu.dma_semaphore, #tpu.memory_space<semaphore_mem>> -> memref<!tpu.dma_semaphore, #tpu.memory_space<semaphore_mem>>
        tpu.enqueue_indirect_dma source(%dma_start3A_1749 : memref<1000000x64xf32, #tpu.memory_space<hbm>>) target(%dma_start3A_1746 : memref<16x64xf32, #tpu.memory_space<vmem>>) offsets(%get3A_1737 : vector<16xi32>) semaphore(%dma_start3A_1751 : memref<!tpu.dma_semaphore, #tpu.memory_space<semaphore_mem>>)
        %mul3A_1752 = arith.constant 640 : i32
        %mul3A_1753 = arith.muli %add3A_774, %mul3A_1752 : i32
        %add3A_1754 = arith.constant 624 : i32
        %add3A_1755 = arith.addi %mul3A_1753, %add3A_1754 : i32
        %get3A_1756 = arith.index_cast %add3A_1755 : i32 to index
        %get3A_1757 = tpu.vector_load %arg5[%get3A_1756] {strides = array<i32>} : memref<10240xi32, #tpu.memory_space<vmem>>, vector<16xi32>,
        %get3A_1758 = vector.shape_cast %get3A_1757 : vector<16xi32> to vector<16xi32>
        %dma_start3A_1759 = arith.constant 1 : i32
        %dma_start3A_1760 = arith.constant 1 : i32
        %dma_start3A_1761 = arith.constant 0 : i32
        %dma_start3A_1762 = arith.constant 0 : i32
        %dma_start3A_1763 = tpu.memref_slice %arg6[%dma_start3A_1759, %dma_start3A_1761, %dma_start3A_1762] : memref<2x640x64xf32, #tpu.memory_space<vmem>> -> memref<1x640x64xf32, #tpu.memory_space<vmem>>
        %dma_start3A_1764 = tpu.memref_squeeze %dma_start3A_1763 : memref<1x640x64xf32, #tpu.memory_space<vmem>> -> memref<640x64xf32, #tpu.memory_space<vmem>>
        %dma_start3A_1765 = arith.constant 624 : i32
        %dma_start3A_1766 = arith.constant 0 : i32
        %dma_start3A_1767 = tpu.memref_slice %dma_start3A_1764[%dma_start3A_1765, %dma_start3A_1766] : memref<640x64xf32, #tpu.memory_space<vmem>> -> memref<16x64xf32, #tpu.memory_space<vmem>>
        %dma_start3A_1768 = arith.constant 0 : i32
        %dma_start3A_1769 = arith.constant 0 : i32
        %dma_start3A_1770 = tpu.memref_slice %arg3[%dma_start3A_1768, %dma_start3A_1769] : memref<1000000x64xf32, #tpu.memory_space<hbm>> -> memref<1000000x64xf32, #tpu.memory_space<hbm>>
        %dma_start3A_1771 = tpu.memref_slice %arg8[%dma_start3A_1760] : memref<2x!tpu.dma_semaphore, #tpu.memory_space<semaphore_mem>> -> memref<1x!tpu.dma_semaphore, #tpu.memory_space<semaphore_mem>>
        %dma_start3A_1772 = tpu.memref_squeeze %dma_start3A_1771 : memref<1x!tpu.dma_semaphore, #tpu.memory_space<semaphore_mem>> -> memref<!tpu.dma_semaphore, #tpu.memory_space<semaphore_mem>>
        tpu.enqueue_indirect_dma source(%dma_start3A_1770 : memref<1000000x64xf32, #tpu.memory_space<hbm>>) target(%dma_start3A_1767 : memref<16x64xf32, #tpu.memory_space<vmem>>) offsets(%get3A_1758 : vector<16xi32>) semaphore(%dma_start3A_1772 : memref<!tpu.dma_semaphore, #tpu.memory_space<semaphore_mem>>)
      } else {
      }
      %dma_wait3A_777 = arith.constant 0 : i32
      %dma_wait3A_778 = arith.constant 0 : i32
      %dma_wait3A_779 = arith.constant 0 : i32
      %dma_wait3A_780 = arith.constant 0 : i32
      %dma_wait3A_781 = tpu.memref_slice %arg6[%dma_wait3A_777, %dma_wait3A_779, %dma_wait3A_780] : memref<2x640x64xf32, #tpu.memory_space<vmem>> -> memref<1x640x64xf32, #tpu.memory_space<vmem>>
      %dma_wait3A_782 = tpu.memref_squeeze %dma_wait3A_781 : memref<1x640x64xf32, #tpu.memory_space<vmem>> -> memref<640x64xf32, #tpu.memory_space<vmem>>
      %dma_wait3A_783 = arith.constant 0 : i32
      %dma_wait3A_784 = arith.constant 0 : i32
      %dma_wait3A_785 = tpu.memref_slice %arg3[%dma_wait3A_783, %dma_wait3A_784] : memref<1000000x64xf32, #tpu.memory_space<hbm>> -> memref<640x64xf32, #tpu.memory_space<hbm>>
      %dma_wait3A_786 = tpu.memref_slice %arg8[%dma_wait3A_778] : memref<2x!tpu.dma_semaphore, #tpu.memory_space<semaphore_mem>> -> memref<1x!tpu.dma_semaphore, #tpu.memory_space<semaphore_mem>>
      %dma_wait3A_787 = tpu.memref_squeeze %dma_wait3A_786 : memref<1x!tpu.dma_semaphore, #tpu.memory_space<semaphore_mem>> -> memref<!tpu.dma_semaphore, #tpu.memory_space<semaphore_mem>>
      %dma_wait3A_788 = arith.constant 0 : i32
      %dma_wait3A_789 = arith.constant 0 : i32
      %dma_wait3A_790 = tpu.memref_slice %arg6[%dma_wait3A_777, %dma_wait3A_788, %dma_wait3A_789] : memref<2x640x64xf32, #tpu.memory_space<vmem>> -> memref<1x640x64xf32, #tpu.memory_space<vmem>>
      %dma_wait3A_791 = tpu.memref_squeeze %dma_wait3A_790 : memref<1x640x64xf32, #tpu.memory_space<vmem>> -> memref<640x64xf32, #tpu.memory_space<vmem>>
      %dma_wait3A_792 = arith.constant 0 : i32
      %dma_wait3A_793 = arith.constant 0 : i32
      %dma_wait3A_794 = tpu.memref_slice %arg3[%dma_wait3A_792, %dma_wait3A_793] : memref<1000000x64xf32, #tpu.memory_space<hbm>> -> memref<640x64xf32, #tpu.memory_space<hbm>>
      tpu.wait_dma2 semaphore(%dma_wait3A_787 : memref<!tpu.dma_semaphore, #tpu.memory_space<semaphore_mem>>) src(%dma_wait3A_794 : memref<640x64xf32, #tpu.memory_space<hbm>>) dst(%dma_wait3A_791 : memref<640x64xf32, #tpu.memory_space<vmem>>)
      %lt3A_795 = arith.constant 2 : i32
      %lt3A_796 = arith.cmpi slt, %add3A_772, %lt3A_795 : i32
      %not3A = arith.constant true
      %not3A_797 = arith.xori %lt3A_796, %not3A : i1
      %convert_element_type3A_798 = arith.extui %not3A_797 : i1 to i32
      %cond3A_799 = arith.constant 0 : i32
      %cond3A_800 = arith.cmpi ne, %convert_element_type3A_798, %cond3A_799 : i32
      scf.if %cond3A_800 {
        %mul3A_933 = arith.constant 32 : i32
        %mul3A_934 = arith.muli %add3A_772, %mul3A_933 : i32
        %add3A_935 = arith.addi %mul3A_2, %mul3A_934 : i32
        %jit3A_936 = arith.constant 2 : i32
        %div3A_937 = arith.divsi %add3A_935, %jit3A_936 : i32
        %sign3A_938 = arith.constant 0 : i32
        %sign3A_939 = arith.cmpi sgt, %add3A_935, %sign3A_938 : i32
        %sign3A_940 = arith.extui %sign3A_939 : i1 to i32
        %sign3A_941 = arith.constant 0 : i32
        %sign3A_942 = arith.cmpi slt, %add3A_935, %sign3A_941 : i32
        %sign3A_943 = arith.extui %sign3A_942 : i1 to i32
        %sign3A_944 = arith.subi %sign3A_940, %sign3A_943 : i32
        %sign3A_945 = arith.constant 0 : i32
        %sign3A_946 = arith.cmpi sgt, %jit3A_936, %sign3A_945 : i32
        %sign3A_947 = arith.extui %sign3A_946 : i1 to i32
        %sign3A_948 = arith.constant 0 : i32
        %sign3A_949 = arith.cmpi slt, %jit3A_936, %sign3A_948 : i32
        %sign3A_950 = arith.extui %sign3A_949 : i1 to i32
        %sign3A_951 = arith.subi %sign3A_947, %sign3A_950 : i32
        %ne3A_952 = arith.cmpi ne, %sign3A_944, %sign3A_951 : i32
        %rem3A_953 = arith.remsi %add3A_935, %jit3A_936 : i32
        %ne3A_954 = arith.constant 0 : i32
        %ne3A_955 = arith.cmpi ne, %rem3A_953, %ne3A_954 : i32
        %and3A_956 = arith.andi %ne3A_952, %ne3A_955 : i1
        %sub3A_957 = arith.constant 1 : i32
        %sub3A_958 = arith.subi %div3A_937, %sub3A_957 : i32
        %select_n3A_959 = arith.select %and3A_956, %sub3A_958, %div3A_937 : i32
        %dma_wait3A_960 = arith.constant 0 : i32
        %dma_wait3A_961 = arith.constant 0 : i32
        %dma_wait3A_962 = arith.constant 0 : i32
        %dma_wait3A_963 = arith.constant 0 : i32
        %dma_wait3A_964 = tpu.memref_slice %arg7[%dma_wait3A_960, %dma_wait3A_962, %dma_wait3A_963] : memref<2x16x128xf32, #tpu.memory_space<vmem>> -> memref<1x16x128xf32, #tpu.memory_space<vmem>>
        %dma_wait3A_965 = tpu.memref_squeeze %dma_wait3A_964 : memref<1x16x128xf32, #tpu.memory_space<vmem>> -> memref<16x128xf32, #tpu.memory_space<vmem>>
        %dma_wait3A_966 = arith.constant 0 : i32
        %dma_wait3A_967 = tpu.memref_slice %arg4[%select_n3A_959, %dma_wait3A_966] : memref<8192x128xf32, #tpu.memory_space<hbm>> -> memref<16x128xf32, #tpu.memory_space<hbm>>
        %dma_wait3A_968 = tpu.memref_slice %arg9[%dma_wait3A_961] : memref<2x!tpu.dma_semaphore, #tpu.memory_space<semaphore_mem>> -> memref<1x!tpu.dma_semaphore, #tpu.memory_space<semaphore_mem>>
        %dma_wait3A_969 = tpu.memref_squeeze %dma_wait3A_968 : memref<1x!tpu.dma_semaphore, #tpu.memory_space<semaphore_mem>> -> memref<!tpu.dma_semaphore, #tpu.memory_space<semaphore_mem>>
        %dma_wait3A_970 = arith.constant 0 : i32
        %dma_wait3A_971 = tpu.memref_slice %arg4[%select_n3A_959, %dma_wait3A_970] : memref<8192x128xf32, #tpu.memory_space<hbm>> -> memref<16x128xf32, #tpu.memory_space<hbm>>
        %dma_wait3A_972 = arith.constant 0 : i32
        %dma_wait3A_973 = arith.constant 0 : i32
        %dma_wait3A_974 = tpu.memref_slice %arg7[%dma_wait3A_960, %dma_wait3A_972, %dma_wait3A_973] : memref<2x16x128xf32, #tpu.memory_space<vmem>> -> memref<1x16x128xf32, #tpu.memory_space<vmem>>
        %dma_wait3A_975 = tpu.memref_squeeze %dma_wait3A_974 : memref<1x16x128xf32, #tpu.memory_space<vmem>> -> memref<16x128xf32, #tpu.memory_space<vmem>>
        tpu.wait_dma2 semaphore(%dma_wait3A_969 : memref<!tpu.dma_semaphore, #tpu.memory_space<semaphore_mem>>) src(%dma_wait3A_975 : memref<16x128xf32, #tpu.memory_space<vmem>>) dst(%dma_wait3A_971 : memref<16x128xf32, #tpu.memory_space<hbm>>)
      } else {
      }
      %scan3A_801 = arith.constant 0 : i32
      %scan3A_802 = arith.constant 0 : i32
      %scan3A_803 = arith.constant 32 : i32
      %scan3A_804 = arith.addi %scan3A_802, %scan3A_803 : i32
      %scan3A_805 = arith.constant 1 : i32
      scf.for %scan3A_933 = %scan3A_802 to %scan3A_804 step %scan3A_805  : i32 {
        %mul3A_934 = arith.constant 20 : i32
        %mul3A_935 = arith.muli %scan3A_933, %mul3A_934 : i32
        %get3A_936 = arith.constant 0 : i32
        %get3A_937 = arith.index_cast %get3A_936 : i32 to index
        %get3A_938 = arith.index_cast %mul3A_935 : i32 to index
        %get3A_939 = arith.constant 0 : index
        %get3A_940 = tpu.vector_load %arg6[%get3A_937, %get3A_938, %get3A_939] {strides = array<i32>} : memref<2x640x64xf32, #tpu.memory_space<vmem>>, vector<1x1x16xf32>,
        %get3A_941 = vector.shape_cast %get3A_940 : vector<1x1x16xf32> to vector<16xf32>
        %get3A_942 = arith.constant 0 : i32
        %get3A_943 = arith.index_cast %get3A_942 : i32 to index
        %get3A_944 = arith.index_cast %mul3A_935 : i32 to index
        %get3A_945 = arith.constant 16 : index
        %get3A_946 = tpu.vector_load %arg6[%get3A_943, %get3A_944, %get3A_945] {strides = array<i32>} : memref<2x640x64xf32, #tpu.memory_space<vmem>>, vector<1x1x16xf32>,
        %get3A_947 = vector.shape_cast %get3A_946 : vector<1x1x16xf32> to vector<16xf32>
        %get3A_948 = arith.constant 0 : i32
        %get3A_949 = arith.index_cast %get3A_948 : i32 to index
        %get3A_950 = arith.index_cast %mul3A_935 : i32 to index
        %get3A_951 = arith.constant 32 : index
        %get3A_952 = tpu.vector_load %arg6[%get3A_949, %get3A_950, %get3A_951] {strides = array<i32>} : memref<2x640x64xf32, #tpu.memory_space<vmem>>, vector<1x1x16xf32>,
        %get3A_953 = vector.shape_cast %get3A_952 : vector<1x1x16xf32> to vector<16xf32>
        %get3A_954 = arith.constant 0 : i32
        %get3A_955 = arith.index_cast %get3A_954 : i32 to index
        %get3A_956 = arith.index_cast %mul3A_935 : i32 to index
        %get3A_957 = arith.constant 48 : index
        %get3A_958 = tpu.vector_load %arg6[%get3A_955, %get3A_956, %get3A_957] {strides = array<i32>} : memref<2x640x64xf32, #tpu.memory_space<vmem>>, vector<1x1x16xf32>,
        %get3A_959 = vector.shape_cast %get3A_958 : vector<1x1x16xf32> to vector<16xf32>
        %add3A_960 = arith.constant 1 : i32
        %add3A_961 = arith.addi %mul3A_935, %add3A_960 : i32
        %get3A_962 = arith.constant 0 : i32
        %get3A_963 = arith.index_cast %get3A_962 : i32 to index
        %get3A_964 = arith.index_cast %add3A_961 : i32 to index
        %get3A_965 = arith.constant 0 : index
        %get3A_966 = tpu.vector_load %arg6[%get3A_963, %get3A_964, %get3A_965] {strides = array<i32>} : memref<2x640x64xf32, #tpu.memory_space<vmem>>, vector<1x1x16xf32>,
        %get3A_967 = vector.shape_cast %get3A_966 : vector<1x1x16xf32> to vector<16xf32>
        %add3A_968 = arith.addf %get3A_941, %get3A_967 : vector<16xf32>
        %add3A_969 = arith.constant 1 : i32
        %add3A_970 = arith.addi %mul3A_935, %add3A_969 : i32
        %get3A_971 = arith.constant 0 : i32
        %get3A_972 = arith.index_cast %get3A_971 : i32 to index
        %get3A_973 = arith.index_cast %add3A_970 : i32 to index
        %get3A_974 = arith.constant 16 : index
        %get3A_975 = tpu.vector_load %arg6[%get3A_972, %get3A_973, %get3A_974] {strides = array<i32>} : memref<2x640x64xf32, #tpu.memory_space<vmem>>, vector<1x1x16xf32>,
        %get3A_976 = vector.shape_cast %get3A_975 : vector<1x1x16xf32> to vector<16xf32>
        %add3A_977 = arith.addf %get3A_947, %get3A_976 : vector<16xf32>
        %add3A_978 = arith.constant 1 : i32
        %add3A_979 = arith.addi %mul3A_935, %add3A_978 : i32
        %get3A_980 = arith.constant 0 : i32
        %get3A_981 = arith.index_cast %get3A_980 : i32 to index
        %get3A_982 = arith.index_cast %add3A_979 : i32 to index
        %get3A_983 = arith.constant 32 : index
        %get3A_984 = tpu.vector_load %arg6[%get3A_981, %get3A_982, %get3A_983] {strides = array<i32>} : memref<2x640x64xf32, #tpu.memory_space<vmem>>, vector<1x1x16xf32>,
        %get3A_985 = vector.shape_cast %get3A_984 : vector<1x1x16xf32> to vector<16xf32>
        %add3A_986 = arith.addf %get3A_953, %get3A_985 : vector<16xf32>
        %add3A_987 = arith.constant 1 : i32
        %add3A_988 = arith.addi %mul3A_935, %add3A_987 : i32
        %get3A_989 = arith.constant 0 : i32
        %get3A_990 = arith.index_cast %get3A_989 : i32 to index
        %get3A_991 = arith.index_cast %add3A_988 : i32 to index
        %get3A_992 = arith.constant 48 : index
        %get3A_993 = tpu.vector_load %arg6[%get3A_990, %get3A_991, %get3A_992] {strides = array<i32>} : memref<2x640x64xf32, #tpu.memory_space<vmem>>, vector<1x1x16xf32>,
        %get3A_994 = vector.shape_cast %get3A_993 : vector<1x1x16xf32> to vector<16xf32>
        %add3A_995 = arith.addf %get3A_959, %get3A_994 : vector<16xf32>
        %add3A_996 = arith.constant 2 : i32
        %add3A_997 = arith.addi %mul3A_935, %add3A_996 : i32
        %get3A_998 = arith.constant 0 : i32
        %get3A_999 = arith.index_cast %get3A_998 : i32 to index
        %get3A_1000 = arith.index_cast %add3A_997 : i32 to index
        %get3A_1001 = arith.constant 0 : index
        %get3A_1002 = tpu.vector_load %arg6[%get3A_999, %get3A_1000, %get3A_1001] {strides = array<i32>} : memref<2x640x64xf32, #tpu.memory_space<vmem>>, vector<1x1x16xf32>,
        %get3A_1003 = vector.shape_cast %get3A_1002 : vector<1x1x16xf32> to vector<16xf32>
        %add3A_1004 = arith.addf %add3A_968, %get3A_1003 : vector<16xf32>
        %add3A_1005 = arith.constant 2 : i32
        %add3A_1006 = arith.addi %mul3A_935, %add3A_1005 : i32
        %get3A_1007 = arith.constant 0 : i32
        %get3A_1008 = arith.index_cast %get3A_1007 : i32 to index
        %get3A_1009 = arith.index_cast %add3A_1006 : i32 to index
        %get3A_1010 = arith.constant 16 : index
        %get3A_1011 = tpu.vector_load %arg6[%get3A_1008, %get3A_1009, %get3A_1010] {strides = array<i32>} : memref<2x640x64xf32, #tpu.memory_space<vmem>>, vector<1x1x16xf32>,
        %get3A_1012 = vector.shape_cast %get3A_1011 : vector<1x1x16xf32> to vector<16xf32>
        %add3A_1013 = arith.addf %add3A_977, %get3A_1012 : vector<16xf32>
        %add3A_1014 = arith.constant 2 : i32
        %add3A_1015 = arith.addi %mul3A_935, %add3A_1014 : i32
        %get3A_1016 = arith.constant 0 : i32
        %get3A_1017 = arith.index_cast %get3A_1016 : i32 to index
        %get3A_1018 = arith.index_cast %add3A_1015 : i32 to index
        %get3A_1019 = arith.constant 32 : index
        %get3A_1020 = tpu.vector_load %arg6[%get3A_1017, %get3A_1018, %get3A_1019] {strides = array<i32>} : memref<2x640x64xf32, #tpu.memory_space<vmem>>, vector<1x1x16xf32>,
        %get3A_1021 = vector.shape_cast %get3A_1020 : vector<1x1x16xf32> to vector<16xf32>
        %add3A_1022 = arith.addf %add3A_986, %get3A_1021 : vector<16xf32>
        %add3A_1023 = arith.constant 2 : i32
        %add3A_1024 = arith.addi %mul3A_935, %add3A_1023 : i32
        %get3A_1025 = arith.constant 0 : i32
        %get3A_1026 = arith.index_cast %get3A_1025 : i32 to index
        %get3A_1027 = arith.index_cast %add3A_1024 : i32 to index
        %get3A_1028 = arith.constant 48 : index
        %get3A_1029 = tpu.vector_load %arg6[%get3A_1026, %get3A_1027, %get3A_1028] {strides = array<i32>} : memref<2x640x64xf32, #tpu.memory_space<vmem>>, vector<1x1x16xf32>,
        %get3A_1030 = vector.shape_cast %get3A_1029 : vector<1x1x16xf32> to vector<16xf32>
        %add3A_1031 = arith.addf %add3A_995, %get3A_1030 : vector<16xf32>
        %add3A_1032 = arith.constant 3 : i32
        %add3A_1033 = arith.addi %mul3A_935, %add3A_1032 : i32
        %get3A_1034 = arith.constant 0 : i32
        %get3A_1035 = arith.index_cast %get3A_1034 : i32 to index
        %get3A_1036 = arith.index_cast %add3A_1033 : i32 to index
        %get3A_1037 = arith.constant 0 : index
        %get3A_1038 = tpu.vector_load %arg6[%get3A_1035, %get3A_1036, %get3A_1037] {strides = array<i32>} : memref<2x640x64xf32, #tpu.memory_space<vmem>>, vector<1x1x16xf32>,
        %get3A_1039 = vector.shape_cast %get3A_1038 : vector<1x1x16xf32> to vector<16xf32>
        %add3A_1040 = arith.addf %add3A_1004, %get3A_1039 : vector<16xf32>
        %add3A_1041 = arith.constant 3 : i32
        %add3A_1042 = arith.addi %mul3A_935, %add3A_1041 : i32
        %get3A_1043 = arith.constant 0 : i32
        %get3A_1044 = arith.index_cast %get3A_1043 : i32 to index
        %get3A_1045 = arith.index_cast %add3A_1042 : i32 to index
        %get3A_1046 = arith.constant 16 : index
        %get3A_1047 = tpu.vector_load %arg6[%get3A_1044, %get3A_1045, %get3A_1046] {strides = array<i32>} : memref<2x640x64xf32, #tpu.memory_space<vmem>>, vector<1x1x16xf32>,
        %get3A_1048 = vector.shape_cast %get3A_1047 : vector<1x1x16xf32> to vector<16xf32>
        %add3A_1049 = arith.addf %add3A_1013, %get3A_1048 : vector<16xf32>
        %add3A_1050 = arith.constant 3 : i32
        %add3A_1051 = arith.addi %mul3A_935, %add3A_1050 : i32
        %get3A_1052 = arith.constant 0 : i32
        %get3A_1053 = arith.index_cast %get3A_1052 : i32 to index
        %get3A_1054 = arith.index_cast %add3A_1051 : i32 to index
        %get3A_1055 = arith.constant 32 : index
        %get3A_1056 = tpu.vector_load %arg6[%get3A_1053, %get3A_1054, %get3A_1055] {strides = array<i32>} : memref<2x640x64xf32, #tpu.memory_space<vmem>>, vector<1x1x16xf32>,
        %get3A_1057 = vector.shape_cast %get3A_1056 : vector<1x1x16xf32> to vector<16xf32>
        %add3A_1058 = arith.addf %add3A_1022, %get3A_1057 : vector<16xf32>
        %add3A_1059 = arith.constant 3 : i32
        %add3A_1060 = arith.addi %mul3A_935, %add3A_1059 : i32
        %get3A_1061 = arith.constant 0 : i32
        %get3A_1062 = arith.index_cast %get3A_1061 : i32 to index
        %get3A_1063 = arith.index_cast %add3A_1060 : i32 to index
        %get3A_1064 = arith.constant 48 : index
        %get3A_1065 = tpu.vector_load %arg6[%get3A_1062, %get3A_1063, %get3A_1064] {strides = array<i32>} : memref<2x640x64xf32, #tpu.memory_space<vmem>>, vector<1x1x16xf32>,
        %get3A_1066 = vector.shape_cast %get3A_1065 : vector<1x1x16xf32> to vector<16xf32>
        %add3A_1067 = arith.addf %add3A_1031, %get3A_1066 : vector<16xf32>
        %add3A_1068 = arith.constant 4 : i32
        %add3A_1069 = arith.addi %mul3A_935, %add3A_1068 : i32
        %get3A_1070 = arith.constant 0 : i32
        %get3A_1071 = arith.index_cast %get3A_1070 : i32 to index
        %get3A_1072 = arith.index_cast %add3A_1069 : i32 to index
        %get3A_1073 = arith.constant 0 : index
        %get3A_1074 = tpu.vector_load %arg6[%get3A_1071, %get3A_1072, %get3A_1073] {strides = array<i32>} : memref<2x640x64xf32, #tpu.memory_space<vmem>>, vector<1x1x16xf32>,
        %get3A_1075 = vector.shape_cast %get3A_1074 : vector<1x1x16xf32> to vector<16xf32>
        %add3A_1076 = arith.addf %add3A_1040, %get3A_1075 : vector<16xf32>
        %add3A_1077 = arith.constant 4 : i32
        %add3A_1078 = arith.addi %mul3A_935, %add3A_1077 : i32
        %get3A_1079 = arith.constant 0 : i32
        %get3A_1080 = arith.index_cast %get3A_1079 : i32 to index
        %get3A_1081 = arith.index_cast %add3A_1078 : i32 to index
        %get3A_1082 = arith.constant 16 : index
        %get3A_1083 = tpu.vector_load %arg6[%get3A_1080, %get3A_1081, %get3A_1082] {strides = array<i32>} : memref<2x640x64xf32, #tpu.memory_space<vmem>>, vector<1x1x16xf32>,
        %get3A_1084 = vector.shape_cast %get3A_1083 : vector<1x1x16xf32> to vector<16xf32>
        %add3A_1085 = arith.addf %add3A_1049, %get3A_1084 : vector<16xf32>
        %add3A_1086 = arith.constant 4 : i32
        %add3A_1087 = arith.addi %mul3A_935, %add3A_1086 : i32
        %get3A_1088 = arith.constant 0 : i32
        %get3A_1089 = arith.index_cast %get3A_1088 : i32 to index
        %get3A_1090 = arith.index_cast %add3A_1087 : i32 to index
        %get3A_1091 = arith.constant 32 : index
        %get3A_1092 = tpu.vector_load %arg6[%get3A_1089, %get3A_1090, %get3A_1091] {strides = array<i32>} : memref<2x640x64xf32, #tpu.memory_space<vmem>>, vector<1x1x16xf32>,
        %get3A_1093 = vector.shape_cast %get3A_1092 : vector<1x1x16xf32> to vector<16xf32>
        %add3A_1094 = arith.addf %add3A_1058, %get3A_1093 : vector<16xf32>
        %add3A_1095 = arith.constant 4 : i32
        %add3A_1096 = arith.addi %mul3A_935, %add3A_1095 : i32
        %get3A_1097 = arith.constant 0 : i32
        %get3A_1098 = arith.index_cast %get3A_1097 : i32 to index
        %get3A_1099 = arith.index_cast %add3A_1096 : i32 to index
        %get3A_1100 = arith.constant 48 : index
        %get3A_1101 = tpu.vector_load %arg6[%get3A_1098, %get3A_1099, %get3A_1100] {strides = array<i32>} : memref<2x640x64xf32, #tpu.memory_space<vmem>>, vector<1x1x16xf32>,
        %get3A_1102 = vector.shape_cast %get3A_1101 : vector<1x1x16xf32> to vector<16xf32>
        %add3A_1103 = arith.addf %add3A_1067, %get3A_1102 : vector<16xf32>
        %add3A_1104 = arith.constant 5 : i32
        %add3A_1105 = arith.addi %mul3A_935, %add3A_1104 : i32
        %get3A_1106 = arith.constant 0 : i32
        %get3A_1107 = arith.index_cast %get3A_1106 : i32 to index
        %get3A_1108 = arith.index_cast %add3A_1105 : i32 to index
        %get3A_1109 = arith.constant 0 : index
        %get3A_1110 = tpu.vector_load %arg6[%get3A_1107, %get3A_1108, %get3A_1109] {strides = array<i32>} : memref<2x640x64xf32, #tpu.memory_space<vmem>>, vector<1x1x16xf32>,
        %get3A_1111 = vector.shape_cast %get3A_1110 : vector<1x1x16xf32> to vector<16xf32>
        %add3A_1112 = arith.addf %add3A_1076, %get3A_1111 : vector<16xf32>
        %add3A_1113 = arith.constant 5 : i32
        %add3A_1114 = arith.addi %mul3A_935, %add3A_1113 : i32
        %get3A_1115 = arith.constant 0 : i32
        %get3A_1116 = arith.index_cast %get3A_1115 : i32 to index
        %get3A_1117 = arith.index_cast %add3A_1114 : i32 to index
        %get3A_1118 = arith.constant 16 : index
        %get3A_1119 = tpu.vector_load %arg6[%get3A_1116, %get3A_1117, %get3A_1118] {strides = array<i32>} : memref<2x640x64xf32, #tpu.memory_space<vmem>>, vector<1x1x16xf32>,
        %get3A_1120 = vector.shape_cast %get3A_1119 : vector<1x1x16xf32> to vector<16xf32>
        %add3A_1121 = arith.addf %add3A_1085, %get3A_1120 : vector<16xf32>
        %add3A_1122 = arith.constant 5 : i32
        %add3A_1123 = arith.addi %mul3A_935, %add3A_1122 : i32
        %get3A_1124 = arith.constant 0 : i32
        %get3A_1125 = arith.index_cast %get3A_1124 : i32 to index
        %get3A_1126 = arith.index_cast %add3A_1123 : i32 to index
        %get3A_1127 = arith.constant 32 : index
        %get3A_1128 = tpu.vector_load %arg6[%get3A_1125, %get3A_1126, %get3A_1127] {strides = array<i32>} : memref<2x640x64xf32, #tpu.memory_space<vmem>>, vector<1x1x16xf32>,
        %get3A_1129 = vector.shape_cast %get3A_1128 : vector<1x1x16xf32> to vector<16xf32>
        %add3A_1130 = arith.addf %add3A_1094, %get3A_1129 : vector<16xf32>
        %add3A_1131 = arith.constant 5 : i32
        %add3A_1132 = arith.addi %mul3A_935, %add3A_1131 : i32
        %get3A_1133 = arith.constant 0 : i32
        %get3A_1134 = arith.index_cast %get3A_1133 : i32 to index
        %get3A_1135 = arith.index_cast %add3A_1132 : i32 to index
        %get3A_1136 = arith.constant 48 : index
        %get3A_1137 = tpu.vector_load %arg6[%get3A_1134, %get3A_1135, %get3A_1136] {strides = array<i32>} : memref<2x640x64xf32, #tpu.memory_space<vmem>>, vector<1x1x16xf32>,
        %get3A_1138 = vector.shape_cast %get3A_1137 : vector<1x1x16xf32> to vector<16xf32>
        %add3A_1139 = arith.addf %add3A_1103, %get3A_1138 : vector<16xf32>
        %add3A_1140 = arith.constant 6 : i32
        %add3A_1141 = arith.addi %mul3A_935, %add3A_1140 : i32
        %get3A_1142 = arith.constant 0 : i32
        %get3A_1143 = arith.index_cast %get3A_1142 : i32 to index
        %get3A_1144 = arith.index_cast %add3A_1141 : i32 to index
        %get3A_1145 = arith.constant 0 : index
        %get3A_1146 = tpu.vector_load %arg6[%get3A_1143, %get3A_1144, %get3A_1145] {strides = array<i32>} : memref<2x640x64xf32, #tpu.memory_space<vmem>>, vector<1x1x16xf32>,
        %get3A_1147 = vector.shape_cast %get3A_1146 : vector<1x1x16xf32> to vector<16xf32>
        %add3A_1148 = arith.addf %add3A_1112, %get3A_1147 : vector<16xf32>
        %add3A_1149 = arith.constant 6 : i32
        %add3A_1150 = arith.addi %mul3A_935, %add3A_1149 : i32
        %get3A_1151 = arith.constant 0 : i32
        %get3A_1152 = arith.index_cast %get3A_1151 : i32 to index
        %get3A_1153 = arith.index_cast %add3A_1150 : i32 to index
        %get3A_1154 = arith.constant 16 : index
        %get3A_1155 = tpu.vector_load %arg6[%get3A_1152, %get3A_1153, %get3A_1154] {strides = array<i32>} : memref<2x640x64xf32, #tpu.memory_space<vmem>>, vector<1x1x16xf32>,
        %get3A_1156 = vector.shape_cast %get3A_1155 : vector<1x1x16xf32> to vector<16xf32>
        %add3A_1157 = arith.addf %add3A_1121, %get3A_1156 : vector<16xf32>
        %add3A_1158 = arith.constant 6 : i32
        %add3A_1159 = arith.addi %mul3A_935, %add3A_1158 : i32
        %get3A_1160 = arith.constant 0 : i32
        %get3A_1161 = arith.index_cast %get3A_1160 : i32 to index
        %get3A_1162 = arith.index_cast %add3A_1159 : i32 to index
        %get3A_1163 = arith.constant 32 : index
        %get3A_1164 = tpu.vector_load %arg6[%get3A_1161, %get3A_1162, %get3A_1163] {strides = array<i32>} : memref<2x640x64xf32, #tpu.memory_space<vmem>>, vector<1x1x16xf32>,
        %get3A_1165 = vector.shape_cast %get3A_1164 : vector<1x1x16xf32> to vector<16xf32>
        %add3A_1166 = arith.addf %add3A_1130, %get3A_1165 : vector<16xf32>
        %add3A_1167 = arith.constant 6 : i32
        %add3A_1168 = arith.addi %mul3A_935, %add3A_1167 : i32
        %get3A_1169 = arith.constant 0 : i32
        %get3A_1170 = arith.index_cast %get3A_1169 : i32 to index
        %get3A_1171 = arith.index_cast %add3A_1168 : i32 to index
        %get3A_1172 = arith.constant 48 : index
        %get3A_1173 = tpu.vector_load %arg6[%get3A_1170, %get3A_1171, %get3A_1172] {strides = array<i32>} : memref<2x640x64xf32, #tpu.memory_space<vmem>>, vector<1x1x16xf32>,
        %get3A_1174 = vector.shape_cast %get3A_1173 : vector<1x1x16xf32> to vector<16xf32>
        %add3A_1175 = arith.addf %add3A_1139, %get3A_1174 : vector<16xf32>
        %add3A_1176 = arith.constant 7 : i32
        %add3A_1177 = arith.addi %mul3A_935, %add3A_1176 : i32
        %get3A_1178 = arith.constant 0 : i32
        %get3A_1179 = arith.index_cast %get3A_1178 : i32 to index
        %get3A_1180 = arith.index_cast %add3A_1177 : i32 to index
        %get3A_1181 = arith.constant 0 : index
        %get3A_1182 = tpu.vector_load %arg6[%get3A_1179, %get3A_1180, %get3A_1181] {strides = array<i32>} : memref<2x640x64xf32, #tpu.memory_space<vmem>>, vector<1x1x16xf32>,
        %get3A_1183 = vector.shape_cast %get3A_1182 : vector<1x1x16xf32> to vector<16xf32>
        %add3A_1184 = arith.addf %add3A_1148, %get3A_1183 : vector<16xf32>
        %add3A_1185 = arith.constant 7 : i32
        %add3A_1186 = arith.addi %mul3A_935, %add3A_1185 : i32
        %get3A_1187 = arith.constant 0 : i32
        %get3A_1188 = arith.index_cast %get3A_1187 : i32 to index
        %get3A_1189 = arith.index_cast %add3A_1186 : i32 to index
        %get3A_1190 = arith.constant 16 : index
        %get3A_1191 = tpu.vector_load %arg6[%get3A_1188, %get3A_1189, %get3A_1190] {strides = array<i32>} : memref<2x640x64xf32, #tpu.memory_space<vmem>>, vector<1x1x16xf32>,
        %get3A_1192 = vector.shape_cast %get3A_1191 : vector<1x1x16xf32> to vector<16xf32>
        %add3A_1193 = arith.addf %add3A_1157, %get3A_1192 : vector<16xf32>
        %add3A_1194 = arith.constant 7 : i32
        %add3A_1195 = arith.addi %mul3A_935, %add3A_1194 : i32
        %get3A_1196 = arith.constant 0 : i32
        %get3A_1197 = arith.index_cast %get3A_1196 : i32 to index
        %get3A_1198 = arith.index_cast %add3A_1195 : i32 to index
        %get3A_1199 = arith.constant 32 : index
        %get3A_1200 = tpu.vector_load %arg6[%get3A_1197, %get3A_1198, %get3A_1199] {strides = array<i32>} : memref<2x640x64xf32, #tpu.memory_space<vmem>>, vector<1x1x16xf32>,
        %get3A_1201 = vector.shape_cast %get3A_1200 : vector<1x1x16xf32> to vector<16xf32>
        %add3A_1202 = arith.addf %add3A_1166, %get3A_1201 : vector<16xf32>
        %add3A_1203 = arith.constant 7 : i32
        %add3A_1204 = arith.addi %mul3A_935, %add3A_1203 : i32
        %get3A_1205 = arith.constant 0 : i32
        %get3A_1206 = arith.index_cast %get3A_1205 : i32 to index
        %get3A_1207 = arith.index_cast %add3A_1204 : i32 to index
        %get3A_1208 = arith.constant 48 : index
        %get3A_1209 = tpu.vector_load %arg6[%get3A_1206, %get3A_1207, %get3A_1208] {strides = array<i32>} : memref<2x640x64xf32, #tpu.memory_space<vmem>>, vector<1x1x16xf32>,
        %get3A_1210 = vector.shape_cast %get3A_1209 : vector<1x1x16xf32> to vector<16xf32>
        %add3A_1211 = arith.addf %add3A_1175, %get3A_1210 : vector<16xf32>
        %add3A_1212 = arith.constant 8 : i32
        %add3A_1213 = arith.addi %mul3A_935, %add3A_1212 : i32
        %get3A_1214 = arith.constant 0 : i32
        %get3A_1215 = arith.index_cast %get3A_1214 : i32 to index
        %get3A_1216 = arith.index_cast %add3A_1213 : i32 to index
        %get3A_1217 = arith.constant 0 : index
        %get3A_1218 = tpu.vector_load %arg6[%get3A_1215, %get3A_1216, %get3A_1217] {strides = array<i32>} : memref<2x640x64xf32, #tpu.memory_space<vmem>>, vector<1x1x16xf32>,
        %get3A_1219 = vector.shape_cast %get3A_1218 : vector<1x1x16xf32> to vector<16xf32>
        %add3A_1220 = arith.addf %add3A_1184, %get3A_1219 : vector<16xf32>
        %add3A_1221 = arith.constant 8 : i32
        %add3A_1222 = arith.addi %mul3A_935, %add3A_1221 : i32
        %get3A_1223 = arith.constant 0 : i32
        %get3A_1224 = arith.index_cast %get3A_1223 : i32 to index
        %get3A_1225 = arith.index_cast %add3A_1222 : i32 to index
        %get3A_1226 = arith.constant 16 : index
        %get3A_1227 = tpu.vector_load %arg6[%get3A_1224, %get3A_1225, %get3A_1226] {strides = array<i32>} : memref<2x640x64xf32, #tpu.memory_space<vmem>>, vector<1x1x16xf32>,
        %get3A_1228 = vector.shape_cast %get3A_1227 : vector<1x1x16xf32> to vector<16xf32>
        %add3A_1229 = arith.addf %add3A_1193, %get3A_1228 : vector<16xf32>
        %add3A_1230 = arith.constant 8 : i32
        %add3A_1231 = arith.addi %mul3A_935, %add3A_1230 : i32
        %get3A_1232 = arith.constant 0 : i32
        %get3A_1233 = arith.index_cast %get3A_1232 : i32 to index
        %get3A_1234 = arith.index_cast %add3A_1231 : i32 to index
        %get3A_1235 = arith.constant 32 : index
        %get3A_1236 = tpu.vector_load %arg6[%get3A_1233, %get3A_1234, %get3A_1235] {strides = array<i32>} : memref<2x640x64xf32, #tpu.memory_space<vmem>>, vector<1x1x16xf32>,
        %get3A_1237 = vector.shape_cast %get3A_1236 : vector<1x1x16xf32> to vector<16xf32>
        %add3A_1238 = arith.addf %add3A_1202, %get3A_1237 : vector<16xf32>
        %add3A_1239 = arith.constant 8 : i32
        %add3A_1240 = arith.addi %mul3A_935, %add3A_1239 : i32
        %get3A_1241 = arith.constant 0 : i32
        %get3A_1242 = arith.index_cast %get3A_1241 : i32 to index
        %get3A_1243 = arith.index_cast %add3A_1240 : i32 to index
        %get3A_1244 = arith.constant 48 : index
        %get3A_1245 = tpu.vector_load %arg6[%get3A_1242, %get3A_1243, %get3A_1244] {strides = array<i32>} : memref<2x640x64xf32, #tpu.memory_space<vmem>>, vector<1x1x16xf32>,
        %get3A_1246 = vector.shape_cast %get3A_1245 : vector<1x1x16xf32> to vector<16xf32>
        %add3A_1247 = arith.addf %add3A_1211, %get3A_1246 : vector<16xf32>
        %add3A_1248 = arith.constant 9 : i32
        %add3A_1249 = arith.addi %mul3A_935, %add3A_1248 : i32
        %get3A_1250 = arith.constant 0 : i32
        %get3A_1251 = arith.index_cast %get3A_1250 : i32 to index
        %get3A_1252 = arith.index_cast %add3A_1249 : i32 to index
        %get3A_1253 = arith.constant 0 : index
        %get3A_1254 = tpu.vector_load %arg6[%get3A_1251, %get3A_1252, %get3A_1253] {strides = array<i32>} : memref<2x640x64xf32, #tpu.memory_space<vmem>>, vector<1x1x16xf32>,
        %get3A_1255 = vector.shape_cast %get3A_1254 : vector<1x1x16xf32> to vector<16xf32>
        %add3A_1256 = arith.addf %add3A_1220, %get3A_1255 : vector<16xf32>
        %add3A_1257 = arith.constant 9 : i32
        %add3A_1258 = arith.addi %mul3A_935, %add3A_1257 : i32
        %get3A_1259 = arith.constant 0 : i32
        %get3A_1260 = arith.index_cast %get3A_1259 : i32 to index
        %get3A_1261 = arith.index_cast %add3A_1258 : i32 to index
        %get3A_1262 = arith.constant 16 : index
        %get3A_1263 = tpu.vector_load %arg6[%get3A_1260, %get3A_1261, %get3A_1262] {strides = array<i32>} : memref<2x640x64xf32, #tpu.memory_space<vmem>>, vector<1x1x16xf32>,
        %get3A_1264 = vector.shape_cast %get3A_1263 : vector<1x1x16xf32> to vector<16xf32>
        %add3A_1265 = arith.addf %add3A_1229, %get3A_1264 : vector<16xf32>
        %add3A_1266 = arith.constant 9 : i32
        %add3A_1267 = arith.addi %mul3A_935, %add3A_1266 : i32
        %get3A_1268 = arith.constant 0 : i32
        %get3A_1269 = arith.index_cast %get3A_1268 : i32 to index
        %get3A_1270 = arith.index_cast %add3A_1267 : i32 to index
        %get3A_1271 = arith.constant 32 : index
        %get3A_1272 = tpu.vector_load %arg6[%get3A_1269, %get3A_1270, %get3A_1271] {strides = array<i32>} : memref<2x640x64xf32, #tpu.memory_space<vmem>>, vector<1x1x16xf32>,
        %get3A_1273 = vector.shape_cast %get3A_1272 : vector<1x1x16xf32> to vector<16xf32>
        %add3A_1274 = arith.addf %add3A_1238, %get3A_1273 : vector<16xf32>
        %add3A_1275 = arith.constant 9 : i32
        %add3A_1276 = arith.addi %mul3A_935, %add3A_1275 : i32
        %get3A_1277 = arith.constant 0 : i32
        %get3A_1278 = arith.index_cast %get3A_1277 : i32 to index
        %get3A_1279 = arith.index_cast %add3A_1276 : i32 to index
        %get3A_1280 = arith.constant 48 : index
        %get3A_1281 = tpu.vector_load %arg6[%get3A_1278, %get3A_1279, %get3A_1280] {strides = array<i32>} : memref<2x640x64xf32, #tpu.memory_space<vmem>>, vector<1x1x16xf32>,
        %get3A_1282 = vector.shape_cast %get3A_1281 : vector<1x1x16xf32> to vector<16xf32>
        %add3A_1283 = arith.addf %add3A_1247, %get3A_1282 : vector<16xf32>
        %add3A_1284 = arith.constant 10 : i32
        %add3A_1285 = arith.addi %mul3A_935, %add3A_1284 : i32
        %get3A_1286 = arith.constant 0 : i32
        %get3A_1287 = arith.index_cast %get3A_1286 : i32 to index
        %get3A_1288 = arith.index_cast %add3A_1285 : i32 to index
        %get3A_1289 = arith.constant 0 : index
        %get3A_1290 = tpu.vector_load %arg6[%get3A_1287, %get3A_1288, %get3A_1289] {strides = array<i32>} : memref<2x640x64xf32, #tpu.memory_space<vmem>>, vector<1x1x16xf32>,
        %get3A_1291 = vector.shape_cast %get3A_1290 : vector<1x1x16xf32> to vector<16xf32>
        %add3A_1292 = arith.addf %add3A_1256, %get3A_1291 : vector<16xf32>
        %add3A_1293 = arith.constant 10 : i32
        %add3A_1294 = arith.addi %mul3A_935, %add3A_1293 : i32
        %get3A_1295 = arith.constant 0 : i32
        %get3A_1296 = arith.index_cast %get3A_1295 : i32 to index
        %get3A_1297 = arith.index_cast %add3A_1294 : i32 to index
        %get3A_1298 = arith.constant 16 : index
        %get3A_1299 = tpu.vector_load %arg6[%get3A_1296, %get3A_1297, %get3A_1298] {strides = array<i32>} : memref<2x640x64xf32, #tpu.memory_space<vmem>>, vector<1x1x16xf32>,
        %get3A_1300 = vector.shape_cast %get3A_1299 : vector<1x1x16xf32> to vector<16xf32>
        %add3A_1301 = arith.addf %add3A_1265, %get3A_1300 : vector<16xf32>
        %add3A_1302 = arith.constant 10 : i32
        %add3A_1303 = arith.addi %mul3A_935, %add3A_1302 : i32
        %get3A_1304 = arith.constant 0 : i32
        %get3A_1305 = arith.index_cast %get3A_1304 : i32 to index
        %get3A_1306 = arith.index_cast %add3A_1303 : i32 to index
        %get3A_1307 = arith.constant 32 : index
        %get3A_1308 = tpu.vector_load %arg6[%get3A_1305, %get3A_1306, %get3A_1307] {strides = array<i32>} : memref<2x640x64xf32, #tpu.memory_space<vmem>>, vector<1x1x16xf32>,
        %get3A_1309 = vector.shape_cast %get3A_1308 : vector<1x1x16xf32> to vector<16xf32>
        %add3A_1310 = arith.addf %add3A_1274, %get3A_1309 : vector<16xf32>
        %add3A_1311 = arith.constant 10 : i32
        %add3A_1312 = arith.addi %mul3A_935, %add3A_1311 : i32
        %get3A_1313 = arith.constant 0 : i32
        %get3A_1314 = arith.index_cast %get3A_1313 : i32 to index
        %get3A_1315 = arith.index_cast %add3A_1312 : i32 to index
        %get3A_1316 = arith.constant 48 : index
        %get3A_1317 = tpu.vector_load %arg6[%get3A_1314, %get3A_1315, %get3A_1316] {strides = array<i32>} : memref<2x640x64xf32, #tpu.memory_space<vmem>>, vector<1x1x16xf32>,
        %get3A_1318 = vector.shape_cast %get3A_1317 : vector<1x1x16xf32> to vector<16xf32>
        %add3A_1319 = arith.addf %add3A_1283, %get3A_1318 : vector<16xf32>
        %add3A_1320 = arith.constant 11 : i32
        %add3A_1321 = arith.addi %mul3A_935, %add3A_1320 : i32
        %get3A_1322 = arith.constant 0 : i32
        %get3A_1323 = arith.index_cast %get3A_1322 : i32 to index
        %get3A_1324 = arith.index_cast %add3A_1321 : i32 to index
        %get3A_1325 = arith.constant 0 : index
        %get3A_1326 = tpu.vector_load %arg6[%get3A_1323, %get3A_1324, %get3A_1325] {strides = array<i32>} : memref<2x640x64xf32, #tpu.memory_space<vmem>>, vector<1x1x16xf32>,
        %get3A_1327 = vector.shape_cast %get3A_1326 : vector<1x1x16xf32> to vector<16xf32>
        %add3A_1328 = arith.addf %add3A_1292, %get3A_1327 : vector<16xf32>
        %add3A_1329 = arith.constant 11 : i32
        %add3A_1330 = arith.addi %mul3A_935, %add3A_1329 : i32
        %get3A_1331 = arith.constant 0 : i32
        %get3A_1332 = arith.index_cast %get3A_1331 : i32 to index
        %get3A_1333 = arith.index_cast %add3A_1330 : i32 to index
        %get3A_1334 = arith.constant 16 : index
        %get3A_1335 = tpu.vector_load %arg6[%get3A_1332, %get3A_1333, %get3A_1334] {strides = array<i32>} : memref<2x640x64xf32, #tpu.memory_space<vmem>>, vector<1x1x16xf32>,
        %get3A_1336 = vector.shape_cast %get3A_1335 : vector<1x1x16xf32> to vector<16xf32>
        %add3A_1337 = arith.addf %add3A_1301, %get3A_1336 : vector<16xf32>
        %add3A_1338 = arith.constant 11 : i32
        %add3A_1339 = arith.addi %mul3A_935, %add3A_1338 : i32
        %get3A_1340 = arith.constant 0 : i32
        %get3A_1341 = arith.index_cast %get3A_1340 : i32 to index
        %get3A_1342 = arith.index_cast %add3A_1339 : i32 to index
        %get3A_1343 = arith.constant 32 : index
        %get3A_1344 = tpu.vector_load %arg6[%get3A_1341, %get3A_1342, %get3A_1343] {strides = array<i32>} : memref<2x640x64xf32, #tpu.memory_space<vmem>>, vector<1x1x16xf32>,
        %get3A_1345 = vector.shape_cast %get3A_1344 : vector<1x1x16xf32> to vector<16xf32>
        %add3A_1346 = arith.addf %add3A_1310, %get3A_1345 : vector<16xf32>
        %add3A_1347 = arith.constant 11 : i32
        %add3A_1348 = arith.addi %mul3A_935, %add3A_1347 : i32
        %get3A_1349 = arith.constant 0 : i32
        %get3A_1350 = arith.index_cast %get3A_1349 : i32 to index
        %get3A_1351 = arith.index_cast %add3A_1348 : i32 to index
        %get3A_1352 = arith.constant 48 : index
        %get3A_1353 = tpu.vector_load %arg6[%get3A_1350, %get3A_1351, %get3A_1352] {strides = array<i32>} : memref<2x640x64xf32, #tpu.memory_space<vmem>>, vector<1x1x16xf32>,
        %get3A_1354 = vector.shape_cast %get3A_1353 : vector<1x1x16xf32> to vector<16xf32>
        %add3A_1355 = arith.addf %add3A_1319, %get3A_1354 : vector<16xf32>
        %add3A_1356 = arith.constant 12 : i32
        %add3A_1357 = arith.addi %mul3A_935, %add3A_1356 : i32
        %get3A_1358 = arith.constant 0 : i32
        %get3A_1359 = arith.index_cast %get3A_1358 : i32 to index
        %get3A_1360 = arith.index_cast %add3A_1357 : i32 to index
        %get3A_1361 = arith.constant 0 : index
        %get3A_1362 = tpu.vector_load %arg6[%get3A_1359, %get3A_1360, %get3A_1361] {strides = array<i32>} : memref<2x640x64xf32, #tpu.memory_space<vmem>>, vector<1x1x16xf32>,
        %get3A_1363 = vector.shape_cast %get3A_1362 : vector<1x1x16xf32> to vector<16xf32>
        %add3A_1364 = arith.addf %add3A_1328, %get3A_1363 : vector<16xf32>
        %add3A_1365 = arith.constant 12 : i32
        %add3A_1366 = arith.addi %mul3A_935, %add3A_1365 : i32
        %get3A_1367 = arith.constant 0 : i32
        %get3A_1368 = arith.index_cast %get3A_1367 : i32 to index
        %get3A_1369 = arith.index_cast %add3A_1366 : i32 to index
        %get3A_1370 = arith.constant 16 : index
        %get3A_1371 = tpu.vector_load %arg6[%get3A_1368, %get3A_1369, %get3A_1370] {strides = array<i32>} : memref<2x640x64xf32, #tpu.memory_space<vmem>>, vector<1x1x16xf32>,
        %get3A_1372 = vector.shape_cast %get3A_1371 : vector<1x1x16xf32> to vector<16xf32>
        %add3A_1373 = arith.addf %add3A_1337, %get3A_1372 : vector<16xf32>
        %add3A_1374 = arith.constant 12 : i32
        %add3A_1375 = arith.addi %mul3A_935, %add3A_1374 : i32
        %get3A_1376 = arith.constant 0 : i32
        %get3A_1377 = arith.index_cast %get3A_1376 : i32 to index
        %get3A_1378 = arith.index_cast %add3A_1375 : i32 to index
        %get3A_1379 = arith.constant 32 : index
        %get3A_1380 = tpu.vector_load %arg6[%get3A_1377, %get3A_1378, %get3A_1379] {strides = array<i32>} : memref<2x640x64xf32, #tpu.memory_space<vmem>>, vector<1x1x16xf32>,
        %get3A_1381 = vector.shape_cast %get3A_1380 : vector<1x1x16xf32> to vector<16xf32>
        %add3A_1382 = arith.addf %add3A_1346, %get3A_1381 : vector<16xf32>
        %add3A_1383 = arith.constant 12 : i32
        %add3A_1384 = arith.addi %mul3A_935, %add3A_1383 : i32
        %get3A_1385 = arith.constant 0 : i32
        %get3A_1386 = arith.index_cast %get3A_1385 : i32 to index
        %get3A_1387 = arith.index_cast %add3A_1384 : i32 to index
        %get3A_1388 = arith.constant 48 : index
        %get3A_1389 = tpu.vector_load %arg6[%get3A_1386, %get3A_1387, %get3A_1388] {strides = array<i32>} : memref<2x640x64xf32, #tpu.memory_space<vmem>>, vector<1x1x16xf32>,
        %get3A_1390 = vector.shape_cast %get3A_1389 : vector<1x1x16xf32> to vector<16xf32>
        %add3A_1391 = arith.addf %add3A_1355, %get3A_1390 : vector<16xf32>
        %add3A_1392 = arith.constant 13 : i32
        %add3A_1393 = arith.addi %mul3A_935, %add3A_1392 : i32
        %get3A_1394 = arith.constant 0 : i32
        %get3A_1395 = arith.index_cast %get3A_1394 : i32 to index
        %get3A_1396 = arith.index_cast %add3A_1393 : i32 to index
        %get3A_1397 = arith.constant 0 : index
        %get3A_1398 = tpu.vector_load %arg6[%get3A_1395, %get3A_1396, %get3A_1397] {strides = array<i32>} : memref<2x640x64xf32, #tpu.memory_space<vmem>>, vector<1x1x16xf32>,
        %get3A_1399 = vector.shape_cast %get3A_1398 : vector<1x1x16xf32> to vector<16xf32>
        %add3A_1400 = arith.addf %add3A_1364, %get3A_1399 : vector<16xf32>
        %add3A_1401 = arith.constant 13 : i32
        %add3A_1402 = arith.addi %mul3A_935, %add3A_1401 : i32
        %get3A_1403 = arith.constant 0 : i32
        %get3A_1404 = arith.index_cast %get3A_1403 : i32 to index
        %get3A_1405 = arith.index_cast %add3A_1402 : i32 to index
        %get3A_1406 = arith.constant 16 : index
        %get3A_1407 = tpu.vector_load %arg6[%get3A_1404, %get3A_1405, %get3A_1406] {strides = array<i32>} : memref<2x640x64xf32, #tpu.memory_space<vmem>>, vector<1x1x16xf32>,
        %get3A_1408 = vector.shape_cast %get3A_1407 : vector<1x1x16xf32> to vector<16xf32>
        %add3A_1409 = arith.addf %add3A_1373, %get3A_1408 : vector<16xf32>
        %add3A_1410 = arith.constant 13 : i32
        %add3A_1411 = arith.addi %mul3A_935, %add3A_1410 : i32
        %get3A_1412 = arith.constant 0 : i32
        %get3A_1413 = arith.index_cast %get3A_1412 : i32 to index
        %get3A_1414 = arith.index_cast %add3A_1411 : i32 to index
        %get3A_1415 = arith.constant 32 : index
        %get3A_1416 = tpu.vector_load %arg6[%get3A_1413, %get3A_1414, %get3A_1415] {strides = array<i32>} : memref<2x640x64xf32, #tpu.memory_space<vmem>>, vector<1x1x16xf32>,
        %get3A_1417 = vector.shape_cast %get3A_1416 : vector<1x1x16xf32> to vector<16xf32>
        %add3A_1418 = arith.addf %add3A_1382, %get3A_1417 : vector<16xf32>
        %add3A_1419 = arith.constant 13 : i32
        %add3A_1420 = arith.addi %mul3A_935, %add3A_1419 : i32
        %get3A_1421 = arith.constant 0 : i32
        %get3A_1422 = arith.index_cast %get3A_1421 : i32 to index
        %get3A_1423 = arith.index_cast %add3A_1420 : i32 to index
        %get3A_1424 = arith.constant 48 : index
        %get3A_1425 = tpu.vector_load %arg6[%get3A_1422, %get3A_1423, %get3A_1424] {strides = array<i32>} : memref<2x640x64xf32, #tpu.memory_space<vmem>>, vector<1x1x16xf32>,
        %get3A_1426 = vector.shape_cast %get3A_1425 : vector<1x1x16xf32> to vector<16xf32>
        %add3A_1427 = arith.addf %add3A_1391, %get3A_1426 : vector<16xf32>
        %add3A_1428 = arith.constant 14 : i32
        %add3A_1429 = arith.addi %mul3A_935, %add3A_1428 : i32
        %get3A_1430 = arith.constant 0 : i32
        %get3A_1431 = arith.index_cast %get3A_1430 : i32 to index
        %get3A_1432 = arith.index_cast %add3A_1429 : i32 to index
        %get3A_1433 = arith.constant 0 : index
        %get3A_1434 = tpu.vector_load %arg6[%get3A_1431, %get3A_1432, %get3A_1433] {strides = array<i32>} : memref<2x640x64xf32, #tpu.memory_space<vmem>>, vector<1x1x16xf32>,
        %get3A_1435 = vector.shape_cast %get3A_1434 : vector<1x1x16xf32> to vector<16xf32>
        %add3A_1436 = arith.addf %add3A_1400, %get3A_1435 : vector<16xf32>
        %add3A_1437 = arith.constant 14 : i32
        %add3A_1438 = arith.addi %mul3A_935, %add3A_1437 : i32
        %get3A_1439 = arith.constant 0 : i32
        %get3A_1440 = arith.index_cast %get3A_1439 : i32 to index
        %get3A_1441 = arith.index_cast %add3A_1438 : i32 to index
        %get3A_1442 = arith.constant 16 : index
        %get3A_1443 = tpu.vector_load %arg6[%get3A_1440, %get3A_1441, %get3A_1442] {strides = array<i32>} : memref<2x640x64xf32, #tpu.memory_space<vmem>>, vector<1x1x16xf32>,
        %get3A_1444 = vector.shape_cast %get3A_1443 : vector<1x1x16xf32> to vector<16xf32>
        %add3A_1445 = arith.addf %add3A_1409, %get3A_1444 : vector<16xf32>
        %add3A_1446 = arith.constant 14 : i32
        %add3A_1447 = arith.addi %mul3A_935, %add3A_1446 : i32
        %get3A_1448 = arith.constant 0 : i32
        %get3A_1449 = arith.index_cast %get3A_1448 : i32 to index
        %get3A_1450 = arith.index_cast %add3A_1447 : i32 to index
        %get3A_1451 = arith.constant 32 : index
        %get3A_1452 = tpu.vector_load %arg6[%get3A_1449, %get3A_1450, %get3A_1451] {strides = array<i32>} : memref<2x640x64xf32, #tpu.memory_space<vmem>>, vector<1x1x16xf32>,
        %get3A_1453 = vector.shape_cast %get3A_1452 : vector<1x1x16xf32> to vector<16xf32>
        %add3A_1454 = arith.addf %add3A_1418, %get3A_1453 : vector<16xf32>
        %add3A_1455 = arith.constant 14 : i32
        %add3A_1456 = arith.addi %mul3A_935, %add3A_1455 : i32
        %get3A_1457 = arith.constant 0 : i32
        %get3A_1458 = arith.index_cast %get3A_1457 : i32 to index
        %get3A_1459 = arith.index_cast %add3A_1456 : i32 to index
        %get3A_1460 = arith.constant 48 : index
        %get3A_1461 = tpu.vector_load %arg6[%get3A_1458, %get3A_1459, %get3A_1460] {strides = array<i32>} : memref<2x640x64xf32, #tpu.memory_space<vmem>>, vector<1x1x16xf32>,
        %get3A_1462 = vector.shape_cast %get3A_1461 : vector<1x1x16xf32> to vector<16xf32>
        %add3A_1463 = arith.addf %add3A_1427, %get3A_1462 : vector<16xf32>
        %add3A_1464 = arith.constant 15 : i32
        %add3A_1465 = arith.addi %mul3A_935, %add3A_1464 : i32
        %get3A_1466 = arith.constant 0 : i32
        %get3A_1467 = arith.index_cast %get3A_1466 : i32 to index
        %get3A_1468 = arith.index_cast %add3A_1465 : i32 to index
        %get3A_1469 = arith.constant 0 : index
        %get3A_1470 = tpu.vector_load %arg6[%get3A_1467, %get3A_1468, %get3A_1469] {strides = array<i32>} : memref<2x640x64xf32, #tpu.memory_space<vmem>>, vector<1x1x16xf32>,
        %get3A_1471 = vector.shape_cast %get3A_1470 : vector<1x1x16xf32> to vector<16xf32>
        %add3A_1472 = arith.addf %add3A_1436, %get3A_1471 : vector<16xf32>
        %add3A_1473 = arith.constant 15 : i32
        %add3A_1474 = arith.addi %mul3A_935, %add3A_1473 : i32
        %get3A_1475 = arith.constant 0 : i32
        %get3A_1476 = arith.index_cast %get3A_1475 : i32 to index
        %get3A_1477 = arith.index_cast %add3A_1474 : i32 to index
        %get3A_1478 = arith.constant 16 : index
        %get3A_1479 = tpu.vector_load %arg6[%get3A_1476, %get3A_1477, %get3A_1478] {strides = array<i32>} : memref<2x640x64xf32, #tpu.memory_space<vmem>>, vector<1x1x16xf32>,
        %get3A_1480 = vector.shape_cast %get3A_1479 : vector<1x1x16xf32> to vector<16xf32>
        %add3A_1481 = arith.addf %add3A_1445, %get3A_1480 : vector<16xf32>
        %add3A_1482 = arith.constant 15 : i32
        %add3A_1483 = arith.addi %mul3A_935, %add3A_1482 : i32
        %get3A_1484 = arith.constant 0 : i32
        %get3A_1485 = arith.index_cast %get3A_1484 : i32 to index
        %get3A_1486 = arith.index_cast %add3A_1483 : i32 to index
        %get3A_1487 = arith.constant 32 : index
        %get3A_1488 = tpu.vector_load %arg6[%get3A_1485, %get3A_1486, %get3A_1487] {strides = array<i32>} : memref<2x640x64xf32, #tpu.memory_space<vmem>>, vector<1x1x16xf32>,
        %get3A_1489 = vector.shape_cast %get3A_1488 : vector<1x1x16xf32> to vector<16xf32>
        %add3A_1490 = arith.addf %add3A_1454, %get3A_1489 : vector<16xf32>
        %add3A_1491 = arith.constant 15 : i32
        %add3A_1492 = arith.addi %mul3A_935, %add3A_1491 : i32
        %get3A_1493 = arith.constant 0 : i32
        %get3A_1494 = arith.index_cast %get3A_1493 : i32 to index
        %get3A_1495 = arith.index_cast %add3A_1492 : i32 to index
        %get3A_1496 = arith.constant 48 : index
        %get3A_1497 = tpu.vector_load %arg6[%get3A_1494, %get3A_1495, %get3A_1496] {strides = array<i32>} : memref<2x640x64xf32, #tpu.memory_space<vmem>>, vector<1x1x16xf32>,
        %get3A_1498 = vector.shape_cast %get3A_1497 : vector<1x1x16xf32> to vector<16xf32>
        %add3A_1499 = arith.addf %add3A_1463, %get3A_1498 : vector<16xf32>
        %add3A_1500 = arith.constant 16 : i32
        %add3A_1501 = arith.addi %mul3A_935, %add3A_1500 : i32
        %get3A_1502 = arith.constant 0 : i32
        %get3A_1503 = arith.index_cast %get3A_1502 : i32 to index
        %get3A_1504 = arith.index_cast %add3A_1501 : i32 to index
        %get3A_1505 = arith.constant 0 : index
        %get3A_1506 = tpu.vector_load %arg6[%get3A_1503, %get3A_1504, %get3A_1505] {strides = array<i32>} : memref<2x640x64xf32, #tpu.memory_space<vmem>>, vector<1x1x16xf32>,
        %get3A_1507 = vector.shape_cast %get3A_1506 : vector<1x1x16xf32> to vector<16xf32>
        %add3A_1508 = arith.addf %add3A_1472, %get3A_1507 : vector<16xf32>
        %add3A_1509 = arith.constant 16 : i32
        %add3A_1510 = arith.addi %mul3A_935, %add3A_1509 : i32
        %get3A_1511 = arith.constant 0 : i32
        %get3A_1512 = arith.index_cast %get3A_1511 : i32 to index
        %get3A_1513 = arith.index_cast %add3A_1510 : i32 to index
        %get3A_1514 = arith.constant 16 : index
        %get3A_1515 = tpu.vector_load %arg6[%get3A_1512, %get3A_1513, %get3A_1514] {strides = array<i32>} : memref<2x640x64xf32, #tpu.memory_space<vmem>>, vector<1x1x16xf32>,
        %get3A_1516 = vector.shape_cast %get3A_1515 : vector<1x1x16xf32> to vector<16xf32>
        %add3A_1517 = arith.addf %add3A_1481, %get3A_1516 : vector<16xf32>
        %add3A_1518 = arith.constant 16 : i32
        %add3A_1519 = arith.addi %mul3A_935, %add3A_1518 : i32
        %get3A_1520 = arith.constant 0 : i32
        %get3A_1521 = arith.index_cast %get3A_1520 : i32 to index
        %get3A_1522 = arith.index_cast %add3A_1519 : i32 to index
        %get3A_1523 = arith.constant 32 : index
        %get3A_1524 = tpu.vector_load %arg6[%get3A_1521, %get3A_1522, %get3A_1523] {strides = array<i32>} : memref<2x640x64xf32, #tpu.memory_space<vmem>>, vector<1x1x16xf32>,
        %get3A_1525 = vector.shape_cast %get3A_1524 : vector<1x1x16xf32> to vector<16xf32>
        %add3A_1526 = arith.addf %add3A_1490, %get3A_1525 : vector<16xf32>
        %add3A_1527 = arith.constant 16 : i32
        %add3A_1528 = arith.addi %mul3A_935, %add3A_1527 : i32
        %get3A_1529 = arith.constant 0 : i32
        %get3A_1530 = arith.index_cast %get3A_1529 : i32 to index
        %get3A_1531 = arith.index_cast %add3A_1528 : i32 to index
        %get3A_1532 = arith.constant 48 : index
        %get3A_1533 = tpu.vector_load %arg6[%get3A_1530, %get3A_1531, %get3A_1532] {strides = array<i32>} : memref<2x640x64xf32, #tpu.memory_space<vmem>>, vector<1x1x16xf32>,
        %get3A_1534 = vector.shape_cast %get3A_1533 : vector<1x1x16xf32> to vector<16xf32>
        %add3A_1535 = arith.addf %add3A_1499, %get3A_1534 : vector<16xf32>
        %add3A_1536 = arith.constant 17 : i32
        %add3A_1537 = arith.addi %mul3A_935, %add3A_1536 : i32
        %get3A_1538 = arith.constant 0 : i32
        %get3A_1539 = arith.index_cast %get3A_1538 : i32 to index
        %get3A_1540 = arith.index_cast %add3A_1537 : i32 to index
        %get3A_1541 = arith.constant 0 : index
        %get3A_1542 = tpu.vector_load %arg6[%get3A_1539, %get3A_1540, %get3A_1541] {strides = array<i32>} : memref<2x640x64xf32, #tpu.memory_space<vmem>>, vector<1x1x16xf32>,
        %get3A_1543 = vector.shape_cast %get3A_1542 : vector<1x1x16xf32> to vector<16xf32>
        %add3A_1544 = arith.addf %add3A_1508, %get3A_1543 : vector<16xf32>
        %add3A_1545 = arith.constant 17 : i32
        %add3A_1546 = arith.addi %mul3A_935, %add3A_1545 : i32
        %get3A_1547 = arith.constant 0 : i32
        %get3A_1548 = arith.index_cast %get3A_1547 : i32 to index
        %get3A_1549 = arith.index_cast %add3A_1546 : i32 to index
        %get3A_1550 = arith.constant 16 : index
        %get3A_1551 = tpu.vector_load %arg6[%get3A_1548, %get3A_1549, %get3A_1550] {strides = array<i32>} : memref<2x640x64xf32, #tpu.memory_space<vmem>>, vector<1x1x16xf32>,
        %get3A_1552 = vector.shape_cast %get3A_1551 : vector<1x1x16xf32> to vector<16xf32>
        %add3A_1553 = arith.addf %add3A_1517, %get3A_1552 : vector<16xf32>
        %add3A_1554 = arith.constant 17 : i32
        %add3A_1555 = arith.addi %mul3A_935, %add3A_1554 : i32
        %get3A_1556 = arith.constant 0 : i32
        %get3A_1557 = arith.index_cast %get3A_1556 : i32 to index
        %get3A_1558 = arith.index_cast %add3A_1555 : i32 to index
        %get3A_1559 = arith.constant 32 : index
        %get3A_1560 = tpu.vector_load %arg6[%get3A_1557, %get3A_1558, %get3A_1559] {strides = array<i32>} : memref<2x640x64xf32, #tpu.memory_space<vmem>>, vector<1x1x16xf32>,
        %get3A_1561 = vector.shape_cast %get3A_1560 : vector<1x1x16xf32> to vector<16xf32>
        %add3A_1562 = arith.addf %add3A_1526, %get3A_1561 : vector<16xf32>
        %add3A_1563 = arith.constant 17 : i32
        %add3A_1564 = arith.addi %mul3A_935, %add3A_1563 : i32
        %get3A_1565 = arith.constant 0 : i32
        %get3A_1566 = arith.index_cast %get3A_1565 : i32 to index
        %get3A_1567 = arith.index_cast %add3A_1564 : i32 to index
        %get3A_1568 = arith.constant 48 : index
        %get3A_1569 = tpu.vector_load %arg6[%get3A_1566, %get3A_1567, %get3A_1568] {strides = array<i32>} : memref<2x640x64xf32, #tpu.memory_space<vmem>>, vector<1x1x16xf32>,
        %get3A_1570 = vector.shape_cast %get3A_1569 : vector<1x1x16xf32> to vector<16xf32>
        %add3A_1571 = arith.addf %add3A_1535, %get3A_1570 : vector<16xf32>
        %add3A_1572 = arith.constant 18 : i32
        %add3A_1573 = arith.addi %mul3A_935, %add3A_1572 : i32
        %get3A_1574 = arith.constant 0 : i32
        %get3A_1575 = arith.index_cast %get3A_1574 : i32 to index
        %get3A_1576 = arith.index_cast %add3A_1573 : i32 to index
        %get3A_1577 = arith.constant 0 : index
        %get3A_1578 = tpu.vector_load %arg6[%get3A_1575, %get3A_1576, %get3A_1577] {strides = array<i32>} : memref<2x640x64xf32, #tpu.memory_space<vmem>>, vector<1x1x16xf32>,
        %get3A_1579 = vector.shape_cast %get3A_1578 : vector<1x1x16xf32> to vector<16xf32>
        %add3A_1580 = arith.addf %add3A_1544, %get3A_1579 : vector<16xf32>
        %add3A_1581 = arith.constant 18 : i32
        %add3A_1582 = arith.addi %mul3A_935, %add3A_1581 : i32
        %get3A_1583 = arith.constant 0 : i32
        %get3A_1584 = arith.index_cast %get3A_1583 : i32 to index
        %get3A_1585 = arith.index_cast %add3A_1582 : i32 to index
        %get3A_1586 = arith.constant 16 : index
        %get3A_1587 = tpu.vector_load %arg6[%get3A_1584, %get3A_1585, %get3A_1586] {strides = array<i32>} : memref<2x640x64xf32, #tpu.memory_space<vmem>>, vector<1x1x16xf32>,
        %get3A_1588 = vector.shape_cast %get3A_1587 : vector<1x1x16xf32> to vector<16xf32>
        %add3A_1589 = arith.addf %add3A_1553, %get3A_1588 : vector<16xf32>
        %add3A_1590 = arith.constant 18 : i32
        %add3A_1591 = arith.addi %mul3A_935, %add3A_1590 : i32
        %get3A_1592 = arith.constant 0 : i32
        %get3A_1593 = arith.index_cast %get3A_1592 : i32 to index
        %get3A_1594 = arith.index_cast %add3A_1591 : i32 to index
        %get3A_1595 = arith.constant 32 : index
        %get3A_1596 = tpu.vector_load %arg6[%get3A_1593, %get3A_1594, %get3A_1595] {strides = array<i32>} : memref<2x640x64xf32, #tpu.memory_space<vmem>>, vector<1x1x16xf32>,
        %get3A_1597 = vector.shape_cast %get3A_1596 : vector<1x1x16xf32> to vector<16xf32>
        %add3A_1598 = arith.addf %add3A_1562, %get3A_1597 : vector<16xf32>
        %add3A_1599 = arith.constant 18 : i32
        %add3A_1600 = arith.addi %mul3A_935, %add3A_1599 : i32
        %get3A_1601 = arith.constant 0 : i32
        %get3A_1602 = arith.index_cast %get3A_1601 : i32 to index
        %get3A_1603 = arith.index_cast %add3A_1600 : i32 to index
        %get3A_1604 = arith.constant 48 : index
        %get3A_1605 = tpu.vector_load %arg6[%get3A_1602, %get3A_1603, %get3A_1604] {strides = array<i32>} : memref<2x640x64xf32, #tpu.memory_space<vmem>>, vector<1x1x16xf32>,
        %get3A_1606 = vector.shape_cast %get3A_1605 : vector<1x1x16xf32> to vector<16xf32>
        %add3A_1607 = arith.addf %add3A_1571, %get3A_1606 : vector<16xf32>
        %add3A_1608 = arith.constant 19 : i32
        %add3A_1609 = arith.addi %mul3A_935, %add3A_1608 : i32
        %get3A_1610 = arith.constant 0 : i32
        %get3A_1611 = arith.index_cast %get3A_1610 : i32 to index
        %get3A_1612 = arith.index_cast %add3A_1609 : i32 to index
        %get3A_1613 = arith.constant 0 : index
        %get3A_1614 = tpu.vector_load %arg6[%get3A_1611, %get3A_1612, %get3A_1613] {strides = array<i32>} : memref<2x640x64xf32, #tpu.memory_space<vmem>>, vector<1x1x16xf32>,
        %get3A_1615 = vector.shape_cast %get3A_1614 : vector<1x1x16xf32> to vector<16xf32>
        %add3A_1616 = arith.addf %add3A_1580, %get3A_1615 : vector<16xf32>
        %add3A_1617 = arith.constant 19 : i32
        %add3A_1618 = arith.addi %mul3A_935, %add3A_1617 : i32
        %get3A_1619 = arith.constant 0 : i32
        %get3A_1620 = arith.index_cast %get3A_1619 : i32 to index
        %get3A_1621 = arith.index_cast %add3A_1618 : i32 to index
        %get3A_1622 = arith.constant 16 : index
        %get3A_1623 = tpu.vector_load %arg6[%get3A_1620, %get3A_1621, %get3A_1622] {strides = array<i32>} : memref<2x640x64xf32, #tpu.memory_space<vmem>>, vector<1x1x16xf32>,
        %get3A_1624 = vector.shape_cast %get3A_1623 : vector<1x1x16xf32> to vector<16xf32>
        %add3A_1625 = arith.addf %add3A_1589, %get3A_1624 : vector<16xf32>
        %add3A_1626 = arith.constant 19 : i32
        %add3A_1627 = arith.addi %mul3A_935, %add3A_1626 : i32
        %get3A_1628 = arith.constant 0 : i32
        %get3A_1629 = arith.index_cast %get3A_1628 : i32 to index
        %get3A_1630 = arith.index_cast %add3A_1627 : i32 to index
        %get3A_1631 = arith.constant 32 : index
        %get3A_1632 = tpu.vector_load %arg6[%get3A_1629, %get3A_1630, %get3A_1631] {strides = array<i32>} : memref<2x640x64xf32, #tpu.memory_space<vmem>>, vector<1x1x16xf32>,
        %get3A_1633 = vector.shape_cast %get3A_1632 : vector<1x1x16xf32> to vector<16xf32>
        %add3A_1634 = arith.addf %add3A_1598, %get3A_1633 : vector<16xf32>
        %add3A_1635 = arith.constant 19 : i32
        %add3A_1636 = arith.addi %mul3A_935, %add3A_1635 : i32
        %get3A_1637 = arith.constant 0 : i32
        %get3A_1638 = arith.index_cast %get3A_1637 : i32 to index
        %get3A_1639 = arith.index_cast %add3A_1636 : i32 to index
        %get3A_1640 = arith.constant 48 : index
        %get3A_1641 = tpu.vector_load %arg6[%get3A_1638, %get3A_1639, %get3A_1640] {strides = array<i32>} : memref<2x640x64xf32, #tpu.memory_space<vmem>>, vector<1x1x16xf32>,
        %get3A_1642 = vector.shape_cast %get3A_1641 : vector<1x1x16xf32> to vector<16xf32>
        %add3A_1643 = arith.addf %add3A_1607, %get3A_1642 : vector<16xf32>
        %shift_right_arithmetic3A = arith.constant 1 : i32
        %shift_right_arithmetic3A_1644 = arith.shrsi %scan3A_933, %shift_right_arithmetic3A : i32
        %and3A_1645 = arith.constant 1 : i32
        %and3A_1646 = arith.andi %scan3A_933, %and3A_1645 : i32
        %mul3A_1647 = arith.constant 64 : i32
        %mul3A_1648 = arith.muli %and3A_1646, %mul3A_1647 : i32
        %mul3A_1649 = vector.broadcast %scan3A_687 : f32 to vector<16xf32>
        %mul3A_1650 = arith.mulf %add3A_1616, %mul3A_1649 : vector<16xf32>
        %add3A_1651 = arith.constant 0 : i32
        %add3A_1652 = arith.addi %mul3A_1648, %add3A_1651 : i32
        %swap3A = arith.constant 0 : i32
        %swap3A_1653 = arith.index_cast %swap3A : i32 to index
        %swap3A_1654 = arith.index_cast %shift_right_arithmetic3A_1644 : i32 to index
        %swap3A_1655 = arith.index_cast %add3A_1652 : i32 to index
        %swap3A_1656 = tpu.vector_load %arg7[%swap3A_1653, %swap3A_1654, %swap3A_1655] {strides = array<i32>} : memref<2x16x128xf32, #tpu.memory_space<vmem>>, vector<1x1x16xf32>,
        %swap3A_1657 = vector.shape_cast %swap3A_1656 : vector<1x1x16xf32> to vector<16xf32>
        %swap3A_1658 = vector.shape_cast %mul3A_1650 : vector<16xf32> to vector<1x1x16xf32>
        tpu.vector_store %arg7[%swap3A_1653, %swap3A_1654, %swap3A_1655], %swap3A_1658 {strides = array<i32>} : memref<2x16x128xf32, #tpu.memory_space<vmem>>, vector<1x1x16xf32>,
        %mul3A_1659 = vector.broadcast %scan3A_687 : f32 to vector<16xf32>
        %mul3A_1660 = arith.mulf %add3A_1625, %mul3A_1659 : vector<16xf32>
        %add3A_1661 = arith.constant 16 : i32
        %add3A_1662 = arith.addi %mul3A_1648, %add3A_1661 : i32
        %swap3A_1663 = arith.constant 0 : i32
        %swap3A_1664 = arith.index_cast %swap3A_1663 : i32 to index
        %swap3A_1665 = arith.index_cast %shift_right_arithmetic3A_1644 : i32 to index
        %swap3A_1666 = arith.index_cast %add3A_1662 : i32 to index
        %swap3A_1667 = tpu.vector_load %arg7[%swap3A_1664, %swap3A_1665, %swap3A_1666] {strides = array<i32>} : memref<2x16x128xf32, #tpu.memory_space<vmem>>, vector<1x1x16xf32>,
        %swap3A_1668 = vector.shape_cast %swap3A_1667 : vector<1x1x16xf32> to vector<16xf32>
        %swap3A_1669 = vector.shape_cast %mul3A_1660 : vector<16xf32> to vector<1x1x16xf32>
        tpu.vector_store %arg7[%swap3A_1664, %swap3A_1665, %swap3A_1666], %swap3A_1669 {strides = array<i32>} : memref<2x16x128xf32, #tpu.memory_space<vmem>>, vector<1x1x16xf32>,
        %mul3A_1670 = vector.broadcast %scan3A_687 : f32 to vector<16xf32>
        %mul3A_1671 = arith.mulf %add3A_1634, %mul3A_1670 : vector<16xf32>
        %add3A_1672 = arith.constant 32 : i32
        %add3A_1673 = arith.addi %mul3A_1648, %add3A_1672 : i32
        %swap3A_1674 = arith.constant 0 : i32
        %swap3A_1675 = arith.index_cast %swap3A_1674 : i32 to index
        %swap3A_1676 = arith.index_cast %shift_right_arithmetic3A_1644 : i32 to index
        %swap3A_1677 = arith.index_cast %add3A_1673 : i32 to index
        %swap3A_1678 = tpu.vector_load %arg7[%swap3A_1675, %swap3A_1676, %swap3A_1677] {strides = array<i32>} : memref<2x16x128xf32, #tpu.memory_space<vmem>>, vector<1x1x16xf32>,
        %swap3A_1679 = vector.shape_cast %swap3A_1678 : vector<1x1x16xf32> to vector<16xf32>
        %swap3A_1680 = vector.shape_cast %mul3A_1671 : vector<16xf32> to vector<1x1x16xf32>
        tpu.vector_store %arg7[%swap3A_1675, %swap3A_1676, %swap3A_1677], %swap3A_1680 {strides = array<i32>} : memref<2x16x128xf32, #tpu.memory_space<vmem>>, vector<1x1x16xf32>,
        %mul3A_1681 = vector.broadcast %scan3A_687 : f32 to vector<16xf32>
        %mul3A_1682 = arith.mulf %add3A_1643, %mul3A_1681 : vector<16xf32>
        %add3A_1683 = arith.constant 48 : i32
        %add3A_1684 = arith.addi %mul3A_1648, %add3A_1683 : i32
        %swap3A_1685 = arith.constant 0 : i32
        %swap3A_1686 = arith.index_cast %swap3A_1685 : i32 to index
        %swap3A_1687 = arith.index_cast %shift_right_arithmetic3A_1644 : i32 to index
        %swap3A_1688 = arith.index_cast %add3A_1684 : i32 to index
        %swap3A_1689 = tpu.vector_load %arg7[%swap3A_1686, %swap3A_1687, %swap3A_1688] {strides = array<i32>} : memref<2x16x128xf32, #tpu.memory_space<vmem>>, vector<1x1x16xf32>,
        %swap3A_1690 = vector.shape_cast %swap3A_1689 : vector<1x1x16xf32> to vector<16xf32>
        %swap3A_1691 = vector.shape_cast %mul3A_1682 : vector<16xf32> to vector<1x1x16xf32>
        tpu.vector_store %arg7[%swap3A_1686, %swap3A_1687, %swap3A_1688], %swap3A_1691 {strides = array<i32>} : memref<2x16x128xf32, #tpu.memory_space<vmem>>, vector<1x1x16xf32>,
      }
      %scan3A_806 = arith.constant 32 : i32
      %mul3A_807 = arith.constant 32 : i32
      %mul3A_808 = arith.muli %add3A_772, %mul3A_807 : i32
      %add3A_809 = arith.addi %mul3A_2, %mul3A_808 : i32
      %jit3A_810 = arith.constant 2 : i32
      %div3A_811 = arith.divsi %add3A_809, %jit3A_810 : i32
      %sign3A_812 = arith.constant 0 : i32
      %sign3A_813 = arith.cmpi sgt, %add3A_809, %sign3A_812 : i32
      %sign3A_814 = arith.extui %sign3A_813 : i1 to i32
      %sign3A_815 = arith.constant 0 : i32
      %sign3A_816 = arith.cmpi slt, %add3A_809, %sign3A_815 : i32
      %sign3A_817 = arith.extui %sign3A_816 : i1 to i32
      %sign3A_818 = arith.subi %sign3A_814, %sign3A_817 : i32
      %sign3A_819 = arith.constant 0 : i32
      %sign3A_820 = arith.cmpi sgt, %jit3A_810, %sign3A_819 : i32
      %sign3A_821 = arith.extui %sign3A_820 : i1 to i32
      %sign3A_822 = arith.constant 0 : i32
      %sign3A_823 = arith.cmpi slt, %jit3A_810, %sign3A_822 : i32
      %sign3A_824 = arith.extui %sign3A_823 : i1 to i32
      %sign3A_825 = arith.subi %sign3A_821, %sign3A_824 : i32
      %ne3A_826 = arith.cmpi ne, %sign3A_818, %sign3A_825 : i32
      %rem3A_827 = arith.remsi %add3A_809, %jit3A_810 : i32
      %ne3A_828 = arith.constant 0 : i32
      %ne3A_829 = arith.cmpi ne, %rem3A_827, %ne3A_828 : i32
      %and3A_830 = arith.andi %ne3A_826, %ne3A_829 : i1
      %sub3A_831 = arith.constant 1 : i32
      %sub3A_832 = arith.subi %div3A_811, %sub3A_831 : i32
      %select_n3A_833 = arith.select %and3A_830, %sub3A_832, %div3A_811 : i32
      %dma_start3A_834 = arith.constant 0 : i32
      %dma_start3A_835 = arith.constant 0 : i32
      %dma_start3A_836 = arith.constant 0 : i32
      %dma_start3A_837 = arith.constant 0 : i32
      %dma_start3A_838 = tpu.memref_slice %arg7[%dma_start3A_834, %dma_start3A_836, %dma_start3A_837] : memref<2x16x128xf32, #tpu.memory_space<vmem>> -> memref<1x16x128xf32, #tpu.memory_space<vmem>>
      %dma_start3A_839 = tpu.memref_squeeze %dma_start3A_838 : memref<1x16x128xf32, #tpu.memory_space<vmem>> -> memref<16x128xf32, #tpu.memory_space<vmem>>
      %dma_start3A_840 = arith.constant 0 : i32
      %dma_start3A_841 = tpu.memref_slice %arg4[%select_n3A_833, %dma_start3A_840] : memref<8192x128xf32, #tpu.memory_space<hbm>> -> memref<16x128xf32, #tpu.memory_space<hbm>>
      %dma_start3A_842 = tpu.memref_slice %arg9[%dma_start3A_835] : memref<2x!tpu.dma_semaphore, #tpu.memory_space<semaphore_mem>> -> memref<1x!tpu.dma_semaphore, #tpu.memory_space<semaphore_mem>>
      %dma_start3A_843 = tpu.memref_squeeze %dma_start3A_842 : memref<1x!tpu.dma_semaphore, #tpu.memory_space<semaphore_mem>> -> memref<!tpu.dma_semaphore, #tpu.memory_space<semaphore_mem>>
      %dma_start3A_844 = arith.constant 0 : i32
      %dma_start3A_845 = tpu.memref_slice %arg4[%select_n3A_833, %dma_start3A_844] : memref<8192x128xf32, #tpu.memory_space<hbm>> -> memref<16x128xf32, #tpu.memory_space<hbm>>
      %dma_start3A_846 = arith.constant 0 : i32
      %dma_start3A_847 = arith.constant 0 : i32
      %dma_start3A_848 = tpu.memref_slice %arg7[%dma_start3A_834, %dma_start3A_846, %dma_start3A_847] : memref<2x16x128xf32, #tpu.memory_space<vmem>> -> memref<1x16x128xf32, #tpu.memory_space<vmem>>
      %dma_start3A_849 = tpu.memref_squeeze %dma_start3A_848 : memref<1x16x128xf32, #tpu.memory_space<vmem>> -> memref<16x128xf32, #tpu.memory_space<vmem>>
      tpu.enqueue_dma source(%dma_start3A_849 : memref<16x128xf32, #tpu.memory_space<vmem>>) target(%dma_start3A_845 : memref<16x128xf32, #tpu.memory_space<hbm>>) target_semaphore(%dma_start3A_843 : memref<!tpu.dma_semaphore, #tpu.memory_space<semaphore_mem>>)
      %add3A_850 = arith.constant 1 : i32
      %add3A_851 = arith.addi %mul3A_770, %add3A_850 : i32
      %add3A_852 = arith.constant 1 : i32
      %add3A_853 = arith.addi %add3A_851, %add3A_852 : i32
      %lt3A_854 = arith.constant 16 : i32
      %lt3A_855 = arith.cmpi slt, %add3A_853, %lt3A_854 : i32
      %convert_element_type3A_856 = arith.extui %lt3A_855 : i1 to i32
      %cond3A_857 = arith.constant 0 : i32
      %cond3A_858 = arith.cmpi ne, %convert_element_type3A_856, %cond3A_857 : i32
      scf.if %cond3A_858 {
        %mul3A_933 = arith.constant 640 : i32
        %mul3A_934 = arith.muli %add3A_853, %mul3A_933 : i32
        %add3A_935 = arith.constant 0 : i32
        %add3A_936 = arith.addi %mul3A_934, %add3A_935 : i32
        %get3A_937 = arith.index_cast %add3A_936 : i32 to index
        %get3A_938 = tpu.vector_load %arg5[%get3A_937] {strides = array<i32>} : memref<10240xi32, #tpu.memory_space<vmem>>, vector<16xi32>,
        %get3A_939 = vector.shape_cast %get3A_938 : vector<16xi32> to vector<16xi32>
        %dma_start3A_940 = arith.constant 0 : i32
        %dma_start3A_941 = arith.constant 0 : i32
        %dma_start3A_942 = arith.constant 0 : i32
        %dma_start3A_943 = arith.constant 0 : i32
        %dma_start3A_944 = tpu.memref_slice %arg6[%dma_start3A_940, %dma_start3A_942, %dma_start3A_943] : memref<2x640x64xf32, #tpu.memory_space<vmem>> -> memref<1x640x64xf32, #tpu.memory_space<vmem>>
        %dma_start3A_945 = tpu.memref_squeeze %dma_start3A_944 : memref<1x640x64xf32, #tpu.memory_space<vmem>> -> memref<640x64xf32, #tpu.memory_space<vmem>>
        %dma_start3A_946 = arith.constant 0 : i32
        %dma_start3A_947 = arith.constant 0 : i32
        %dma_start3A_948 = tpu.memref_slice %dma_start3A_945[%dma_start3A_946, %dma_start3A_947] : memref<640x64xf32, #tpu.memory_space<vmem>> -> memref<16x64xf32, #tpu.memory_space<vmem>>
        %dma_start3A_949 = arith.constant 0 : i32
        %dma_start3A_950 = arith.constant 0 : i32
        %dma_start3A_951 = tpu.memref_slice %arg3[%dma_start3A_949, %dma_start3A_950] : memref<1000000x64xf32, #tpu.memory_space<hbm>> -> memref<1000000x64xf32, #tpu.memory_space<hbm>>
        %dma_start3A_952 = tpu.memref_slice %arg8[%dma_start3A_941] : memref<2x!tpu.dma_semaphore, #tpu.memory_space<semaphore_mem>> -> memref<1x!tpu.dma_semaphore, #tpu.memory_space<semaphore_mem>>
        %dma_start3A_953 = tpu.memref_squeeze %dma_start3A_952 : memref<1x!tpu.dma_semaphore, #tpu.memory_space<semaphore_mem>> -> memref<!tpu.dma_semaphore, #tpu.memory_space<semaphore_mem>>
        tpu.enqueue_indirect_dma source(%dma_start3A_951 : memref<1000000x64xf32, #tpu.memory_space<hbm>>) target(%dma_start3A_948 : memref<16x64xf32, #tpu.memory_space<vmem>>) offsets(%get3A_939 : vector<16xi32>) semaphore(%dma_start3A_953 : memref<!tpu.dma_semaphore, #tpu.memory_space<semaphore_mem>>)
        %mul3A_954 = arith.constant 640 : i32
        %mul3A_955 = arith.muli %add3A_853, %mul3A_954 : i32
        %add3A_956 = arith.constant 16 : i32
        %add3A_957 = arith.addi %mul3A_955, %add3A_956 : i32
        %get3A_958 = arith.index_cast %add3A_957 : i32 to index
        %get3A_959 = tpu.vector_load %arg5[%get3A_958] {strides = array<i32>} : memref<10240xi32, #tpu.memory_space<vmem>>, vector<16xi32>,
        %get3A_960 = vector.shape_cast %get3A_959 : vector<16xi32> to vector<16xi32>
        %dma_start3A_961 = arith.constant 0 : i32
        %dma_start3A_962 = arith.constant 0 : i32
        %dma_start3A_963 = arith.constant 0 : i32
        %dma_start3A_964 = arith.constant 0 : i32
        %dma_start3A_965 = tpu.memref_slice %arg6[%dma_start3A_961, %dma_start3A_963, %dma_start3A_964] : memref<2x640x64xf32, #tpu.memory_space<vmem>> -> memref<1x640x64xf32, #tpu.memory_space<vmem>>
        %dma_start3A_966 = tpu.memref_squeeze %dma_start3A_965 : memref<1x640x64xf32, #tpu.memory_space<vmem>> -> memref<640x64xf32, #tpu.memory_space<vmem>>
        %dma_start3A_967 = arith.constant 16 : i32
        %dma_start3A_968 = arith.constant 0 : i32
        %dma_start3A_969 = tpu.memref_slice %dma_start3A_966[%dma_start3A_967, %dma_start3A_968] : memref<640x64xf32, #tpu.memory_space<vmem>> -> memref<16x64xf32, #tpu.memory_space<vmem>>
        %dma_start3A_970 = arith.constant 0 : i32
        %dma_start3A_971 = arith.constant 0 : i32
        %dma_start3A_972 = tpu.memref_slice %arg3[%dma_start3A_970, %dma_start3A_971] : memref<1000000x64xf32, #tpu.memory_space<hbm>> -> memref<1000000x64xf32, #tpu.memory_space<hbm>>
        %dma_start3A_973 = tpu.memref_slice %arg8[%dma_start3A_962] : memref<2x!tpu.dma_semaphore, #tpu.memory_space<semaphore_mem>> -> memref<1x!tpu.dma_semaphore, #tpu.memory_space<semaphore_mem>>
        %dma_start3A_974 = tpu.memref_squeeze %dma_start3A_973 : memref<1x!tpu.dma_semaphore, #tpu.memory_space<semaphore_mem>> -> memref<!tpu.dma_semaphore, #tpu.memory_space<semaphore_mem>>
        tpu.enqueue_indirect_dma source(%dma_start3A_972 : memref<1000000x64xf32, #tpu.memory_space<hbm>>) target(%dma_start3A_969 : memref<16x64xf32, #tpu.memory_space<vmem>>) offsets(%get3A_960 : vector<16xi32>) semaphore(%dma_start3A_974 : memref<!tpu.dma_semaphore, #tpu.memory_space<semaphore_mem>>)
        %mul3A_975 = arith.constant 640 : i32
        %mul3A_976 = arith.muli %add3A_853, %mul3A_975 : i32
        %add3A_977 = arith.constant 32 : i32
        %add3A_978 = arith.addi %mul3A_976, %add3A_977 : i32
        %get3A_979 = arith.index_cast %add3A_978 : i32 to index
        %get3A_980 = tpu.vector_load %arg5[%get3A_979] {strides = array<i32>} : memref<10240xi32, #tpu.memory_space<vmem>>, vector<16xi32>,
        %get3A_981 = vector.shape_cast %get3A_980 : vector<16xi32> to vector<16xi32>
        %dma_start3A_982 = arith.constant 0 : i32
        %dma_start3A_983 = arith.constant 0 : i32
        %dma_start3A_984 = arith.constant 0 : i32
        %dma_start3A_985 = arith.constant 0 : i32
        %dma_start3A_986 = tpu.memref_slice %arg6[%dma_start3A_982, %dma_start3A_984, %dma_start3A_985] : memref<2x640x64xf32, #tpu.memory_space<vmem>> -> memref<1x640x64xf32, #tpu.memory_space<vmem>>
        %dma_start3A_987 = tpu.memref_squeeze %dma_start3A_986 : memref<1x640x64xf32, #tpu.memory_space<vmem>> -> memref<640x64xf32, #tpu.memory_space<vmem>>
        %dma_start3A_988 = arith.constant 32 : i32
        %dma_start3A_989 = arith.constant 0 : i32
        %dma_start3A_990 = tpu.memref_slice %dma_start3A_987[%dma_start3A_988, %dma_start3A_989] : memref<640x64xf32, #tpu.memory_space<vmem>> -> memref<16x64xf32, #tpu.memory_space<vmem>>
        %dma_start3A_991 = arith.constant 0 : i32
        %dma_start3A_992 = arith.constant 0 : i32
        %dma_start3A_993 = tpu.memref_slice %arg3[%dma_start3A_991, %dma_start3A_992] : memref<1000000x64xf32, #tpu.memory_space<hbm>> -> memref<1000000x64xf32, #tpu.memory_space<hbm>>
        %dma_start3A_994 = tpu.memref_slice %arg8[%dma_start3A_983] : memref<2x!tpu.dma_semaphore, #tpu.memory_space<semaphore_mem>> -> memref<1x!tpu.dma_semaphore, #tpu.memory_space<semaphore_mem>>
        %dma_start3A_995 = tpu.memref_squeeze %dma_start3A_994 : memref<1x!tpu.dma_semaphore, #tpu.memory_space<semaphore_mem>> -> memref<!tpu.dma_semaphore, #tpu.memory_space<semaphore_mem>>
        tpu.enqueue_indirect_dma source(%dma_start3A_993 : memref<1000000x64xf32, #tpu.memory_space<hbm>>) target(%dma_start3A_990 : memref<16x64xf32, #tpu.memory_space<vmem>>) offsets(%get3A_981 : vector<16xi32>) semaphore(%dma_start3A_995 : memref<!tpu.dma_semaphore, #tpu.memory_space<semaphore_mem>>)
        %mul3A_996 = arith.constant 640 : i32
        %mul3A_997 = arith.muli %add3A_853, %mul3A_996 : i32
        %add3A_998 = arith.constant 48 : i32
        %add3A_999 = arith.addi %mul3A_997, %add3A_998 : i32
        %get3A_1000 = arith.index_cast %add3A_999 : i32 to index
        %get3A_1001 = tpu.vector_load %arg5[%get3A_1000] {strides = array<i32>} : memref<10240xi32, #tpu.memory_space<vmem>>, vector<16xi32>,
        %get3A_1002 = vector.shape_cast %get3A_1001 : vector<16xi32> to vector<16xi32>
        %dma_start3A_1003 = arith.constant 0 : i32
        %dma_start3A_1004 = arith.constant 0 : i32
        %dma_start3A_1005 = arith.constant 0 : i32
        %dma_start3A_1006 = arith.constant 0 : i32
        %dma_start3A_1007 = tpu.memref_slice %arg6[%dma_start3A_1003, %dma_start3A_1005, %dma_start3A_1006] : memref<2x640x64xf32, #tpu.memory_space<vmem>> -> memref<1x640x64xf32, #tpu.memory_space<vmem>>
        %dma_start3A_1008 = tpu.memref_squeeze %dma_start3A_1007 : memref<1x640x64xf32, #tpu.memory_space<vmem>> -> memref<640x64xf32, #tpu.memory_space<vmem>>
        %dma_start3A_1009 = arith.constant 48 : i32
        %dma_start3A_1010 = arith.constant 0 : i32
        %dma_start3A_1011 = tpu.memref_slice %dma_start3A_1008[%dma_start3A_1009, %dma_start3A_1010] : memref<640x64xf32, #tpu.memory_space<vmem>> -> memref<16x64xf32, #tpu.memory_space<vmem>>
        %dma_start3A_1012 = arith.constant 0 : i32
        %dma_start3A_1013 = arith.constant 0 : i32
        %dma_start3A_1014 = tpu.memref_slice %arg3[%dma_start3A_1012, %dma_start3A_1013] : memref<1000000x64xf32, #tpu.memory_space<hbm>> -> memref<1000000x64xf32, #tpu.memory_space<hbm>>
        %dma_start3A_1015 = tpu.memref_slice %arg8[%dma_start3A_1004] : memref<2x!tpu.dma_semaphore, #tpu.memory_space<semaphore_mem>> -> memref<1x!tpu.dma_semaphore, #tpu.memory_space<semaphore_mem>>
        %dma_start3A_1016 = tpu.memref_squeeze %dma_start3A_1015 : memref<1x!tpu.dma_semaphore, #tpu.memory_space<semaphore_mem>> -> memref<!tpu.dma_semaphore, #tpu.memory_space<semaphore_mem>>
        tpu.enqueue_indirect_dma source(%dma_start3A_1014 : memref<1000000x64xf32, #tpu.memory_space<hbm>>) target(%dma_start3A_1011 : memref<16x64xf32, #tpu.memory_space<vmem>>) offsets(%get3A_1002 : vector<16xi32>) semaphore(%dma_start3A_1016 : memref<!tpu.dma_semaphore, #tpu.memory_space<semaphore_mem>>)
        %mul3A_1017 = arith.constant 640 : i32
        %mul3A_1018 = arith.muli %add3A_853, %mul3A_1017 : i32
        %add3A_1019 = arith.constant 64 : i32
        %add3A_1020 = arith.addi %mul3A_1018, %add3A_1019 : i32
        %get3A_1021 = arith.index_cast %add3A_1020 : i32 to index
        %get3A_1022 = tpu.vector_load %arg5[%get3A_1021] {strides = array<i32>} : memref<10240xi32, #tpu.memory_space<vmem>>, vector<16xi32>,
        %get3A_1023 = vector.shape_cast %get3A_1022 : vector<16xi32> to vector<16xi32>
        %dma_start3A_1024 = arith.constant 0 : i32
        %dma_start3A_1025 = arith.constant 0 : i32
        %dma_start3A_1026 = arith.constant 0 : i32
        %dma_start3A_1027 = arith.constant 0 : i32
        %dma_start3A_1028 = tpu.memref_slice %arg6[%dma_start3A_1024, %dma_start3A_1026, %dma_start3A_1027] : memref<2x640x64xf32, #tpu.memory_space<vmem>> -> memref<1x640x64xf32, #tpu.memory_space<vmem>>
        %dma_start3A_1029 = tpu.memref_squeeze %dma_start3A_1028 : memref<1x640x64xf32, #tpu.memory_space<vmem>> -> memref<640x64xf32, #tpu.memory_space<vmem>>
        %dma_start3A_1030 = arith.constant 64 : i32
        %dma_start3A_1031 = arith.constant 0 : i32
        %dma_start3A_1032 = tpu.memref_slice %dma_start3A_1029[%dma_start3A_1030, %dma_start3A_1031] : memref<640x64xf32, #tpu.memory_space<vmem>> -> memref<16x64xf32, #tpu.memory_space<vmem>>
        %dma_start3A_1033 = arith.constant 0 : i32
        %dma_start3A_1034 = arith.constant 0 : i32
        %dma_start3A_1035 = tpu.memref_slice %arg3[%dma_start3A_1033, %dma_start3A_1034] : memref<1000000x64xf32, #tpu.memory_space<hbm>> -> memref<1000000x64xf32, #tpu.memory_space<hbm>>
        %dma_start3A_1036 = tpu.memref_slice %arg8[%dma_start3A_1025] : memref<2x!tpu.dma_semaphore, #tpu.memory_space<semaphore_mem>> -> memref<1x!tpu.dma_semaphore, #tpu.memory_space<semaphore_mem>>
        %dma_start3A_1037 = tpu.memref_squeeze %dma_start3A_1036 : memref<1x!tpu.dma_semaphore, #tpu.memory_space<semaphore_mem>> -> memref<!tpu.dma_semaphore, #tpu.memory_space<semaphore_mem>>
        tpu.enqueue_indirect_dma source(%dma_start3A_1035 : memref<1000000x64xf32, #tpu.memory_space<hbm>>) target(%dma_start3A_1032 : memref<16x64xf32, #tpu.memory_space<vmem>>) offsets(%get3A_1023 : vector<16xi32>) semaphore(%dma_start3A_1037 : memref<!tpu.dma_semaphore, #tpu.memory_space<semaphore_mem>>)
        %mul3A_1038 = arith.constant 640 : i32
        %mul3A_1039 = arith.muli %add3A_853, %mul3A_1038 : i32
        %add3A_1040 = arith.constant 80 : i32
        %add3A_1041 = arith.addi %mul3A_1039, %add3A_1040 : i32
        %get3A_1042 = arith.index_cast %add3A_1041 : i32 to index
        %get3A_1043 = tpu.vector_load %arg5[%get3A_1042] {strides = array<i32>} : memref<10240xi32, #tpu.memory_space<vmem>>, vector<16xi32>,
        %get3A_1044 = vector.shape_cast %get3A_1043 : vector<16xi32> to vector<16xi32>
        %dma_start3A_1045 = arith.constant 0 : i32
        %dma_start3A_1046 = arith.constant 0 : i32
        %dma_start3A_1047 = arith.constant 0 : i32
        %dma_start3A_1048 = arith.constant 0 : i32
        %dma_start3A_1049 = tpu.memref_slice %arg6[%dma_start3A_1045, %dma_start3A_1047, %dma_start3A_1048] : memref<2x640x64xf32, #tpu.memory_space<vmem>> -> memref<1x640x64xf32, #tpu.memory_space<vmem>>
        %dma_start3A_1050 = tpu.memref_squeeze %dma_start3A_1049 : memref<1x640x64xf32, #tpu.memory_space<vmem>> -> memref<640x64xf32, #tpu.memory_space<vmem>>
        %dma_start3A_1051 = arith.constant 80 : i32
        %dma_start3A_1052 = arith.constant 0 : i32
        %dma_start3A_1053 = tpu.memref_slice %dma_start3A_1050[%dma_start3A_1051, %dma_start3A_1052] : memref<640x64xf32, #tpu.memory_space<vmem>> -> memref<16x64xf32, #tpu.memory_space<vmem>>
        %dma_start3A_1054 = arith.constant 0 : i32
        %dma_start3A_1055 = arith.constant 0 : i32
        %dma_start3A_1056 = tpu.memref_slice %arg3[%dma_start3A_1054, %dma_start3A_1055] : memref<1000000x64xf32, #tpu.memory_space<hbm>> -> memref<1000000x64xf32, #tpu.memory_space<hbm>>
        %dma_start3A_1057 = tpu.memref_slice %arg8[%dma_start3A_1046] : memref<2x!tpu.dma_semaphore, #tpu.memory_space<semaphore_mem>> -> memref<1x!tpu.dma_semaphore, #tpu.memory_space<semaphore_mem>>
        %dma_start3A_1058 = tpu.memref_squeeze %dma_start3A_1057 : memref<1x!tpu.dma_semaphore, #tpu.memory_space<semaphore_mem>> -> memref<!tpu.dma_semaphore, #tpu.memory_space<semaphore_mem>>
        tpu.enqueue_indirect_dma source(%dma_start3A_1056 : memref<1000000x64xf32, #tpu.memory_space<hbm>>) target(%dma_start3A_1053 : memref<16x64xf32, #tpu.memory_space<vmem>>) offsets(%get3A_1044 : vector<16xi32>) semaphore(%dma_start3A_1058 : memref<!tpu.dma_semaphore, #tpu.memory_space<semaphore_mem>>)
        %mul3A_1059 = arith.constant 640 : i32
        %mul3A_1060 = arith.muli %add3A_853, %mul3A_1059 : i32
        %add3A_1061 = arith.constant 96 : i32
        %add3A_1062 = arith.addi %mul3A_1060, %add3A_1061 : i32
        %get3A_1063 = arith.index_cast %add3A_1062 : i32 to index
        %get3A_1064 = tpu.vector_load %arg5[%get3A_1063] {strides = array<i32>} : memref<10240xi32, #tpu.memory_space<vmem>>, vector<16xi32>,
        %get3A_1065 = vector.shape_cast %get3A_1064 : vector<16xi32> to vector<16xi32>
        %dma_start3A_1066 = arith.constant 0 : i32
        %dma_start3A_1067 = arith.constant 0 : i32
        %dma_start3A_1068 = arith.constant 0 : i32
        %dma_start3A_1069 = arith.constant 0 : i32
        %dma_start3A_1070 = tpu.memref_slice %arg6[%dma_start3A_1066, %dma_start3A_1068, %dma_start3A_1069] : memref<2x640x64xf32, #tpu.memory_space<vmem>> -> memref<1x640x64xf32, #tpu.memory_space<vmem>>
        %dma_start3A_1071 = tpu.memref_squeeze %dma_start3A_1070 : memref<1x640x64xf32, #tpu.memory_space<vmem>> -> memref<640x64xf32, #tpu.memory_space<vmem>>
        %dma_start3A_1072 = arith.constant 96 : i32
        %dma_start3A_1073 = arith.constant 0 : i32
        %dma_start3A_1074 = tpu.memref_slice %dma_start3A_1071[%dma_start3A_1072, %dma_start3A_1073] : memref<640x64xf32, #tpu.memory_space<vmem>> -> memref<16x64xf32, #tpu.memory_space<vmem>>
        %dma_start3A_1075 = arith.constant 0 : i32
        %dma_start3A_1076 = arith.constant 0 : i32
        %dma_start3A_1077 = tpu.memref_slice %arg3[%dma_start3A_1075, %dma_start3A_1076] : memref<1000000x64xf32, #tpu.memory_space<hbm>> -> memref<1000000x64xf32, #tpu.memory_space<hbm>>
        %dma_start3A_1078 = tpu.memref_slice %arg8[%dma_start3A_1067] : memref<2x!tpu.dma_semaphore, #tpu.memory_space<semaphore_mem>> -> memref<1x!tpu.dma_semaphore, #tpu.memory_space<semaphore_mem>>
        %dma_start3A_1079 = tpu.memref_squeeze %dma_start3A_1078 : memref<1x!tpu.dma_semaphore, #tpu.memory_space<semaphore_mem>> -> memref<!tpu.dma_semaphore, #tpu.memory_space<semaphore_mem>>
        tpu.enqueue_indirect_dma source(%dma_start3A_1077 : memref<1000000x64xf32, #tpu.memory_space<hbm>>) target(%dma_start3A_1074 : memref<16x64xf32, #tpu.memory_space<vmem>>) offsets(%get3A_1065 : vector<16xi32>) semaphore(%dma_start3A_1079 : memref<!tpu.dma_semaphore, #tpu.memory_space<semaphore_mem>>)
        %mul3A_1080 = arith.constant 640 : i32
        %mul3A_1081 = arith.muli %add3A_853, %mul3A_1080 : i32
        %add3A_1082 = arith.constant 112 : i32
        %add3A_1083 = arith.addi %mul3A_1081, %add3A_1082 : i32
        %get3A_1084 = arith.index_cast %add3A_1083 : i32 to index
        %get3A_1085 = tpu.vector_load %arg5[%get3A_1084] {strides = array<i32>} : memref<10240xi32, #tpu.memory_space<vmem>>, vector<16xi32>,
        %get3A_1086 = vector.shape_cast %get3A_1085 : vector<16xi32> to vector<16xi32>
        %dma_start3A_1087 = arith.constant 0 : i32
        %dma_start3A_1088 = arith.constant 0 : i32
        %dma_start3A_1089 = arith.constant 0 : i32
        %dma_start3A_1090 = arith.constant 0 : i32
        %dma_start3A_1091 = tpu.memref_slice %arg6[%dma_start3A_1087, %dma_start3A_1089, %dma_start3A_1090] : memref<2x640x64xf32, #tpu.memory_space<vmem>> -> memref<1x640x64xf32, #tpu.memory_space<vmem>>
        %dma_start3A_1092 = tpu.memref_squeeze %dma_start3A_1091 : memref<1x640x64xf32, #tpu.memory_space<vmem>> -> memref<640x64xf32, #tpu.memory_space<vmem>>
        %dma_start3A_1093 = arith.constant 112 : i32
        %dma_start3A_1094 = arith.constant 0 : i32
        %dma_start3A_1095 = tpu.memref_slice %dma_start3A_1092[%dma_start3A_1093, %dma_start3A_1094] : memref<640x64xf32, #tpu.memory_space<vmem>> -> memref<16x64xf32, #tpu.memory_space<vmem>>
        %dma_start3A_1096 = arith.constant 0 : i32
        %dma_start3A_1097 = arith.constant 0 : i32
        %dma_start3A_1098 = tpu.memref_slice %arg3[%dma_start3A_1096, %dma_start3A_1097] : memref<1000000x64xf32, #tpu.memory_space<hbm>> -> memref<1000000x64xf32, #tpu.memory_space<hbm>>
        %dma_start3A_1099 = tpu.memref_slice %arg8[%dma_start3A_1088] : memref<2x!tpu.dma_semaphore, #tpu.memory_space<semaphore_mem>> -> memref<1x!tpu.dma_semaphore, #tpu.memory_space<semaphore_mem>>
        %dma_start3A_1100 = tpu.memref_squeeze %dma_start3A_1099 : memref<1x!tpu.dma_semaphore, #tpu.memory_space<semaphore_mem>> -> memref<!tpu.dma_semaphore, #tpu.memory_space<semaphore_mem>>
        tpu.enqueue_indirect_dma source(%dma_start3A_1098 : memref<1000000x64xf32, #tpu.memory_space<hbm>>) target(%dma_start3A_1095 : memref<16x64xf32, #tpu.memory_space<vmem>>) offsets(%get3A_1086 : vector<16xi32>) semaphore(%dma_start3A_1100 : memref<!tpu.dma_semaphore, #tpu.memory_space<semaphore_mem>>)
        %mul3A_1101 = arith.constant 640 : i32
        %mul3A_1102 = arith.muli %add3A_853, %mul3A_1101 : i32
        %add3A_1103 = arith.constant 128 : i32
        %add3A_1104 = arith.addi %mul3A_1102, %add3A_1103 : i32
        %get3A_1105 = arith.index_cast %add3A_1104 : i32 to index
        %get3A_1106 = tpu.vector_load %arg5[%get3A_1105] {strides = array<i32>} : memref<10240xi32, #tpu.memory_space<vmem>>, vector<16xi32>,
        %get3A_1107 = vector.shape_cast %get3A_1106 : vector<16xi32> to vector<16xi32>
        %dma_start3A_1108 = arith.constant 0 : i32
        %dma_start3A_1109 = arith.constant 0 : i32
        %dma_start3A_1110 = arith.constant 0 : i32
        %dma_start3A_1111 = arith.constant 0 : i32
        %dma_start3A_1112 = tpu.memref_slice %arg6[%dma_start3A_1108, %dma_start3A_1110, %dma_start3A_1111] : memref<2x640x64xf32, #tpu.memory_space<vmem>> -> memref<1x640x64xf32, #tpu.memory_space<vmem>>
        %dma_start3A_1113 = tpu.memref_squeeze %dma_start3A_1112 : memref<1x640x64xf32, #tpu.memory_space<vmem>> -> memref<640x64xf32, #tpu.memory_space<vmem>>
        %dma_start3A_1114 = arith.constant 128 : i32
        %dma_start3A_1115 = arith.constant 0 : i32
        %dma_start3A_1116 = tpu.memref_slice %dma_start3A_1113[%dma_start3A_1114, %dma_start3A_1115] : memref<640x64xf32, #tpu.memory_space<vmem>> -> memref<16x64xf32, #tpu.memory_space<vmem>>
        %dma_start3A_1117 = arith.constant 0 : i32
        %dma_start3A_1118 = arith.constant 0 : i32
        %dma_start3A_1119 = tpu.memref_slice %arg3[%dma_start3A_1117, %dma_start3A_1118] : memref<1000000x64xf32, #tpu.memory_space<hbm>> -> memref<1000000x64xf32, #tpu.memory_space<hbm>>
        %dma_start3A_1120 = tpu.memref_slice %arg8[%dma_start3A_1109] : memref<2x!tpu.dma_semaphore, #tpu.memory_space<semaphore_mem>> -> memref<1x!tpu.dma_semaphore, #tpu.memory_space<semaphore_mem>>
        %dma_start3A_1121 = tpu.memref_squeeze %dma_start3A_1120 : memref<1x!tpu.dma_semaphore, #tpu.memory_space<semaphore_mem>> -> memref<!tpu.dma_semaphore, #tpu.memory_space<semaphore_mem>>
        tpu.enqueue_indirect_dma source(%dma_start3A_1119 : memref<1000000x64xf32, #tpu.memory_space<hbm>>) target(%dma_start3A_1116 : memref<16x64xf32, #tpu.memory_space<vmem>>) offsets(%get3A_1107 : vector<16xi32>) semaphore(%dma_start3A_1121 : memref<!tpu.dma_semaphore, #tpu.memory_space<semaphore_mem>>)
        %mul3A_1122 = arith.constant 640 : i32
        %mul3A_1123 = arith.muli %add3A_853, %mul3A_1122 : i32
        %add3A_1124 = arith.constant 144 : i32
        %add3A_1125 = arith.addi %mul3A_1123, %add3A_1124 : i32
        %get3A_1126 = arith.index_cast %add3A_1125 : i32 to index
        %get3A_1127 = tpu.vector_load %arg5[%get3A_1126] {strides = array<i32>} : memref<10240xi32, #tpu.memory_space<vmem>>, vector<16xi32>,
        %get3A_1128 = vector.shape_cast %get3A_1127 : vector<16xi32> to vector<16xi32>
        %dma_start3A_1129 = arith.constant 0 : i32
        %dma_start3A_1130 = arith.constant 0 : i32
        %dma_start3A_1131 = arith.constant 0 : i32
        %dma_start3A_1132 = arith.constant 0 : i32
        %dma_start3A_1133 = tpu.memref_slice %arg6[%dma_start3A_1129, %dma_start3A_1131, %dma_start3A_1132] : memref<2x640x64xf32, #tpu.memory_space<vmem>> -> memref<1x640x64xf32, #tpu.memory_space<vmem>>
        %dma_start3A_1134 = tpu.memref_squeeze %dma_start3A_1133 : memref<1x640x64xf32, #tpu.memory_space<vmem>> -> memref<640x64xf32, #tpu.memory_space<vmem>>
        %dma_start3A_1135 = arith.constant 144 : i32
        %dma_start3A_1136 = arith.constant 0 : i32
        %dma_start3A_1137 = tpu.memref_slice %dma_start3A_1134[%dma_start3A_1135, %dma_start3A_1136] : memref<640x64xf32, #tpu.memory_space<vmem>> -> memref<16x64xf32, #tpu.memory_space<vmem>>
        %dma_start3A_1138 = arith.constant 0 : i32
        %dma_start3A_1139 = arith.constant 0 : i32
        %dma_start3A_1140 = tpu.memref_slice %arg3[%dma_start3A_1138, %dma_start3A_1139] : memref<1000000x64xf32, #tpu.memory_space<hbm>> -> memref<1000000x64xf32, #tpu.memory_space<hbm>>
        %dma_start3A_1141 = tpu.memref_slice %arg8[%dma_start3A_1130] : memref<2x!tpu.dma_semaphore, #tpu.memory_space<semaphore_mem>> -> memref<1x!tpu.dma_semaphore, #tpu.memory_space<semaphore_mem>>
        %dma_start3A_1142 = tpu.memref_squeeze %dma_start3A_1141 : memref<1x!tpu.dma_semaphore, #tpu.memory_space<semaphore_mem>> -> memref<!tpu.dma_semaphore, #tpu.memory_space<semaphore_mem>>
        tpu.enqueue_indirect_dma source(%dma_start3A_1140 : memref<1000000x64xf32, #tpu.memory_space<hbm>>) target(%dma_start3A_1137 : memref<16x64xf32, #tpu.memory_space<vmem>>) offsets(%get3A_1128 : vector<16xi32>) semaphore(%dma_start3A_1142 : memref<!tpu.dma_semaphore, #tpu.memory_space<semaphore_mem>>)
        %mul3A_1143 = arith.constant 640 : i32
        %mul3A_1144 = arith.muli %add3A_853, %mul3A_1143 : i32
        %add3A_1145 = arith.constant 160 : i32
        %add3A_1146 = arith.addi %mul3A_1144, %add3A_1145 : i32
        %get3A_1147 = arith.index_cast %add3A_1146 : i32 to index
        %get3A_1148 = tpu.vector_load %arg5[%get3A_1147] {strides = array<i32>} : memref<10240xi32, #tpu.memory_space<vmem>>, vector<16xi32>,
        %get3A_1149 = vector.shape_cast %get3A_1148 : vector<16xi32> to vector<16xi32>
        %dma_start3A_1150 = arith.constant 0 : i32
        %dma_start3A_1151 = arith.constant 0 : i32
        %dma_start3A_1152 = arith.constant 0 : i32
        %dma_start3A_1153 = arith.constant 0 : i32
        %dma_start3A_1154 = tpu.memref_slice %arg6[%dma_start3A_1150, %dma_start3A_1152, %dma_start3A_1153] : memref<2x640x64xf32, #tpu.memory_space<vmem>> -> memref<1x640x64xf32, #tpu.memory_space<vmem>>
        %dma_start3A_1155 = tpu.memref_squeeze %dma_start3A_1154 : memref<1x640x64xf32, #tpu.memory_space<vmem>> -> memref<640x64xf32, #tpu.memory_space<vmem>>
        %dma_start3A_1156 = arith.constant 160 : i32
        %dma_start3A_1157 = arith.constant 0 : i32
        %dma_start3A_1158 = tpu.memref_slice %dma_start3A_1155[%dma_start3A_1156, %dma_start3A_1157] : memref<640x64xf32, #tpu.memory_space<vmem>> -> memref<16x64xf32, #tpu.memory_space<vmem>>
        %dma_start3A_1159 = arith.constant 0 : i32
        %dma_start3A_1160 = arith.constant 0 : i32
        %dma_start3A_1161 = tpu.memref_slice %arg3[%dma_start3A_1159, %dma_start3A_1160] : memref<1000000x64xf32, #tpu.memory_space<hbm>> -> memref<1000000x64xf32, #tpu.memory_space<hbm>>
        %dma_start3A_1162 = tpu.memref_slice %arg8[%dma_start3A_1151] : memref<2x!tpu.dma_semaphore, #tpu.memory_space<semaphore_mem>> -> memref<1x!tpu.dma_semaphore, #tpu.memory_space<semaphore_mem>>
        %dma_start3A_1163 = tpu.memref_squeeze %dma_start3A_1162 : memref<1x!tpu.dma_semaphore, #tpu.memory_space<semaphore_mem>> -> memref<!tpu.dma_semaphore, #tpu.memory_space<semaphore_mem>>
        tpu.enqueue_indirect_dma source(%dma_start3A_1161 : memref<1000000x64xf32, #tpu.memory_space<hbm>>) target(%dma_start3A_1158 : memref<16x64xf32, #tpu.memory_space<vmem>>) offsets(%get3A_1149 : vector<16xi32>) semaphore(%dma_start3A_1163 : memref<!tpu.dma_semaphore, #tpu.memory_space<semaphore_mem>>)
        %mul3A_1164 = arith.constant 640 : i32
        %mul3A_1165 = arith.muli %add3A_853, %mul3A_1164 : i32
        %add3A_1166 = arith.constant 176 : i32
        %add3A_1167 = arith.addi %mul3A_1165, %add3A_1166 : i32
        %get3A_1168 = arith.index_cast %add3A_1167 : i32 to index
        %get3A_1169 = tpu.vector_load %arg5[%get3A_1168] {strides = array<i32>} : memref<10240xi32, #tpu.memory_space<vmem>>, vector<16xi32>,
        %get3A_1170 = vector.shape_cast %get3A_1169 : vector<16xi32> to vector<16xi32>
        %dma_start3A_1171 = arith.constant 0 : i32
        %dma_start3A_1172 = arith.constant 0 : i32
        %dma_start3A_1173 = arith.constant 0 : i32
        %dma_start3A_1174 = arith.constant 0 : i32
        %dma_start3A_1175 = tpu.memref_slice %arg6[%dma_start3A_1171, %dma_start3A_1173, %dma_start3A_1174] : memref<2x640x64xf32, #tpu.memory_space<vmem>> -> memref<1x640x64xf32, #tpu.memory_space<vmem>>
        %dma_start3A_1176 = tpu.memref_squeeze %dma_start3A_1175 : memref<1x640x64xf32, #tpu.memory_space<vmem>> -> memref<640x64xf32, #tpu.memory_space<vmem>>
        %dma_start3A_1177 = arith.constant 176 : i32
        %dma_start3A_1178 = arith.constant 0 : i32
        %dma_start3A_1179 = tpu.memref_slice %dma_start3A_1176[%dma_start3A_1177, %dma_start3A_1178] : memref<640x64xf32, #tpu.memory_space<vmem>> -> memref<16x64xf32, #tpu.memory_space<vmem>>
        %dma_start3A_1180 = arith.constant 0 : i32
        %dma_start3A_1181 = arith.constant 0 : i32
        %dma_start3A_1182 = tpu.memref_slice %arg3[%dma_start3A_1180, %dma_start3A_1181] : memref<1000000x64xf32, #tpu.memory_space<hbm>> -> memref<1000000x64xf32, #tpu.memory_space<hbm>>
        %dma_start3A_1183 = tpu.memref_slice %arg8[%dma_start3A_1172] : memref<2x!tpu.dma_semaphore, #tpu.memory_space<semaphore_mem>> -> memref<1x!tpu.dma_semaphore, #tpu.memory_space<semaphore_mem>>
        %dma_start3A_1184 = tpu.memref_squeeze %dma_start3A_1183 : memref<1x!tpu.dma_semaphore, #tpu.memory_space<semaphore_mem>> -> memref<!tpu.dma_semaphore, #tpu.memory_space<semaphore_mem>>
        tpu.enqueue_indirect_dma source(%dma_start3A_1182 : memref<1000000x64xf32, #tpu.memory_space<hbm>>) target(%dma_start3A_1179 : memref<16x64xf32, #tpu.memory_space<vmem>>) offsets(%get3A_1170 : vector<16xi32>) semaphore(%dma_start3A_1184 : memref<!tpu.dma_semaphore, #tpu.memory_space<semaphore_mem>>)
        %mul3A_1185 = arith.constant 640 : i32
        %mul3A_1186 = arith.muli %add3A_853, %mul3A_1185 : i32
        %add3A_1187 = arith.constant 192 : i32
        %add3A_1188 = arith.addi %mul3A_1186, %add3A_1187 : i32
        %get3A_1189 = arith.index_cast %add3A_1188 : i32 to index
        %get3A_1190 = tpu.vector_load %arg5[%get3A_1189] {strides = array<i32>} : memref<10240xi32, #tpu.memory_space<vmem>>, vector<16xi32>,
        %get3A_1191 = vector.shape_cast %get3A_1190 : vector<16xi32> to vector<16xi32>
        %dma_start3A_1192 = arith.constant 0 : i32
        %dma_start3A_1193 = arith.constant 0 : i32
        %dma_start3A_1194 = arith.constant 0 : i32
        %dma_start3A_1195 = arith.constant 0 : i32
        %dma_start3A_1196 = tpu.memref_slice %arg6[%dma_start3A_1192, %dma_start3A_1194, %dma_start3A_1195] : memref<2x640x64xf32, #tpu.memory_space<vmem>> -> memref<1x640x64xf32, #tpu.memory_space<vmem>>
        %dma_start3A_1197 = tpu.memref_squeeze %dma_start3A_1196 : memref<1x640x64xf32, #tpu.memory_space<vmem>> -> memref<640x64xf32, #tpu.memory_space<vmem>>
        %dma_start3A_1198 = arith.constant 192 : i32
        %dma_start3A_1199 = arith.constant 0 : i32
        %dma_start3A_1200 = tpu.memref_slice %dma_start3A_1197[%dma_start3A_1198, %dma_start3A_1199] : memref<640x64xf32, #tpu.memory_space<vmem>> -> memref<16x64xf32, #tpu.memory_space<vmem>>
        %dma_start3A_1201 = arith.constant 0 : i32
        %dma_start3A_1202 = arith.constant 0 : i32
        %dma_start3A_1203 = tpu.memref_slice %arg3[%dma_start3A_1201, %dma_start3A_1202] : memref<1000000x64xf32, #tpu.memory_space<hbm>> -> memref<1000000x64xf32, #tpu.memory_space<hbm>>
        %dma_start3A_1204 = tpu.memref_slice %arg8[%dma_start3A_1193] : memref<2x!tpu.dma_semaphore, #tpu.memory_space<semaphore_mem>> -> memref<1x!tpu.dma_semaphore, #tpu.memory_space<semaphore_mem>>
        %dma_start3A_1205 = tpu.memref_squeeze %dma_start3A_1204 : memref<1x!tpu.dma_semaphore, #tpu.memory_space<semaphore_mem>> -> memref<!tpu.dma_semaphore, #tpu.memory_space<semaphore_mem>>
        tpu.enqueue_indirect_dma source(%dma_start3A_1203 : memref<1000000x64xf32, #tpu.memory_space<hbm>>) target(%dma_start3A_1200 : memref<16x64xf32, #tpu.memory_space<vmem>>) offsets(%get3A_1191 : vector<16xi32>) semaphore(%dma_start3A_1205 : memref<!tpu.dma_semaphore, #tpu.memory_space<semaphore_mem>>)
        %mul3A_1206 = arith.constant 640 : i32
        %mul3A_1207 = arith.muli %add3A_853, %mul3A_1206 : i32
        %add3A_1208 = arith.constant 208 : i32
        %add3A_1209 = arith.addi %mul3A_1207, %add3A_1208 : i32
        %get3A_1210 = arith.index_cast %add3A_1209 : i32 to index
        %get3A_1211 = tpu.vector_load %arg5[%get3A_1210] {strides = array<i32>} : memref<10240xi32, #tpu.memory_space<vmem>>, vector<16xi32>,
        %get3A_1212 = vector.shape_cast %get3A_1211 : vector<16xi32> to vector<16xi32>
        %dma_start3A_1213 = arith.constant 0 : i32
        %dma_start3A_1214 = arith.constant 0 : i32
        %dma_start3A_1215 = arith.constant 0 : i32
        %dma_start3A_1216 = arith.constant 0 : i32
        %dma_start3A_1217 = tpu.memref_slice %arg6[%dma_start3A_1213, %dma_start3A_1215, %dma_start3A_1216] : memref<2x640x64xf32, #tpu.memory_space<vmem>> -> memref<1x640x64xf32, #tpu.memory_space<vmem>>
        %dma_start3A_1218 = tpu.memref_squeeze %dma_start3A_1217 : memref<1x640x64xf32, #tpu.memory_space<vmem>> -> memref<640x64xf32, #tpu.memory_space<vmem>>
        %dma_start3A_1219 = arith.constant 208 : i32
        %dma_start3A_1220 = arith.constant 0 : i32
        %dma_start3A_1221 = tpu.memref_slice %dma_start3A_1218[%dma_start3A_1219, %dma_start3A_1220] : memref<640x64xf32, #tpu.memory_space<vmem>> -> memref<16x64xf32, #tpu.memory_space<vmem>>
        %dma_start3A_1222 = arith.constant 0 : i32
        %dma_start3A_1223 = arith.constant 0 : i32
        %dma_start3A_1224 = tpu.memref_slice %arg3[%dma_start3A_1222, %dma_start3A_1223] : memref<1000000x64xf32, #tpu.memory_space<hbm>> -> memref<1000000x64xf32, #tpu.memory_space<hbm>>
        %dma_start3A_1225 = tpu.memref_slice %arg8[%dma_start3A_1214] : memref<2x!tpu.dma_semaphore, #tpu.memory_space<semaphore_mem>> -> memref<1x!tpu.dma_semaphore, #tpu.memory_space<semaphore_mem>>
        %dma_start3A_1226 = tpu.memref_squeeze %dma_start3A_1225 : memref<1x!tpu.dma_semaphore, #tpu.memory_space<semaphore_mem>> -> memref<!tpu.dma_semaphore, #tpu.memory_space<semaphore_mem>>
        tpu.enqueue_indirect_dma source(%dma_start3A_1224 : memref<1000000x64xf32, #tpu.memory_space<hbm>>) target(%dma_start3A_1221 : memref<16x64xf32, #tpu.memory_space<vmem>>) offsets(%get3A_1212 : vector<16xi32>) semaphore(%dma_start3A_1226 : memref<!tpu.dma_semaphore, #tpu.memory_space<semaphore_mem>>)
        %mul3A_1227 = arith.constant 640 : i32
        %mul3A_1228 = arith.muli %add3A_853, %mul3A_1227 : i32
        %add3A_1229 = arith.constant 224 : i32
        %add3A_1230 = arith.addi %mul3A_1228, %add3A_1229 : i32
        %get3A_1231 = arith.index_cast %add3A_1230 : i32 to index
        %get3A_1232 = tpu.vector_load %arg5[%get3A_1231] {strides = array<i32>} : memref<10240xi32, #tpu.memory_space<vmem>>, vector<16xi32>,
        %get3A_1233 = vector.shape_cast %get3A_1232 : vector<16xi32> to vector<16xi32>
        %dma_start3A_1234 = arith.constant 0 : i32
        %dma_start3A_1235 = arith.constant 0 : i32
        %dma_start3A_1236 = arith.constant 0 : i32
        %dma_start3A_1237 = arith.constant 0 : i32
        %dma_start3A_1238 = tpu.memref_slice %arg6[%dma_start3A_1234, %dma_start3A_1236, %dma_start3A_1237] : memref<2x640x64xf32, #tpu.memory_space<vmem>> -> memref<1x640x64xf32, #tpu.memory_space<vmem>>
        %dma_start3A_1239 = tpu.memref_squeeze %dma_start3A_1238 : memref<1x640x64xf32, #tpu.memory_space<vmem>> -> memref<640x64xf32, #tpu.memory_space<vmem>>
        %dma_start3A_1240 = arith.constant 224 : i32
        %dma_start3A_1241 = arith.constant 0 : i32
        %dma_start3A_1242 = tpu.memref_slice %dma_start3A_1239[%dma_start3A_1240, %dma_start3A_1241] : memref<640x64xf32, #tpu.memory_space<vmem>> -> memref<16x64xf32, #tpu.memory_space<vmem>>
        %dma_start3A_1243 = arith.constant 0 : i32
        %dma_start3A_1244 = arith.constant 0 : i32
        %dma_start3A_1245 = tpu.memref_slice %arg3[%dma_start3A_1243, %dma_start3A_1244] : memref<1000000x64xf32, #tpu.memory_space<hbm>> -> memref<1000000x64xf32, #tpu.memory_space<hbm>>
        %dma_start3A_1246 = tpu.memref_slice %arg8[%dma_start3A_1235] : memref<2x!tpu.dma_semaphore, #tpu.memory_space<semaphore_mem>> -> memref<1x!tpu.dma_semaphore, #tpu.memory_space<semaphore_mem>>
        %dma_start3A_1247 = tpu.memref_squeeze %dma_start3A_1246 : memref<1x!tpu.dma_semaphore, #tpu.memory_space<semaphore_mem>> -> memref<!tpu.dma_semaphore, #tpu.memory_space<semaphore_mem>>
        tpu.enqueue_indirect_dma source(%dma_start3A_1245 : memref<1000000x64xf32, #tpu.memory_space<hbm>>) target(%dma_start3A_1242 : memref<16x64xf32, #tpu.memory_space<vmem>>) offsets(%get3A_1233 : vector<16xi32>) semaphore(%dma_start3A_1247 : memref<!tpu.dma_semaphore, #tpu.memory_space<semaphore_mem>>)
        %mul3A_1248 = arith.constant 640 : i32
        %mul3A_1249 = arith.muli %add3A_853, %mul3A_1248 : i32
        %add3A_1250 = arith.constant 240 : i32
        %add3A_1251 = arith.addi %mul3A_1249, %add3A_1250 : i32
        %get3A_1252 = arith.index_cast %add3A_1251 : i32 to index
        %get3A_1253 = tpu.vector_load %arg5[%get3A_1252] {strides = array<i32>} : memref<10240xi32, #tpu.memory_space<vmem>>, vector<16xi32>,
        %get3A_1254 = vector.shape_cast %get3A_1253 : vector<16xi32> to vector<16xi32>
        %dma_start3A_1255 = arith.constant 0 : i32
        %dma_start3A_1256 = arith.constant 0 : i32
        %dma_start3A_1257 = arith.constant 0 : i32
        %dma_start3A_1258 = arith.constant 0 : i32
        %dma_start3A_1259 = tpu.memref_slice %arg6[%dma_start3A_1255, %dma_start3A_1257, %dma_start3A_1258] : memref<2x640x64xf32, #tpu.memory_space<vmem>> -> memref<1x640x64xf32, #tpu.memory_space<vmem>>
        %dma_start3A_1260 = tpu.memref_squeeze %dma_start3A_1259 : memref<1x640x64xf32, #tpu.memory_space<vmem>> -> memref<640x64xf32, #tpu.memory_space<vmem>>
        %dma_start3A_1261 = arith.constant 240 : i32
        %dma_start3A_1262 = arith.constant 0 : i32
        %dma_start3A_1263 = tpu.memref_slice %dma_start3A_1260[%dma_start3A_1261, %dma_start3A_1262] : memref<640x64xf32, #tpu.memory_space<vmem>> -> memref<16x64xf32, #tpu.memory_space<vmem>>
        %dma_start3A_1264 = arith.constant 0 : i32
        %dma_start3A_1265 = arith.constant 0 : i32
        %dma_start3A_1266 = tpu.memref_slice %arg3[%dma_start3A_1264, %dma_start3A_1265] : memref<1000000x64xf32, #tpu.memory_space<hbm>> -> memref<1000000x64xf32, #tpu.memory_space<hbm>>
        %dma_start3A_1267 = tpu.memref_slice %arg8[%dma_start3A_1256] : memref<2x!tpu.dma_semaphore, #tpu.memory_space<semaphore_mem>> -> memref<1x!tpu.dma_semaphore, #tpu.memory_space<semaphore_mem>>
        %dma_start3A_1268 = tpu.memref_squeeze %dma_start3A_1267 : memref<1x!tpu.dma_semaphore, #tpu.memory_space<semaphore_mem>> -> memref<!tpu.dma_semaphore, #tpu.memory_space<semaphore_mem>>
        tpu.enqueue_indirect_dma source(%dma_start3A_1266 : memref<1000000x64xf32, #tpu.memory_space<hbm>>) target(%dma_start3A_1263 : memref<16x64xf32, #tpu.memory_space<vmem>>) offsets(%get3A_1254 : vector<16xi32>) semaphore(%dma_start3A_1268 : memref<!tpu.dma_semaphore, #tpu.memory_space<semaphore_mem>>)
        %mul3A_1269 = arith.constant 640 : i32
        %mul3A_1270 = arith.muli %add3A_853, %mul3A_1269 : i32
        %add3A_1271 = arith.constant 256 : i32
        %add3A_1272 = arith.addi %mul3A_1270, %add3A_1271 : i32
        %get3A_1273 = arith.index_cast %add3A_1272 : i32 to index
        %get3A_1274 = tpu.vector_load %arg5[%get3A_1273] {strides = array<i32>} : memref<10240xi32, #tpu.memory_space<vmem>>, vector<16xi32>,
        %get3A_1275 = vector.shape_cast %get3A_1274 : vector<16xi32> to vector<16xi32>
        %dma_start3A_1276 = arith.constant 0 : i32
        %dma_start3A_1277 = arith.constant 0 : i32
        %dma_start3A_1278 = arith.constant 0 : i32
        %dma_start3A_1279 = arith.constant 0 : i32
        %dma_start3A_1280 = tpu.memref_slice %arg6[%dma_start3A_1276, %dma_start3A_1278, %dma_start3A_1279] : memref<2x640x64xf32, #tpu.memory_space<vmem>> -> memref<1x640x64xf32, #tpu.memory_space<vmem>>
        %dma_start3A_1281 = tpu.memref_squeeze %dma_start3A_1280 : memref<1x640x64xf32, #tpu.memory_space<vmem>> -> memref<640x64xf32, #tpu.memory_space<vmem>>
        %dma_start3A_1282 = arith.constant 256 : i32
        %dma_start3A_1283 = arith.constant 0 : i32
        %dma_start3A_1284 = tpu.memref_slice %dma_start3A_1281[%dma_start3A_1282, %dma_start3A_1283] : memref<640x64xf32, #tpu.memory_space<vmem>> -> memref<16x64xf32, #tpu.memory_space<vmem>>
        %dma_start3A_1285 = arith.constant 0 : i32
        %dma_start3A_1286 = arith.constant 0 : i32
        %dma_start3A_1287 = tpu.memref_slice %arg3[%dma_start3A_1285, %dma_start3A_1286] : memref<1000000x64xf32, #tpu.memory_space<hbm>> -> memref<1000000x64xf32, #tpu.memory_space<hbm>>
        %dma_start3A_1288 = tpu.memref_slice %arg8[%dma_start3A_1277] : memref<2x!tpu.dma_semaphore, #tpu.memory_space<semaphore_mem>> -> memref<1x!tpu.dma_semaphore, #tpu.memory_space<semaphore_mem>>
        %dma_start3A_1289 = tpu.memref_squeeze %dma_start3A_1288 : memref<1x!tpu.dma_semaphore, #tpu.memory_space<semaphore_mem>> -> memref<!tpu.dma_semaphore, #tpu.memory_space<semaphore_mem>>
        tpu.enqueue_indirect_dma source(%dma_start3A_1287 : memref<1000000x64xf32, #tpu.memory_space<hbm>>) target(%dma_start3A_1284 : memref<16x64xf32, #tpu.memory_space<vmem>>) offsets(%get3A_1275 : vector<16xi32>) semaphore(%dma_start3A_1289 : memref<!tpu.dma_semaphore, #tpu.memory_space<semaphore_mem>>)
        %mul3A_1290 = arith.constant 640 : i32
        %mul3A_1291 = arith.muli %add3A_853, %mul3A_1290 : i32
        %add3A_1292 = arith.constant 272 : i32
        %add3A_1293 = arith.addi %mul3A_1291, %add3A_1292 : i32
        %get3A_1294 = arith.index_cast %add3A_1293 : i32 to index
        %get3A_1295 = tpu.vector_load %arg5[%get3A_1294] {strides = array<i32>} : memref<10240xi32, #tpu.memory_space<vmem>>, vector<16xi32>,
        %get3A_1296 = vector.shape_cast %get3A_1295 : vector<16xi32> to vector<16xi32>
        %dma_start3A_1297 = arith.constant 0 : i32
        %dma_start3A_1298 = arith.constant 0 : i32
        %dma_start3A_1299 = arith.constant 0 : i32
        %dma_start3A_1300 = arith.constant 0 : i32
        %dma_start3A_1301 = tpu.memref_slice %arg6[%dma_start3A_1297, %dma_start3A_1299, %dma_start3A_1300] : memref<2x640x64xf32, #tpu.memory_space<vmem>> -> memref<1x640x64xf32, #tpu.memory_space<vmem>>
        %dma_start3A_1302 = tpu.memref_squeeze %dma_start3A_1301 : memref<1x640x64xf32, #tpu.memory_space<vmem>> -> memref<640x64xf32, #tpu.memory_space<vmem>>
        %dma_start3A_1303 = arith.constant 272 : i32
        %dma_start3A_1304 = arith.constant 0 : i32
        %dma_start3A_1305 = tpu.memref_slice %dma_start3A_1302[%dma_start3A_1303, %dma_start3A_1304] : memref<640x64xf32, #tpu.memory_space<vmem>> -> memref<16x64xf32, #tpu.memory_space<vmem>>
        %dma_start3A_1306 = arith.constant 0 : i32
        %dma_start3A_1307 = arith.constant 0 : i32
        %dma_start3A_1308 = tpu.memref_slice %arg3[%dma_start3A_1306, %dma_start3A_1307] : memref<1000000x64xf32, #tpu.memory_space<hbm>> -> memref<1000000x64xf32, #tpu.memory_space<hbm>>
        %dma_start3A_1309 = tpu.memref_slice %arg8[%dma_start3A_1298] : memref<2x!tpu.dma_semaphore, #tpu.memory_space<semaphore_mem>> -> memref<1x!tpu.dma_semaphore, #tpu.memory_space<semaphore_mem>>
        %dma_start3A_1310 = tpu.memref_squeeze %dma_start3A_1309 : memref<1x!tpu.dma_semaphore, #tpu.memory_space<semaphore_mem>> -> memref<!tpu.dma_semaphore, #tpu.memory_space<semaphore_mem>>
        tpu.enqueue_indirect_dma source(%dma_start3A_1308 : memref<1000000x64xf32, #tpu.memory_space<hbm>>) target(%dma_start3A_1305 : memref<16x64xf32, #tpu.memory_space<vmem>>) offsets(%get3A_1296 : vector<16xi32>) semaphore(%dma_start3A_1310 : memref<!tpu.dma_semaphore, #tpu.memory_space<semaphore_mem>>)
        %mul3A_1311 = arith.constant 640 : i32
        %mul3A_1312 = arith.muli %add3A_853, %mul3A_1311 : i32
        %add3A_1313 = arith.constant 288 : i32
        %add3A_1314 = arith.addi %mul3A_1312, %add3A_1313 : i32
        %get3A_1315 = arith.index_cast %add3A_1314 : i32 to index
        %get3A_1316 = tpu.vector_load %arg5[%get3A_1315] {strides = array<i32>} : memref<10240xi32, #tpu.memory_space<vmem>>, vector<16xi32>,
        %get3A_1317 = vector.shape_cast %get3A_1316 : vector<16xi32> to vector<16xi32>
        %dma_start3A_1318 = arith.constant 0 : i32
        %dma_start3A_1319 = arith.constant 0 : i32
        %dma_start3A_1320 = arith.constant 0 : i32
        %dma_start3A_1321 = arith.constant 0 : i32
        %dma_start3A_1322 = tpu.memref_slice %arg6[%dma_start3A_1318, %dma_start3A_1320, %dma_start3A_1321] : memref<2x640x64xf32, #tpu.memory_space<vmem>> -> memref<1x640x64xf32, #tpu.memory_space<vmem>>
        %dma_start3A_1323 = tpu.memref_squeeze %dma_start3A_1322 : memref<1x640x64xf32, #tpu.memory_space<vmem>> -> memref<640x64xf32, #tpu.memory_space<vmem>>
        %dma_start3A_1324 = arith.constant 288 : i32
        %dma_start3A_1325 = arith.constant 0 : i32
        %dma_start3A_1326 = tpu.memref_slice %dma_start3A_1323[%dma_start3A_1324, %dma_start3A_1325] : memref<640x64xf32, #tpu.memory_space<vmem>> -> memref<16x64xf32, #tpu.memory_space<vmem>>
        %dma_start3A_1327 = arith.constant 0 : i32
        %dma_start3A_1328 = arith.constant 0 : i32
        %dma_start3A_1329 = tpu.memref_slice %arg3[%dma_start3A_1327, %dma_start3A_1328] : memref<1000000x64xf32, #tpu.memory_space<hbm>> -> memref<1000000x64xf32, #tpu.memory_space<hbm>>
        %dma_start3A_1330 = tpu.memref_slice %arg8[%dma_start3A_1319] : memref<2x!tpu.dma_semaphore, #tpu.memory_space<semaphore_mem>> -> memref<1x!tpu.dma_semaphore, #tpu.memory_space<semaphore_mem>>
        %dma_start3A_1331 = tpu.memref_squeeze %dma_start3A_1330 : memref<1x!tpu.dma_semaphore, #tpu.memory_space<semaphore_mem>> -> memref<!tpu.dma_semaphore, #tpu.memory_space<semaphore_mem>>
        tpu.enqueue_indirect_dma source(%dma_start3A_1329 : memref<1000000x64xf32, #tpu.memory_space<hbm>>) target(%dma_start3A_1326 : memref<16x64xf32, #tpu.memory_space<vmem>>) offsets(%get3A_1317 : vector<16xi32>) semaphore(%dma_start3A_1331 : memref<!tpu.dma_semaphore, #tpu.memory_space<semaphore_mem>>)
        %mul3A_1332 = arith.constant 640 : i32
        %mul3A_1333 = arith.muli %add3A_853, %mul3A_1332 : i32
        %add3A_1334 = arith.constant 304 : i32
        %add3A_1335 = arith.addi %mul3A_1333, %add3A_1334 : i32
        %get3A_1336 = arith.index_cast %add3A_1335 : i32 to index
        %get3A_1337 = tpu.vector_load %arg5[%get3A_1336] {strides = array<i32>} : memref<10240xi32, #tpu.memory_space<vmem>>, vector<16xi32>,
        %get3A_1338 = vector.shape_cast %get3A_1337 : vector<16xi32> to vector<16xi32>
        %dma_start3A_1339 = arith.constant 0 : i32
        %dma_start3A_1340 = arith.constant 0 : i32
        %dma_start3A_1341 = arith.constant 0 : i32
        %dma_start3A_1342 = arith.constant 0 : i32
        %dma_start3A_1343 = tpu.memref_slice %arg6[%dma_start3A_1339, %dma_start3A_1341, %dma_start3A_1342] : memref<2x640x64xf32, #tpu.memory_space<vmem>> -> memref<1x640x64xf32, #tpu.memory_space<vmem>>
        %dma_start3A_1344 = tpu.memref_squeeze %dma_start3A_1343 : memref<1x640x64xf32, #tpu.memory_space<vmem>> -> memref<640x64xf32, #tpu.memory_space<vmem>>
        %dma_start3A_1345 = arith.constant 304 : i32
        %dma_start3A_1346 = arith.constant 0 : i32
        %dma_start3A_1347 = tpu.memref_slice %dma_start3A_1344[%dma_start3A_1345, %dma_start3A_1346] : memref<640x64xf32, #tpu.memory_space<vmem>> -> memref<16x64xf32, #tpu.memory_space<vmem>>
        %dma_start3A_1348 = arith.constant 0 : i32
        %dma_start3A_1349 = arith.constant 0 : i32
        %dma_start3A_1350 = tpu.memref_slice %arg3[%dma_start3A_1348, %dma_start3A_1349] : memref<1000000x64xf32, #tpu.memory_space<hbm>> -> memref<1000000x64xf32, #tpu.memory_space<hbm>>
        %dma_start3A_1351 = tpu.memref_slice %arg8[%dma_start3A_1340] : memref<2x!tpu.dma_semaphore, #tpu.memory_space<semaphore_mem>> -> memref<1x!tpu.dma_semaphore, #tpu.memory_space<semaphore_mem>>
        %dma_start3A_1352 = tpu.memref_squeeze %dma_start3A_1351 : memref<1x!tpu.dma_semaphore, #tpu.memory_space<semaphore_mem>> -> memref<!tpu.dma_semaphore, #tpu.memory_space<semaphore_mem>>
        tpu.enqueue_indirect_dma source(%dma_start3A_1350 : memref<1000000x64xf32, #tpu.memory_space<hbm>>) target(%dma_start3A_1347 : memref<16x64xf32, #tpu.memory_space<vmem>>) offsets(%get3A_1338 : vector<16xi32>) semaphore(%dma_start3A_1352 : memref<!tpu.dma_semaphore, #tpu.memory_space<semaphore_mem>>)
        %mul3A_1353 = arith.constant 640 : i32
        %mul3A_1354 = arith.muli %add3A_853, %mul3A_1353 : i32
        %add3A_1355 = arith.constant 320 : i32
        %add3A_1356 = arith.addi %mul3A_1354, %add3A_1355 : i32
        %get3A_1357 = arith.index_cast %add3A_1356 : i32 to index
        %get3A_1358 = tpu.vector_load %arg5[%get3A_1357] {strides = array<i32>} : memref<10240xi32, #tpu.memory_space<vmem>>, vector<16xi32>,
        %get3A_1359 = vector.shape_cast %get3A_1358 : vector<16xi32> to vector<16xi32>
        %dma_start3A_1360 = arith.constant 0 : i32
        %dma_start3A_1361 = arith.constant 0 : i32
        %dma_start3A_1362 = arith.constant 0 : i32
        %dma_start3A_1363 = arith.constant 0 : i32
        %dma_start3A_1364 = tpu.memref_slice %arg6[%dma_start3A_1360, %dma_start3A_1362, %dma_start3A_1363] : memref<2x640x64xf32, #tpu.memory_space<vmem>> -> memref<1x640x64xf32, #tpu.memory_space<vmem>>
        %dma_start3A_1365 = tpu.memref_squeeze %dma_start3A_1364 : memref<1x640x64xf32, #tpu.memory_space<vmem>> -> memref<640x64xf32, #tpu.memory_space<vmem>>
        %dma_start3A_1366 = arith.constant 320 : i32
        %dma_start3A_1367 = arith.constant 0 : i32
        %dma_start3A_1368 = tpu.memref_slice %dma_start3A_1365[%dma_start3A_1366, %dma_start3A_1367] : memref<640x64xf32, #tpu.memory_space<vmem>> -> memref<16x64xf32, #tpu.memory_space<vmem>>
        %dma_start3A_1369 = arith.constant 0 : i32
        %dma_start3A_1370 = arith.constant 0 : i32
        %dma_start3A_1371 = tpu.memref_slice %arg3[%dma_start3A_1369, %dma_start3A_1370] : memref<1000000x64xf32, #tpu.memory_space<hbm>> -> memref<1000000x64xf32, #tpu.memory_space<hbm>>
        %dma_start3A_1372 = tpu.memref_slice %arg8[%dma_start3A_1361] : memref<2x!tpu.dma_semaphore, #tpu.memory_space<semaphore_mem>> -> memref<1x!tpu.dma_semaphore, #tpu.memory_space<semaphore_mem>>
        %dma_start3A_1373 = tpu.memref_squeeze %dma_start3A_1372 : memref<1x!tpu.dma_semaphore, #tpu.memory_space<semaphore_mem>> -> memref<!tpu.dma_semaphore, #tpu.memory_space<semaphore_mem>>
        tpu.enqueue_indirect_dma source(%dma_start3A_1371 : memref<1000000x64xf32, #tpu.memory_space<hbm>>) target(%dma_start3A_1368 : memref<16x64xf32, #tpu.memory_space<vmem>>) offsets(%get3A_1359 : vector<16xi32>) semaphore(%dma_start3A_1373 : memref<!tpu.dma_semaphore, #tpu.memory_space<semaphore_mem>>)
        %mul3A_1374 = arith.constant 640 : i32
        %mul3A_1375 = arith.muli %add3A_853, %mul3A_1374 : i32
        %add3A_1376 = arith.constant 336 : i32
        %add3A_1377 = arith.addi %mul3A_1375, %add3A_1376 : i32
        %get3A_1378 = arith.index_cast %add3A_1377 : i32 to index
        %get3A_1379 = tpu.vector_load %arg5[%get3A_1378] {strides = array<i32>} : memref<10240xi32, #tpu.memory_space<vmem>>, vector<16xi32>,
        %get3A_1380 = vector.shape_cast %get3A_1379 : vector<16xi32> to vector<16xi32>
        %dma_start3A_1381 = arith.constant 0 : i32
        %dma_start3A_1382 = arith.constant 0 : i32
        %dma_start3A_1383 = arith.constant 0 : i32
        %dma_start3A_1384 = arith.constant 0 : i32
        %dma_start3A_1385 = tpu.memref_slice %arg6[%dma_start3A_1381, %dma_start3A_1383, %dma_start3A_1384] : memref<2x640x64xf32, #tpu.memory_space<vmem>> -> memref<1x640x64xf32, #tpu.memory_space<vmem>>
        %dma_start3A_1386 = tpu.memref_squeeze %dma_start3A_1385 : memref<1x640x64xf32, #tpu.memory_space<vmem>> -> memref<640x64xf32, #tpu.memory_space<vmem>>
        %dma_start3A_1387 = arith.constant 336 : i32
        %dma_start3A_1388 = arith.constant 0 : i32
        %dma_start3A_1389 = tpu.memref_slice %dma_start3A_1386[%dma_start3A_1387, %dma_start3A_1388] : memref<640x64xf32, #tpu.memory_space<vmem>> -> memref<16x64xf32, #tpu.memory_space<vmem>>
        %dma_start3A_1390 = arith.constant 0 : i32
        %dma_start3A_1391 = arith.constant 0 : i32
        %dma_start3A_1392 = tpu.memref_slice %arg3[%dma_start3A_1390, %dma_start3A_1391] : memref<1000000x64xf32, #tpu.memory_space<hbm>> -> memref<1000000x64xf32, #tpu.memory_space<hbm>>
        %dma_start3A_1393 = tpu.memref_slice %arg8[%dma_start3A_1382] : memref<2x!tpu.dma_semaphore, #tpu.memory_space<semaphore_mem>> -> memref<1x!tpu.dma_semaphore, #tpu.memory_space<semaphore_mem>>
        %dma_start3A_1394 = tpu.memref_squeeze %dma_start3A_1393 : memref<1x!tpu.dma_semaphore, #tpu.memory_space<semaphore_mem>> -> memref<!tpu.dma_semaphore, #tpu.memory_space<semaphore_mem>>
        tpu.enqueue_indirect_dma source(%dma_start3A_1392 : memref<1000000x64xf32, #tpu.memory_space<hbm>>) target(%dma_start3A_1389 : memref<16x64xf32, #tpu.memory_space<vmem>>) offsets(%get3A_1380 : vector<16xi32>) semaphore(%dma_start3A_1394 : memref<!tpu.dma_semaphore, #tpu.memory_space<semaphore_mem>>)
        %mul3A_1395 = arith.constant 640 : i32
        %mul3A_1396 = arith.muli %add3A_853, %mul3A_1395 : i32
        %add3A_1397 = arith.constant 352 : i32
        %add3A_1398 = arith.addi %mul3A_1396, %add3A_1397 : i32
        %get3A_1399 = arith.index_cast %add3A_1398 : i32 to index
        %get3A_1400 = tpu.vector_load %arg5[%get3A_1399] {strides = array<i32>} : memref<10240xi32, #tpu.memory_space<vmem>>, vector<16xi32>,
        %get3A_1401 = vector.shape_cast %get3A_1400 : vector<16xi32> to vector<16xi32>
        %dma_start3A_1402 = arith.constant 0 : i32
        %dma_start3A_1403 = arith.constant 0 : i32
        %dma_start3A_1404 = arith.constant 0 : i32
        %dma_start3A_1405 = arith.constant 0 : i32
        %dma_start3A_1406 = tpu.memref_slice %arg6[%dma_start3A_1402, %dma_start3A_1404, %dma_start3A_1405] : memref<2x640x64xf32, #tpu.memory_space<vmem>> -> memref<1x640x64xf32, #tpu.memory_space<vmem>>
        %dma_start3A_1407 = tpu.memref_squeeze %dma_start3A_1406 : memref<1x640x64xf32, #tpu.memory_space<vmem>> -> memref<640x64xf32, #tpu.memory_space<vmem>>
        %dma_start3A_1408 = arith.constant 352 : i32
        %dma_start3A_1409 = arith.constant 0 : i32
        %dma_start3A_1410 = tpu.memref_slice %dma_start3A_1407[%dma_start3A_1408, %dma_start3A_1409] : memref<640x64xf32, #tpu.memory_space<vmem>> -> memref<16x64xf32, #tpu.memory_space<vmem>>
        %dma_start3A_1411 = arith.constant 0 : i32
        %dma_start3A_1412 = arith.constant 0 : i32
        %dma_start3A_1413 = tpu.memref_slice %arg3[%dma_start3A_1411, %dma_start3A_1412] : memref<1000000x64xf32, #tpu.memory_space<hbm>> -> memref<1000000x64xf32, #tpu.memory_space<hbm>>
        %dma_start3A_1414 = tpu.memref_slice %arg8[%dma_start3A_1403] : memref<2x!tpu.dma_semaphore, #tpu.memory_space<semaphore_mem>> -> memref<1x!tpu.dma_semaphore, #tpu.memory_space<semaphore_mem>>
        %dma_start3A_1415 = tpu.memref_squeeze %dma_start3A_1414 : memref<1x!tpu.dma_semaphore, #tpu.memory_space<semaphore_mem>> -> memref<!tpu.dma_semaphore, #tpu.memory_space<semaphore_mem>>
        tpu.enqueue_indirect_dma source(%dma_start3A_1413 : memref<1000000x64xf32, #tpu.memory_space<hbm>>) target(%dma_start3A_1410 : memref<16x64xf32, #tpu.memory_space<vmem>>) offsets(%get3A_1401 : vector<16xi32>) semaphore(%dma_start3A_1415 : memref<!tpu.dma_semaphore, #tpu.memory_space<semaphore_mem>>)
        %mul3A_1416 = arith.constant 640 : i32
        %mul3A_1417 = arith.muli %add3A_853, %mul3A_1416 : i32
        %add3A_1418 = arith.constant 368 : i32
        %add3A_1419 = arith.addi %mul3A_1417, %add3A_1418 : i32
        %get3A_1420 = arith.index_cast %add3A_1419 : i32 to index
        %get3A_1421 = tpu.vector_load %arg5[%get3A_1420] {strides = array<i32>} : memref<10240xi32, #tpu.memory_space<vmem>>, vector<16xi32>,
        %get3A_1422 = vector.shape_cast %get3A_1421 : vector<16xi32> to vector<16xi32>
        %dma_start3A_1423 = arith.constant 0 : i32
        %dma_start3A_1424 = arith.constant 0 : i32
        %dma_start3A_1425 = arith.constant 0 : i32
        %dma_start3A_1426 = arith.constant 0 : i32
        %dma_start3A_1427 = tpu.memref_slice %arg6[%dma_start3A_1423, %dma_start3A_1425, %dma_start3A_1426] : memref<2x640x64xf32, #tpu.memory_space<vmem>> -> memref<1x640x64xf32, #tpu.memory_space<vmem>>
        %dma_start3A_1428 = tpu.memref_squeeze %dma_start3A_1427 : memref<1x640x64xf32, #tpu.memory_space<vmem>> -> memref<640x64xf32, #tpu.memory_space<vmem>>
        %dma_start3A_1429 = arith.constant 368 : i32
        %dma_start3A_1430 = arith.constant 0 : i32
        %dma_start3A_1431 = tpu.memref_slice %dma_start3A_1428[%dma_start3A_1429, %dma_start3A_1430] : memref<640x64xf32, #tpu.memory_space<vmem>> -> memref<16x64xf32, #tpu.memory_space<vmem>>
        %dma_start3A_1432 = arith.constant 0 : i32
        %dma_start3A_1433 = arith.constant 0 : i32
        %dma_start3A_1434 = tpu.memref_slice %arg3[%dma_start3A_1432, %dma_start3A_1433] : memref<1000000x64xf32, #tpu.memory_space<hbm>> -> memref<1000000x64xf32, #tpu.memory_space<hbm>>
        %dma_start3A_1435 = tpu.memref_slice %arg8[%dma_start3A_1424] : memref<2x!tpu.dma_semaphore, #tpu.memory_space<semaphore_mem>> -> memref<1x!tpu.dma_semaphore, #tpu.memory_space<semaphore_mem>>
        %dma_start3A_1436 = tpu.memref_squeeze %dma_start3A_1435 : memref<1x!tpu.dma_semaphore, #tpu.memory_space<semaphore_mem>> -> memref<!tpu.dma_semaphore, #tpu.memory_space<semaphore_mem>>
        tpu.enqueue_indirect_dma source(%dma_start3A_1434 : memref<1000000x64xf32, #tpu.memory_space<hbm>>) target(%dma_start3A_1431 : memref<16x64xf32, #tpu.memory_space<vmem>>) offsets(%get3A_1422 : vector<16xi32>) semaphore(%dma_start3A_1436 : memref<!tpu.dma_semaphore, #tpu.memory_space<semaphore_mem>>)
        %mul3A_1437 = arith.constant 640 : i32
        %mul3A_1438 = arith.muli %add3A_853, %mul3A_1437 : i32
        %add3A_1439 = arith.constant 384 : i32
        %add3A_1440 = arith.addi %mul3A_1438, %add3A_1439 : i32
        %get3A_1441 = arith.index_cast %add3A_1440 : i32 to index
        %get3A_1442 = tpu.vector_load %arg5[%get3A_1441] {strides = array<i32>} : memref<10240xi32, #tpu.memory_space<vmem>>, vector<16xi32>,
        %get3A_1443 = vector.shape_cast %get3A_1442 : vector<16xi32> to vector<16xi32>
        %dma_start3A_1444 = arith.constant 0 : i32
        %dma_start3A_1445 = arith.constant 0 : i32
        %dma_start3A_1446 = arith.constant 0 : i32
        %dma_start3A_1447 = arith.constant 0 : i32
        %dma_start3A_1448 = tpu.memref_slice %arg6[%dma_start3A_1444, %dma_start3A_1446, %dma_start3A_1447] : memref<2x640x64xf32, #tpu.memory_space<vmem>> -> memref<1x640x64xf32, #tpu.memory_space<vmem>>
        %dma_start3A_1449 = tpu.memref_squeeze %dma_start3A_1448 : memref<1x640x64xf32, #tpu.memory_space<vmem>> -> memref<640x64xf32, #tpu.memory_space<vmem>>
        %dma_start3A_1450 = arith.constant 384 : i32
        %dma_start3A_1451 = arith.constant 0 : i32
        %dma_start3A_1452 = tpu.memref_slice %dma_start3A_1449[%dma_start3A_1450, %dma_start3A_1451] : memref<640x64xf32, #tpu.memory_space<vmem>> -> memref<16x64xf32, #tpu.memory_space<vmem>>
        %dma_start3A_1453 = arith.constant 0 : i32
        %dma_start3A_1454 = arith.constant 0 : i32
        %dma_start3A_1455 = tpu.memref_slice %arg3[%dma_start3A_1453, %dma_start3A_1454] : memref<1000000x64xf32, #tpu.memory_space<hbm>> -> memref<1000000x64xf32, #tpu.memory_space<hbm>>
        %dma_start3A_1456 = tpu.memref_slice %arg8[%dma_start3A_1445] : memref<2x!tpu.dma_semaphore, #tpu.memory_space<semaphore_mem>> -> memref<1x!tpu.dma_semaphore, #tpu.memory_space<semaphore_mem>>
        %dma_start3A_1457 = tpu.memref_squeeze %dma_start3A_1456 : memref<1x!tpu.dma_semaphore, #tpu.memory_space<semaphore_mem>> -> memref<!tpu.dma_semaphore, #tpu.memory_space<semaphore_mem>>
        tpu.enqueue_indirect_dma source(%dma_start3A_1455 : memref<1000000x64xf32, #tpu.memory_space<hbm>>) target(%dma_start3A_1452 : memref<16x64xf32, #tpu.memory_space<vmem>>) offsets(%get3A_1443 : vector<16xi32>) semaphore(%dma_start3A_1457 : memref<!tpu.dma_semaphore, #tpu.memory_space<semaphore_mem>>)
        %mul3A_1458 = arith.constant 640 : i32
        %mul3A_1459 = arith.muli %add3A_853, %mul3A_1458 : i32
        %add3A_1460 = arith.constant 400 : i32
        %add3A_1461 = arith.addi %mul3A_1459, %add3A_1460 : i32
        %get3A_1462 = arith.index_cast %add3A_1461 : i32 to index
        %get3A_1463 = tpu.vector_load %arg5[%get3A_1462] {strides = array<i32>} : memref<10240xi32, #tpu.memory_space<vmem>>, vector<16xi32>,
        %get3A_1464 = vector.shape_cast %get3A_1463 : vector<16xi32> to vector<16xi32>
        %dma_start3A_1465 = arith.constant 0 : i32
        %dma_start3A_1466 = arith.constant 0 : i32
        %dma_start3A_1467 = arith.constant 0 : i32
        %dma_start3A_1468 = arith.constant 0 : i32
        %dma_start3A_1469 = tpu.memref_slice %arg6[%dma_start3A_1465, %dma_start3A_1467, %dma_start3A_1468] : memref<2x640x64xf32, #tpu.memory_space<vmem>> -> memref<1x640x64xf32, #tpu.memory_space<vmem>>
        %dma_start3A_1470 = tpu.memref_squeeze %dma_start3A_1469 : memref<1x640x64xf32, #tpu.memory_space<vmem>> -> memref<640x64xf32, #tpu.memory_space<vmem>>
        %dma_start3A_1471 = arith.constant 400 : i32
        %dma_start3A_1472 = arith.constant 0 : i32
        %dma_start3A_1473 = tpu.memref_slice %dma_start3A_1470[%dma_start3A_1471, %dma_start3A_1472] : memref<640x64xf32, #tpu.memory_space<vmem>> -> memref<16x64xf32, #tpu.memory_space<vmem>>
        %dma_start3A_1474 = arith.constant 0 : i32
        %dma_start3A_1475 = arith.constant 0 : i32
        %dma_start3A_1476 = tpu.memref_slice %arg3[%dma_start3A_1474, %dma_start3A_1475] : memref<1000000x64xf32, #tpu.memory_space<hbm>> -> memref<1000000x64xf32, #tpu.memory_space<hbm>>
        %dma_start3A_1477 = tpu.memref_slice %arg8[%dma_start3A_1466] : memref<2x!tpu.dma_semaphore, #tpu.memory_space<semaphore_mem>> -> memref<1x!tpu.dma_semaphore, #tpu.memory_space<semaphore_mem>>
        %dma_start3A_1478 = tpu.memref_squeeze %dma_start3A_1477 : memref<1x!tpu.dma_semaphore, #tpu.memory_space<semaphore_mem>> -> memref<!tpu.dma_semaphore, #tpu.memory_space<semaphore_mem>>
        tpu.enqueue_indirect_dma source(%dma_start3A_1476 : memref<1000000x64xf32, #tpu.memory_space<hbm>>) target(%dma_start3A_1473 : memref<16x64xf32, #tpu.memory_space<vmem>>) offsets(%get3A_1464 : vector<16xi32>) semaphore(%dma_start3A_1478 : memref<!tpu.dma_semaphore, #tpu.memory_space<semaphore_mem>>)
        %mul3A_1479 = arith.constant 640 : i32
        %mul3A_1480 = arith.muli %add3A_853, %mul3A_1479 : i32
        %add3A_1481 = arith.constant 416 : i32
        %add3A_1482 = arith.addi %mul3A_1480, %add3A_1481 : i32
        %get3A_1483 = arith.index_cast %add3A_1482 : i32 to index
        %get3A_1484 = tpu.vector_load %arg5[%get3A_1483] {strides = array<i32>} : memref<10240xi32, #tpu.memory_space<vmem>>, vector<16xi32>,
        %get3A_1485 = vector.shape_cast %get3A_1484 : vector<16xi32> to vector<16xi32>
        %dma_start3A_1486 = arith.constant 0 : i32
        %dma_start3A_1487 = arith.constant 0 : i32
        %dma_start3A_1488 = arith.constant 0 : i32
        %dma_start3A_1489 = arith.constant 0 : i32
        %dma_start3A_1490 = tpu.memref_slice %arg6[%dma_start3A_1486, %dma_start3A_1488, %dma_start3A_1489] : memref<2x640x64xf32, #tpu.memory_space<vmem>> -> memref<1x640x64xf32, #tpu.memory_space<vmem>>
        %dma_start3A_1491 = tpu.memref_squeeze %dma_start3A_1490 : memref<1x640x64xf32, #tpu.memory_space<vmem>> -> memref<640x64xf32, #tpu.memory_space<vmem>>
        %dma_start3A_1492 = arith.constant 416 : i32
        %dma_start3A_1493 = arith.constant 0 : i32
        %dma_start3A_1494 = tpu.memref_slice %dma_start3A_1491[%dma_start3A_1492, %dma_start3A_1493] : memref<640x64xf32, #tpu.memory_space<vmem>> -> memref<16x64xf32, #tpu.memory_space<vmem>>
        %dma_start3A_1495 = arith.constant 0 : i32
        %dma_start3A_1496 = arith.constant 0 : i32
        %dma_start3A_1497 = tpu.memref_slice %arg3[%dma_start3A_1495, %dma_start3A_1496] : memref<1000000x64xf32, #tpu.memory_space<hbm>> -> memref<1000000x64xf32, #tpu.memory_space<hbm>>
        %dma_start3A_1498 = tpu.memref_slice %arg8[%dma_start3A_1487] : memref<2x!tpu.dma_semaphore, #tpu.memory_space<semaphore_mem>> -> memref<1x!tpu.dma_semaphore, #tpu.memory_space<semaphore_mem>>
        %dma_start3A_1499 = tpu.memref_squeeze %dma_start3A_1498 : memref<1x!tpu.dma_semaphore, #tpu.memory_space<semaphore_mem>> -> memref<!tpu.dma_semaphore, #tpu.memory_space<semaphore_mem>>
        tpu.enqueue_indirect_dma source(%dma_start3A_1497 : memref<1000000x64xf32, #tpu.memory_space<hbm>>) target(%dma_start3A_1494 : memref<16x64xf32, #tpu.memory_space<vmem>>) offsets(%get3A_1485 : vector<16xi32>) semaphore(%dma_start3A_1499 : memref<!tpu.dma_semaphore, #tpu.memory_space<semaphore_mem>>)
        %mul3A_1500 = arith.constant 640 : i32
        %mul3A_1501 = arith.muli %add3A_853, %mul3A_1500 : i32
        %add3A_1502 = arith.constant 432 : i32
        %add3A_1503 = arith.addi %mul3A_1501, %add3A_1502 : i32
        %get3A_1504 = arith.index_cast %add3A_1503 : i32 to index
        %get3A_1505 = tpu.vector_load %arg5[%get3A_1504] {strides = array<i32>} : memref<10240xi32, #tpu.memory_space<vmem>>, vector<16xi32>,
        %get3A_1506 = vector.shape_cast %get3A_1505 : vector<16xi32> to vector<16xi32>
        %dma_start3A_1507 = arith.constant 0 : i32
        %dma_start3A_1508 = arith.constant 0 : i32
        %dma_start3A_1509 = arith.constant 0 : i32
        %dma_start3A_1510 = arith.constant 0 : i32
        %dma_start3A_1511 = tpu.memref_slice %arg6[%dma_start3A_1507, %dma_start3A_1509, %dma_start3A_1510] : memref<2x640x64xf32, #tpu.memory_space<vmem>> -> memref<1x640x64xf32, #tpu.memory_space<vmem>>
        %dma_start3A_1512 = tpu.memref_squeeze %dma_start3A_1511 : memref<1x640x64xf32, #tpu.memory_space<vmem>> -> memref<640x64xf32, #tpu.memory_space<vmem>>
        %dma_start3A_1513 = arith.constant 432 : i32
        %dma_start3A_1514 = arith.constant 0 : i32
        %dma_start3A_1515 = tpu.memref_slice %dma_start3A_1512[%dma_start3A_1513, %dma_start3A_1514] : memref<640x64xf32, #tpu.memory_space<vmem>> -> memref<16x64xf32, #tpu.memory_space<vmem>>
        %dma_start3A_1516 = arith.constant 0 : i32
        %dma_start3A_1517 = arith.constant 0 : i32
        %dma_start3A_1518 = tpu.memref_slice %arg3[%dma_start3A_1516, %dma_start3A_1517] : memref<1000000x64xf32, #tpu.memory_space<hbm>> -> memref<1000000x64xf32, #tpu.memory_space<hbm>>
        %dma_start3A_1519 = tpu.memref_slice %arg8[%dma_start3A_1508] : memref<2x!tpu.dma_semaphore, #tpu.memory_space<semaphore_mem>> -> memref<1x!tpu.dma_semaphore, #tpu.memory_space<semaphore_mem>>
        %dma_start3A_1520 = tpu.memref_squeeze %dma_start3A_1519 : memref<1x!tpu.dma_semaphore, #tpu.memory_space<semaphore_mem>> -> memref<!tpu.dma_semaphore, #tpu.memory_space<semaphore_mem>>
        tpu.enqueue_indirect_dma source(%dma_start3A_1518 : memref<1000000x64xf32, #tpu.memory_space<hbm>>) target(%dma_start3A_1515 : memref<16x64xf32, #tpu.memory_space<vmem>>) offsets(%get3A_1506 : vector<16xi32>) semaphore(%dma_start3A_1520 : memref<!tpu.dma_semaphore, #tpu.memory_space<semaphore_mem>>)
        %mul3A_1521 = arith.constant 640 : i32
        %mul3A_1522 = arith.muli %add3A_853, %mul3A_1521 : i32
        %add3A_1523 = arith.constant 448 : i32
        %add3A_1524 = arith.addi %mul3A_1522, %add3A_1523 : i32
        %get3A_1525 = arith.index_cast %add3A_1524 : i32 to index
        %get3A_1526 = tpu.vector_load %arg5[%get3A_1525] {strides = array<i32>} : memref<10240xi32, #tpu.memory_space<vmem>>, vector<16xi32>,
        %get3A_1527 = vector.shape_cast %get3A_1526 : vector<16xi32> to vector<16xi32>
        %dma_start3A_1528 = arith.constant 0 : i32
        %dma_start3A_1529 = arith.constant 0 : i32
        %dma_start3A_1530 = arith.constant 0 : i32
        %dma_start3A_1531 = arith.constant 0 : i32
        %dma_start3A_1532 = tpu.memref_slice %arg6[%dma_start3A_1528, %dma_start3A_1530, %dma_start3A_1531] : memref<2x640x64xf32, #tpu.memory_space<vmem>> -> memref<1x640x64xf32, #tpu.memory_space<vmem>>
        %dma_start3A_1533 = tpu.memref_squeeze %dma_start3A_1532 : memref<1x640x64xf32, #tpu.memory_space<vmem>> -> memref<640x64xf32, #tpu.memory_space<vmem>>
        %dma_start3A_1534 = arith.constant 448 : i32
        %dma_start3A_1535 = arith.constant 0 : i32
        %dma_start3A_1536 = tpu.memref_slice %dma_start3A_1533[%dma_start3A_1534, %dma_start3A_1535] : memref<640x64xf32, #tpu.memory_space<vmem>> -> memref<16x64xf32, #tpu.memory_space<vmem>>
        %dma_start3A_1537 = arith.constant 0 : i32
        %dma_start3A_1538 = arith.constant 0 : i32
        %dma_start3A_1539 = tpu.memref_slice %arg3[%dma_start3A_1537, %dma_start3A_1538] : memref<1000000x64xf32, #tpu.memory_space<hbm>> -> memref<1000000x64xf32, #tpu.memory_space<hbm>>
        %dma_start3A_1540 = tpu.memref_slice %arg8[%dma_start3A_1529] : memref<2x!tpu.dma_semaphore, #tpu.memory_space<semaphore_mem>> -> memref<1x!tpu.dma_semaphore, #tpu.memory_space<semaphore_mem>>
        %dma_start3A_1541 = tpu.memref_squeeze %dma_start3A_1540 : memref<1x!tpu.dma_semaphore, #tpu.memory_space<semaphore_mem>> -> memref<!tpu.dma_semaphore, #tpu.memory_space<semaphore_mem>>
        tpu.enqueue_indirect_dma source(%dma_start3A_1539 : memref<1000000x64xf32, #tpu.memory_space<hbm>>) target(%dma_start3A_1536 : memref<16x64xf32, #tpu.memory_space<vmem>>) offsets(%get3A_1527 : vector<16xi32>) semaphore(%dma_start3A_1541 : memref<!tpu.dma_semaphore, #tpu.memory_space<semaphore_mem>>)
        %mul3A_1542 = arith.constant 640 : i32
        %mul3A_1543 = arith.muli %add3A_853, %mul3A_1542 : i32
        %add3A_1544 = arith.constant 464 : i32
        %add3A_1545 = arith.addi %mul3A_1543, %add3A_1544 : i32
        %get3A_1546 = arith.index_cast %add3A_1545 : i32 to index
        %get3A_1547 = tpu.vector_load %arg5[%get3A_1546] {strides = array<i32>} : memref<10240xi32, #tpu.memory_space<vmem>>, vector<16xi32>,
        %get3A_1548 = vector.shape_cast %get3A_1547 : vector<16xi32> to vector<16xi32>
        %dma_start3A_1549 = arith.constant 0 : i32
        %dma_start3A_1550 = arith.constant 0 : i32
        %dma_start3A_1551 = arith.constant 0 : i32
        %dma_start3A_1552 = arith.constant 0 : i32
        %dma_start3A_1553 = tpu.memref_slice %arg6[%dma_start3A_1549, %dma_start3A_1551, %dma_start3A_1552] : memref<2x640x64xf32, #tpu.memory_space<vmem>> -> memref<1x640x64xf32, #tpu.memory_space<vmem>>
        %dma_start3A_1554 = tpu.memref_squeeze %dma_start3A_1553 : memref<1x640x64xf32, #tpu.memory_space<vmem>> -> memref<640x64xf32, #tpu.memory_space<vmem>>
        %dma_start3A_1555 = arith.constant 464 : i32
        %dma_start3A_1556 = arith.constant 0 : i32
        %dma_start3A_1557 = tpu.memref_slice %dma_start3A_1554[%dma_start3A_1555, %dma_start3A_1556] : memref<640x64xf32, #tpu.memory_space<vmem>> -> memref<16x64xf32, #tpu.memory_space<vmem>>
        %dma_start3A_1558 = arith.constant 0 : i32
        %dma_start3A_1559 = arith.constant 0 : i32
        %dma_start3A_1560 = tpu.memref_slice %arg3[%dma_start3A_1558, %dma_start3A_1559] : memref<1000000x64xf32, #tpu.memory_space<hbm>> -> memref<1000000x64xf32, #tpu.memory_space<hbm>>
        %dma_start3A_1561 = tpu.memref_slice %arg8[%dma_start3A_1550] : memref<2x!tpu.dma_semaphore, #tpu.memory_space<semaphore_mem>> -> memref<1x!tpu.dma_semaphore, #tpu.memory_space<semaphore_mem>>
        %dma_start3A_1562 = tpu.memref_squeeze %dma_start3A_1561 : memref<1x!tpu.dma_semaphore, #tpu.memory_space<semaphore_mem>> -> memref<!tpu.dma_semaphore, #tpu.memory_space<semaphore_mem>>
        tpu.enqueue_indirect_dma source(%dma_start3A_1560 : memref<1000000x64xf32, #tpu.memory_space<hbm>>) target(%dma_start3A_1557 : memref<16x64xf32, #tpu.memory_space<vmem>>) offsets(%get3A_1548 : vector<16xi32>) semaphore(%dma_start3A_1562 : memref<!tpu.dma_semaphore, #tpu.memory_space<semaphore_mem>>)
        %mul3A_1563 = arith.constant 640 : i32
        %mul3A_1564 = arith.muli %add3A_853, %mul3A_1563 : i32
        %add3A_1565 = arith.constant 480 : i32
        %add3A_1566 = arith.addi %mul3A_1564, %add3A_1565 : i32
        %get3A_1567 = arith.index_cast %add3A_1566 : i32 to index
        %get3A_1568 = tpu.vector_load %arg5[%get3A_1567] {strides = array<i32>} : memref<10240xi32, #tpu.memory_space<vmem>>, vector<16xi32>,
        %get3A_1569 = vector.shape_cast %get3A_1568 : vector<16xi32> to vector<16xi32>
        %dma_start3A_1570 = arith.constant 0 : i32
        %dma_start3A_1571 = arith.constant 0 : i32
        %dma_start3A_1572 = arith.constant 0 : i32
        %dma_start3A_1573 = arith.constant 0 : i32
        %dma_start3A_1574 = tpu.memref_slice %arg6[%dma_start3A_1570, %dma_start3A_1572, %dma_start3A_1573] : memref<2x640x64xf32, #tpu.memory_space<vmem>> -> memref<1x640x64xf32, #tpu.memory_space<vmem>>
        %dma_start3A_1575 = tpu.memref_squeeze %dma_start3A_1574 : memref<1x640x64xf32, #tpu.memory_space<vmem>> -> memref<640x64xf32, #tpu.memory_space<vmem>>
        %dma_start3A_1576 = arith.constant 480 : i32
        %dma_start3A_1577 = arith.constant 0 : i32
        %dma_start3A_1578 = tpu.memref_slice %dma_start3A_1575[%dma_start3A_1576, %dma_start3A_1577] : memref<640x64xf32, #tpu.memory_space<vmem>> -> memref<16x64xf32, #tpu.memory_space<vmem>>
        %dma_start3A_1579 = arith.constant 0 : i32
        %dma_start3A_1580 = arith.constant 0 : i32
        %dma_start3A_1581 = tpu.memref_slice %arg3[%dma_start3A_1579, %dma_start3A_1580] : memref<1000000x64xf32, #tpu.memory_space<hbm>> -> memref<1000000x64xf32, #tpu.memory_space<hbm>>
        %dma_start3A_1582 = tpu.memref_slice %arg8[%dma_start3A_1571] : memref<2x!tpu.dma_semaphore, #tpu.memory_space<semaphore_mem>> -> memref<1x!tpu.dma_semaphore, #tpu.memory_space<semaphore_mem>>
        %dma_start3A_1583 = tpu.memref_squeeze %dma_start3A_1582 : memref<1x!tpu.dma_semaphore, #tpu.memory_space<semaphore_mem>> -> memref<!tpu.dma_semaphore, #tpu.memory_space<semaphore_mem>>
        tpu.enqueue_indirect_dma source(%dma_start3A_1581 : memref<1000000x64xf32, #tpu.memory_space<hbm>>) target(%dma_start3A_1578 : memref<16x64xf32, #tpu.memory_space<vmem>>) offsets(%get3A_1569 : vector<16xi32>) semaphore(%dma_start3A_1583 : memref<!tpu.dma_semaphore, #tpu.memory_space<semaphore_mem>>)
        %mul3A_1584 = arith.constant 640 : i32
        %mul3A_1585 = arith.muli %add3A_853, %mul3A_1584 : i32
        %add3A_1586 = arith.constant 496 : i32
        %add3A_1587 = arith.addi %mul3A_1585, %add3A_1586 : i32
        %get3A_1588 = arith.index_cast %add3A_1587 : i32 to index
        %get3A_1589 = tpu.vector_load %arg5[%get3A_1588] {strides = array<i32>} : memref<10240xi32, #tpu.memory_space<vmem>>, vector<16xi32>,
        %get3A_1590 = vector.shape_cast %get3A_1589 : vector<16xi32> to vector<16xi32>
        %dma_start3A_1591 = arith.constant 0 : i32
        %dma_start3A_1592 = arith.constant 0 : i32
        %dma_start3A_1593 = arith.constant 0 : i32
        %dma_start3A_1594 = arith.constant 0 : i32
        %dma_start3A_1595 = tpu.memref_slice %arg6[%dma_start3A_1591, %dma_start3A_1593, %dma_start3A_1594] : memref<2x640x64xf32, #tpu.memory_space<vmem>> -> memref<1x640x64xf32, #tpu.memory_space<vmem>>
        %dma_start3A_1596 = tpu.memref_squeeze %dma_start3A_1595 : memref<1x640x64xf32, #tpu.memory_space<vmem>> -> memref<640x64xf32, #tpu.memory_space<vmem>>
        %dma_start3A_1597 = arith.constant 496 : i32
        %dma_start3A_1598 = arith.constant 0 : i32
        %dma_start3A_1599 = tpu.memref_slice %dma_start3A_1596[%dma_start3A_1597, %dma_start3A_1598] : memref<640x64xf32, #tpu.memory_space<vmem>> -> memref<16x64xf32, #tpu.memory_space<vmem>>
        %dma_start3A_1600 = arith.constant 0 : i32
        %dma_start3A_1601 = arith.constant 0 : i32
        %dma_start3A_1602 = tpu.memref_slice %arg3[%dma_start3A_1600, %dma_start3A_1601] : memref<1000000x64xf32, #tpu.memory_space<hbm>> -> memref<1000000x64xf32, #tpu.memory_space<hbm>>
        %dma_start3A_1603 = tpu.memref_slice %arg8[%dma_start3A_1592] : memref<2x!tpu.dma_semaphore, #tpu.memory_space<semaphore_mem>> -> memref<1x!tpu.dma_semaphore, #tpu.memory_space<semaphore_mem>>
        %dma_start3A_1604 = tpu.memref_squeeze %dma_start3A_1603 : memref<1x!tpu.dma_semaphore, #tpu.memory_space<semaphore_mem>> -> memref<!tpu.dma_semaphore, #tpu.memory_space<semaphore_mem>>
        tpu.enqueue_indirect_dma source(%dma_start3A_1602 : memref<1000000x64xf32, #tpu.memory_space<hbm>>) target(%dma_start3A_1599 : memref<16x64xf32, #tpu.memory_space<vmem>>) offsets(%get3A_1590 : vector<16xi32>) semaphore(%dma_start3A_1604 : memref<!tpu.dma_semaphore, #tpu.memory_space<semaphore_mem>>)
        %mul3A_1605 = arith.constant 640 : i32
        %mul3A_1606 = arith.muli %add3A_853, %mul3A_1605 : i32
        %add3A_1607 = arith.constant 512 : i32
        %add3A_1608 = arith.addi %mul3A_1606, %add3A_1607 : i32
        %get3A_1609 = arith.index_cast %add3A_1608 : i32 to index
        %get3A_1610 = tpu.vector_load %arg5[%get3A_1609] {strides = array<i32>} : memref<10240xi32, #tpu.memory_space<vmem>>, vector<16xi32>,
        %get3A_1611 = vector.shape_cast %get3A_1610 : vector<16xi32> to vector<16xi32>
        %dma_start3A_1612 = arith.constant 0 : i32
        %dma_start3A_1613 = arith.constant 0 : i32
        %dma_start3A_1614 = arith.constant 0 : i32
        %dma_start3A_1615 = arith.constant 0 : i32
        %dma_start3A_1616 = tpu.memref_slice %arg6[%dma_start3A_1612, %dma_start3A_1614, %dma_start3A_1615] : memref<2x640x64xf32, #tpu.memory_space<vmem>> -> memref<1x640x64xf32, #tpu.memory_space<vmem>>
        %dma_start3A_1617 = tpu.memref_squeeze %dma_start3A_1616 : memref<1x640x64xf32, #tpu.memory_space<vmem>> -> memref<640x64xf32, #tpu.memory_space<vmem>>
        %dma_start3A_1618 = arith.constant 512 : i32
        %dma_start3A_1619 = arith.constant 0 : i32
        %dma_start3A_1620 = tpu.memref_slice %dma_start3A_1617[%dma_start3A_1618, %dma_start3A_1619] : memref<640x64xf32, #tpu.memory_space<vmem>> -> memref<16x64xf32, #tpu.memory_space<vmem>>
        %dma_start3A_1621 = arith.constant 0 : i32
        %dma_start3A_1622 = arith.constant 0 : i32
        %dma_start3A_1623 = tpu.memref_slice %arg3[%dma_start3A_1621, %dma_start3A_1622] : memref<1000000x64xf32, #tpu.memory_space<hbm>> -> memref<1000000x64xf32, #tpu.memory_space<hbm>>
        %dma_start3A_1624 = tpu.memref_slice %arg8[%dma_start3A_1613] : memref<2x!tpu.dma_semaphore, #tpu.memory_space<semaphore_mem>> -> memref<1x!tpu.dma_semaphore, #tpu.memory_space<semaphore_mem>>
        %dma_start3A_1625 = tpu.memref_squeeze %dma_start3A_1624 : memref<1x!tpu.dma_semaphore, #tpu.memory_space<semaphore_mem>> -> memref<!tpu.dma_semaphore, #tpu.memory_space<semaphore_mem>>
        tpu.enqueue_indirect_dma source(%dma_start3A_1623 : memref<1000000x64xf32, #tpu.memory_space<hbm>>) target(%dma_start3A_1620 : memref<16x64xf32, #tpu.memory_space<vmem>>) offsets(%get3A_1611 : vector<16xi32>) semaphore(%dma_start3A_1625 : memref<!tpu.dma_semaphore, #tpu.memory_space<semaphore_mem>>)
        %mul3A_1626 = arith.constant 640 : i32
        %mul3A_1627 = arith.muli %add3A_853, %mul3A_1626 : i32
        %add3A_1628 = arith.constant 528 : i32
        %add3A_1629 = arith.addi %mul3A_1627, %add3A_1628 : i32
        %get3A_1630 = arith.index_cast %add3A_1629 : i32 to index
        %get3A_1631 = tpu.vector_load %arg5[%get3A_1630] {strides = array<i32>} : memref<10240xi32, #tpu.memory_space<vmem>>, vector<16xi32>,
        %get3A_1632 = vector.shape_cast %get3A_1631 : vector<16xi32> to vector<16xi32>
        %dma_start3A_1633 = arith.constant 0 : i32
        %dma_start3A_1634 = arith.constant 0 : i32
        %dma_start3A_1635 = arith.constant 0 : i32
        %dma_start3A_1636 = arith.constant 0 : i32
        %dma_start3A_1637 = tpu.memref_slice %arg6[%dma_start3A_1633, %dma_start3A_1635, %dma_start3A_1636] : memref<2x640x64xf32, #tpu.memory_space<vmem>> -> memref<1x640x64xf32, #tpu.memory_space<vmem>>
        %dma_start3A_1638 = tpu.memref_squeeze %dma_start3A_1637 : memref<1x640x64xf32, #tpu.memory_space<vmem>> -> memref<640x64xf32, #tpu.memory_space<vmem>>
        %dma_start3A_1639 = arith.constant 528 : i32
        %dma_start3A_1640 = arith.constant 0 : i32
        %dma_start3A_1641 = tpu.memref_slice %dma_start3A_1638[%dma_start3A_1639, %dma_start3A_1640] : memref<640x64xf32, #tpu.memory_space<vmem>> -> memref<16x64xf32, #tpu.memory_space<vmem>>
        %dma_start3A_1642 = arith.constant 0 : i32
        %dma_start3A_1643 = arith.constant 0 : i32
        %dma_start3A_1644 = tpu.memref_slice %arg3[%dma_start3A_1642, %dma_start3A_1643] : memref<1000000x64xf32, #tpu.memory_space<hbm>> -> memref<1000000x64xf32, #tpu.memory_space<hbm>>
        %dma_start3A_1645 = tpu.memref_slice %arg8[%dma_start3A_1634] : memref<2x!tpu.dma_semaphore, #tpu.memory_space<semaphore_mem>> -> memref<1x!tpu.dma_semaphore, #tpu.memory_space<semaphore_mem>>
        %dma_start3A_1646 = tpu.memref_squeeze %dma_start3A_1645 : memref<1x!tpu.dma_semaphore, #tpu.memory_space<semaphore_mem>> -> memref<!tpu.dma_semaphore, #tpu.memory_space<semaphore_mem>>
        tpu.enqueue_indirect_dma source(%dma_start3A_1644 : memref<1000000x64xf32, #tpu.memory_space<hbm>>) target(%dma_start3A_1641 : memref<16x64xf32, #tpu.memory_space<vmem>>) offsets(%get3A_1632 : vector<16xi32>) semaphore(%dma_start3A_1646 : memref<!tpu.dma_semaphore, #tpu.memory_space<semaphore_mem>>)
        %mul3A_1647 = arith.constant 640 : i32
        %mul3A_1648 = arith.muli %add3A_853, %mul3A_1647 : i32
        %add3A_1649 = arith.constant 544 : i32
        %add3A_1650 = arith.addi %mul3A_1648, %add3A_1649 : i32
        %get3A_1651 = arith.index_cast %add3A_1650 : i32 to index
        %get3A_1652 = tpu.vector_load %arg5[%get3A_1651] {strides = array<i32>} : memref<10240xi32, #tpu.memory_space<vmem>>, vector<16xi32>,
        %get3A_1653 = vector.shape_cast %get3A_1652 : vector<16xi32> to vector<16xi32>
        %dma_start3A_1654 = arith.constant 0 : i32
        %dma_start3A_1655 = arith.constant 0 : i32
        %dma_start3A_1656 = arith.constant 0 : i32
        %dma_start3A_1657 = arith.constant 0 : i32
        %dma_start3A_1658 = tpu.memref_slice %arg6[%dma_start3A_1654, %dma_start3A_1656, %dma_start3A_1657] : memref<2x640x64xf32, #tpu.memory_space<vmem>> -> memref<1x640x64xf32, #tpu.memory_space<vmem>>
        %dma_start3A_1659 = tpu.memref_squeeze %dma_start3A_1658 : memref<1x640x64xf32, #tpu.memory_space<vmem>> -> memref<640x64xf32, #tpu.memory_space<vmem>>
        %dma_start3A_1660 = arith.constant 544 : i32
        %dma_start3A_1661 = arith.constant 0 : i32
        %dma_start3A_1662 = tpu.memref_slice %dma_start3A_1659[%dma_start3A_1660, %dma_start3A_1661] : memref<640x64xf32, #tpu.memory_space<vmem>> -> memref<16x64xf32, #tpu.memory_space<vmem>>
        %dma_start3A_1663 = arith.constant 0 : i32
        %dma_start3A_1664 = arith.constant 0 : i32
        %dma_start3A_1665 = tpu.memref_slice %arg3[%dma_start3A_1663, %dma_start3A_1664] : memref<1000000x64xf32, #tpu.memory_space<hbm>> -> memref<1000000x64xf32, #tpu.memory_space<hbm>>
        %dma_start3A_1666 = tpu.memref_slice %arg8[%dma_start3A_1655] : memref<2x!tpu.dma_semaphore, #tpu.memory_space<semaphore_mem>> -> memref<1x!tpu.dma_semaphore, #tpu.memory_space<semaphore_mem>>
        %dma_start3A_1667 = tpu.memref_squeeze %dma_start3A_1666 : memref<1x!tpu.dma_semaphore, #tpu.memory_space<semaphore_mem>> -> memref<!tpu.dma_semaphore, #tpu.memory_space<semaphore_mem>>
        tpu.enqueue_indirect_dma source(%dma_start3A_1665 : memref<1000000x64xf32, #tpu.memory_space<hbm>>) target(%dma_start3A_1662 : memref<16x64xf32, #tpu.memory_space<vmem>>) offsets(%get3A_1653 : vector<16xi32>) semaphore(%dma_start3A_1667 : memref<!tpu.dma_semaphore, #tpu.memory_space<semaphore_mem>>)
        %mul3A_1668 = arith.constant 640 : i32
        %mul3A_1669 = arith.muli %add3A_853, %mul3A_1668 : i32
        %add3A_1670 = arith.constant 560 : i32
        %add3A_1671 = arith.addi %mul3A_1669, %add3A_1670 : i32
        %get3A_1672 = arith.index_cast %add3A_1671 : i32 to index
        %get3A_1673 = tpu.vector_load %arg5[%get3A_1672] {strides = array<i32>} : memref<10240xi32, #tpu.memory_space<vmem>>, vector<16xi32>,
        %get3A_1674 = vector.shape_cast %get3A_1673 : vector<16xi32> to vector<16xi32>
        %dma_start3A_1675 = arith.constant 0 : i32
        %dma_start3A_1676 = arith.constant 0 : i32
        %dma_start3A_1677 = arith.constant 0 : i32
        %dma_start3A_1678 = arith.constant 0 : i32
        %dma_start3A_1679 = tpu.memref_slice %arg6[%dma_start3A_1675, %dma_start3A_1677, %dma_start3A_1678] : memref<2x640x64xf32, #tpu.memory_space<vmem>> -> memref<1x640x64xf32, #tpu.memory_space<vmem>>
        %dma_start3A_1680 = tpu.memref_squeeze %dma_start3A_1679 : memref<1x640x64xf32, #tpu.memory_space<vmem>> -> memref<640x64xf32, #tpu.memory_space<vmem>>
        %dma_start3A_1681 = arith.constant 560 : i32
        %dma_start3A_1682 = arith.constant 0 : i32
        %dma_start3A_1683 = tpu.memref_slice %dma_start3A_1680[%dma_start3A_1681, %dma_start3A_1682] : memref<640x64xf32, #tpu.memory_space<vmem>> -> memref<16x64xf32, #tpu.memory_space<vmem>>
        %dma_start3A_1684 = arith.constant 0 : i32
        %dma_start3A_1685 = arith.constant 0 : i32
        %dma_start3A_1686 = tpu.memref_slice %arg3[%dma_start3A_1684, %dma_start3A_1685] : memref<1000000x64xf32, #tpu.memory_space<hbm>> -> memref<1000000x64xf32, #tpu.memory_space<hbm>>
        %dma_start3A_1687 = tpu.memref_slice %arg8[%dma_start3A_1676] : memref<2x!tpu.dma_semaphore, #tpu.memory_space<semaphore_mem>> -> memref<1x!tpu.dma_semaphore, #tpu.memory_space<semaphore_mem>>
        %dma_start3A_1688 = tpu.memref_squeeze %dma_start3A_1687 : memref<1x!tpu.dma_semaphore, #tpu.memory_space<semaphore_mem>> -> memref<!tpu.dma_semaphore, #tpu.memory_space<semaphore_mem>>
        tpu.enqueue_indirect_dma source(%dma_start3A_1686 : memref<1000000x64xf32, #tpu.memory_space<hbm>>) target(%dma_start3A_1683 : memref<16x64xf32, #tpu.memory_space<vmem>>) offsets(%get3A_1674 : vector<16xi32>) semaphore(%dma_start3A_1688 : memref<!tpu.dma_semaphore, #tpu.memory_space<semaphore_mem>>)
        %mul3A_1689 = arith.constant 640 : i32
        %mul3A_1690 = arith.muli %add3A_853, %mul3A_1689 : i32
        %add3A_1691 = arith.constant 576 : i32
        %add3A_1692 = arith.addi %mul3A_1690, %add3A_1691 : i32
        %get3A_1693 = arith.index_cast %add3A_1692 : i32 to index
        %get3A_1694 = tpu.vector_load %arg5[%get3A_1693] {strides = array<i32>} : memref<10240xi32, #tpu.memory_space<vmem>>, vector<16xi32>,
        %get3A_1695 = vector.shape_cast %get3A_1694 : vector<16xi32> to vector<16xi32>
        %dma_start3A_1696 = arith.constant 0 : i32
        %dma_start3A_1697 = arith.constant 0 : i32
        %dma_start3A_1698 = arith.constant 0 : i32
        %dma_start3A_1699 = arith.constant 0 : i32
        %dma_start3A_1700 = tpu.memref_slice %arg6[%dma_start3A_1696, %dma_start3A_1698, %dma_start3A_1699] : memref<2x640x64xf32, #tpu.memory_space<vmem>> -> memref<1x640x64xf32, #tpu.memory_space<vmem>>
        %dma_start3A_1701 = tpu.memref_squeeze %dma_start3A_1700 : memref<1x640x64xf32, #tpu.memory_space<vmem>> -> memref<640x64xf32, #tpu.memory_space<vmem>>
        %dma_start3A_1702 = arith.constant 576 : i32
        %dma_start3A_1703 = arith.constant 0 : i32
        %dma_start3A_1704 = tpu.memref_slice %dma_start3A_1701[%dma_start3A_1702, %dma_start3A_1703] : memref<640x64xf32, #tpu.memory_space<vmem>> -> memref<16x64xf32, #tpu.memory_space<vmem>>
        %dma_start3A_1705 = arith.constant 0 : i32
        %dma_start3A_1706 = arith.constant 0 : i32
        %dma_start3A_1707 = tpu.memref_slice %arg3[%dma_start3A_1705, %dma_start3A_1706] : memref<1000000x64xf32, #tpu.memory_space<hbm>> -> memref<1000000x64xf32, #tpu.memory_space<hbm>>
        %dma_start3A_1708 = tpu.memref_slice %arg8[%dma_start3A_1697] : memref<2x!tpu.dma_semaphore, #tpu.memory_space<semaphore_mem>> -> memref<1x!tpu.dma_semaphore, #tpu.memory_space<semaphore_mem>>
        %dma_start3A_1709 = tpu.memref_squeeze %dma_start3A_1708 : memref<1x!tpu.dma_semaphore, #tpu.memory_space<semaphore_mem>> -> memref<!tpu.dma_semaphore, #tpu.memory_space<semaphore_mem>>
        tpu.enqueue_indirect_dma source(%dma_start3A_1707 : memref<1000000x64xf32, #tpu.memory_space<hbm>>) target(%dma_start3A_1704 : memref<16x64xf32, #tpu.memory_space<vmem>>) offsets(%get3A_1695 : vector<16xi32>) semaphore(%dma_start3A_1709 : memref<!tpu.dma_semaphore, #tpu.memory_space<semaphore_mem>>)
        %mul3A_1710 = arith.constant 640 : i32
        %mul3A_1711 = arith.muli %add3A_853, %mul3A_1710 : i32
        %add3A_1712 = arith.constant 592 : i32
        %add3A_1713 = arith.addi %mul3A_1711, %add3A_1712 : i32
        %get3A_1714 = arith.index_cast %add3A_1713 : i32 to index
        %get3A_1715 = tpu.vector_load %arg5[%get3A_1714] {strides = array<i32>} : memref<10240xi32, #tpu.memory_space<vmem>>, vector<16xi32>,
        %get3A_1716 = vector.shape_cast %get3A_1715 : vector<16xi32> to vector<16xi32>
        %dma_start3A_1717 = arith.constant 0 : i32
        %dma_start3A_1718 = arith.constant 0 : i32
        %dma_start3A_1719 = arith.constant 0 : i32
        %dma_start3A_1720 = arith.constant 0 : i32
        %dma_start3A_1721 = tpu.memref_slice %arg6[%dma_start3A_1717, %dma_start3A_1719, %dma_start3A_1720] : memref<2x640x64xf32, #tpu.memory_space<vmem>> -> memref<1x640x64xf32, #tpu.memory_space<vmem>>
        %dma_start3A_1722 = tpu.memref_squeeze %dma_start3A_1721 : memref<1x640x64xf32, #tpu.memory_space<vmem>> -> memref<640x64xf32, #tpu.memory_space<vmem>>
        %dma_start3A_1723 = arith.constant 592 : i32
        %dma_start3A_1724 = arith.constant 0 : i32
        %dma_start3A_1725 = tpu.memref_slice %dma_start3A_1722[%dma_start3A_1723, %dma_start3A_1724] : memref<640x64xf32, #tpu.memory_space<vmem>> -> memref<16x64xf32, #tpu.memory_space<vmem>>
        %dma_start3A_1726 = arith.constant 0 : i32
        %dma_start3A_1727 = arith.constant 0 : i32
        %dma_start3A_1728 = tpu.memref_slice %arg3[%dma_start3A_1726, %dma_start3A_1727] : memref<1000000x64xf32, #tpu.memory_space<hbm>> -> memref<1000000x64xf32, #tpu.memory_space<hbm>>
        %dma_start3A_1729 = tpu.memref_slice %arg8[%dma_start3A_1718] : memref<2x!tpu.dma_semaphore, #tpu.memory_space<semaphore_mem>> -> memref<1x!tpu.dma_semaphore, #tpu.memory_space<semaphore_mem>>
        %dma_start3A_1730 = tpu.memref_squeeze %dma_start3A_1729 : memref<1x!tpu.dma_semaphore, #tpu.memory_space<semaphore_mem>> -> memref<!tpu.dma_semaphore, #tpu.memory_space<semaphore_mem>>
        tpu.enqueue_indirect_dma source(%dma_start3A_1728 : memref<1000000x64xf32, #tpu.memory_space<hbm>>) target(%dma_start3A_1725 : memref<16x64xf32, #tpu.memory_space<vmem>>) offsets(%get3A_1716 : vector<16xi32>) semaphore(%dma_start3A_1730 : memref<!tpu.dma_semaphore, #tpu.memory_space<semaphore_mem>>)
        %mul3A_1731 = arith.constant 640 : i32
        %mul3A_1732 = arith.muli %add3A_853, %mul3A_1731 : i32
        %add3A_1733 = arith.constant 608 : i32
        %add3A_1734 = arith.addi %mul3A_1732, %add3A_1733 : i32
        %get3A_1735 = arith.index_cast %add3A_1734 : i32 to index
        %get3A_1736 = tpu.vector_load %arg5[%get3A_1735] {strides = array<i32>} : memref<10240xi32, #tpu.memory_space<vmem>>, vector<16xi32>,
        %get3A_1737 = vector.shape_cast %get3A_1736 : vector<16xi32> to vector<16xi32>
        %dma_start3A_1738 = arith.constant 0 : i32
        %dma_start3A_1739 = arith.constant 0 : i32
        %dma_start3A_1740 = arith.constant 0 : i32
        %dma_start3A_1741 = arith.constant 0 : i32
        %dma_start3A_1742 = tpu.memref_slice %arg6[%dma_start3A_1738, %dma_start3A_1740, %dma_start3A_1741] : memref<2x640x64xf32, #tpu.memory_space<vmem>> -> memref<1x640x64xf32, #tpu.memory_space<vmem>>
        %dma_start3A_1743 = tpu.memref_squeeze %dma_start3A_1742 : memref<1x640x64xf32, #tpu.memory_space<vmem>> -> memref<640x64xf32, #tpu.memory_space<vmem>>
        %dma_start3A_1744 = arith.constant 608 : i32
        %dma_start3A_1745 = arith.constant 0 : i32
        %dma_start3A_1746 = tpu.memref_slice %dma_start3A_1743[%dma_start3A_1744, %dma_start3A_1745] : memref<640x64xf32, #tpu.memory_space<vmem>> -> memref<16x64xf32, #tpu.memory_space<vmem>>
        %dma_start3A_1747 = arith.constant 0 : i32
        %dma_start3A_1748 = arith.constant 0 : i32
        %dma_start3A_1749 = tpu.memref_slice %arg3[%dma_start3A_1747, %dma_start3A_1748] : memref<1000000x64xf32, #tpu.memory_space<hbm>> -> memref<1000000x64xf32, #tpu.memory_space<hbm>>
        %dma_start3A_1750 = tpu.memref_slice %arg8[%dma_start3A_1739] : memref<2x!tpu.dma_semaphore, #tpu.memory_space<semaphore_mem>> -> memref<1x!tpu.dma_semaphore, #tpu.memory_space<semaphore_mem>>
        %dma_start3A_1751 = tpu.memref_squeeze %dma_start3A_1750 : memref<1x!tpu.dma_semaphore, #tpu.memory_space<semaphore_mem>> -> memref<!tpu.dma_semaphore, #tpu.memory_space<semaphore_mem>>
        tpu.enqueue_indirect_dma source(%dma_start3A_1749 : memref<1000000x64xf32, #tpu.memory_space<hbm>>) target(%dma_start3A_1746 : memref<16x64xf32, #tpu.memory_space<vmem>>) offsets(%get3A_1737 : vector<16xi32>) semaphore(%dma_start3A_1751 : memref<!tpu.dma_semaphore, #tpu.memory_space<semaphore_mem>>)
        %mul3A_1752 = arith.constant 640 : i32
        %mul3A_1753 = arith.muli %add3A_853, %mul3A_1752 : i32
        %add3A_1754 = arith.constant 624 : i32
        %add3A_1755 = arith.addi %mul3A_1753, %add3A_1754 : i32
        %get3A_1756 = arith.index_cast %add3A_1755 : i32 to index
        %get3A_1757 = tpu.vector_load %arg5[%get3A_1756] {strides = array<i32>} : memref<10240xi32, #tpu.memory_space<vmem>>, vector<16xi32>,
        %get3A_1758 = vector.shape_cast %get3A_1757 : vector<16xi32> to vector<16xi32>
        %dma_start3A_1759 = arith.constant 0 : i32
        %dma_start3A_1760 = arith.constant 0 : i32
        %dma_start3A_1761 = arith.constant 0 : i32
        %dma_start3A_1762 = arith.constant 0 : i32
        %dma_start3A_1763 = tpu.memref_slice %arg6[%dma_start3A_1759, %dma_start3A_1761, %dma_start3A_1762] : memref<2x640x64xf32, #tpu.memory_space<vmem>> -> memref<1x640x64xf32, #tpu.memory_space<vmem>>
        %dma_start3A_1764 = tpu.memref_squeeze %dma_start3A_1763 : memref<1x640x64xf32, #tpu.memory_space<vmem>> -> memref<640x64xf32, #tpu.memory_space<vmem>>
        %dma_start3A_1765 = arith.constant 624 : i32
        %dma_start3A_1766 = arith.constant 0 : i32
        %dma_start3A_1767 = tpu.memref_slice %dma_start3A_1764[%dma_start3A_1765, %dma_start3A_1766] : memref<640x64xf32, #tpu.memory_space<vmem>> -> memref<16x64xf32, #tpu.memory_space<vmem>>
        %dma_start3A_1768 = arith.constant 0 : i32
        %dma_start3A_1769 = arith.constant 0 : i32
        %dma_start3A_1770 = tpu.memref_slice %arg3[%dma_start3A_1768, %dma_start3A_1769] : memref<1000000x64xf32, #tpu.memory_space<hbm>> -> memref<1000000x64xf32, #tpu.memory_space<hbm>>
        %dma_start3A_1771 = tpu.memref_slice %arg8[%dma_start3A_1760] : memref<2x!tpu.dma_semaphore, #tpu.memory_space<semaphore_mem>> -> memref<1x!tpu.dma_semaphore, #tpu.memory_space<semaphore_mem>>
        %dma_start3A_1772 = tpu.memref_squeeze %dma_start3A_1771 : memref<1x!tpu.dma_semaphore, #tpu.memory_space<semaphore_mem>> -> memref<!tpu.dma_semaphore, #tpu.memory_space<semaphore_mem>>
        tpu.enqueue_indirect_dma source(%dma_start3A_1770 : memref<1000000x64xf32, #tpu.memory_space<hbm>>) target(%dma_start3A_1767 : memref<16x64xf32, #tpu.memory_space<vmem>>) offsets(%get3A_1758 : vector<16xi32>) semaphore(%dma_start3A_1772 : memref<!tpu.dma_semaphore, #tpu.memory_space<semaphore_mem>>)
      } else {
      }
      %dma_wait3A_859 = arith.constant 1 : i32
      %dma_wait3A_860 = arith.constant 1 : i32
      %dma_wait3A_861 = arith.constant 0 : i32
      %dma_wait3A_862 = arith.constant 0 : i32
      %dma_wait3A_863 = tpu.memref_slice %arg6[%dma_wait3A_859, %dma_wait3A_861, %dma_wait3A_862] : memref<2x640x64xf32, #tpu.memory_space<vmem>> -> memref<1x640x64xf32, #tpu.memory_space<vmem>>
      %dma_wait3A_864 = tpu.memref_squeeze %dma_wait3A_863 : memref<1x640x64xf32, #tpu.memory_space<vmem>> -> memref<640x64xf32, #tpu.memory_space<vmem>>
      %dma_wait3A_865 = arith.constant 0 : i32
      %dma_wait3A_866 = arith.constant 0 : i32
      %dma_wait3A_867 = tpu.memref_slice %arg3[%dma_wait3A_865, %dma_wait3A_866] : memref<1000000x64xf32, #tpu.memory_space<hbm>> -> memref<640x64xf32, #tpu.memory_space<hbm>>
      %dma_wait3A_868 = tpu.memref_slice %arg8[%dma_wait3A_860] : memref<2x!tpu.dma_semaphore, #tpu.memory_space<semaphore_mem>> -> memref<1x!tpu.dma_semaphore, #tpu.memory_space<semaphore_mem>>
      %dma_wait3A_869 = tpu.memref_squeeze %dma_wait3A_868 : memref<1x!tpu.dma_semaphore, #tpu.memory_space<semaphore_mem>> -> memref<!tpu.dma_semaphore, #tpu.memory_space<semaphore_mem>>
      %dma_wait3A_870 = arith.constant 0 : i32
      %dma_wait3A_871 = arith.constant 0 : i32
      %dma_wait3A_872 = tpu.memref_slice %arg6[%dma_wait3A_859, %dma_wait3A_870, %dma_wait3A_871] : memref<2x640x64xf32, #tpu.memory_space<vmem>> -> memref<1x640x64xf32, #tpu.memory_space<vmem>>
      %dma_wait3A_873 = tpu.memref_squeeze %dma_wait3A_872 : memref<1x640x64xf32, #tpu.memory_space<vmem>> -> memref<640x64xf32, #tpu.memory_space<vmem>>
      %dma_wait3A_874 = arith.constant 0 : i32
      %dma_wait3A_875 = arith.constant 0 : i32
      %dma_wait3A_876 = tpu.memref_slice %arg3[%dma_wait3A_874, %dma_wait3A_875] : memref<1000000x64xf32, #tpu.memory_space<hbm>> -> memref<640x64xf32, #tpu.memory_space<hbm>>
      tpu.wait_dma2 semaphore(%dma_wait3A_869 : memref<!tpu.dma_semaphore, #tpu.memory_space<semaphore_mem>>) src(%dma_wait3A_876 : memref<640x64xf32, #tpu.memory_space<hbm>>) dst(%dma_wait3A_873 : memref<640x64xf32, #tpu.memory_space<vmem>>)
      %lt3A_877 = arith.constant 2 : i32
      %lt3A_878 = arith.cmpi slt, %add3A_851, %lt3A_877 : i32
      %not3A_879 = arith.constant true
      %not3A_880 = arith.xori %lt3A_878, %not3A_879 : i1
      %convert_element_type3A_881 = arith.extui %not3A_880 : i1 to i32
      %cond3A_882 = arith.constant 0 : i32
      %cond3A_883 = arith.cmpi ne, %convert_element_type3A_881, %cond3A_882 : i32
      scf.if %cond3A_883 {
        %mul3A_933 = arith.constant 32 : i32
        %mul3A_934 = arith.muli %add3A_851, %mul3A_933 : i32
        %add3A_935 = arith.addi %mul3A_2, %mul3A_934 : i32
        %jit3A_936 = arith.constant 2 : i32
        %div3A_937 = arith.divsi %add3A_935, %jit3A_936 : i32
        %sign3A_938 = arith.constant 0 : i32
        %sign3A_939 = arith.cmpi sgt, %add3A_935, %sign3A_938 : i32
        %sign3A_940 = arith.extui %sign3A_939 : i1 to i32
        %sign3A_941 = arith.constant 0 : i32
        %sign3A_942 = arith.cmpi slt, %add3A_935, %sign3A_941 : i32
        %sign3A_943 = arith.extui %sign3A_942 : i1 to i32
        %sign3A_944 = arith.subi %sign3A_940, %sign3A_943 : i32
        %sign3A_945 = arith.constant 0 : i32
        %sign3A_946 = arith.cmpi sgt, %jit3A_936, %sign3A_945 : i32
        %sign3A_947 = arith.extui %sign3A_946 : i1 to i32
        %sign3A_948 = arith.constant 0 : i32
        %sign3A_949 = arith.cmpi slt, %jit3A_936, %sign3A_948 : i32
        %sign3A_950 = arith.extui %sign3A_949 : i1 to i32
        %sign3A_951 = arith.subi %sign3A_947, %sign3A_950 : i32
        %ne3A_952 = arith.cmpi ne, %sign3A_944, %sign3A_951 : i32
        %rem3A_953 = arith.remsi %add3A_935, %jit3A_936 : i32
        %ne3A_954 = arith.constant 0 : i32
        %ne3A_955 = arith.cmpi ne, %rem3A_953, %ne3A_954 : i32
        %and3A_956 = arith.andi %ne3A_952, %ne3A_955 : i1
        %sub3A_957 = arith.constant 1 : i32
        %sub3A_958 = arith.subi %div3A_937, %sub3A_957 : i32
        %select_n3A_959 = arith.select %and3A_956, %sub3A_958, %div3A_937 : i32
        %dma_wait3A_960 = arith.constant 1 : i32
        %dma_wait3A_961 = arith.constant 1 : i32
        %dma_wait3A_962 = arith.constant 0 : i32
        %dma_wait3A_963 = arith.constant 0 : i32
        %dma_wait3A_964 = tpu.memref_slice %arg7[%dma_wait3A_960, %dma_wait3A_962, %dma_wait3A_963] : memref<2x16x128xf32, #tpu.memory_space<vmem>> -> memref<1x16x128xf32, #tpu.memory_space<vmem>>
        %dma_wait3A_965 = tpu.memref_squeeze %dma_wait3A_964 : memref<1x16x128xf32, #tpu.memory_space<vmem>> -> memref<16x128xf32, #tpu.memory_space<vmem>>
        %dma_wait3A_966 = arith.constant 0 : i32
        %dma_wait3A_967 = tpu.memref_slice %arg4[%select_n3A_959, %dma_wait3A_966] : memref<8192x128xf32, #tpu.memory_space<hbm>> -> memref<16x128xf32, #tpu.memory_space<hbm>>
        %dma_wait3A_968 = tpu.memref_slice %arg9[%dma_wait3A_961] : memref<2x!tpu.dma_semaphore, #tpu.memory_space<semaphore_mem>> -> memref<1x!tpu.dma_semaphore, #tpu.memory_space<semaphore_mem>>
        %dma_wait3A_969 = tpu.memref_squeeze %dma_wait3A_968 : memref<1x!tpu.dma_semaphore, #tpu.memory_space<semaphore_mem>> -> memref<!tpu.dma_semaphore, #tpu.memory_space<semaphore_mem>>
        %dma_wait3A_970 = arith.constant 0 : i32
        %dma_wait3A_971 = tpu.memref_slice %arg4[%select_n3A_959, %dma_wait3A_970] : memref<8192x128xf32, #tpu.memory_space<hbm>> -> memref<16x128xf32, #tpu.memory_space<hbm>>
        %dma_wait3A_972 = arith.constant 0 : i32
        %dma_wait3A_973 = arith.constant 0 : i32
        %dma_wait3A_974 = tpu.memref_slice %arg7[%dma_wait3A_960, %dma_wait3A_972, %dma_wait3A_973] : memref<2x16x128xf32, #tpu.memory_space<vmem>> -> memref<1x16x128xf32, #tpu.memory_space<vmem>>
        %dma_wait3A_975 = tpu.memref_squeeze %dma_wait3A_974 : memref<1x16x128xf32, #tpu.memory_space<vmem>> -> memref<16x128xf32, #tpu.memory_space<vmem>>
        tpu.wait_dma2 semaphore(%dma_wait3A_969 : memref<!tpu.dma_semaphore, #tpu.memory_space<semaphore_mem>>) src(%dma_wait3A_975 : memref<16x128xf32, #tpu.memory_space<vmem>>) dst(%dma_wait3A_971 : memref<16x128xf32, #tpu.memory_space<hbm>>)
      } else {
      }
      %scan3A_884 = arith.constant 0 : i32
      %scan3A_885 = arith.constant 0 : i32
      %scan3A_886 = arith.constant 32 : i32
      %scan3A_887 = arith.addi %scan3A_885, %scan3A_886 : i32
      %scan3A_888 = arith.constant 1 : i32
      scf.for %scan3A_933 = %scan3A_885 to %scan3A_887 step %scan3A_888  : i32 {
        %mul3A_934 = arith.constant 20 : i32
        %mul3A_935 = arith.muli %scan3A_933, %mul3A_934 : i32
        %get3A_936 = arith.constant 1 : i32
        %get3A_937 = arith.index_cast %get3A_936 : i32 to index
        %get3A_938 = arith.index_cast %mul3A_935 : i32 to index
        %get3A_939 = arith.constant 0 : index
        %get3A_940 = tpu.vector_load %arg6[%get3A_937, %get3A_938, %get3A_939] {strides = array<i32>} : memref<2x640x64xf32, #tpu.memory_space<vmem>>, vector<1x1x16xf32>,
        %get3A_941 = vector.shape_cast %get3A_940 : vector<1x1x16xf32> to vector<16xf32>
        %get3A_942 = arith.constant 1 : i32
        %get3A_943 = arith.index_cast %get3A_942 : i32 to index
        %get3A_944 = arith.index_cast %mul3A_935 : i32 to index
        %get3A_945 = arith.constant 16 : index
        %get3A_946 = tpu.vector_load %arg6[%get3A_943, %get3A_944, %get3A_945] {strides = array<i32>} : memref<2x640x64xf32, #tpu.memory_space<vmem>>, vector<1x1x16xf32>,
        %get3A_947 = vector.shape_cast %get3A_946 : vector<1x1x16xf32> to vector<16xf32>
        %get3A_948 = arith.constant 1 : i32
        %get3A_949 = arith.index_cast %get3A_948 : i32 to index
        %get3A_950 = arith.index_cast %mul3A_935 : i32 to index
        %get3A_951 = arith.constant 32 : index
        %get3A_952 = tpu.vector_load %arg6[%get3A_949, %get3A_950, %get3A_951] {strides = array<i32>} : memref<2x640x64xf32, #tpu.memory_space<vmem>>, vector<1x1x16xf32>,
        %get3A_953 = vector.shape_cast %get3A_952 : vector<1x1x16xf32> to vector<16xf32>
        %get3A_954 = arith.constant 1 : i32
        %get3A_955 = arith.index_cast %get3A_954 : i32 to index
        %get3A_956 = arith.index_cast %mul3A_935 : i32 to index
        %get3A_957 = arith.constant 48 : index
        %get3A_958 = tpu.vector_load %arg6[%get3A_955, %get3A_956, %get3A_957] {strides = array<i32>} : memref<2x640x64xf32, #tpu.memory_space<vmem>>, vector<1x1x16xf32>,
        %get3A_959 = vector.shape_cast %get3A_958 : vector<1x1x16xf32> to vector<16xf32>
        %add3A_960 = arith.constant 1 : i32
        %add3A_961 = arith.addi %mul3A_935, %add3A_960 : i32
        %get3A_962 = arith.constant 1 : i32
        %get3A_963 = arith.index_cast %get3A_962 : i32 to index
        %get3A_964 = arith.index_cast %add3A_961 : i32 to index
        %get3A_965 = arith.constant 0 : index
        %get3A_966 = tpu.vector_load %arg6[%get3A_963, %get3A_964, %get3A_965] {strides = array<i32>} : memref<2x640x64xf32, #tpu.memory_space<vmem>>, vector<1x1x16xf32>,
        %get3A_967 = vector.shape_cast %get3A_966 : vector<1x1x16xf32> to vector<16xf32>
        %add3A_968 = arith.addf %get3A_941, %get3A_967 : vector<16xf32>
        %add3A_969 = arith.constant 1 : i32
        %add3A_970 = arith.addi %mul3A_935, %add3A_969 : i32
        %get3A_971 = arith.constant 1 : i32
        %get3A_972 = arith.index_cast %get3A_971 : i32 to index
        %get3A_973 = arith.index_cast %add3A_970 : i32 to index
        %get3A_974 = arith.constant 16 : index
        %get3A_975 = tpu.vector_load %arg6[%get3A_972, %get3A_973, %get3A_974] {strides = array<i32>} : memref<2x640x64xf32, #tpu.memory_space<vmem>>, vector<1x1x16xf32>,
        %get3A_976 = vector.shape_cast %get3A_975 : vector<1x1x16xf32> to vector<16xf32>
        %add3A_977 = arith.addf %get3A_947, %get3A_976 : vector<16xf32>
        %add3A_978 = arith.constant 1 : i32
        %add3A_979 = arith.addi %mul3A_935, %add3A_978 : i32
        %get3A_980 = arith.constant 1 : i32
        %get3A_981 = arith.index_cast %get3A_980 : i32 to index
        %get3A_982 = arith.index_cast %add3A_979 : i32 to index
        %get3A_983 = arith.constant 32 : index
        %get3A_984 = tpu.vector_load %arg6[%get3A_981, %get3A_982, %get3A_983] {strides = array<i32>} : memref<2x640x64xf32, #tpu.memory_space<vmem>>, vector<1x1x16xf32>,
        %get3A_985 = vector.shape_cast %get3A_984 : vector<1x1x16xf32> to vector<16xf32>
        %add3A_986 = arith.addf %get3A_953, %get3A_985 : vector<16xf32>
        %add3A_987 = arith.constant 1 : i32
        %add3A_988 = arith.addi %mul3A_935, %add3A_987 : i32
        %get3A_989 = arith.constant 1 : i32
        %get3A_990 = arith.index_cast %get3A_989 : i32 to index
        %get3A_991 = arith.index_cast %add3A_988 : i32 to index
        %get3A_992 = arith.constant 48 : index
        %get3A_993 = tpu.vector_load %arg6[%get3A_990, %get3A_991, %get3A_992] {strides = array<i32>} : memref<2x640x64xf32, #tpu.memory_space<vmem>>, vector<1x1x16xf32>,
        %get3A_994 = vector.shape_cast %get3A_993 : vector<1x1x16xf32> to vector<16xf32>
        %add3A_995 = arith.addf %get3A_959, %get3A_994 : vector<16xf32>
        %add3A_996 = arith.constant 2 : i32
        %add3A_997 = arith.addi %mul3A_935, %add3A_996 : i32
        %get3A_998 = arith.constant 1 : i32
        %get3A_999 = arith.index_cast %get3A_998 : i32 to index
        %get3A_1000 = arith.index_cast %add3A_997 : i32 to index
        %get3A_1001 = arith.constant 0 : index
        %get3A_1002 = tpu.vector_load %arg6[%get3A_999, %get3A_1000, %get3A_1001] {strides = array<i32>} : memref<2x640x64xf32, #tpu.memory_space<vmem>>, vector<1x1x16xf32>,
        %get3A_1003 = vector.shape_cast %get3A_1002 : vector<1x1x16xf32> to vector<16xf32>
        %add3A_1004 = arith.addf %add3A_968, %get3A_1003 : vector<16xf32>
        %add3A_1005 = arith.constant 2 : i32
        %add3A_1006 = arith.addi %mul3A_935, %add3A_1005 : i32
        %get3A_1007 = arith.constant 1 : i32
        %get3A_1008 = arith.index_cast %get3A_1007 : i32 to index
        %get3A_1009 = arith.index_cast %add3A_1006 : i32 to index
        %get3A_1010 = arith.constant 16 : index
        %get3A_1011 = tpu.vector_load %arg6[%get3A_1008, %get3A_1009, %get3A_1010] {strides = array<i32>} : memref<2x640x64xf32, #tpu.memory_space<vmem>>, vector<1x1x16xf32>,
        %get3A_1012 = vector.shape_cast %get3A_1011 : vector<1x1x16xf32> to vector<16xf32>
        %add3A_1013 = arith.addf %add3A_977, %get3A_1012 : vector<16xf32>
        %add3A_1014 = arith.constant 2 : i32
        %add3A_1015 = arith.addi %mul3A_935, %add3A_1014 : i32
        %get3A_1016 = arith.constant 1 : i32
        %get3A_1017 = arith.index_cast %get3A_1016 : i32 to index
        %get3A_1018 = arith.index_cast %add3A_1015 : i32 to index
        %get3A_1019 = arith.constant 32 : index
        %get3A_1020 = tpu.vector_load %arg6[%get3A_1017, %get3A_1018, %get3A_1019] {strides = array<i32>} : memref<2x640x64xf32, #tpu.memory_space<vmem>>, vector<1x1x16xf32>,
        %get3A_1021 = vector.shape_cast %get3A_1020 : vector<1x1x16xf32> to vector<16xf32>
        %add3A_1022 = arith.addf %add3A_986, %get3A_1021 : vector<16xf32>
        %add3A_1023 = arith.constant 2 : i32
        %add3A_1024 = arith.addi %mul3A_935, %add3A_1023 : i32
        %get3A_1025 = arith.constant 1 : i32
        %get3A_1026 = arith.index_cast %get3A_1025 : i32 to index
        %get3A_1027 = arith.index_cast %add3A_1024 : i32 to index
        %get3A_1028 = arith.constant 48 : index
        %get3A_1029 = tpu.vector_load %arg6[%get3A_1026, %get3A_1027, %get3A_1028] {strides = array<i32>} : memref<2x640x64xf32, #tpu.memory_space<vmem>>, vector<1x1x16xf32>,
        %get3A_1030 = vector.shape_cast %get3A_1029 : vector<1x1x16xf32> to vector<16xf32>
        %add3A_1031 = arith.addf %add3A_995, %get3A_1030 : vector<16xf32>
        %add3A_1032 = arith.constant 3 : i32
        %add3A_1033 = arith.addi %mul3A_935, %add3A_1032 : i32
        %get3A_1034 = arith.constant 1 : i32
        %get3A_1035 = arith.index_cast %get3A_1034 : i32 to index
        %get3A_1036 = arith.index_cast %add3A_1033 : i32 to index
        %get3A_1037 = arith.constant 0 : index
        %get3A_1038 = tpu.vector_load %arg6[%get3A_1035, %get3A_1036, %get3A_1037] {strides = array<i32>} : memref<2x640x64xf32, #tpu.memory_space<vmem>>, vector<1x1x16xf32>,
        %get3A_1039 = vector.shape_cast %get3A_1038 : vector<1x1x16xf32> to vector<16xf32>
        %add3A_1040 = arith.addf %add3A_1004, %get3A_1039 : vector<16xf32>
        %add3A_1041 = arith.constant 3 : i32
        %add3A_1042 = arith.addi %mul3A_935, %add3A_1041 : i32
        %get3A_1043 = arith.constant 1 : i32
        %get3A_1044 = arith.index_cast %get3A_1043 : i32 to index
        %get3A_1045 = arith.index_cast %add3A_1042 : i32 to index
        %get3A_1046 = arith.constant 16 : index
        %get3A_1047 = tpu.vector_load %arg6[%get3A_1044, %get3A_1045, %get3A_1046] {strides = array<i32>} : memref<2x640x64xf32, #tpu.memory_space<vmem>>, vector<1x1x16xf32>,
        %get3A_1048 = vector.shape_cast %get3A_1047 : vector<1x1x16xf32> to vector<16xf32>
        %add3A_1049 = arith.addf %add3A_1013, %get3A_1048 : vector<16xf32>
        %add3A_1050 = arith.constant 3 : i32
        %add3A_1051 = arith.addi %mul3A_935, %add3A_1050 : i32
        %get3A_1052 = arith.constant 1 : i32
        %get3A_1053 = arith.index_cast %get3A_1052 : i32 to index
        %get3A_1054 = arith.index_cast %add3A_1051 : i32 to index
        %get3A_1055 = arith.constant 32 : index
        %get3A_1056 = tpu.vector_load %arg6[%get3A_1053, %get3A_1054, %get3A_1055] {strides = array<i32>} : memref<2x640x64xf32, #tpu.memory_space<vmem>>, vector<1x1x16xf32>,
        %get3A_1057 = vector.shape_cast %get3A_1056 : vector<1x1x16xf32> to vector<16xf32>
        %add3A_1058 = arith.addf %add3A_1022, %get3A_1057 : vector<16xf32>
        %add3A_1059 = arith.constant 3 : i32
        %add3A_1060 = arith.addi %mul3A_935, %add3A_1059 : i32
        %get3A_1061 = arith.constant 1 : i32
        %get3A_1062 = arith.index_cast %get3A_1061 : i32 to index
        %get3A_1063 = arith.index_cast %add3A_1060 : i32 to index
        %get3A_1064 = arith.constant 48 : index
        %get3A_1065 = tpu.vector_load %arg6[%get3A_1062, %get3A_1063, %get3A_1064] {strides = array<i32>} : memref<2x640x64xf32, #tpu.memory_space<vmem>>, vector<1x1x16xf32>,
        %get3A_1066 = vector.shape_cast %get3A_1065 : vector<1x1x16xf32> to vector<16xf32>
        %add3A_1067 = arith.addf %add3A_1031, %get3A_1066 : vector<16xf32>
        %add3A_1068 = arith.constant 4 : i32
        %add3A_1069 = arith.addi %mul3A_935, %add3A_1068 : i32
        %get3A_1070 = arith.constant 1 : i32
        %get3A_1071 = arith.index_cast %get3A_1070 : i32 to index
        %get3A_1072 = arith.index_cast %add3A_1069 : i32 to index
        %get3A_1073 = arith.constant 0 : index
        %get3A_1074 = tpu.vector_load %arg6[%get3A_1071, %get3A_1072, %get3A_1073] {strides = array<i32>} : memref<2x640x64xf32, #tpu.memory_space<vmem>>, vector<1x1x16xf32>,
        %get3A_1075 = vector.shape_cast %get3A_1074 : vector<1x1x16xf32> to vector<16xf32>
        %add3A_1076 = arith.addf %add3A_1040, %get3A_1075 : vector<16xf32>
        %add3A_1077 = arith.constant 4 : i32
        %add3A_1078 = arith.addi %mul3A_935, %add3A_1077 : i32
        %get3A_1079 = arith.constant 1 : i32
        %get3A_1080 = arith.index_cast %get3A_1079 : i32 to index
        %get3A_1081 = arith.index_cast %add3A_1078 : i32 to index
        %get3A_1082 = arith.constant 16 : index
        %get3A_1083 = tpu.vector_load %arg6[%get3A_1080, %get3A_1081, %get3A_1082] {strides = array<i32>} : memref<2x640x64xf32, #tpu.memory_space<vmem>>, vector<1x1x16xf32>,
        %get3A_1084 = vector.shape_cast %get3A_1083 : vector<1x1x16xf32> to vector<16xf32>
        %add3A_1085 = arith.addf %add3A_1049, %get3A_1084 : vector<16xf32>
        %add3A_1086 = arith.constant 4 : i32
        %add3A_1087 = arith.addi %mul3A_935, %add3A_1086 : i32
        %get3A_1088 = arith.constant 1 : i32
        %get3A_1089 = arith.index_cast %get3A_1088 : i32 to index
        %get3A_1090 = arith.index_cast %add3A_1087 : i32 to index
        %get3A_1091 = arith.constant 32 : index
        %get3A_1092 = tpu.vector_load %arg6[%get3A_1089, %get3A_1090, %get3A_1091] {strides = array<i32>} : memref<2x640x64xf32, #tpu.memory_space<vmem>>, vector<1x1x16xf32>,
        %get3A_1093 = vector.shape_cast %get3A_1092 : vector<1x1x16xf32> to vector<16xf32>
        %add3A_1094 = arith.addf %add3A_1058, %get3A_1093 : vector<16xf32>
        %add3A_1095 = arith.constant 4 : i32
        %add3A_1096 = arith.addi %mul3A_935, %add3A_1095 : i32
        %get3A_1097 = arith.constant 1 : i32
        %get3A_1098 = arith.index_cast %get3A_1097 : i32 to index
        %get3A_1099 = arith.index_cast %add3A_1096 : i32 to index
        %get3A_1100 = arith.constant 48 : index
        %get3A_1101 = tpu.vector_load %arg6[%get3A_1098, %get3A_1099, %get3A_1100] {strides = array<i32>} : memref<2x640x64xf32, #tpu.memory_space<vmem>>, vector<1x1x16xf32>,
        %get3A_1102 = vector.shape_cast %get3A_1101 : vector<1x1x16xf32> to vector<16xf32>
        %add3A_1103 = arith.addf %add3A_1067, %get3A_1102 : vector<16xf32>
        %add3A_1104 = arith.constant 5 : i32
        %add3A_1105 = arith.addi %mul3A_935, %add3A_1104 : i32
        %get3A_1106 = arith.constant 1 : i32
        %get3A_1107 = arith.index_cast %get3A_1106 : i32 to index
        %get3A_1108 = arith.index_cast %add3A_1105 : i32 to index
        %get3A_1109 = arith.constant 0 : index
        %get3A_1110 = tpu.vector_load %arg6[%get3A_1107, %get3A_1108, %get3A_1109] {strides = array<i32>} : memref<2x640x64xf32, #tpu.memory_space<vmem>>, vector<1x1x16xf32>,
        %get3A_1111 = vector.shape_cast %get3A_1110 : vector<1x1x16xf32> to vector<16xf32>
        %add3A_1112 = arith.addf %add3A_1076, %get3A_1111 : vector<16xf32>
        %add3A_1113 = arith.constant 5 : i32
        %add3A_1114 = arith.addi %mul3A_935, %add3A_1113 : i32
        %get3A_1115 = arith.constant 1 : i32
        %get3A_1116 = arith.index_cast %get3A_1115 : i32 to index
        %get3A_1117 = arith.index_cast %add3A_1114 : i32 to index
        %get3A_1118 = arith.constant 16 : index
        %get3A_1119 = tpu.vector_load %arg6[%get3A_1116, %get3A_1117, %get3A_1118] {strides = array<i32>} : memref<2x640x64xf32, #tpu.memory_space<vmem>>, vector<1x1x16xf32>,
        %get3A_1120 = vector.shape_cast %get3A_1119 : vector<1x1x16xf32> to vector<16xf32>
        %add3A_1121 = arith.addf %add3A_1085, %get3A_1120 : vector<16xf32>
        %add3A_1122 = arith.constant 5 : i32
        %add3A_1123 = arith.addi %mul3A_935, %add3A_1122 : i32
        %get3A_1124 = arith.constant 1 : i32
        %get3A_1125 = arith.index_cast %get3A_1124 : i32 to index
        %get3A_1126 = arith.index_cast %add3A_1123 : i32 to index
        %get3A_1127 = arith.constant 32 : index
        %get3A_1128 = tpu.vector_load %arg6[%get3A_1125, %get3A_1126, %get3A_1127] {strides = array<i32>} : memref<2x640x64xf32, #tpu.memory_space<vmem>>, vector<1x1x16xf32>,
        %get3A_1129 = vector.shape_cast %get3A_1128 : vector<1x1x16xf32> to vector<16xf32>
        %add3A_1130 = arith.addf %add3A_1094, %get3A_1129 : vector<16xf32>
        %add3A_1131 = arith.constant 5 : i32
        %add3A_1132 = arith.addi %mul3A_935, %add3A_1131 : i32
        %get3A_1133 = arith.constant 1 : i32
        %get3A_1134 = arith.index_cast %get3A_1133 : i32 to index
        %get3A_1135 = arith.index_cast %add3A_1132 : i32 to index
        %get3A_1136 = arith.constant 48 : index
        %get3A_1137 = tpu.vector_load %arg6[%get3A_1134, %get3A_1135, %get3A_1136] {strides = array<i32>} : memref<2x640x64xf32, #tpu.memory_space<vmem>>, vector<1x1x16xf32>,
        %get3A_1138 = vector.shape_cast %get3A_1137 : vector<1x1x16xf32> to vector<16xf32>
        %add3A_1139 = arith.addf %add3A_1103, %get3A_1138 : vector<16xf32>
        %add3A_1140 = arith.constant 6 : i32
        %add3A_1141 = arith.addi %mul3A_935, %add3A_1140 : i32
        %get3A_1142 = arith.constant 1 : i32
        %get3A_1143 = arith.index_cast %get3A_1142 : i32 to index
        %get3A_1144 = arith.index_cast %add3A_1141 : i32 to index
        %get3A_1145 = arith.constant 0 : index
        %get3A_1146 = tpu.vector_load %arg6[%get3A_1143, %get3A_1144, %get3A_1145] {strides = array<i32>} : memref<2x640x64xf32, #tpu.memory_space<vmem>>, vector<1x1x16xf32>,
        %get3A_1147 = vector.shape_cast %get3A_1146 : vector<1x1x16xf32> to vector<16xf32>
        %add3A_1148 = arith.addf %add3A_1112, %get3A_1147 : vector<16xf32>
        %add3A_1149 = arith.constant 6 : i32
        %add3A_1150 = arith.addi %mul3A_935, %add3A_1149 : i32
        %get3A_1151 = arith.constant 1 : i32
        %get3A_1152 = arith.index_cast %get3A_1151 : i32 to index
        %get3A_1153 = arith.index_cast %add3A_1150 : i32 to index
        %get3A_1154 = arith.constant 16 : index
        %get3A_1155 = tpu.vector_load %arg6[%get3A_1152, %get3A_1153, %get3A_1154] {strides = array<i32>} : memref<2x640x64xf32, #tpu.memory_space<vmem>>, vector<1x1x16xf32>,
        %get3A_1156 = vector.shape_cast %get3A_1155 : vector<1x1x16xf32> to vector<16xf32>
        %add3A_1157 = arith.addf %add3A_1121, %get3A_1156 : vector<16xf32>
        %add3A_1158 = arith.constant 6 : i32
        %add3A_1159 = arith.addi %mul3A_935, %add3A_1158 : i32
        %get3A_1160 = arith.constant 1 : i32
        %get3A_1161 = arith.index_cast %get3A_1160 : i32 to index
        %get3A_1162 = arith.index_cast %add3A_1159 : i32 to index
        %get3A_1163 = arith.constant 32 : index
        %get3A_1164 = tpu.vector_load %arg6[%get3A_1161, %get3A_1162, %get3A_1163] {strides = array<i32>} : memref<2x640x64xf32, #tpu.memory_space<vmem>>, vector<1x1x16xf32>,
        %get3A_1165 = vector.shape_cast %get3A_1164 : vector<1x1x16xf32> to vector<16xf32>
        %add3A_1166 = arith.addf %add3A_1130, %get3A_1165 : vector<16xf32>
        %add3A_1167 = arith.constant 6 : i32
        %add3A_1168 = arith.addi %mul3A_935, %add3A_1167 : i32
        %get3A_1169 = arith.constant 1 : i32
        %get3A_1170 = arith.index_cast %get3A_1169 : i32 to index
        %get3A_1171 = arith.index_cast %add3A_1168 : i32 to index
        %get3A_1172 = arith.constant 48 : index
        %get3A_1173 = tpu.vector_load %arg6[%get3A_1170, %get3A_1171, %get3A_1172] {strides = array<i32>} : memref<2x640x64xf32, #tpu.memory_space<vmem>>, vector<1x1x16xf32>,
        %get3A_1174 = vector.shape_cast %get3A_1173 : vector<1x1x16xf32> to vector<16xf32>
        %add3A_1175 = arith.addf %add3A_1139, %get3A_1174 : vector<16xf32>
        %add3A_1176 = arith.constant 7 : i32
        %add3A_1177 = arith.addi %mul3A_935, %add3A_1176 : i32
        %get3A_1178 = arith.constant 1 : i32
        %get3A_1179 = arith.index_cast %get3A_1178 : i32 to index
        %get3A_1180 = arith.index_cast %add3A_1177 : i32 to index
        %get3A_1181 = arith.constant 0 : index
        %get3A_1182 = tpu.vector_load %arg6[%get3A_1179, %get3A_1180, %get3A_1181] {strides = array<i32>} : memref<2x640x64xf32, #tpu.memory_space<vmem>>, vector<1x1x16xf32>,
        %get3A_1183 = vector.shape_cast %get3A_1182 : vector<1x1x16xf32> to vector<16xf32>
        %add3A_1184 = arith.addf %add3A_1148, %get3A_1183 : vector<16xf32>
        %add3A_1185 = arith.constant 7 : i32
        %add3A_1186 = arith.addi %mul3A_935, %add3A_1185 : i32
        %get3A_1187 = arith.constant 1 : i32
        %get3A_1188 = arith.index_cast %get3A_1187 : i32 to index
        %get3A_1189 = arith.index_cast %add3A_1186 : i32 to index
        %get3A_1190 = arith.constant 16 : index
        %get3A_1191 = tpu.vector_load %arg6[%get3A_1188, %get3A_1189, %get3A_1190] {strides = array<i32>} : memref<2x640x64xf32, #tpu.memory_space<vmem>>, vector<1x1x16xf32>,
        %get3A_1192 = vector.shape_cast %get3A_1191 : vector<1x1x16xf32> to vector<16xf32>
        %add3A_1193 = arith.addf %add3A_1157, %get3A_1192 : vector<16xf32>
        %add3A_1194 = arith.constant 7 : i32
        %add3A_1195 = arith.addi %mul3A_935, %add3A_1194 : i32
        %get3A_1196 = arith.constant 1 : i32
        %get3A_1197 = arith.index_cast %get3A_1196 : i32 to index
        %get3A_1198 = arith.index_cast %add3A_1195 : i32 to index
        %get3A_1199 = arith.constant 32 : index
        %get3A_1200 = tpu.vector_load %arg6[%get3A_1197, %get3A_1198, %get3A_1199] {strides = array<i32>} : memref<2x640x64xf32, #tpu.memory_space<vmem>>, vector<1x1x16xf32>,
        %get3A_1201 = vector.shape_cast %get3A_1200 : vector<1x1x16xf32> to vector<16xf32>
        %add3A_1202 = arith.addf %add3A_1166, %get3A_1201 : vector<16xf32>
        %add3A_1203 = arith.constant 7 : i32
        %add3A_1204 = arith.addi %mul3A_935, %add3A_1203 : i32
        %get3A_1205 = arith.constant 1 : i32
        %get3A_1206 = arith.index_cast %get3A_1205 : i32 to index
        %get3A_1207 = arith.index_cast %add3A_1204 : i32 to index
        %get3A_1208 = arith.constant 48 : index
        %get3A_1209 = tpu.vector_load %arg6[%get3A_1206, %get3A_1207, %get3A_1208] {strides = array<i32>} : memref<2x640x64xf32, #tpu.memory_space<vmem>>, vector<1x1x16xf32>,
        %get3A_1210 = vector.shape_cast %get3A_1209 : vector<1x1x16xf32> to vector<16xf32>
        %add3A_1211 = arith.addf %add3A_1175, %get3A_1210 : vector<16xf32>
        %add3A_1212 = arith.constant 8 : i32
        %add3A_1213 = arith.addi %mul3A_935, %add3A_1212 : i32
        %get3A_1214 = arith.constant 1 : i32
        %get3A_1215 = arith.index_cast %get3A_1214 : i32 to index
        %get3A_1216 = arith.index_cast %add3A_1213 : i32 to index
        %get3A_1217 = arith.constant 0 : index
        %get3A_1218 = tpu.vector_load %arg6[%get3A_1215, %get3A_1216, %get3A_1217] {strides = array<i32>} : memref<2x640x64xf32, #tpu.memory_space<vmem>>, vector<1x1x16xf32>,
        %get3A_1219 = vector.shape_cast %get3A_1218 : vector<1x1x16xf32> to vector<16xf32>
        %add3A_1220 = arith.addf %add3A_1184, %get3A_1219 : vector<16xf32>
        %add3A_1221 = arith.constant 8 : i32
        %add3A_1222 = arith.addi %mul3A_935, %add3A_1221 : i32
        %get3A_1223 = arith.constant 1 : i32
        %get3A_1224 = arith.index_cast %get3A_1223 : i32 to index
        %get3A_1225 = arith.index_cast %add3A_1222 : i32 to index
        %get3A_1226 = arith.constant 16 : index
        %get3A_1227 = tpu.vector_load %arg6[%get3A_1224, %get3A_1225, %get3A_1226] {strides = array<i32>} : memref<2x640x64xf32, #tpu.memory_space<vmem>>, vector<1x1x16xf32>,
        %get3A_1228 = vector.shape_cast %get3A_1227 : vector<1x1x16xf32> to vector<16xf32>
        %add3A_1229 = arith.addf %add3A_1193, %get3A_1228 : vector<16xf32>
        %add3A_1230 = arith.constant 8 : i32
        %add3A_1231 = arith.addi %mul3A_935, %add3A_1230 : i32
        %get3A_1232 = arith.constant 1 : i32
        %get3A_1233 = arith.index_cast %get3A_1232 : i32 to index
        %get3A_1234 = arith.index_cast %add3A_1231 : i32 to index
        %get3A_1235 = arith.constant 32 : index
        %get3A_1236 = tpu.vector_load %arg6[%get3A_1233, %get3A_1234, %get3A_1235] {strides = array<i32>} : memref<2x640x64xf32, #tpu.memory_space<vmem>>, vector<1x1x16xf32>,
        %get3A_1237 = vector.shape_cast %get3A_1236 : vector<1x1x16xf32> to vector<16xf32>
        %add3A_1238 = arith.addf %add3A_1202, %get3A_1237 : vector<16xf32>
        %add3A_1239 = arith.constant 8 : i32
        %add3A_1240 = arith.addi %mul3A_935, %add3A_1239 : i32
        %get3A_1241 = arith.constant 1 : i32
        %get3A_1242 = arith.index_cast %get3A_1241 : i32 to index
        %get3A_1243 = arith.index_cast %add3A_1240 : i32 to index
        %get3A_1244 = arith.constant 48 : index
        %get3A_1245 = tpu.vector_load %arg6[%get3A_1242, %get3A_1243, %get3A_1244] {strides = array<i32>} : memref<2x640x64xf32, #tpu.memory_space<vmem>>, vector<1x1x16xf32>,
        %get3A_1246 = vector.shape_cast %get3A_1245 : vector<1x1x16xf32> to vector<16xf32>
        %add3A_1247 = arith.addf %add3A_1211, %get3A_1246 : vector<16xf32>
        %add3A_1248 = arith.constant 9 : i32
        %add3A_1249 = arith.addi %mul3A_935, %add3A_1248 : i32
        %get3A_1250 = arith.constant 1 : i32
        %get3A_1251 = arith.index_cast %get3A_1250 : i32 to index
        %get3A_1252 = arith.index_cast %add3A_1249 : i32 to index
        %get3A_1253 = arith.constant 0 : index
        %get3A_1254 = tpu.vector_load %arg6[%get3A_1251, %get3A_1252, %get3A_1253] {strides = array<i32>} : memref<2x640x64xf32, #tpu.memory_space<vmem>>, vector<1x1x16xf32>,
        %get3A_1255 = vector.shape_cast %get3A_1254 : vector<1x1x16xf32> to vector<16xf32>
        %add3A_1256 = arith.addf %add3A_1220, %get3A_1255 : vector<16xf32>
        %add3A_1257 = arith.constant 9 : i32
        %add3A_1258 = arith.addi %mul3A_935, %add3A_1257 : i32
        %get3A_1259 = arith.constant 1 : i32
        %get3A_1260 = arith.index_cast %get3A_1259 : i32 to index
        %get3A_1261 = arith.index_cast %add3A_1258 : i32 to index
        %get3A_1262 = arith.constant 16 : index
        %get3A_1263 = tpu.vector_load %arg6[%get3A_1260, %get3A_1261, %get3A_1262] {strides = array<i32>} : memref<2x640x64xf32, #tpu.memory_space<vmem>>, vector<1x1x16xf32>,
        %get3A_1264 = vector.shape_cast %get3A_1263 : vector<1x1x16xf32> to vector<16xf32>
        %add3A_1265 = arith.addf %add3A_1229, %get3A_1264 : vector<16xf32>
        %add3A_1266 = arith.constant 9 : i32
        %add3A_1267 = arith.addi %mul3A_935, %add3A_1266 : i32
        %get3A_1268 = arith.constant 1 : i32
        %get3A_1269 = arith.index_cast %get3A_1268 : i32 to index
        %get3A_1270 = arith.index_cast %add3A_1267 : i32 to index
        %get3A_1271 = arith.constant 32 : index
        %get3A_1272 = tpu.vector_load %arg6[%get3A_1269, %get3A_1270, %get3A_1271] {strides = array<i32>} : memref<2x640x64xf32, #tpu.memory_space<vmem>>, vector<1x1x16xf32>,
        %get3A_1273 = vector.shape_cast %get3A_1272 : vector<1x1x16xf32> to vector<16xf32>
        %add3A_1274 = arith.addf %add3A_1238, %get3A_1273 : vector<16xf32>
        %add3A_1275 = arith.constant 9 : i32
        %add3A_1276 = arith.addi %mul3A_935, %add3A_1275 : i32
        %get3A_1277 = arith.constant 1 : i32
        %get3A_1278 = arith.index_cast %get3A_1277 : i32 to index
        %get3A_1279 = arith.index_cast %add3A_1276 : i32 to index
        %get3A_1280 = arith.constant 48 : index
        %get3A_1281 = tpu.vector_load %arg6[%get3A_1278, %get3A_1279, %get3A_1280] {strides = array<i32>} : memref<2x640x64xf32, #tpu.memory_space<vmem>>, vector<1x1x16xf32>,
        %get3A_1282 = vector.shape_cast %get3A_1281 : vector<1x1x16xf32> to vector<16xf32>
        %add3A_1283 = arith.addf %add3A_1247, %get3A_1282 : vector<16xf32>
        %add3A_1284 = arith.constant 10 : i32
        %add3A_1285 = arith.addi %mul3A_935, %add3A_1284 : i32
        %get3A_1286 = arith.constant 1 : i32
        %get3A_1287 = arith.index_cast %get3A_1286 : i32 to index
        %get3A_1288 = arith.index_cast %add3A_1285 : i32 to index
        %get3A_1289 = arith.constant 0 : index
        %get3A_1290 = tpu.vector_load %arg6[%get3A_1287, %get3A_1288, %get3A_1289] {strides = array<i32>} : memref<2x640x64xf32, #tpu.memory_space<vmem>>, vector<1x1x16xf32>,
        %get3A_1291 = vector.shape_cast %get3A_1290 : vector<1x1x16xf32> to vector<16xf32>
        %add3A_1292 = arith.addf %add3A_1256, %get3A_1291 : vector<16xf32>
        %add3A_1293 = arith.constant 10 : i32
        %add3A_1294 = arith.addi %mul3A_935, %add3A_1293 : i32
        %get3A_1295 = arith.constant 1 : i32
        %get3A_1296 = arith.index_cast %get3A_1295 : i32 to index
        %get3A_1297 = arith.index_cast %add3A_1294 : i32 to index
        %get3A_1298 = arith.constant 16 : index
        %get3A_1299 = tpu.vector_load %arg6[%get3A_1296, %get3A_1297, %get3A_1298] {strides = array<i32>} : memref<2x640x64xf32, #tpu.memory_space<vmem>>, vector<1x1x16xf32>,
        %get3A_1300 = vector.shape_cast %get3A_1299 : vector<1x1x16xf32> to vector<16xf32>
        %add3A_1301 = arith.addf %add3A_1265, %get3A_1300 : vector<16xf32>
        %add3A_1302 = arith.constant 10 : i32
        %add3A_1303 = arith.addi %mul3A_935, %add3A_1302 : i32
        %get3A_1304 = arith.constant 1 : i32
        %get3A_1305 = arith.index_cast %get3A_1304 : i32 to index
        %get3A_1306 = arith.index_cast %add3A_1303 : i32 to index
        %get3A_1307 = arith.constant 32 : index
        %get3A_1308 = tpu.vector_load %arg6[%get3A_1305, %get3A_1306, %get3A_1307] {strides = array<i32>} : memref<2x640x64xf32, #tpu.memory_space<vmem>>, vector<1x1x16xf32>,
        %get3A_1309 = vector.shape_cast %get3A_1308 : vector<1x1x16xf32> to vector<16xf32>
        %add3A_1310 = arith.addf %add3A_1274, %get3A_1309 : vector<16xf32>
        %add3A_1311 = arith.constant 10 : i32
        %add3A_1312 = arith.addi %mul3A_935, %add3A_1311 : i32
        %get3A_1313 = arith.constant 1 : i32
        %get3A_1314 = arith.index_cast %get3A_1313 : i32 to index
        %get3A_1315 = arith.index_cast %add3A_1312 : i32 to index
        %get3A_1316 = arith.constant 48 : index
        %get3A_1317 = tpu.vector_load %arg6[%get3A_1314, %get3A_1315, %get3A_1316] {strides = array<i32>} : memref<2x640x64xf32, #tpu.memory_space<vmem>>, vector<1x1x16xf32>,
        %get3A_1318 = vector.shape_cast %get3A_1317 : vector<1x1x16xf32> to vector<16xf32>
        %add3A_1319 = arith.addf %add3A_1283, %get3A_1318 : vector<16xf32>
        %add3A_1320 = arith.constant 11 : i32
        %add3A_1321 = arith.addi %mul3A_935, %add3A_1320 : i32
        %get3A_1322 = arith.constant 1 : i32
        %get3A_1323 = arith.index_cast %get3A_1322 : i32 to index
        %get3A_1324 = arith.index_cast %add3A_1321 : i32 to index
        %get3A_1325 = arith.constant 0 : index
        %get3A_1326 = tpu.vector_load %arg6[%get3A_1323, %get3A_1324, %get3A_1325] {strides = array<i32>} : memref<2x640x64xf32, #tpu.memory_space<vmem>>, vector<1x1x16xf32>,
        %get3A_1327 = vector.shape_cast %get3A_1326 : vector<1x1x16xf32> to vector<16xf32>
        %add3A_1328 = arith.addf %add3A_1292, %get3A_1327 : vector<16xf32>
        %add3A_1329 = arith.constant 11 : i32
        %add3A_1330 = arith.addi %mul3A_935, %add3A_1329 : i32
        %get3A_1331 = arith.constant 1 : i32
        %get3A_1332 = arith.index_cast %get3A_1331 : i32 to index
        %get3A_1333 = arith.index_cast %add3A_1330 : i32 to index
        %get3A_1334 = arith.constant 16 : index
        %get3A_1335 = tpu.vector_load %arg6[%get3A_1332, %get3A_1333, %get3A_1334] {strides = array<i32>} : memref<2x640x64xf32, #tpu.memory_space<vmem>>, vector<1x1x16xf32>,
        %get3A_1336 = vector.shape_cast %get3A_1335 : vector<1x1x16xf32> to vector<16xf32>
        %add3A_1337 = arith.addf %add3A_1301, %get3A_1336 : vector<16xf32>
        %add3A_1338 = arith.constant 11 : i32
        %add3A_1339 = arith.addi %mul3A_935, %add3A_1338 : i32
        %get3A_1340 = arith.constant 1 : i32
        %get3A_1341 = arith.index_cast %get3A_1340 : i32 to index
        %get3A_1342 = arith.index_cast %add3A_1339 : i32 to index
        %get3A_1343 = arith.constant 32 : index
        %get3A_1344 = tpu.vector_load %arg6[%get3A_1341, %get3A_1342, %get3A_1343] {strides = array<i32>} : memref<2x640x64xf32, #tpu.memory_space<vmem>>, vector<1x1x16xf32>,
        %get3A_1345 = vector.shape_cast %get3A_1344 : vector<1x1x16xf32> to vector<16xf32>
        %add3A_1346 = arith.addf %add3A_1310, %get3A_1345 : vector<16xf32>
        %add3A_1347 = arith.constant 11 : i32
        %add3A_1348 = arith.addi %mul3A_935, %add3A_1347 : i32
        %get3A_1349 = arith.constant 1 : i32
        %get3A_1350 = arith.index_cast %get3A_1349 : i32 to index
        %get3A_1351 = arith.index_cast %add3A_1348 : i32 to index
        %get3A_1352 = arith.constant 48 : index
        %get3A_1353 = tpu.vector_load %arg6[%get3A_1350, %get3A_1351, %get3A_1352] {strides = array<i32>} : memref<2x640x64xf32, #tpu.memory_space<vmem>>, vector<1x1x16xf32>,
        %get3A_1354 = vector.shape_cast %get3A_1353 : vector<1x1x16xf32> to vector<16xf32>
        %add3A_1355 = arith.addf %add3A_1319, %get3A_1354 : vector<16xf32>
        %add3A_1356 = arith.constant 12 : i32
        %add3A_1357 = arith.addi %mul3A_935, %add3A_1356 : i32
        %get3A_1358 = arith.constant 1 : i32
        %get3A_1359 = arith.index_cast %get3A_1358 : i32 to index
        %get3A_1360 = arith.index_cast %add3A_1357 : i32 to index
        %get3A_1361 = arith.constant 0 : index
        %get3A_1362 = tpu.vector_load %arg6[%get3A_1359, %get3A_1360, %get3A_1361] {strides = array<i32>} : memref<2x640x64xf32, #tpu.memory_space<vmem>>, vector<1x1x16xf32>,
        %get3A_1363 = vector.shape_cast %get3A_1362 : vector<1x1x16xf32> to vector<16xf32>
        %add3A_1364 = arith.addf %add3A_1328, %get3A_1363 : vector<16xf32>
        %add3A_1365 = arith.constant 12 : i32
        %add3A_1366 = arith.addi %mul3A_935, %add3A_1365 : i32
        %get3A_1367 = arith.constant 1 : i32
        %get3A_1368 = arith.index_cast %get3A_1367 : i32 to index
        %get3A_1369 = arith.index_cast %add3A_1366 : i32 to index
        %get3A_1370 = arith.constant 16 : index
        %get3A_1371 = tpu.vector_load %arg6[%get3A_1368, %get3A_1369, %get3A_1370] {strides = array<i32>} : memref<2x640x64xf32, #tpu.memory_space<vmem>>, vector<1x1x16xf32>,
        %get3A_1372 = vector.shape_cast %get3A_1371 : vector<1x1x16xf32> to vector<16xf32>
        %add3A_1373 = arith.addf %add3A_1337, %get3A_1372 : vector<16xf32>
        %add3A_1374 = arith.constant 12 : i32
        %add3A_1375 = arith.addi %mul3A_935, %add3A_1374 : i32
        %get3A_1376 = arith.constant 1 : i32
        %get3A_1377 = arith.index_cast %get3A_1376 : i32 to index
        %get3A_1378 = arith.index_cast %add3A_1375 : i32 to index
        %get3A_1379 = arith.constant 32 : index
        %get3A_1380 = tpu.vector_load %arg6[%get3A_1377, %get3A_1378, %get3A_1379] {strides = array<i32>} : memref<2x640x64xf32, #tpu.memory_space<vmem>>, vector<1x1x16xf32>,
        %get3A_1381 = vector.shape_cast %get3A_1380 : vector<1x1x16xf32> to vector<16xf32>
        %add3A_1382 = arith.addf %add3A_1346, %get3A_1381 : vector<16xf32>
        %add3A_1383 = arith.constant 12 : i32
        %add3A_1384 = arith.addi %mul3A_935, %add3A_1383 : i32
        %get3A_1385 = arith.constant 1 : i32
        %get3A_1386 = arith.index_cast %get3A_1385 : i32 to index
        %get3A_1387 = arith.index_cast %add3A_1384 : i32 to index
        %get3A_1388 = arith.constant 48 : index
        %get3A_1389 = tpu.vector_load %arg6[%get3A_1386, %get3A_1387, %get3A_1388] {strides = array<i32>} : memref<2x640x64xf32, #tpu.memory_space<vmem>>, vector<1x1x16xf32>,
        %get3A_1390 = vector.shape_cast %get3A_1389 : vector<1x1x16xf32> to vector<16xf32>
        %add3A_1391 = arith.addf %add3A_1355, %get3A_1390 : vector<16xf32>
        %add3A_1392 = arith.constant 13 : i32
        %add3A_1393 = arith.addi %mul3A_935, %add3A_1392 : i32
        %get3A_1394 = arith.constant 1 : i32
        %get3A_1395 = arith.index_cast %get3A_1394 : i32 to index
        %get3A_1396 = arith.index_cast %add3A_1393 : i32 to index
        %get3A_1397 = arith.constant 0 : index
        %get3A_1398 = tpu.vector_load %arg6[%get3A_1395, %get3A_1396, %get3A_1397] {strides = array<i32>} : memref<2x640x64xf32, #tpu.memory_space<vmem>>, vector<1x1x16xf32>,
        %get3A_1399 = vector.shape_cast %get3A_1398 : vector<1x1x16xf32> to vector<16xf32>
        %add3A_1400 = arith.addf %add3A_1364, %get3A_1399 : vector<16xf32>
        %add3A_1401 = arith.constant 13 : i32
        %add3A_1402 = arith.addi %mul3A_935, %add3A_1401 : i32
        %get3A_1403 = arith.constant 1 : i32
        %get3A_1404 = arith.index_cast %get3A_1403 : i32 to index
        %get3A_1405 = arith.index_cast %add3A_1402 : i32 to index
        %get3A_1406 = arith.constant 16 : index
        %get3A_1407 = tpu.vector_load %arg6[%get3A_1404, %get3A_1405, %get3A_1406] {strides = array<i32>} : memref<2x640x64xf32, #tpu.memory_space<vmem>>, vector<1x1x16xf32>,
        %get3A_1408 = vector.shape_cast %get3A_1407 : vector<1x1x16xf32> to vector<16xf32>
        %add3A_1409 = arith.addf %add3A_1373, %get3A_1408 : vector<16xf32>
        %add3A_1410 = arith.constant 13 : i32
        %add3A_1411 = arith.addi %mul3A_935, %add3A_1410 : i32
        %get3A_1412 = arith.constant 1 : i32
        %get3A_1413 = arith.index_cast %get3A_1412 : i32 to index
        %get3A_1414 = arith.index_cast %add3A_1411 : i32 to index
        %get3A_1415 = arith.constant 32 : index
        %get3A_1416 = tpu.vector_load %arg6[%get3A_1413, %get3A_1414, %get3A_1415] {strides = array<i32>} : memref<2x640x64xf32, #tpu.memory_space<vmem>>, vector<1x1x16xf32>,
        %get3A_1417 = vector.shape_cast %get3A_1416 : vector<1x1x16xf32> to vector<16xf32>
        %add3A_1418 = arith.addf %add3A_1382, %get3A_1417 : vector<16xf32>
        %add3A_1419 = arith.constant 13 : i32
        %add3A_1420 = arith.addi %mul3A_935, %add3A_1419 : i32
        %get3A_1421 = arith.constant 1 : i32
        %get3A_1422 = arith.index_cast %get3A_1421 : i32 to index
        %get3A_1423 = arith.index_cast %add3A_1420 : i32 to index
        %get3A_1424 = arith.constant 48 : index
        %get3A_1425 = tpu.vector_load %arg6[%get3A_1422, %get3A_1423, %get3A_1424] {strides = array<i32>} : memref<2x640x64xf32, #tpu.memory_space<vmem>>, vector<1x1x16xf32>,
        %get3A_1426 = vector.shape_cast %get3A_1425 : vector<1x1x16xf32> to vector<16xf32>
        %add3A_1427 = arith.addf %add3A_1391, %get3A_1426 : vector<16xf32>
        %add3A_1428 = arith.constant 14 : i32
        %add3A_1429 = arith.addi %mul3A_935, %add3A_1428 : i32
        %get3A_1430 = arith.constant 1 : i32
        %get3A_1431 = arith.index_cast %get3A_1430 : i32 to index
        %get3A_1432 = arith.index_cast %add3A_1429 : i32 to index
        %get3A_1433 = arith.constant 0 : index
        %get3A_1434 = tpu.vector_load %arg6[%get3A_1431, %get3A_1432, %get3A_1433] {strides = array<i32>} : memref<2x640x64xf32, #tpu.memory_space<vmem>>, vector<1x1x16xf32>,
        %get3A_1435 = vector.shape_cast %get3A_1434 : vector<1x1x16xf32> to vector<16xf32>
        %add3A_1436 = arith.addf %add3A_1400, %get3A_1435 : vector<16xf32>
        %add3A_1437 = arith.constant 14 : i32
        %add3A_1438 = arith.addi %mul3A_935, %add3A_1437 : i32
        %get3A_1439 = arith.constant 1 : i32
        %get3A_1440 = arith.index_cast %get3A_1439 : i32 to index
        %get3A_1441 = arith.index_cast %add3A_1438 : i32 to index
        %get3A_1442 = arith.constant 16 : index
        %get3A_1443 = tpu.vector_load %arg6[%get3A_1440, %get3A_1441, %get3A_1442] {strides = array<i32>} : memref<2x640x64xf32, #tpu.memory_space<vmem>>, vector<1x1x16xf32>,
        %get3A_1444 = vector.shape_cast %get3A_1443 : vector<1x1x16xf32> to vector<16xf32>
        %add3A_1445 = arith.addf %add3A_1409, %get3A_1444 : vector<16xf32>
        %add3A_1446 = arith.constant 14 : i32
        %add3A_1447 = arith.addi %mul3A_935, %add3A_1446 : i32
        %get3A_1448 = arith.constant 1 : i32
        %get3A_1449 = arith.index_cast %get3A_1448 : i32 to index
        %get3A_1450 = arith.index_cast %add3A_1447 : i32 to index
        %get3A_1451 = arith.constant 32 : index
        %get3A_1452 = tpu.vector_load %arg6[%get3A_1449, %get3A_1450, %get3A_1451] {strides = array<i32>} : memref<2x640x64xf32, #tpu.memory_space<vmem>>, vector<1x1x16xf32>,
        %get3A_1453 = vector.shape_cast %get3A_1452 : vector<1x1x16xf32> to vector<16xf32>
        %add3A_1454 = arith.addf %add3A_1418, %get3A_1453 : vector<16xf32>
        %add3A_1455 = arith.constant 14 : i32
        %add3A_1456 = arith.addi %mul3A_935, %add3A_1455 : i32
        %get3A_1457 = arith.constant 1 : i32
        %get3A_1458 = arith.index_cast %get3A_1457 : i32 to index
        %get3A_1459 = arith.index_cast %add3A_1456 : i32 to index
        %get3A_1460 = arith.constant 48 : index
        %get3A_1461 = tpu.vector_load %arg6[%get3A_1458, %get3A_1459, %get3A_1460] {strides = array<i32>} : memref<2x640x64xf32, #tpu.memory_space<vmem>>, vector<1x1x16xf32>,
        %get3A_1462 = vector.shape_cast %get3A_1461 : vector<1x1x16xf32> to vector<16xf32>
        %add3A_1463 = arith.addf %add3A_1427, %get3A_1462 : vector<16xf32>
        %add3A_1464 = arith.constant 15 : i32
        %add3A_1465 = arith.addi %mul3A_935, %add3A_1464 : i32
        %get3A_1466 = arith.constant 1 : i32
        %get3A_1467 = arith.index_cast %get3A_1466 : i32 to index
        %get3A_1468 = arith.index_cast %add3A_1465 : i32 to index
        %get3A_1469 = arith.constant 0 : index
        %get3A_1470 = tpu.vector_load %arg6[%get3A_1467, %get3A_1468, %get3A_1469] {strides = array<i32>} : memref<2x640x64xf32, #tpu.memory_space<vmem>>, vector<1x1x16xf32>,
        %get3A_1471 = vector.shape_cast %get3A_1470 : vector<1x1x16xf32> to vector<16xf32>
        %add3A_1472 = arith.addf %add3A_1436, %get3A_1471 : vector<16xf32>
        %add3A_1473 = arith.constant 15 : i32
        %add3A_1474 = arith.addi %mul3A_935, %add3A_1473 : i32
        %get3A_1475 = arith.constant 1 : i32
        %get3A_1476 = arith.index_cast %get3A_1475 : i32 to index
        %get3A_1477 = arith.index_cast %add3A_1474 : i32 to index
        %get3A_1478 = arith.constant 16 : index
        %get3A_1479 = tpu.vector_load %arg6[%get3A_1476, %get3A_1477, %get3A_1478] {strides = array<i32>} : memref<2x640x64xf32, #tpu.memory_space<vmem>>, vector<1x1x16xf32>,
        %get3A_1480 = vector.shape_cast %get3A_1479 : vector<1x1x16xf32> to vector<16xf32>
        %add3A_1481 = arith.addf %add3A_1445, %get3A_1480 : vector<16xf32>
        %add3A_1482 = arith.constant 15 : i32
        %add3A_1483 = arith.addi %mul3A_935, %add3A_1482 : i32
        %get3A_1484 = arith.constant 1 : i32
        %get3A_1485 = arith.index_cast %get3A_1484 : i32 to index
        %get3A_1486 = arith.index_cast %add3A_1483 : i32 to index
        %get3A_1487 = arith.constant 32 : index
        %get3A_1488 = tpu.vector_load %arg6[%get3A_1485, %get3A_1486, %get3A_1487] {strides = array<i32>} : memref<2x640x64xf32, #tpu.memory_space<vmem>>, vector<1x1x16xf32>,
        %get3A_1489 = vector.shape_cast %get3A_1488 : vector<1x1x16xf32> to vector<16xf32>
        %add3A_1490 = arith.addf %add3A_1454, %get3A_1489 : vector<16xf32>
        %add3A_1491 = arith.constant 15 : i32
        %add3A_1492 = arith.addi %mul3A_935, %add3A_1491 : i32
        %get3A_1493 = arith.constant 1 : i32
        %get3A_1494 = arith.index_cast %get3A_1493 : i32 to index
        %get3A_1495 = arith.index_cast %add3A_1492 : i32 to index
        %get3A_1496 = arith.constant 48 : index
        %get3A_1497 = tpu.vector_load %arg6[%get3A_1494, %get3A_1495, %get3A_1496] {strides = array<i32>} : memref<2x640x64xf32, #tpu.memory_space<vmem>>, vector<1x1x16xf32>,
        %get3A_1498 = vector.shape_cast %get3A_1497 : vector<1x1x16xf32> to vector<16xf32>
        %add3A_1499 = arith.addf %add3A_1463, %get3A_1498 : vector<16xf32>
        %add3A_1500 = arith.constant 16 : i32
        %add3A_1501 = arith.addi %mul3A_935, %add3A_1500 : i32
        %get3A_1502 = arith.constant 1 : i32
        %get3A_1503 = arith.index_cast %get3A_1502 : i32 to index
        %get3A_1504 = arith.index_cast %add3A_1501 : i32 to index
        %get3A_1505 = arith.constant 0 : index
        %get3A_1506 = tpu.vector_load %arg6[%get3A_1503, %get3A_1504, %get3A_1505] {strides = array<i32>} : memref<2x640x64xf32, #tpu.memory_space<vmem>>, vector<1x1x16xf32>,
        %get3A_1507 = vector.shape_cast %get3A_1506 : vector<1x1x16xf32> to vector<16xf32>
        %add3A_1508 = arith.addf %add3A_1472, %get3A_1507 : vector<16xf32>
        %add3A_1509 = arith.constant 16 : i32
        %add3A_1510 = arith.addi %mul3A_935, %add3A_1509 : i32
        %get3A_1511 = arith.constant 1 : i32
        %get3A_1512 = arith.index_cast %get3A_1511 : i32 to index
        %get3A_1513 = arith.index_cast %add3A_1510 : i32 to index
        %get3A_1514 = arith.constant 16 : index
        %get3A_1515 = tpu.vector_load %arg6[%get3A_1512, %get3A_1513, %get3A_1514] {strides = array<i32>} : memref<2x640x64xf32, #tpu.memory_space<vmem>>, vector<1x1x16xf32>,
        %get3A_1516 = vector.shape_cast %get3A_1515 : vector<1x1x16xf32> to vector<16xf32>
        %add3A_1517 = arith.addf %add3A_1481, %get3A_1516 : vector<16xf32>
        %add3A_1518 = arith.constant 16 : i32
        %add3A_1519 = arith.addi %mul3A_935, %add3A_1518 : i32
        %get3A_1520 = arith.constant 1 : i32
        %get3A_1521 = arith.index_cast %get3A_1520 : i32 to index
        %get3A_1522 = arith.index_cast %add3A_1519 : i32 to index
        %get3A_1523 = arith.constant 32 : index
        %get3A_1524 = tpu.vector_load %arg6[%get3A_1521, %get3A_1522, %get3A_1523] {strides = array<i32>} : memref<2x640x64xf32, #tpu.memory_space<vmem>>, vector<1x1x16xf32>,
        %get3A_1525 = vector.shape_cast %get3A_1524 : vector<1x1x16xf32> to vector<16xf32>
        %add3A_1526 = arith.addf %add3A_1490, %get3A_1525 : vector<16xf32>
        %add3A_1527 = arith.constant 16 : i32
        %add3A_1528 = arith.addi %mul3A_935, %add3A_1527 : i32
        %get3A_1529 = arith.constant 1 : i32
        %get3A_1530 = arith.index_cast %get3A_1529 : i32 to index
        %get3A_1531 = arith.index_cast %add3A_1528 : i32 to index
        %get3A_1532 = arith.constant 48 : index
        %get3A_1533 = tpu.vector_load %arg6[%get3A_1530, %get3A_1531, %get3A_1532] {strides = array<i32>} : memref<2x640x64xf32, #tpu.memory_space<vmem>>, vector<1x1x16xf32>,
        %get3A_1534 = vector.shape_cast %get3A_1533 : vector<1x1x16xf32> to vector<16xf32>
        %add3A_1535 = arith.addf %add3A_1499, %get3A_1534 : vector<16xf32>
        %add3A_1536 = arith.constant 17 : i32
        %add3A_1537 = arith.addi %mul3A_935, %add3A_1536 : i32
        %get3A_1538 = arith.constant 1 : i32
        %get3A_1539 = arith.index_cast %get3A_1538 : i32 to index
        %get3A_1540 = arith.index_cast %add3A_1537 : i32 to index
        %get3A_1541 = arith.constant 0 : index
        %get3A_1542 = tpu.vector_load %arg6[%get3A_1539, %get3A_1540, %get3A_1541] {strides = array<i32>} : memref<2x640x64xf32, #tpu.memory_space<vmem>>, vector<1x1x16xf32>,
        %get3A_1543 = vector.shape_cast %get3A_1542 : vector<1x1x16xf32> to vector<16xf32>
        %add3A_1544 = arith.addf %add3A_1508, %get3A_1543 : vector<16xf32>
        %add3A_1545 = arith.constant 17 : i32
        %add3A_1546 = arith.addi %mul3A_935, %add3A_1545 : i32
        %get3A_1547 = arith.constant 1 : i32
        %get3A_1548 = arith.index_cast %get3A_1547 : i32 to index
        %get3A_1549 = arith.index_cast %add3A_1546 : i32 to index
        %get3A_1550 = arith.constant 16 : index
        %get3A_1551 = tpu.vector_load %arg6[%get3A_1548, %get3A_1549, %get3A_1550] {strides = array<i32>} : memref<2x640x64xf32, #tpu.memory_space<vmem>>, vector<1x1x16xf32>,
        %get3A_1552 = vector.shape_cast %get3A_1551 : vector<1x1x16xf32> to vector<16xf32>
        %add3A_1553 = arith.addf %add3A_1517, %get3A_1552 : vector<16xf32>
        %add3A_1554 = arith.constant 17 : i32
        %add3A_1555 = arith.addi %mul3A_935, %add3A_1554 : i32
        %get3A_1556 = arith.constant 1 : i32
        %get3A_1557 = arith.index_cast %get3A_1556 : i32 to index
        %get3A_1558 = arith.index_cast %add3A_1555 : i32 to index
        %get3A_1559 = arith.constant 32 : index
        %get3A_1560 = tpu.vector_load %arg6[%get3A_1557, %get3A_1558, %get3A_1559] {strides = array<i32>} : memref<2x640x64xf32, #tpu.memory_space<vmem>>, vector<1x1x16xf32>,
        %get3A_1561 = vector.shape_cast %get3A_1560 : vector<1x1x16xf32> to vector<16xf32>
        %add3A_1562 = arith.addf %add3A_1526, %get3A_1561 : vector<16xf32>
        %add3A_1563 = arith.constant 17 : i32
        %add3A_1564 = arith.addi %mul3A_935, %add3A_1563 : i32
        %get3A_1565 = arith.constant 1 : i32
        %get3A_1566 = arith.index_cast %get3A_1565 : i32 to index
        %get3A_1567 = arith.index_cast %add3A_1564 : i32 to index
        %get3A_1568 = arith.constant 48 : index
        %get3A_1569 = tpu.vector_load %arg6[%get3A_1566, %get3A_1567, %get3A_1568] {strides = array<i32>} : memref<2x640x64xf32, #tpu.memory_space<vmem>>, vector<1x1x16xf32>,
        %get3A_1570 = vector.shape_cast %get3A_1569 : vector<1x1x16xf32> to vector<16xf32>
        %add3A_1571 = arith.addf %add3A_1535, %get3A_1570 : vector<16xf32>
        %add3A_1572 = arith.constant 18 : i32
        %add3A_1573 = arith.addi %mul3A_935, %add3A_1572 : i32
        %get3A_1574 = arith.constant 1 : i32
        %get3A_1575 = arith.index_cast %get3A_1574 : i32 to index
        %get3A_1576 = arith.index_cast %add3A_1573 : i32 to index
        %get3A_1577 = arith.constant 0 : index
        %get3A_1578 = tpu.vector_load %arg6[%get3A_1575, %get3A_1576, %get3A_1577] {strides = array<i32>} : memref<2x640x64xf32, #tpu.memory_space<vmem>>, vector<1x1x16xf32>,
        %get3A_1579 = vector.shape_cast %get3A_1578 : vector<1x1x16xf32> to vector<16xf32>
        %add3A_1580 = arith.addf %add3A_1544, %get3A_1579 : vector<16xf32>
        %add3A_1581 = arith.constant 18 : i32
        %add3A_1582 = arith.addi %mul3A_935, %add3A_1581 : i32
        %get3A_1583 = arith.constant 1 : i32
        %get3A_1584 = arith.index_cast %get3A_1583 : i32 to index
        %get3A_1585 = arith.index_cast %add3A_1582 : i32 to index
        %get3A_1586 = arith.constant 16 : index
        %get3A_1587 = tpu.vector_load %arg6[%get3A_1584, %get3A_1585, %get3A_1586] {strides = array<i32>} : memref<2x640x64xf32, #tpu.memory_space<vmem>>, vector<1x1x16xf32>,
        %get3A_1588 = vector.shape_cast %get3A_1587 : vector<1x1x16xf32> to vector<16xf32>
        %add3A_1589 = arith.addf %add3A_1553, %get3A_1588 : vector<16xf32>
        %add3A_1590 = arith.constant 18 : i32
        %add3A_1591 = arith.addi %mul3A_935, %add3A_1590 : i32
        %get3A_1592 = arith.constant 1 : i32
        %get3A_1593 = arith.index_cast %get3A_1592 : i32 to index
        %get3A_1594 = arith.index_cast %add3A_1591 : i32 to index
        %get3A_1595 = arith.constant 32 : index
        %get3A_1596 = tpu.vector_load %arg6[%get3A_1593, %get3A_1594, %get3A_1595] {strides = array<i32>} : memref<2x640x64xf32, #tpu.memory_space<vmem>>, vector<1x1x16xf32>,
        %get3A_1597 = vector.shape_cast %get3A_1596 : vector<1x1x16xf32> to vector<16xf32>
        %add3A_1598 = arith.addf %add3A_1562, %get3A_1597 : vector<16xf32>
        %add3A_1599 = arith.constant 18 : i32
        %add3A_1600 = arith.addi %mul3A_935, %add3A_1599 : i32
        %get3A_1601 = arith.constant 1 : i32
        %get3A_1602 = arith.index_cast %get3A_1601 : i32 to index
        %get3A_1603 = arith.index_cast %add3A_1600 : i32 to index
        %get3A_1604 = arith.constant 48 : index
        %get3A_1605 = tpu.vector_load %arg6[%get3A_1602, %get3A_1603, %get3A_1604] {strides = array<i32>} : memref<2x640x64xf32, #tpu.memory_space<vmem>>, vector<1x1x16xf32>,
        %get3A_1606 = vector.shape_cast %get3A_1605 : vector<1x1x16xf32> to vector<16xf32>
        %add3A_1607 = arith.addf %add3A_1571, %get3A_1606 : vector<16xf32>
        %add3A_1608 = arith.constant 19 : i32
        %add3A_1609 = arith.addi %mul3A_935, %add3A_1608 : i32
        %get3A_1610 = arith.constant 1 : i32
        %get3A_1611 = arith.index_cast %get3A_1610 : i32 to index
        %get3A_1612 = arith.index_cast %add3A_1609 : i32 to index
        %get3A_1613 = arith.constant 0 : index
        %get3A_1614 = tpu.vector_load %arg6[%get3A_1611, %get3A_1612, %get3A_1613] {strides = array<i32>} : memref<2x640x64xf32, #tpu.memory_space<vmem>>, vector<1x1x16xf32>,
        %get3A_1615 = vector.shape_cast %get3A_1614 : vector<1x1x16xf32> to vector<16xf32>
        %add3A_1616 = arith.addf %add3A_1580, %get3A_1615 : vector<16xf32>
        %add3A_1617 = arith.constant 19 : i32
        %add3A_1618 = arith.addi %mul3A_935, %add3A_1617 : i32
        %get3A_1619 = arith.constant 1 : i32
        %get3A_1620 = arith.index_cast %get3A_1619 : i32 to index
        %get3A_1621 = arith.index_cast %add3A_1618 : i32 to index
        %get3A_1622 = arith.constant 16 : index
        %get3A_1623 = tpu.vector_load %arg6[%get3A_1620, %get3A_1621, %get3A_1622] {strides = array<i32>} : memref<2x640x64xf32, #tpu.memory_space<vmem>>, vector<1x1x16xf32>,
        %get3A_1624 = vector.shape_cast %get3A_1623 : vector<1x1x16xf32> to vector<16xf32>
        %add3A_1625 = arith.addf %add3A_1589, %get3A_1624 : vector<16xf32>
        %add3A_1626 = arith.constant 19 : i32
        %add3A_1627 = arith.addi %mul3A_935, %add3A_1626 : i32
        %get3A_1628 = arith.constant 1 : i32
        %get3A_1629 = arith.index_cast %get3A_1628 : i32 to index
        %get3A_1630 = arith.index_cast %add3A_1627 : i32 to index
        %get3A_1631 = arith.constant 32 : index
        %get3A_1632 = tpu.vector_load %arg6[%get3A_1629, %get3A_1630, %get3A_1631] {strides = array<i32>} : memref<2x640x64xf32, #tpu.memory_space<vmem>>, vector<1x1x16xf32>,
        %get3A_1633 = vector.shape_cast %get3A_1632 : vector<1x1x16xf32> to vector<16xf32>
        %add3A_1634 = arith.addf %add3A_1598, %get3A_1633 : vector<16xf32>
        %add3A_1635 = arith.constant 19 : i32
        %add3A_1636 = arith.addi %mul3A_935, %add3A_1635 : i32
        %get3A_1637 = arith.constant 1 : i32
        %get3A_1638 = arith.index_cast %get3A_1637 : i32 to index
        %get3A_1639 = arith.index_cast %add3A_1636 : i32 to index
        %get3A_1640 = arith.constant 48 : index
        %get3A_1641 = tpu.vector_load %arg6[%get3A_1638, %get3A_1639, %get3A_1640] {strides = array<i32>} : memref<2x640x64xf32, #tpu.memory_space<vmem>>, vector<1x1x16xf32>,
        %get3A_1642 = vector.shape_cast %get3A_1641 : vector<1x1x16xf32> to vector<16xf32>
        %add3A_1643 = arith.addf %add3A_1607, %get3A_1642 : vector<16xf32>
        %shift_right_arithmetic3A = arith.constant 1 : i32
        %shift_right_arithmetic3A_1644 = arith.shrsi %scan3A_933, %shift_right_arithmetic3A : i32
        %and3A_1645 = arith.constant 1 : i32
        %and3A_1646 = arith.andi %scan3A_933, %and3A_1645 : i32
        %mul3A_1647 = arith.constant 64 : i32
        %mul3A_1648 = arith.muli %and3A_1646, %mul3A_1647 : i32
        %mul3A_1649 = vector.broadcast %scan3A_687 : f32 to vector<16xf32>
        %mul3A_1650 = arith.mulf %add3A_1616, %mul3A_1649 : vector<16xf32>
        %add3A_1651 = arith.constant 0 : i32
        %add3A_1652 = arith.addi %mul3A_1648, %add3A_1651 : i32
        %swap3A = arith.constant 1 : i32
        %swap3A_1653 = arith.index_cast %swap3A : i32 to index
        %swap3A_1654 = arith.index_cast %shift_right_arithmetic3A_1644 : i32 to index
        %swap3A_1655 = arith.index_cast %add3A_1652 : i32 to index
        %swap3A_1656 = tpu.vector_load %arg7[%swap3A_1653, %swap3A_1654, %swap3A_1655] {strides = array<i32>} : memref<2x16x128xf32, #tpu.memory_space<vmem>>, vector<1x1x16xf32>,
        %swap3A_1657 = vector.shape_cast %swap3A_1656 : vector<1x1x16xf32> to vector<16xf32>
        %swap3A_1658 = vector.shape_cast %mul3A_1650 : vector<16xf32> to vector<1x1x16xf32>
        tpu.vector_store %arg7[%swap3A_1653, %swap3A_1654, %swap3A_1655], %swap3A_1658 {strides = array<i32>} : memref<2x16x128xf32, #tpu.memory_space<vmem>>, vector<1x1x16xf32>,
        %mul3A_1659 = vector.broadcast %scan3A_687 : f32 to vector<16xf32>
        %mul3A_1660 = arith.mulf %add3A_1625, %mul3A_1659 : vector<16xf32>
        %add3A_1661 = arith.constant 16 : i32
        %add3A_1662 = arith.addi %mul3A_1648, %add3A_1661 : i32
        %swap3A_1663 = arith.constant 1 : i32
        %swap3A_1664 = arith.index_cast %swap3A_1663 : i32 to index
        %swap3A_1665 = arith.index_cast %shift_right_arithmetic3A_1644 : i32 to index
        %swap3A_1666 = arith.index_cast %add3A_1662 : i32 to index
        %swap3A_1667 = tpu.vector_load %arg7[%swap3A_1664, %swap3A_1665, %swap3A_1666] {strides = array<i32>} : memref<2x16x128xf32, #tpu.memory_space<vmem>>, vector<1x1x16xf32>,
        %swap3A_1668 = vector.shape_cast %swap3A_1667 : vector<1x1x16xf32> to vector<16xf32>
        %swap3A_1669 = vector.shape_cast %mul3A_1660 : vector<16xf32> to vector<1x1x16xf32>
        tpu.vector_store %arg7[%swap3A_1664, %swap3A_1665, %swap3A_1666], %swap3A_1669 {strides = array<i32>} : memref<2x16x128xf32, #tpu.memory_space<vmem>>, vector<1x1x16xf32>,
        %mul3A_1670 = vector.broadcast %scan3A_687 : f32 to vector<16xf32>
        %mul3A_1671 = arith.mulf %add3A_1634, %mul3A_1670 : vector<16xf32>
        %add3A_1672 = arith.constant 32 : i32
        %add3A_1673 = arith.addi %mul3A_1648, %add3A_1672 : i32
        %swap3A_1674 = arith.constant 1 : i32
        %swap3A_1675 = arith.index_cast %swap3A_1674 : i32 to index
        %swap3A_1676 = arith.index_cast %shift_right_arithmetic3A_1644 : i32 to index
        %swap3A_1677 = arith.index_cast %add3A_1673 : i32 to index
        %swap3A_1678 = tpu.vector_load %arg7[%swap3A_1675, %swap3A_1676, %swap3A_1677] {strides = array<i32>} : memref<2x16x128xf32, #tpu.memory_space<vmem>>, vector<1x1x16xf32>,
        %swap3A_1679 = vector.shape_cast %swap3A_1678 : vector<1x1x16xf32> to vector<16xf32>
        %swap3A_1680 = vector.shape_cast %mul3A_1671 : vector<16xf32> to vector<1x1x16xf32>
        tpu.vector_store %arg7[%swap3A_1675, %swap3A_1676, %swap3A_1677], %swap3A_1680 {strides = array<i32>} : memref<2x16x128xf32, #tpu.memory_space<vmem>>, vector<1x1x16xf32>,
        %mul3A_1681 = vector.broadcast %scan3A_687 : f32 to vector<16xf32>
        %mul3A_1682 = arith.mulf %add3A_1643, %mul3A_1681 : vector<16xf32>
        %add3A_1683 = arith.constant 48 : i32
        %add3A_1684 = arith.addi %mul3A_1648, %add3A_1683 : i32
        %swap3A_1685 = arith.constant 1 : i32
        %swap3A_1686 = arith.index_cast %swap3A_1685 : i32 to index
        %swap3A_1687 = arith.index_cast %shift_right_arithmetic3A_1644 : i32 to index
        %swap3A_1688 = arith.index_cast %add3A_1684 : i32 to index
        %swap3A_1689 = tpu.vector_load %arg7[%swap3A_1686, %swap3A_1687, %swap3A_1688] {strides = array<i32>} : memref<2x16x128xf32, #tpu.memory_space<vmem>>, vector<1x1x16xf32>,
        %swap3A_1690 = vector.shape_cast %swap3A_1689 : vector<1x1x16xf32> to vector<16xf32>
        %swap3A_1691 = vector.shape_cast %mul3A_1682 : vector<16xf32> to vector<1x1x16xf32>
        tpu.vector_store %arg7[%swap3A_1686, %swap3A_1687, %swap3A_1688], %swap3A_1691 {strides = array<i32>} : memref<2x16x128xf32, #tpu.memory_space<vmem>>, vector<1x1x16xf32>,
      }
      %scan3A_889 = arith.constant 32 : i32
      %mul3A_890 = arith.constant 32 : i32
      %mul3A_891 = arith.muli %add3A_851, %mul3A_890 : i32
      %add3A_892 = arith.addi %mul3A_2, %mul3A_891 : i32
      %jit3A_893 = arith.constant 2 : i32
      %div3A_894 = arith.divsi %add3A_892, %jit3A_893 : i32
      %sign3A_895 = arith.constant 0 : i32
      %sign3A_896 = arith.cmpi sgt, %add3A_892, %sign3A_895 : i32
      %sign3A_897 = arith.extui %sign3A_896 : i1 to i32
      %sign3A_898 = arith.constant 0 : i32
      %sign3A_899 = arith.cmpi slt, %add3A_892, %sign3A_898 : i32
      %sign3A_900 = arith.extui %sign3A_899 : i1 to i32
      %sign3A_901 = arith.subi %sign3A_897, %sign3A_900 : i32
      %sign3A_902 = arith.constant 0 : i32
      %sign3A_903 = arith.cmpi sgt, %jit3A_893, %sign3A_902 : i32
      %sign3A_904 = arith.extui %sign3A_903 : i1 to i32
      %sign3A_905 = arith.constant 0 : i32
      %sign3A_906 = arith.cmpi slt, %jit3A_893, %sign3A_905 : i32
      %sign3A_907 = arith.extui %sign3A_906 : i1 to i32
      %sign3A_908 = arith.subi %sign3A_904, %sign3A_907 : i32
      %ne3A_909 = arith.cmpi ne, %sign3A_901, %sign3A_908 : i32
      %rem3A_910 = arith.remsi %add3A_892, %jit3A_893 : i32
      %ne3A_911 = arith.constant 0 : i32
      %ne3A_912 = arith.cmpi ne, %rem3A_910, %ne3A_911 : i32
      %and3A_913 = arith.andi %ne3A_909, %ne3A_912 : i1
      %sub3A_914 = arith.constant 1 : i32
      %sub3A_915 = arith.subi %div3A_894, %sub3A_914 : i32
      %select_n3A_916 = arith.select %and3A_913, %sub3A_915, %div3A_894 : i32
      %dma_start3A_917 = arith.constant 1 : i32
      %dma_start3A_918 = arith.constant 1 : i32
      %dma_start3A_919 = arith.constant 0 : i32
      %dma_start3A_920 = arith.constant 0 : i32
      %dma_start3A_921 = tpu.memref_slice %arg7[%dma_start3A_917, %dma_start3A_919, %dma_start3A_920] : memref<2x16x128xf32, #tpu.memory_space<vmem>> -> memref<1x16x128xf32, #tpu.memory_space<vmem>>
      %dma_start3A_922 = tpu.memref_squeeze %dma_start3A_921 : memref<1x16x128xf32, #tpu.memory_space<vmem>> -> memref<16x128xf32, #tpu.memory_space<vmem>>
      %dma_start3A_923 = arith.constant 0 : i32
      %dma_start3A_924 = tpu.memref_slice %arg4[%select_n3A_916, %dma_start3A_923] : memref<8192x128xf32, #tpu.memory_space<hbm>> -> memref<16x128xf32, #tpu.memory_space<hbm>>
      %dma_start3A_925 = tpu.memref_slice %arg9[%dma_start3A_918] : memref<2x!tpu.dma_semaphore, #tpu.memory_space<semaphore_mem>> -> memref<1x!tpu.dma_semaphore, #tpu.memory_space<semaphore_mem>>
      %dma_start3A_926 = tpu.memref_squeeze %dma_start3A_925 : memref<1x!tpu.dma_semaphore, #tpu.memory_space<semaphore_mem>> -> memref<!tpu.dma_semaphore, #tpu.memory_space<semaphore_mem>>
      %dma_start3A_927 = arith.constant 0 : i32
      %dma_start3A_928 = tpu.memref_slice %arg4[%select_n3A_916, %dma_start3A_927] : memref<8192x128xf32, #tpu.memory_space<hbm>> -> memref<16x128xf32, #tpu.memory_space<hbm>>
      %dma_start3A_929 = arith.constant 0 : i32
      %dma_start3A_930 = arith.constant 0 : i32
      %dma_start3A_931 = tpu.memref_slice %arg7[%dma_start3A_917, %dma_start3A_929, %dma_start3A_930] : memref<2x16x128xf32, #tpu.memory_space<vmem>> -> memref<1x16x128xf32, #tpu.memory_space<vmem>>
      %dma_start3A_932 = tpu.memref_squeeze %dma_start3A_931 : memref<1x16x128xf32, #tpu.memory_space<vmem>> -> memref<16x128xf32, #tpu.memory_space<vmem>>
      tpu.enqueue_dma source(%dma_start3A_932 : memref<16x128xf32, #tpu.memory_space<vmem>>) target(%dma_start3A_928 : memref<16x128xf32, #tpu.memory_space<hbm>>) target_semaphore(%dma_start3A_926 : memref<!tpu.dma_semaphore, #tpu.memory_space<semaphore_mem>>)
    }
    %scan3A_692 = arith.constant 8 : i32
    %add3A_693 = arith.constant 448 : i32
    %add3A_694 = arith.addi %mul3A_2, %add3A_693 : i32
    %jit3A = arith.constant 2 : i32
    %div3A = arith.divsi %add3A_694, %jit3A : i32
    %sign3A = arith.constant 0 : i32
    %sign3A_695 = arith.cmpi sgt, %add3A_694, %sign3A : i32
    %sign3A_696 = arith.extui %sign3A_695 : i1 to i32
    %sign3A_697 = arith.constant 0 : i32
    %sign3A_698 = arith.cmpi slt, %add3A_694, %sign3A_697 : i32
    %sign3A_699 = arith.extui %sign3A_698 : i1 to i32
    %sign3A_700 = arith.subi %sign3A_696, %sign3A_699 : i32
    %sign3A_701 = arith.constant 0 : i32
    %sign3A_702 = arith.cmpi sgt, %jit3A, %sign3A_701 : i32
    %sign3A_703 = arith.extui %sign3A_702 : i1 to i32
    %sign3A_704 = arith.constant 0 : i32
    %sign3A_705 = arith.cmpi slt, %jit3A, %sign3A_704 : i32
    %sign3A_706 = arith.extui %sign3A_705 : i1 to i32
    %sign3A_707 = arith.subi %sign3A_703, %sign3A_706 : i32
    %ne3A = arith.cmpi ne, %sign3A_700, %sign3A_707 : i32
    %rem3A = arith.remsi %add3A_694, %jit3A : i32
    %ne3A_708 = arith.constant 0 : i32
    %ne3A_709 = arith.cmpi ne, %rem3A, %ne3A_708 : i32
    %and3A = arith.andi %ne3A, %ne3A_709 : i1
    %sub3A = arith.constant 1 : i32
    %sub3A_710 = arith.subi %div3A, %sub3A : i32
    %select_n3A = arith.select %and3A, %sub3A_710, %div3A : i32
    %dma_wait3A = arith.constant 0 : i32
    %dma_wait3A_711 = arith.constant 0 : i32
    %dma_wait3A_712 = arith.constant 0 : i32
    %dma_wait3A_713 = arith.constant 0 : i32
    %dma_wait3A_714 = tpu.memref_slice %arg7[%dma_wait3A, %dma_wait3A_712, %dma_wait3A_713] : memref<2x16x128xf32, #tpu.memory_space<vmem>> -> memref<1x16x128xf32, #tpu.memory_space<vmem>>
    %dma_wait3A_715 = tpu.memref_squeeze %dma_wait3A_714 : memref<1x16x128xf32, #tpu.memory_space<vmem>> -> memref<16x128xf32, #tpu.memory_space<vmem>>
    %dma_wait3A_716 = arith.constant 0 : i32
    %dma_wait3A_717 = tpu.memref_slice %arg4[%select_n3A, %dma_wait3A_716] : memref<8192x128xf32, #tpu.memory_space<hbm>> -> memref<16x128xf32, #tpu.memory_space<hbm>>
    %dma_wait3A_718 = tpu.memref_slice %arg9[%dma_wait3A_711] : memref<2x!tpu.dma_semaphore, #tpu.memory_space<semaphore_mem>> -> memref<1x!tpu.dma_semaphore, #tpu.memory_space<semaphore_mem>>
    %dma_wait3A_719 = tpu.memref_squeeze %dma_wait3A_718 : memref<1x!tpu.dma_semaphore, #tpu.memory_space<semaphore_mem>> -> memref<!tpu.dma_semaphore, #tpu.memory_space<semaphore_mem>>
    %dma_wait3A_720 = arith.constant 0 : i32
    %dma_wait3A_721 = tpu.memref_slice %arg4[%select_n3A, %dma_wait3A_720] : memref<8192x128xf32, #tpu.memory_space<hbm>> -> memref<16x128xf32, #tpu.memory_space<hbm>>
    %dma_wait3A_722 = arith.constant 0 : i32
    %dma_wait3A_723 = arith.constant 0 : i32
    %dma_wait3A_724 = tpu.memref_slice %arg7[%dma_wait3A, %dma_wait3A_722, %dma_wait3A_723] : memref<2x16x128xf32, #tpu.memory_space<vmem>> -> memref<1x16x128xf32, #tpu.memory_space<vmem>>
    %dma_wait3A_725 = tpu.memref_squeeze %dma_wait3A_724 : memref<1x16x128xf32, #tpu.memory_space<vmem>> -> memref<16x128xf32, #tpu.memory_space<vmem>>
    tpu.wait_dma2 semaphore(%dma_wait3A_719 : memref<!tpu.dma_semaphore, #tpu.memory_space<semaphore_mem>>) src(%dma_wait3A_725 : memref<16x128xf32, #tpu.memory_space<vmem>>) dst(%dma_wait3A_721 : memref<16x128xf32, #tpu.memory_space<hbm>>)
    %add3A_726 = arith.constant 480 : i32
    %add3A_727 = arith.addi %mul3A_2, %add3A_726 : i32
    %jit3A_728 = arith.constant 2 : i32
    %div3A_729 = arith.divsi %add3A_727, %jit3A_728 : i32
    %sign3A_730 = arith.constant 0 : i32
    %sign3A_731 = arith.cmpi sgt, %add3A_727, %sign3A_730 : i32
    %sign3A_732 = arith.extui %sign3A_731 : i1 to i32
    %sign3A_733 = arith.constant 0 : i32
    %sign3A_734 = arith.cmpi slt, %add3A_727, %sign3A_733 : i32
    %sign3A_735 = arith.extui %sign3A_734 : i1 to i32
    %sign3A_736 = arith.subi %sign3A_732, %sign3A_735 : i32
    %sign3A_737 = arith.constant 0 : i32
    %sign3A_738 = arith.cmpi sgt, %jit3A_728, %sign3A_737 : i32
    %sign3A_739 = arith.extui %sign3A_738 : i1 to i32
    %sign3A_740 = arith.constant 0 : i32
    %sign3A_741 = arith.cmpi slt, %jit3A_728, %sign3A_740 : i32
    %sign3A_742 = arith.extui %sign3A_741 : i1 to i32
    %sign3A_743 = arith.subi %sign3A_739, %sign3A_742 : i32
    %ne3A_744 = arith.cmpi ne, %sign3A_736, %sign3A_743 : i32
    %rem3A_745 = arith.remsi %add3A_727, %jit3A_728 : i32
    %ne3A_746 = arith.constant 0 : i32
    %ne3A_747 = arith.cmpi ne, %rem3A_745, %ne3A_746 : i32
    %and3A_748 = arith.andi %ne3A_744, %ne3A_747 : i1
    %sub3A_749 = arith.constant 1 : i32
    %sub3A_750 = arith.subi %div3A_729, %sub3A_749 : i32
    %select_n3A_751 = arith.select %and3A_748, %sub3A_750, %div3A_729 : i32
    %dma_wait3A_752 = arith.constant 1 : i32
    %dma_wait3A_753 = arith.constant 1 : i32
    %dma_wait3A_754 = arith.constant 0 : i32
    %dma_wait3A_755 = arith.constant 0 : i32
    %dma_wait3A_756 = tpu.memref_slice %arg7[%dma_wait3A_752, %dma_wait3A_754, %dma_wait3A_755] : memref<2x16x128xf32, #tpu.memory_space<vmem>> -> memref<1x16x128xf32, #tpu.memory_space<vmem>>
    %dma_wait3A_757 = tpu.memref_squeeze %dma_wait3A_756 : memref<1x16x128xf32, #tpu.memory_space<vmem>> -> memref<16x128xf32, #tpu.memory_space<vmem>>
    %dma_wait3A_758 = arith.constant 0 : i32
    %dma_wait3A_759 = tpu.memref_slice %arg4[%select_n3A_751, %dma_wait3A_758] : memref<8192x128xf32, #tpu.memory_space<hbm>> -> memref<16x128xf32, #tpu.memory_space<hbm>>
    %dma_wait3A_760 = tpu.memref_slice %arg9[%dma_wait3A_753] : memref<2x!tpu.dma_semaphore, #tpu.memory_space<semaphore_mem>> -> memref<1x!tpu.dma_semaphore, #tpu.memory_space<semaphore_mem>>
    %dma_wait3A_761 = tpu.memref_squeeze %dma_wait3A_760 : memref<1x!tpu.dma_semaphore, #tpu.memory_space<semaphore_mem>> -> memref<!tpu.dma_semaphore, #tpu.memory_space<semaphore_mem>>
    %dma_wait3A_762 = arith.constant 0 : i32
    %dma_wait3A_763 = tpu.memref_slice %arg4[%select_n3A_751, %dma_wait3A_762] : memref<8192x128xf32, #tpu.memory_space<hbm>> -> memref<16x128xf32, #tpu.memory_space<hbm>>
    %dma_wait3A_764 = arith.constant 0 : i32
    %dma_wait3A_765 = arith.constant 0 : i32
    %dma_wait3A_766 = tpu.memref_slice %arg7[%dma_wait3A_752, %dma_wait3A_764, %dma_wait3A_765] : memref<2x16x128xf32, #tpu.memory_space<vmem>> -> memref<1x16x128xf32, #tpu.memory_space<vmem>>
    %dma_wait3A_767 = tpu.memref_squeeze %dma_wait3A_766 : memref<1x16x128xf32, #tpu.memory_space<vmem>> -> memref<16x128xf32, #tpu.memory_space<vmem>>
    tpu.wait_dma2 semaphore(%dma_wait3A_761 : memref<!tpu.dma_semaphore, #tpu.memory_space<semaphore_mem>>) src(%dma_wait3A_767 : memref<16x128xf32, #tpu.memory_space<vmem>>) dst(%dma_wait3A_763 : memref<16x128xf32, #tpu.memory_space<hbm>>)
    return
  }
}

</mosaic_0001>

<sc_bundles>
// kernel: _cbow.3.cloned.1.call-start
scs
__scs_entry_jumppad:
0x0: {  	(pc) =	sbr.rel $0x88, $3  }
0x1: {  	(tag) =	ssettag $0x0;
	lr =	simm.s32 $0x1  }
0x2: {  	[smem:$0x3F9F] =	sst lr;
	_ =	strace $0xD0000000  }
0x3: {  	_ = 	snop  }
0x4: {  	_ = 	snop  }
0x5: {  	_ = 	snop  }
0x6: {  	_ = 	snop  }
0x7: {  	_ = 	snop  }
__scs_overlays_trampoline_lowered:
0x8: {  	[smem:$0x3FAE] =	sst s0  }
0x9: {  	[smem:$0x3FAF] =	sst s1  }
0xa: {  	[smem:$0x3FB0] =	sst s2  }
0xb: {  	[smem:$0x3FB1] =	sst s3  }
0xc: {  	[smem:$0x3FB2] =	sst s4  }
0xd: {  	[smem:$0x3FB3] =	sst s5  }
0xe: {  	[smem:$0x3FB4] =	sst s6  }
0xf: {  	[smem:$0x3FB5] =	sst s7  }
0x10: {  	[smem:$0x3FB6] =	sst s8  }
0x11: {  	[smem:$0x3FB7] =	sst s9;
	s0 =	simm.s32 @!p0 $0x0  }
0x12: {  	s1 =	sld [smem:$0x3F9D];
	s0 =	simm.s32 @p0 $0x1  }
0x13: {  	[smem:$0x3FB8] =	sst s0;
	s0 =	simm.s32 @!p1 $0x0  }
0x14: {  	s2 =	sld [smem:$0x3F9C];
	s0 =	simm.s32 @p1 $0x1  }
0x15: {  	[smem:$0x3FB9] =	sst s0;
	s0 =	simm.s32 @!p2 $0x0  }
0x16: {  	s3 =	sld [smem:$0x3FDB];
	s0 =	simm.s32 @p2 $0x1  }
0x17: {  	s4 =	simm.s32 $0x1BF5;
	[smem:$0x3FBB] =	sst s0  }
0x18: {  	s0 =	sld [smem:$0x3F9E];
	_ =	swait.ge [sflag:s4], $0x0  }
0x19: {  	s7 =	sld [smem:$0x3F9F]  }
0x1a: {  	s8 =	sadd.s32 $0xFFFFE003, lr  }
0x1b: {  	s9 =	sadd.s32 $0xFFFFFEF7, lr;
	s5 =	simm.s32 $0xFFFFFFFF;
	p2 =	slt.u32 s8, $0xFFFFF086  }
0x1c: {  	p1 =	slt.u32 s9, $0xF7A;
	s5 =	simm.s32 @!p2 $0x0  }
0x1d: {  	s5 =	simm.s32 @p1 $0x1;
	p0 =	seq.s32 s7, s2  }
0x1e: {  	s7 =	smul.u32 @!p0 $0xF7A, s2;
	p2 =	seq.s32 @!p0 s5, $0x0  }
0x1f: {  	s9 =	smul.u32 $0xF7A, s1;
	s8 =	simm.s32 @!p0 $0x1BF5;
	p2 =	por !p2, p0  }
0x20: {  	[sflag:s8] =	ssyncset.s32 @!p0 $0xFFFFF086;
	s6 =	sadd.s32 @!p0 s3, s7;
	s7 =	simm.s32 @!p0 $0x108  }
0x21: {  	s3 =	sadd.s32 s3, s9;
	s6 =	sadd.s32 @!p0 $0x88, s6;
	s7 =	simm.s32 @p2 $0x1082  }
0x22: {  	[simem:s7], [sflag:s8] =	dma.local @!p0 [hbm:s6], $0xF7A  }
0x23: {  	s9 =	sor.u32 $0xD0000000, s2;
	s6 =	simm.s32 $0x108;
	_ =	swait.ge @!p0 [sflag:s8], $0x0  }
0x24: {  	s3 =	sadd.s32 $0x88, s3;
	s6 =	simm.s32 @!p1 $0x1082;
	[sflag:s4] =	ssyncset.s32 $0xFFFFF086  }
0x25: {  	[simem:s6], [sflag:s4] =	dma.local [hbm:s3], $0xF7A  }
0x26: {  	[smem:$0x3F9F] =	sst s1;
	(tag) =	ssettag s2;
	_ =	strace s9  }
0x27: {  	s1 =	sld [smem:$0x3FAF]  }
0x28: {  	s2 =	sld [smem:$0x3FB0]  }
0x29: {  	s4 =	sld [smem:$0x3FB2]  }
0x2a: {  	p0 =	seq.s32 s5, $0x0;
	s5 =	sld [smem:$0x3FB3]  }
0x2b: {  	s6 =	sld [smem:$0x3FB4]  }
0x2c: {  	s7 =	sld [smem:$0x3FB5]  }
0x2d: {  	s3 =	simm.s32 $0x108;
	s8 =	sld [smem:$0x3FB6]  }
0x2e: {  	s3 =	simm.s32 @!p0 $0x1082;
	s9 =	sld [smem:$0x3FB7]  }
0x2f: {  	lr =	sadd.s32 s0, s3;
	s0 =	sld [smem:$0x3FAE]  }
0x30: {  	s3 =	sld [smem:$0x3FB1]  }
0x31: {  	[smem:$0x3FBA] =	sst s10  }
0x32: {  	s10 =	sld [smem:$0x3FB8];
	_ =	sdelay $0x3  }
0x33: {  	p0 =	seq.s32 s10, $0x1;
	s10 =	sld [smem:$0x3FBA];
	_ =	sdelay $0x3  }
0x34: {  	[smem:$0x3FBA] =	sst s10  }
0x35: {  	s10 =	sld [smem:$0x3FB9];
	_ =	sdelay $0x3  }
0x36: {  	p1 =	seq.s32 s10, $0x1;
	s10 =	sld [smem:$0x3FBA];
	_ =	sdelay $0x3  }
0x37: {  	[smem:$0x3FBA] =	sst s10  }
0x38: {  	s10 =	sld [smem:$0x3FBB]  }
0x39: {  	_ = 	snop;
	(pc) =	sbr.ind lr, $3  }
0x3a: {  	_ = 	snop  }
0x3b: {  	_ = 	snop  }
0x3c: {  	p2 =	seq.s32 s10, $0x1;
	s10 =	sld [smem:$0x3FBA]  }
0x3d: {  	_ =	shalt  }
0x3e: {  	_ =	shalt  }
0x3f: {  	_ =	shalt  }
0x40: {  	_ =	shalt  }
0x41: {  	_ =	shalt  }
0x42: {  	_ =	shalt  }
0x43: {  	_ =	shalt  }
0x44: {  	_ =	shalt  }
0x45: {  	_ =	shalt  }
0x46: {  	_ =	shalt  }
0x47: {  	_ =	shalt  }
0x48: {  	_ =	shalt  }
0x49: {  	_ =	shalt  }
0x4a: {  	_ =	shalt  }
0x4b: {  	_ =	shalt  }
0x4c: {  	_ =	shalt  }
0x4d: {  	_ =	shalt  }
0x4e: {  	_ =	shalt  }
0x4f: {  	_ =	shalt  }
0x50: {  	_ =	shalt  }
0x51: {  	_ =	shalt  }
0x52: {  	_ =	shalt  }
0x53: {  	_ =	shalt  }
0x54: {  	_ =	shalt  }
0x55: {  	_ =	shalt  }
0x56: {  	_ =	shalt  }
0x57: {  	_ =	shalt  }
0x58: {  	_ =	shalt  }
0x59: {  	_ =	shalt  }
0x5a: {  	_ =	shalt  }
0x5b: {  	_ =	shalt  }
0x5c: {  	_ =	shalt  }
0x5d: {  	_ =	shalt  }
0x5e: {  	_ =	shalt  }
0x5f: {  	_ =	shalt  }
0x60: {  	_ =	shalt  }
0x61: {  	_ =	shalt  }
0x62: {  	_ =	shalt  }
0x63: {  	_ =	shalt  }
0x64: {  	_ =	shalt  }
0x65: {  	_ =	shalt  }
0x66: {  	_ =	shalt  }
0x67: {  	_ =	shalt  }
0x68: {  	_ =	shalt  }
0x69: {  	_ =	shalt  }
0x6a: {  	_ =	shalt  }
0x6b: {  	_ =	shalt  }
0x6c: {  	_ =	shalt  }
0x6d: {  	_ =	shalt  }
0x6e: {  	_ =	shalt  }
0x6f: {  	_ =	shalt  }
0x70: {  	_ =	shalt  }
0x71: {  	_ =	shalt  }
0x72: {  	_ =	shalt  }
0x73: {  	_ =	shalt  }
0x74: {  	_ =	shalt  }
0x75: {  	_ =	shalt  }
0x76: {  	_ =	shalt  }
0x77: {  	_ =	shalt  }
0x78: {  	_ =	shalt  }
0x79: {  	_ =	shalt  }
0x7a: {  	_ =	shalt  }
0x7b: {  	_ =	shalt  }
0x7c: {  	_ =	shalt  }
0x7d: {  	_ =	shalt  }
0x7e: {  	_ =	shalt  }
0x7f: {  	_ =	shalt  }
0x80: {  	_ =	shalt  }
0x81: {  	_ =	shalt  }
0x82: {  	_ =	shalt  }
0x83: {  	_ =	shalt  }
0x84: {  	_ =	shalt  }
0x85: {  	_ =	shalt  }
0x86: {  	_ =	shalt  }
0x87: {  	_ =	shalt  }
.Lfunc_end0:
.L_simem_size_0:
called_computation_lowered:
.L_overlay_start_0:
0x88: {  	s2 =	sld [smem:$0x3FD9]  }
0x89: {  	s3 =	sld [smem:$0x3FFE];
	_ =	sdelay $0x1  }
0x8a: {  	s1 =	srdreg.scid  }
0x8b: {  	s0 =	sand.u32 $0x1, s1  }
0x8c: {  	s17 =	sshll.u32 s0, $0xA;
	s2 =	sadd.s32 s3, s2  }
0x8d: {  	s2 =	sadd.s32 s2, s17  }
0x8e: {  	[smem:$0x3FC6] =	sst s2  }
0x8f: {  	_ = 	snop  }
0x90: {  	s2 =	sld [smem:$0x3FC9]  }
0x91: {  	s18 =	sld [smem:$0x3FD0];
	(tm) =	ssettm $0x1  }
0x92: {  	s4 =	sld [smem:$0x3FFB];
	_ =	sdelay $0x3  }
0x93: {  	_ =	strace s4  }
0x94: {  	s4 =	sld [smem:$0x3FFC];
	_ =	sdelay $0x3  }
0x95: {  	_ =	strace s4  }
0x96: {  	s4 =	sld [smem:$0x3FFD];
	_ =	sdelay $0x3  }
0x97: {  	_ =	strace s4  }
0x98: {  	_ =	strace $0x8FFFFFFF  }
0x99: {  	s19 =	sld [smem:$0x3FDB];
	_ =	sdelay $0x1  }
0x9a: {  	s5 =	simm.s32 $_scs_section_size  }
0x9b: {  	s6 =	simm.s32 $_size__tile_overlayer_lowered;
	s7 =	simm.s32 $_tile_overlayer_lowered  }
0x9c: {  	s22 =	simm.s32 $0x1BFF;
	s21 =	sshll.u32 s7, $0x1;
	s4 =	sadd.s32 s5, s19  }
0x9d: {  	s8 =	simm.s32 $0x0;
	s20 =	sshll.u32 s6, $0x1;
	s6 =	sadd.s32 s21, s4  }
0x9e: {  	[timem:s8], [sflag:s22] =	dma.local [hbm:s6], s20  }
0x9f: {  	_ =	swait.ge [sflag:s22], s20  }
0xa0: {  	s5 =	ssub.s32 $0x0, s20;
	[sflag:s22] =	ssyncset.done $0x0  }
0xa1: {  	[sflag:s22] =	ssyncadd.s32 s5;
	_ =	sdelay $0x1  }
0xa2: {  	s23 =	simm.s32 $0x1B8B  }
0xa3: {  	_ =	swait.ge [sflag:s23], $0x1  }
0xa4: {  	[sflag:s23] =	ssyncset.done $0x0  }
0xa5: {  	s25 =	simm.s32 $0x1B8E;
	s24 =	sld [smem:$0x3FFE];
	[sflag:s23] =	ssyncadd.s32 $0xFFFFFFFF  }
0xa6: {  	s26 =	simm.s32 $execute0_lowered;
	[smem:$0x3FD2] =	sst s25  }
0xa7: {  	s6 =	sshll.u32 s26, $0x1;
	_ =	strace $0x80000046;
	[dreg:$0x1] =	wrdreg $0xFFFFFFFF  }
0xa8: {  	s28 =	simm.s32 $_size_execute0_lowered;
	s4 =	sadd.s32 s4, s6;
	[dreg:$0x0] =	wrdreg $0x0  }
0xa9: {  	s6 =	sshll.u32 s28, $0x1;
	[dreg:$0x2] =	wrdreg s4  }
0xaa: {  	[dreg:$0x3] =	wrdreg s6  }
0xab: {  	[dreg:$0x4] =	wrdreg $0xC0  }
0xac: {  	_ =	task [dreg:s8], $0x5FFFF  }
0xad: {  	[dreg:$0x1] =	wrdreg $0xFFFFFFFF  }
0xae: {  	[dreg:$0x0] =	wrdreg $0x60  }
0xaf: {  	[dreg:$0x2] =	wrdreg s2  }
0xb0: {  	[dreg:$0x3] =	wrdreg s24  }
0xb1: {  	[dreg:$0x4] =	wrdreg s18  }
0xb2: {  	[dreg:$0x5] =	wrdreg $0x9  }
0xb3: {  	_ =	task.clear_ibuf [dreg:s8], $0x6FFFF;
	_ =	strace $0x90000046  }
0xb4: {  	s29 =	simm.s32 $0x9;
	_ =	strace $0x80000048  }
0xb5: {  	_ =	swait.ge [sflag:s29], $0x1  }
0xb6: {  	[sflag:s29] =	ssyncadd.s32 $0xFFFFFFFF  }
0xb7: {  	_ =	strace $0x90000048  }
0xb8: {  	_ =	sfence  }
0xb9: {  	s30 =	sld [smem:$0x0];
	_ =	sdelay $0x2  }
0xba: {  	s31 =	sshll.u32 s1, $0xD;
	s1 =	sshrl.u32 s1, $0x2  }
0xbb: {  	s3 =	sand.u32 $0x4000, s31;
	s1 =	sadd.s32 s1, s30  }
0xbc: {  	s0 =	sor.u32 s3, s0;
	s1 =	sshll.u32 s1, $0x11  }
0xbd: {  	s0 =	sor.u32 s1, s0  }
0xbe: {  	s0 =	sadd.s32 $0x8F2B, s0  }
0xbf: {  	[sflag:s0] =	ssyncadd.remote.s32 $0x1  }
0xc0: {  	_ =	sfence.sel $0xFFFF  }
0xc1: {  	[dreg:$0x0] =	wrdreg $0xFFFFFFFF;
	(pc) =	sbr.abs _section_cstart, $3  }
0xc2: {  	[dreg:$0x1] =	wrdreg $0xFFFFFFFF  }
0xc3: {  	_ =	task.clear_ibuf [dreg:s8], $0x2FFFF;
	_ =	strace $0x9FFFFFFF  }
0xc4: {  	(tm) =	ssettm $0x7FFFFFFF  }
0xc5: {  	_ =	shalt  }
tec
execute0_lowered:
.L_overlay_start_1:
0x0: {  	(tag) =	ssettag $0x1  }
0x1: {  	s0 =	rddreg [dreg:$0x0]  }
0x2: {  	s1 =	rddreg [dreg:$0x1];
	s2 =	srdreg.scid  }
0x3: {  	s3 =	stileid.u32;
	s4 =	rddreg [dreg:$0x2];
	s15 =	simm.s32 $0x12000  }
0x4: {  	s16 =	simm.s32 $0x12400;
	s17 =	simm.s32 $0x12800;
	s18 =	simm.s32 $0x12C00  }
0x5: {  	s19 =	simm.s32 $0x13000;
	s20 =	simm.s32 $0x13400;
	s21 =	simm.s32 $0x13800  }
0x6: {  	s22 =	simm.s32 $0x13C00;
	s23 =	simm.s32 $0x14000;
	s28 =	simm.s32 $0x15000  }
0x7: {  	s29 =	simm.s32 $0x15400;
	s30 =	simm.s32 $0x15800;
	s31 =	simm.s32 $0x15C00  }
0x8: {  	s8 =	simm.s32 $0x4;
	s9 =	simm.s32 $0x17000;
	s11 =	simm.s32 $0x0  }
0x9: {  	s5 =	sand.u32 $0x1, s2;
	s3 =	sshll.u32 s3, $0x1;
	s2 =	simm.s32 $0x0  }
0xa: {  	s6 =	sor.u32 s5, s3;
	[smem:$0x7FF] =	sst s2;
	s3 =	sadd.s32 $0xF42800, s1  }
0xb: {  	s24 =	ssub.s32 $0x2, s5;
	s1 =	simm.s32 $0x16000;
	s7 =	smul.u32 $0x500, s6  }
0xc: {  	_ =	strace $0x80000047;
	s5 =	sshrl.u32 s24, $0x1;
	s6 =	sshll.u32 s6, $0xC  }
0xd: {  	s25 =	ssub.s32 s24, s5;
	s6 =	sadd.s32 s4, s6;
	s24 =	simm.s32 $0x14400  }
0xe: {  	s5 =	simm.s32 $0x1;
	s4 =	simm.s32 $0x2;
	s7 =	sadd.s32 s0, s7  }
0xf: {  	s0 =	smax.u32 s25, $0x1;
	s25 =	simm.s32 $0x14800;
	[dreg:$0x4] =	wrdreg s7  }
0x10: {  	s26 =	sadd.s32 $0x50, s7;
	[dreg:$0x6] =	wrdreg s0;
	s0 =	simm.s32 $0x16400  }
0x11: {  	vm0 =	vmmov $0xffff;
	s7 =	simm.s32 $0x16800;
	[dreg:$0x5] =	wrdreg s26;
	s26 =	simm.s32 $0x14C00  }
.LBB2_1:
0x12: {  	[dreg:$0x7] =	wrdreg s11  }
0x13: {  	s10 =	rddreg [dreg:$0x4];
	s11 =	simm.s32 $0x5  }
0x14: {  	[tilespmem:s2], [sflag:$0x5] =	stream.linear.gather [hbm4b:s10+s2], $0x280, $0x38;
	[tilespmem:$0x17800] =	vst v63  }
0x15: {  	_ =	swait.ge [sflag:s11], $0x280  }
0x16: {  	[sflag:s11] =	ssyncset.done $0x0  }
0x17: {  	[sflag:s11] =	ssyncadd.s32 $0xFFFFFD80  }
0x18: {  	v0 =	vld [tilespmem:$0x0];
	_ =	sdelay $0x6  }
0x19: {  	s13 =	simm.s32 $0x2800  }
0x1a: {  	[tilespmem:s13], [sflag:$0x1] =	stream.indirect_vreg.gather [hbm4b:s3+s2], $0x40, v0, vm0, $0xb8;
	[tilespmem:$0x17800] =	vst v63  }
0x1b: {  	v0 =	vld [tilespmem:$0x10];
	_ =	sdelay $0x6  }
0x1c: {  	s14 =	simm.s32 $0x2C00  }
0x1d: {  	[tilespmem:s14], [sflag:$0x1] =	stream.indirect_vreg.gather [hbm4b:s3+s2], $0x40, v0, vm0, $0xb8;
	[tilespmem:$0x17800] =	vst v63  }
0x1e: {  	v0 =	vld [tilespmem:$0x20];
	_ =	sdelay $0x6  }
0x1f: {  	s12 =	simm.s32 $0x3000  }
0x20: {  	[tilespmem:s12], [sflag:$0x1] =	stream.indirect_vreg.gather [hbm4b:s3+s2], $0x40, v0, vm0, $0xb8;
	[tilespmem:$0x17800] =	vst v63  }
0x21: {  	v0 =	vld [tilespmem:$0x30];
	_ =	sdelay $0x6  }
0x22: {  	s13 =	simm.s32 $0x3400  }
0x23: {  	[tilespmem:s13], [sflag:$0x1] =	stream.indirect_vreg.gather [hbm4b:s3+s2], $0x40, v0, vm0, $0xb8;
	[tilespmem:$0x17800] =	vst v63  }
0x24: {  	v0 =	vld [tilespmem:$0x40];
	_ =	sdelay $0x6  }
0x25: {  	s14 =	simm.s32 $0x3800  }
0x26: {  	[tilespmem:s14], [sflag:$0x1] =	stream.indirect_vreg.gather [hbm4b:s3+s2], $0x40, v0, vm0, $0xb8;
	[tilespmem:$0x17800] =	vst v63  }
0x27: {  	v0 =	vld [tilespmem:$0x50];
	_ =	sdelay $0x6  }
0x28: {  	s12 =	simm.s32 $0x3C00  }
0x29: {  	[tilespmem:s12], [sflag:$0x1] =	stream.indirect_vreg.gather [hbm4b:s3+s2], $0x40, v0, vm0, $0xb8;
	[tilespmem:$0x17800] =	vst v63  }
0x2a: {  	v0 =	vld [tilespmem:$0x60];
	_ =	sdelay $0x6  }
0x2b: {  	s13 =	simm.s32 $0x4000  }
0x2c: {  	[tilespmem:s13], [sflag:$0x1] =	stream.indirect_vreg.gather [hbm4b:s3+s2], $0x40, v0, vm0, $0xb8;
	[tilespmem:$0x17800] =	vst v63  }
0x2d: {  	v0 =	vld [tilespmem:$0x70];
	_ =	sdelay $0x6  }
0x2e: {  	s14 =	simm.s32 $0x4400  }
0x2f: {  	[tilespmem:s14], [sflag:$0x1] =	stream.indirect_vreg.gather [hbm4b:s3+s2], $0x40, v0, vm0, $0xb8;
	[tilespmem:$0x17800] =	vst v63  }
0x30: {  	v0 =	vld [tilespmem:$0x80];
	_ =	sdelay $0x6  }
0x31: {  	s12 =	simm.s32 $0x4800  }
0x32: {  	[tilespmem:s12], [sflag:$0x1] =	stream.indirect_vreg.gather [hbm4b:s3+s2], $0x40, v0, vm0, $0xb8;
	[tilespmem:$0x17800] =	vst v63  }
0x33: {  	v0 =	vld [tilespmem:$0x90];
	_ =	sdelay $0x6  }
0x34: {  	s13 =	simm.s32 $0x4C00  }
0x35: {  	[tilespmem:s13], [sflag:$0x1] =	stream.indirect_vreg.gather [hbm4b:s3+s2], $0x40, v0, vm0, $0xb8;
	[tilespmem:$0x17800] =	vst v63  }
0x36: {  	v0 =	vld [tilespmem:$0xA0];
	_ =	sdelay $0x6  }
0x37: {  	s14 =	simm.s32 $0x5000  }
0x38: {  	[tilespmem:s14], [sflag:$0x1] =	stream.indirect_vreg.gather [hbm4b:s3+s2], $0x40, v0, vm0, $0xb8;
	[tilespmem:$0x17800] =	vst v63  }
0x39: {  	v0 =	vld [tilespmem:$0xB0];
	_ =	sdelay $0x6  }
0x3a: {  	s12 =	simm.s32 $0x5400  }
0x3b: {  	[tilespmem:s12], [sflag:$0x1] =	stream.indirect_vreg.gather [hbm4b:s3+s2], $0x40, v0, vm0, $0xb8;
	[tilespmem:$0x17800] =	vst v63  }
0x3c: {  	v0 =	vld [tilespmem:$0xC0];
	_ =	sdelay $0x6  }
0x3d: {  	s13 =	simm.s32 $0x5800  }
0x3e: {  	[tilespmem:s13], [sflag:$0x1] =	stream.indirect_vreg.gather [hbm4b:s3+s2], $0x40, v0, vm0, $0xb8;
	[tilespmem:$0x17800] =	vst v63  }
0x3f: {  	v0 =	vld [tilespmem:$0xD0];
	_ =	sdelay $0x6  }
0x40: {  	s14 =	simm.s32 $0x5C00  }
0x41: {  	[tilespmem:s14], [sflag:$0x1] =	stream.indirect_vreg.gather [hbm4b:s3+s2], $0x40, v0, vm0, $0xb8;
	[tilespmem:$0x17800] =	vst v63  }
0x42: {  	v0 =	vld [tilespmem:$0xE0];
	_ =	sdelay $0x6  }
0x43: {  	s12 =	simm.s32 $0x6000  }
0x44: {  	[tilespmem:s12], [sflag:$0x1] =	stream.indirect_vreg.gather [hbm4b:s3+s2], $0x40, v0, vm0, $0xb8;
	[tilespmem:$0x17800] =	vst v63  }
0x45: {  	v0 =	vld [tilespmem:$0xF0];
	_ =	sdelay $0x6  }
0x46: {  	s13 =	simm.s32 $0x6400  }
0x47: {  	[tilespmem:s13], [sflag:$0x1] =	stream.indirect_vreg.gather [hbm4b:s3+s2], $0x40, v0, vm0, $0xb8;
	[tilespmem:$0x17800] =	vst v63  }
0x48: {  	v0 =	vld [tilespmem:$0x100];
	_ =	sdelay $0x6  }
0x49: {  	s14 =	simm.s32 $0x6800  }
0x4a: {  	[tilespmem:s14], [sflag:$0x1] =	stream.indirect_vreg.gather [hbm4b:s3+s2], $0x40, v0, vm0, $0xb8;
	[tilespmem:$0x17800] =	vst v63  }
0x4b: {  	v0 =	vld [tilespmem:$0x110];
	_ =	sdelay $0x6  }
0x4c: {  	s12 =	simm.s32 $0x6C00  }
0x4d: {  	[tilespmem:s12], [sflag:$0x1] =	stream.indirect_vreg.gather [hbm4b:s3+s2], $0x40, v0, vm0, $0xb8;
	[tilespmem:$0x17800] =	vst v63  }
0x4e: {  	v0 =	vld [tilespmem:$0x120];
	_ =	sdelay $0x6  }
0x4f: {  	s13 =	simm.s32 $0x7000  }
0x50: {  	[tilespmem:s13], [sflag:$0x1] =	stream.indirect_vreg.gather [hbm4b:s3+s2], $0x40, v0, vm0, $0xb8;
	[tilespmem:$0x17800] =	vst v63  }
0x51: {  	v0 =	vld [tilespmem:$0x130];
	_ =	sdelay $0x6  }
0x52: {  	s14 =	simm.s32 $0x7400  }
0x53: {  	[tilespmem:s14], [sflag:$0x1] =	stream.indirect_vreg.gather [hbm4b:s3+s2], $0x40, v0, vm0, $0xb8;
	[tilespmem:$0x17800] =	vst v63  }
0x54: {  	v0 =	vld [tilespmem:$0x140];
	_ =	sdelay $0x6  }
0x55: {  	s12 =	simm.s32 $0x7800  }
0x56: {  	[tilespmem:s12], [sflag:$0x1] =	stream.indirect_vreg.gather [hbm4b:s3+s2], $0x40, v0, vm0, $0xb8;
	[tilespmem:$0x17800] =	vst v63  }
0x57: {  	v0 =	vld [tilespmem:$0x150];
	_ =	sdelay $0x6  }
0x58: {  	s13 =	simm.s32 $0x7C00  }
0x59: {  	[tilespmem:s13], [sflag:$0x1] =	stream.indirect_vreg.gather [hbm4b:s3+s2], $0x40, v0, vm0, $0xb8;
	[tilespmem:$0x17800] =	vst v63  }
0x5a: {  	v0 =	vld [tilespmem:$0x160];
	_ =	sdelay $0x6  }
0x5b: {  	s14 =	simm.s32 $0x8000  }
0x5c: {  	[tilespmem:s14], [sflag:$0x1] =	stream.indirect_vreg.gather [hbm4b:s3+s2], $0x40, v0, vm0, $0xb8;
	[tilespmem:$0x17800] =	vst v63  }
0x5d: {  	v0 =	vld [tilespmem:$0x170];
	_ =	sdelay $0x6  }
0x5e: {  	s12 =	simm.s32 $0x8400  }
0x5f: {  	[tilespmem:s12], [sflag:$0x1] =	stream.indirect_vreg.gather [hbm4b:s3+s2], $0x40, v0, vm0, $0xb8;
	[tilespmem:$0x17800] =	vst v63  }
0x60: {  	v0 =	vld [tilespmem:$0x180];
	_ =	sdelay $0x6  }
0x61: {  	s13 =	simm.s32 $0x8800  }
0x62: {  	[tilespmem:s13], [sflag:$0x1] =	stream.indirect_vreg.gather [hbm4b:s3+s2], $0x40, v0, vm0, $0xb8;
	[tilespmem:$0x17800] =	vst v63  }
0x63: {  	v0 =	vld [tilespmem:$0x190];
	_ =	sdelay $0x6  }
0x64: {  	s14 =	simm.s32 $0x8C00  }
0x65: {  	[tilespmem:s14], [sflag:$0x1] =	stream.indirect_vreg.gather [hbm4b:s3+s2], $0x40, v0, vm0, $0xb8;
	[tilespmem:$0x17800] =	vst v63  }
0x66: {  	v0 =	vld [tilespmem:$0x1A0];
	_ =	sdelay $0x6  }
0x67: {  	s12 =	simm.s32 $0x9000  }
0x68: {  	[tilespmem:s12], [sflag:$0x1] =	stream.indirect_vreg.gather [hbm4b:s3+s2], $0x40, v0, vm0, $0xb8;
	[tilespmem:$0x17800] =	vst v63  }
0x69: {  	v0 =	vld [tilespmem:$0x1B0];
	_ =	sdelay $0x6  }
0x6a: {  	s13 =	simm.s32 $0x9400  }
0x6b: {  	[tilespmem:s13], [sflag:$0x1] =	stream.indirect_vreg.gather [hbm4b:s3+s2], $0x40, v0, vm0, $0xb8;
	[tilespmem:$0x17800] =	vst v63  }
0x6c: {  	v0 =	vld [tilespmem:$0x1C0];
	_ =	sdelay $0x6  }
0x6d: {  	s14 =	simm.s32 $0x9800  }
0x6e: {  	[tilespmem:s14], [sflag:$0x1] =	stream.indirect_vreg.gather [hbm4b:s3+s2], $0x40, v0, vm0, $0xb8;
	[tilespmem:$0x17800] =	vst v63  }
0x6f: {  	v0 =	vld [tilespmem:$0x1D0];
	_ =	sdelay $0x6  }
0x70: {  	s12 =	simm.s32 $0x9C00  }
0x71: {  	[tilespmem:s12], [sflag:$0x1] =	stream.indirect_vreg.gather [hbm4b:s3+s2], $0x40, v0, vm0, $0xb8;
	[tilespmem:$0x17800] =	vst v63  }
0x72: {  	v0 =	vld [tilespmem:$0x1E0];
	_ =	sdelay $0x6  }
0x73: {  	s13 =	simm.s32 $0xA000  }
0x74: {  	[tilespmem:s13], [sflag:$0x1] =	stream.indirect_vreg.gather [hbm4b:s3+s2], $0x40, v0, vm0, $0xb8;
	[tilespmem:$0x17800] =	vst v63  }
0x75: {  	v0 =	vld [tilespmem:$0x1F0];
	_ =	sdelay $0x6  }
0x76: {  	s14 =	simm.s32 $0xA400  }
0x77: {  	[tilespmem:s14], [sflag:$0x1] =	stream.indirect_vreg.gather [hbm4b:s3+s2], $0x40, v0, vm0, $0xb8;
	[tilespmem:$0x17800] =	vst v63  }
0x78: {  	v0 =	vld [tilespmem:$0x200];
	_ =	sdelay $0x6  }
0x79: {  	s12 =	simm.s32 $0xA800  }
0x7a: {  	[tilespmem:s12], [sflag:$0x1] =	stream.indirect_vreg.gather [hbm4b:s3+s2], $0x40, v0, vm0, $0xb8;
	[tilespmem:$0x17800] =	vst v63  }
0x7b: {  	v0 =	vld [tilespmem:$0x210];
	_ =	sdelay $0x6  }
0x7c: {  	s13 =	simm.s32 $0xAC00  }
0x7d: {  	[tilespmem:s13], [sflag:$0x1] =	stream.indirect_vreg.gather [hbm4b:s3+s2], $0x40, v0, vm0, $0xb8;
	[tilespmem:$0x17800] =	vst v63  }
0x7e: {  	v0 =	vld [tilespmem:$0x220];
	_ =	sdelay $0x6  }
0x7f: {  	s14 =	simm.s32 $0xB000  }
0x80: {  	[tilespmem:s14], [sflag:$0x1] =	stream.indirect_vreg.gather [hbm4b:s3+s2], $0x40, v0, vm0, $0xb8;
	[tilespmem:$0x17800] =	vst v63  }
0x81: {  	v0 =	vld [tilespmem:$0x230];
	_ =	sdelay $0x6  }
0x82: {  	s12 =	simm.s32 $0xB400  }
0x83: {  	[tilespmem:s12], [sflag:$0x1] =	stream.indirect_vreg.gather [hbm4b:s3+s2], $0x40, v0, vm0, $0xb8;
	[tilespmem:$0x17800] =	vst v63  }
0x84: {  	v0 =	vld [tilespmem:$0x240];
	_ =	sdelay $0x6  }
0x85: {  	s13 =	simm.s32 $0xB800  }
0x86: {  	[tilespmem:s13], [sflag:$0x1] =	stream.indirect_vreg.gather [hbm4b:s3+s2], $0x40, v0, vm0, $0xb8;
	[tilespmem:$0x17800] =	vst v63  }
0x87: {  	v0 =	vld [tilespmem:$0x250];
	_ =	sdelay $0x6  }
0x88: {  	s14 =	simm.s32 $0xBC00  }
0x89: {  	[tilespmem:s14], [sflag:$0x1] =	stream.indirect_vreg.gather [hbm4b:s3+s2], $0x40, v0, vm0, $0xb8;
	[tilespmem:$0x17800] =	vst v63  }
0x8a: {  	v0 =	vld [tilespmem:$0x260];
	_ =	sdelay $0x6  }
0x8b: {  	s12 =	simm.s32 $0xC000  }
0x8c: {  	[tilespmem:s12], [sflag:$0x1] =	stream.indirect_vreg.gather [hbm4b:s3+s2], $0x40, v0, vm0, $0xb8;
	[tilespmem:$0x17800] =	vst v63  }
0x8d: {  	v0 =	vld [tilespmem:$0x270];
	_ =	sdelay $0x6  }
0x8e: {  	s13 =	simm.s32 $0xC400  }
0x8f: {  	[tilespmem:s13], [sflag:$0x1] =	stream.indirect_vreg.gather [hbm4b:s3+s2], $0x40, v0, vm0, $0xb8;
	[tilespmem:$0x17800] =	vst v63  }
0x90: {  	s14 =	rddreg [dreg:$0x5];
	s12 =	simm.s32 $0x280  }
0x91: {  	[tilespmem:s12], [sflag:$0x5] =	stream.linear.gather [hbm4b:s14+s2], $0x2580, $0x38;
	[tilespmem:$0x17800] =	vst v63  }
0x92: {  	_ =	swait.ge [sflag:s11], $0x2580  }
0x93: {  	[sflag:s11] =	ssyncset.done $0x0  }
0x94: {  	s10 =	simm.s32 $0x0;
	[sflag:s11] =	ssyncadd.s32 $0xFFFFDA80  }
.LBB2_2:
0x95: {  	s11 =	sshllo.u32 s10, $0x1  }
0x96: {  	s12 =	smul.u32 $0xA00, s11;
	_ =	sdelay $0x1  }
0x97: {  	s12 =	sshra.s32 s12, $0x2  }
0x98: {  	v0 =	vld [tilespmem:s12+$0x0];
	_ =	sdelay $0x6  }
0x99: {  	s13 =	simm.s32 $0xC800  }
0x9a: {  	[tilespmem:s13], [sflag:$0x2] =	stream.indirect_vreg.gather [hbm4b:s3+s2], $0x40, v0, vm0, $0xb8;
	[tilespmem:$0x17800] =	vst v63  }
0x9b: {  	v0 =	vld [tilespmem:s12+$0x10];
	_ =	sdelay $0x6  }
0x9c: {  	s14 =	simm.s32 $0xCC00  }
0x9d: {  	[tilespmem:s14], [sflag:$0x2] =	stream.indirect_vreg.gather [hbm4b:s3+s2], $0x40, v0, vm0, $0xb8;
	[tilespmem:$0x17800] =	vst v63  }
0x9e: {  	v0 =	vld [tilespmem:s12+$0x20];
	_ =	sdelay $0x6  }
0x9f: {  	s14 =	simm.s32 $0xD000  }
0xa0: {  	[tilespmem:s14], [sflag:$0x2] =	stream.indirect_vreg.gather [hbm4b:s3+s2], $0x40, v0, vm0, $0xb8;
	[tilespmem:$0x17800] =	vst v63  }
0xa1: {  	v0 =	vld [tilespmem:s12+$0x30];
	_ =	sdelay $0x6  }
0xa2: {  	s14 =	simm.s32 $0xD400  }
0xa3: {  	[tilespmem:s14], [sflag:$0x2] =	stream.indirect_vreg.gather [hbm4b:s3+s2], $0x40, v0, vm0, $0xb8;
	[tilespmem:$0x17800] =	vst v63  }
0xa4: {  	v0 =	vld [tilespmem:s12+$0x40];
	_ =	sdelay $0x6  }
0xa5: {  	s14 =	simm.s32 $0xD800  }
0xa6: {  	[tilespmem:s14], [sflag:$0x2] =	stream.indirect_vreg.gather [hbm4b:s3+s2], $0x40, v0, vm0, $0xb8;
	[tilespmem:$0x17800] =	vst v63  }
0xa7: {  	v0 =	vld [tilespmem:s12+$0x50];
	_ =	sdelay $0x6  }
0xa8: {  	s14 =	simm.s32 $0xDC00  }
0xa9: {  	[tilespmem:s14], [sflag:$0x2] =	stream.indirect_vreg.gather [hbm4b:s3+s2], $0x40, v0, vm0, $0xb8;
	[tilespmem:$0x17800] =	vst v63  }
0xaa: {  	v0 =	vld [tilespmem:s12+$0x60];
	_ =	sdelay $0x6  }
0xab: {  	s14 =	simm.s32 $0xE000  }
0xac: {  	[tilespmem:s14], [sflag:$0x2] =	stream.indirect_vreg.gather [hbm4b:s3+s2], $0x40, v0, vm0, $0xb8;
	[tilespmem:$0x17800] =	vst v63  }
0xad: {  	v0 =	vld [tilespmem:s12+$0x70];
	_ =	sdelay $0x6  }
0xae: {  	s14 =	simm.s32 $0xE400  }
0xaf: {  	[tilespmem:s14], [sflag:$0x2] =	stream.indirect_vreg.gather [hbm4b:s3+s2], $0x40, v0, vm0, $0xb8;
	[tilespmem:$0x17800] =	vst v63  }
0xb0: {  	v0 =	vld [tilespmem:s12+$0x80];
	_ =	sdelay $0x6  }
0xb1: {  	s14 =	simm.s32 $0xE800  }
0xb2: {  	[tilespmem:s14], [sflag:$0x2] =	stream.indirect_vreg.gather [hbm4b:s3+s2], $0x40, v0, vm0, $0xb8;
	[tilespmem:$0x17800] =	vst v63  }
0xb3: {  	v0 =	vld [tilespmem:s12+$0x90];
	_ =	sdelay $0x6  }
0xb4: {  	s14 =	simm.s32 $0xEC00  }
0xb5: {  	[tilespmem:s14], [sflag:$0x2] =	stream.indirect_vreg.gather [hbm4b:s3+s2], $0x40, v0, vm0, $0xb8;
	[tilespmem:$0x17800] =	vst v63  }
0xb6: {  	v0 =	vld [tilespmem:s12+$0xA0];
	_ =	sdelay $0x6  }
0xb7: {  	s14 =	simm.s32 $0xF000  }
0xb8: {  	[tilespmem:s14], [sflag:$0x2] =	stream.indirect_vreg.gather [hbm4b:s3+s2], $0x40, v0, vm0, $0xb8;
	[tilespmem:$0x17800] =	vst v63  }
0xb9: {  	v0 =	vld [tilespmem:s12+$0xB0];
	_ =	sdelay $0x6  }
0xba: {  	s14 =	simm.s32 $0xF400  }
0xbb: {  	[tilespmem:s14], [sflag:$0x2] =	stream.indirect_vreg.gather [hbm4b:s3+s2], $0x40, v0, vm0, $0xb8;
	[tilespmem:$0x17800] =	vst v63  }
0xbc: {  	v0 =	vld [tilespmem:s12+$0xC0];
	_ =	sdelay $0x6  }
0xbd: {  	s14 =	simm.s32 $0xF800  }
0xbe: {  	[tilespmem:s14], [sflag:$0x2] =	stream.indirect_vreg.gather [hbm4b:s3+s2], $0x40, v0, vm0, $0xb8;
	[tilespmem:$0x17800] =	vst v63  }
0xbf: {  	v0 =	vld [tilespmem:s12+$0xD0];
	_ =	sdelay $0x6  }
0xc0: {  	s14 =	simm.s32 $0xFC00  }
0xc1: {  	[tilespmem:s14], [sflag:$0x2] =	stream.indirect_vreg.gather [hbm4b:s3+s2], $0x40, v0, vm0, $0xb8;
	[tilespmem:$0x17800] =	vst v63  }
0xc2: {  	v0 =	vld [tilespmem:s12+$0xE0];
	_ =	sdelay $0x6  }
0xc3: {  	s14 =	simm.s32 $0x10000  }
0xc4: {  	[tilespmem:s14], [sflag:$0x2] =	stream.indirect_vreg.gather [hbm4b:s3+s2], $0x40, v0, vm0, $0xb8;
	[tilespmem:$0x17800] =	vst v63  }
0xc5: {  	v0 =	vld [tilespmem:s12+$0xF0];
	_ =	sdelay $0x6  }
0xc6: {  	s14 =	simm.s32 $0x10400  }
0xc7: {  	[tilespmem:s14], [sflag:$0x2] =	stream.indirect_vreg.gather [hbm4b:s3+s2], $0x40, v0, vm0, $0xb8;
	[tilespmem:$0x17800] =	vst v63  }
0xc8: {  	v0 =	vld [tilespmem:s12+$0x100];
	_ =	sdelay $0x6  }
0xc9: {  	s14 =	simm.s32 $0x10800  }
0xca: {  	[tilespmem:s14], [sflag:$0x2] =	stream.indirect_vreg.gather [hbm4b:s3+s2], $0x40, v0, vm0, $0xb8;
	[tilespmem:$0x17800] =	vst v63  }
0xcb: {  	v0 =	vld [tilespmem:s12+$0x110];
	_ =	sdelay $0x6  }
0xcc: {  	s14 =	simm.s32 $0x10C00  }
0xcd: {  	[tilespmem:s14], [sflag:$0x2] =	stream.indirect_vreg.gather [hbm4b:s3+s2], $0x40, v0, vm0, $0xb8;
	[tilespmem:$0x17800] =	vst v63  }
0xce: {  	v0 =	vld [tilespmem:s12+$0x120];
	_ =	sdelay $0x6  }
0xcf: {  	s14 =	simm.s32 $0x11000  }
0xd0: {  	[tilespmem:s14], [sflag:$0x2] =	stream.indirect_vreg.gather [hbm4b:s3+s2], $0x40, v0, vm0, $0xb8;
	[tilespmem:$0x17800] =	vst v63  }
0xd1: {  	v0 =	vld [tilespmem:s12+$0x130];
	_ =	sdelay $0x6  }
0xd2: {  	s14 =	simm.s32 $0x11400  }
0xd3: {  	[tilespmem:s14], [sflag:$0x2] =	stream.indirect_vreg.gather [hbm4b:s3+s2], $0x40, v0, vm0, $0xb8;
	[tilespmem:$0x17800] =	vst v63  }
0xd4: {  	v0 =	vld [tilespmem:s12+$0x140];
	_ =	sdelay $0x6  }
0xd5: {  	s14 =	simm.s32 $0x11800  }
0xd6: {  	[tilespmem:s14], [sflag:$0x2] =	stream.indirect_vreg.gather [hbm4b:s3+s2], $0x40, v0, vm0, $0xb8;
	[tilespmem:$0x17800] =	vst v63  }
0xd7: {  	v0 =	vld [tilespmem:s12+$0x150];
	_ =	sdelay $0x6  }
0xd8: {  	s14 =	simm.s32 $0x11C00  }
0xd9: {  	[tilespmem:s14], [sflag:$0x2] =	stream.indirect_vreg.gather [hbm4b:s3+s2], $0x40, v0, vm0, $0xb8;
	[tilespmem:$0x17800] =	vst v63  }
0xda: {  	v0 =	vld [tilespmem:s12+$0x160];
	_ =	sdelay $0x7  }
0xdb: {  	[tilespmem:s15], [sflag:$0x2] =	stream.indirect_vreg.gather [hbm4b:s3+s2], $0x40, v0, vm0, $0xb8;
	[tilespmem:$0x17800] =	vst v63  }
0xdc: {  	v0 =	vld [tilespmem:s12+$0x170];
	_ =	sdelay $0x7  }
0xdd: {  	[tilespmem:s16], [sflag:$0x2] =	stream.indirect_vreg.gather [hbm4b:s3+s2], $0x40, v0, vm0, $0xb8;
	[tilespmem:$0x17800] =	vst v63  }
0xde: {  	v0 =	vld [tilespmem:s12+$0x180];
	_ =	sdelay $0x7  }
0xdf: {  	[tilespmem:s17], [sflag:$0x2] =	stream.indirect_vreg.gather [hbm4b:s3+s2], $0x40, v0, vm0, $0xb8;
	[tilespmem:$0x17800] =	vst v63  }
0xe0: {  	v0 =	vld [tilespmem:s12+$0x190];
	_ =	sdelay $0x7  }
0xe1: {  	[tilespmem:s18], [sflag:$0x2] =	stream.indirect_vreg.gather [hbm4b:s3+s2], $0x40, v0, vm0, $0xb8;
	[tilespmem:$0x17800] =	vst v63  }
0xe2: {  	v0 =	vld [tilespmem:s12+$0x1A0];
	_ =	sdelay $0x7  }
0xe3: {  	[tilespmem:s19], [sflag:$0x2] =	stream.indirect_vreg.gather [hbm4b:s3+s2], $0x40, v0, vm0, $0xb8;
	[tilespmem:$0x17800] =	vst v63  }
0xe4: {  	v0 =	vld [tilespmem:s12+$0x1B0];
	_ =	sdelay $0x7  }
0xe5: {  	[tilespmem:s20], [sflag:$0x2] =	stream.indirect_vreg.gather [hbm4b:s3+s2], $0x40, v0, vm0, $0xb8;
	[tilespmem:$0x17800] =	vst v63  }
0xe6: {  	v0 =	vld [tilespmem:s12+$0x1C0];
	_ =	sdelay $0x7  }
0xe7: {  	[tilespmem:s21], [sflag:$0x2] =	stream.indirect_vreg.gather [hbm4b:s3+s2], $0x40, v0, vm0, $0xb8;
	[tilespmem:$0x17800] =	vst v63  }
0xe8: {  	v0 =	vld [tilespmem:s12+$0x1D0];
	_ =	sdelay $0x7  }
0xe9: {  	[tilespmem:s22], [sflag:$0x2] =	stream.indirect_vreg.gather [hbm4b:s3+s2], $0x40, v0, vm0, $0xb8;
	[tilespmem:$0x17800] =	vst v63  }
0xea: {  	v0 =	vld [tilespmem:s12+$0x1E0];
	_ =	sdelay $0x7  }
0xeb: {  	[tilespmem:s23], [sflag:$0x2] =	stream.indirect_vreg.gather [hbm4b:s3+s2], $0x40, v0, vm0, $0xb8;
	[tilespmem:$0x17800] =	vst v63  }
0xec: {  	v0 =	vld [tilespmem:s12+$0x1F0];
	_ =	sdelay $0x7  }
0xed: {  	[tilespmem:s24], [sflag:$0x2] =	stream.indirect_vreg.gather [hbm4b:s3+s2], $0x40, v0, vm0, $0xb8;
	[tilespmem:$0x17800] =	vst v63  }
0xee: {  	v0 =	vld [tilespmem:s12+$0x200];
	_ =	sdelay $0x7  }
0xef: {  	[tilespmem:s25], [sflag:$0x2] =	stream.indirect_vreg.gather [hbm4b:s3+s2], $0x40, v0, vm0, $0xb8;
	[tilespmem:$0x17800] =	vst v63  }
0xf0: {  	v0 =	vld [tilespmem:s12+$0x210];
	_ =	sdelay $0x7  }
0xf1: {  	[tilespmem:s26], [sflag:$0x2] =	stream.indirect_vreg.gather [hbm4b:s3+s2], $0x40, v0, vm0, $0xb8;
	[tilespmem:$0x17800] =	vst v63  }
0xf2: {  	v0 =	vld [tilespmem:s12+$0x220];
	_ =	sdelay $0x7  }
0xf3: {  	[tilespmem:s28], [sflag:$0x2] =	stream.indirect_vreg.gather [hbm4b:s3+s2], $0x40, v0, vm0, $0xb8;
	[tilespmem:$0x17800] =	vst v63  }
0xf4: {  	v0 =	vld [tilespmem:s12+$0x230];
	_ =	sdelay $0x7  }
0xf5: {  	[tilespmem:s29], [sflag:$0x2] =	stream.indirect_vreg.gather [hbm4b:s3+s2], $0x40, v0, vm0, $0xb8;
	[tilespmem:$0x17800] =	vst v63  }
0xf6: {  	v0 =	vld [tilespmem:s12+$0x240];
	_ =	sdelay $0x7  }
0xf7: {  	[tilespmem:s30], [sflag:$0x2] =	stream.indirect_vreg.gather [hbm4b:s3+s2], $0x40, v0, vm0, $0xb8;
	[tilespmem:$0x17800] =	vst v63  }
0xf8: {  	v0 =	vld [tilespmem:s12+$0x250];
	_ =	sdelay $0x7  }
0xf9: {  	[tilespmem:s31], [sflag:$0x2] =	stream.indirect_vreg.gather [hbm4b:s3+s2], $0x40, v0, vm0, $0xb8;
	[tilespmem:$0x17800] =	vst v63  }
0xfa: {  	v0 =	vld [tilespmem:s12+$0x260];
	_ =	sdelay $0x7  }
0xfb: {  	[tilespmem:s1], [sflag:$0x2] =	stream.indirect_vreg.gather [hbm4b:s3+s2], $0x40, v0, vm0, $0xb8;
	[tilespmem:$0x17800] =	vst v63  }
0xfc: {  	v0 =	vld [tilespmem:s12+$0x270];
	_ =	sdelay $0x7  }
0xfd: {  	[tilespmem:s0], [sflag:$0x2] =	stream.indirect_vreg.gather [hbm4b:s3+s2], $0x40, v0, vm0, $0xb8;
	[tilespmem:$0x17800] =	vst v63  }
0xfe: {  	_ =	swait.ge [sflag:s5], $0xA000  }
0xff: {  	p0 =	seq.s32 s10, $0x0;
	[sflag:s5] =	ssyncset.done $0x0  }
0x100: {  	s12 =	simm.s32 @!p0 $0x3;
	[sflag:s5] =	ssyncadd.s32 $0xFFFF6000  }
0x101: {  	_ =	swait.ge @!p0 [sflag:s12], $0x800  }
0x102: {  	[sflag:s12] =	ssyncset.done @!p0 $0x0  }
0x103: {  	[sflag:s12] =	ssyncadd.s32 @!p0 $0xFFFFF800;
	s12 =	simm.s32 $0x2A80  }
0x104: {  	v0 =	vld [tilespmem:s12+$0x1F0]  }
0x105: {  	v1 =	vld [tilespmem:s12+$0x1C0]  }
0x106: {  	v2 =	vld [tilespmem:s12+$0x1B0]  }
0x107: {  	v3 =	vld [tilespmem:s12+$0x180]  }
0x108: {  	v4 =	vld [tilespmem:s12+$0x170]  }
0x109: {  	v5 =	vld [tilespmem:s12+$0x140]  }
0x10a: {  	v6 =	vld [tilespmem:s12+$0x130]  }
0x10b: {  	v7 =	vld [tilespmem:s12+$0x100]  }
0x10c: {  	v8 =	vld [tilespmem:s12+$0xF0]  }
0x10d: {  	v9 =	vld [tilespmem:s12+$0xC0]  }
0x10e: {  	v10 =	vld [tilespmem:s12+$0x80]  }
0x10f: {  	v11 =	vld [tilespmem:s12+$0x70]  }
0x110: {  	v12 =	vld [tilespmem:s12+$0x40]  }
0x111: {  	v13 =	vld [tilespmem:s12+$0x30]  }
0x112: {  	v14 =	vld [tilespmem:s12+$0x0]  }
0x113: {  	v15 =	vld [tilespmem:s12+$0xFFFFFFF0]  }
0x114: {  	v16 =	vld [tilespmem:s12+$0xFFFFFFC0]  }
0x115: {  	v17 =	vld [tilespmem:s12+$0xFFFFFFB0]  }
0x116: {  	v18 =	vld [tilespmem:s12+$0xFFFFFF80]  }
0x117: {  	v19 =	vld [tilespmem:s12+$0xFFFFFF70]  }
0x118: {  	v20 =	vld [tilespmem:s12+$0xFFFFFF40]  }
0x119: {  	v21 =	vld [tilespmem:s12+$0xFFFFFF30]  }
0x11a: {  	v22 =	vld [tilespmem:s12+$0xFFFFFF00]  }
0x11b: {  	v23 =	vld [tilespmem:s12+$0xFFFFFEF0]  }
0x11c: {  	v24 =	vld [tilespmem:s12+$0xFFFFFEC0]  }
0x11d: {  	v25 =	vld [tilespmem:s12+$0xFFFFFEB0]  }
0x11e: {  	v26 =	vld [tilespmem:s12+$0xFFFFFE80]  }
0x11f: {  	v27 =	vld [tilespmem:s12+$0xFFFFFE70]  }
0x120: {  	v28 =	vld [tilespmem:s12+$0xFFFFFE40]  }
0x121: {  	v29 =	vld [tilespmem:s12+$0xFFFFFE00]  }
0x122: {  	v30 =	vld [tilespmem:s12+$0xFFFFFE30]  }
0x123: {  	v31 =	vld [tilespmem:s12+$0xFFFFFE60]  }
0x124: {  	v32 =	vld [tilespmem:s12+$0xFFFFFDC0]  }
0x125: {  	v33 =	vld [tilespmem:s12+$0xFFFFFDB0]  }
0x126: {  	v34 =	vld [tilespmem:s12+$0xFFFFFD80]  }
0x127: {  	v35 =	vld [tilespmem:s12+$0xFFFFFDF0]  }
0x128: {  	v36 =	vld [tilespmem:s12+$0x200]  }
0x129: {  	v37 =	vld [tilespmem:s12+$0x230]  }
0x12a: {  	v38 =	vld [tilespmem:s12+$0x240]  }
0x12b: {  	v40 =	vld [tilespmem:s12+$0xFFFFFDE0]  }
0x12c: {  	v41 =	vld [tilespmem:s12+$0xFFFFFDD0]  }
0x12d: {  	v42 =	vld [tilespmem:s12+$0xFFFFFDA0]  }
0x12e: {  	v43 =	vld [tilespmem:s12+$0xFFFFFD90]  }
0x12f: {  	v61 =	vld [tilespmem:s12+$0xFFFFFE20]  }
0x130: {  	v44 =	vld [tilespmem:s12+$0xFFFFFE10];
	v32 =	vadd.f32 v32, v34  }
0x131: {  	v62 =	vld [tilespmem:s12+$0xFFFFFE50]  }
0x132: {  	v45 =	vld [tilespmem:s12+$0xFFFFFE90];
	v33 =	vadd.f32 v35, v33;
	v29 =	vadd.f32 v29, v32  }
0x133: {  	v46 =	vld [tilespmem:s12+$0xFFFFFEE0];
	v63 =	vadd.f32 v40, v42;
	v43 =	vadd.f32 v41, v43  }
0x134: {  	v42 =	vld [tilespmem:s12+$0xFFFFFEA0];
	v30 =	vadd.f32 v30, v33;
	v28 =	vadd.f32 v28, v29  }
0x135: {  	v48 =	vld [tilespmem:s12+$0xFFFFFED0];
	v34 =	vadd.f32 v61, v63;
	v47 =	vadd.f32 v44, v43  }
0x136: {  	v49 =	vld [tilespmem:s12+$0xFFFFFF20];
	v27 =	vadd.f32 v27, v30;
	v26 =	vadd.f32 v26, v28  }
0x137: {  	v51 =	vld [tilespmem:s12+$0xFFFFFF10];
	v31 =	vadd.f32 v31, v34;
	v50 =	vadd.f32 v62, v47  }
0x138: {  	v52 =	vld [tilespmem:s12+$0xFFFFFF60];
	v25 =	vadd.f32 v25, v27;
	v24 =	vadd.f32 v24, v26  }
0x139: {  	v55 =	vld [tilespmem:s12+$0xFFFFFF50];
	v29 =	vadd.f32 v42, v31;
	v53 =	vadd.f32 v45, v50  }
0x13a: {  	v56 =	vld [tilespmem:s12+$0xFFFFFFA0];
	v23 =	vadd.f32 v23, v25;
	v22 =	vadd.f32 v22, v24  }
0x13b: {  	v59 =	vld [tilespmem:s12+$0xFFFFFF90];
	v54 =	vadd.f32 v46, v29;
	v57 =	vadd.f32 v48, v53  }
0x13c: {  	v60 =	vld [tilespmem:s12+$0xFFFFFFE0];
	v21 =	vadd.f32 v21, v23;
	v20 =	vadd.f32 v20, v22  }
0x13d: {  	v40 =	vld [tilespmem:s12+$0xB0];
	v58 =	vadd.f32 v49, v54;
	v61 =	vadd.f32 v51, v57  }
0x13e: {  	v63 =	vld [tilespmem:s12+$0xFFFFFFD0];
	v19 =	vadd.f32 v19, v21;
	v18 =	vadd.f32 v18, v20  }
0x13f: {  	v30 =	vld [tilespmem:s12+$0x10];
	v62 =	vadd.f32 v52, v58;
	v28 =	vadd.f32 v55, v61  }
0x140: {  	v27 =	vld [tilespmem:s12+$0x20];
	v17 =	vadd.f32 v17, v19;
	v16 =	vadd.f32 v16, v18  }
0x141: {  	v34 =	vld [tilespmem:s12+$0x50];
	v29 =	vadd.f32 v56, v62;
	v32 =	vadd.f32 v59, v28  }
0x142: {  	v31 =	vld [tilespmem:s12+$0x60];
	v15 =	vadd.f32 v15, v17;
	v14 =	vadd.f32 v14, v16  }
0x143: {  	v35 =	vld [tilespmem:s12+$0xA0];
	v33 =	vadd.f32 v60, v29;
	v41 =	vadd.f32 v63, v32  }
0x144: {  	v43 =	vld [tilespmem:s12+$0x90];
	v13 =	vadd.f32 v13, v15;
	v12 =	vadd.f32 v12, v14  }
0x145: {  	v44 =	vld [tilespmem:s12+$0xE0];
	v42 =	vadd.f32 v27, v33;
	v45 =	vadd.f32 v30, v41  }
0x146: {  	v47 =	vld [tilespmem:s12+$0xD0];
	v11 =	vadd.f32 v11, v13;
	v10 =	vadd.f32 v10, v12  }
0x147: {  	v48 =	vld [tilespmem:s12+$0x120];
	v46 =	vadd.f32 v31, v42;
	v13 =	vadd.f32 v34, v45  }
0x148: {  	v49 =	vld [tilespmem:s12+$0x110];
	v11 =	vadd.f32 v40, v11;
	v9 =	vadd.f32 v9, v10  }
0x149: {  	v50 =	vld [tilespmem:s12+$0x160];
	v14 =	vadd.f32 v35, v46;
	v51 =	vadd.f32 v43, v13  }
0x14a: {  	v52 =	vld [tilespmem:s12+$0x150];
	v8 =	vadd.f32 v8, v11;
	v7 =	vadd.f32 v7, v9  }
0x14b: {  	v39 =	vld [tilespmem:s12+$0x270];
	v12 =	vadd.f32 v44, v14;
	v54 =	vadd.f32 v47, v51  }
0x14c: {  	v53 =	vld [tilespmem:s12+$0x1A0];
	v6 =	vadd.f32 v6, v8;
	v5 =	vadd.f32 v5, v7  }
0x14d: {  	v55 =	vld [tilespmem:s12+$0x190];
	v10 =	vadd.f32 v48, v12;
	v57 =	vadd.f32 v49, v54  }
0x14e: {  	v56 =	vld [tilespmem:s12+$0x1E0];
	v4 =	vadd.f32 v4, v6;
	v3 =	vadd.f32 v3, v5  }
0x14f: {  	v59 =	vld [tilespmem:s12+$0x1D0];
	v58 =	vadd.f32 v50, v10;
	v60 =	vadd.f32 v52, v57  }
0x150: {  	v2 =	vadd.f32 v2, v4;
	v1 =	vadd.f32 v1, v3;
	v3 =	vld [tilespmem:s12+$0x220]  }
0x151: {  	v62 =	vld [tilespmem:s12+$0x210];
	v61 =	vadd.f32 v53, v58  }
0x152: {  	v4 =	vadd.f32 v55, v60;
	v0 =	vadd.f32 v0, v2;
	v2 =	vld [tilespmem:s12+$0x260]  }
0x153: {  	v5 =	vadd.f32 v56, v61;
	v1 =	vadd.f32 v36, v1  }
0x154: {  	v63 =	vld [tilespmem:s12+$0x250];
	v4 =	vadd.f32 v59, v4;
	v0 =	vadd.f32 v37, v0  }
0x155: {  	v1 =	vadd.f32 v38, v1;
	v3 =	vadd.f32 v3, v5  }
0x156: {  	v0 =	vadd.f32 v39, v0  }
0x157: {  	s14 =	simm.s32 $0x0;
	v4 =	vadd.f32 v62, v4;
	v1 =	vmul.f32 $5.000000070e-02, v1;
	v2 =	vadd.f32 v2, v3  }
0x158: {  	s14 =	sand.u32 $0x7C0, s14;
	v0 =	vmul.f32 $5.000000070e-02, v0  }
0x159: {  	[tilespmem:s14+$0x16800] =	vst v1;
	v1 =	vadd.f32 v63, v4;
	v2 =	vmul.f32 $5.000000070e-02, v2  }
0x15a: {  	[tilespmem:s14+$0x16830] =	vst v0  }
0x15b: {  	s13 =	simm.s32 $0x40;
	v0 =	vmul.f32 $5.000000070e-02, v1;
	[tilespmem:s14+$0x16820] =	vst v2  }
.LBB2_3:
0x15c: {  	p1 =	sne.s32 s13, $0x7C0  }
0x15d: {  	[tilespmem:s14+$0x16810] =	vst v0;
	s12 =	sadd.s32 $0x500, s12;
	s14 =	smov.u32 s13;
	s13 =	sadd.s32 $0x40, s13  }
0x15e: {  	v0 =	vld [tilespmem:s12+$0x1F0]  }
0x15f: {  	v1 =	vld [tilespmem:s12+$0x1C0]  }
0x160: {  	v2 =	vld [tilespmem:s12+$0x1B0]  }
0x161: {  	v3 =	vld [tilespmem:s12+$0x180]  }
0x162: {  	v4 =	vld [tilespmem:s12+$0x170]  }
0x163: {  	v5 =	vld [tilespmem:s12+$0x140]  }
0x164: {  	v6 =	vld [tilespmem:s12+$0x130]  }
0x165: {  	v7 =	vld [tilespmem:s12+$0x100]  }
0x166: {  	v8 =	vld [tilespmem:s12+$0xF0]  }
0x167: {  	v9 =	vld [tilespmem:s12+$0xC0]  }
0x168: {  	v11 =	vld [tilespmem:s12+$0x80]  }
0x169: {  	v15 =	vld [tilespmem:s12+$0x70]  }
0x16a: {  	v16 =	vld [tilespmem:s12+$0x40]  }
0x16b: {  	v17 =	vld [tilespmem:s12+$0x30]  }
0x16c: {  	v18 =	vld [tilespmem:s12+$0x0]  }
0x16d: {  	v19 =	vld [tilespmem:s12+$0xFFFFFFF0]  }
0x16e: {  	v20 =	vld [tilespmem:s12+$0xFFFFFFC0]  }
0x16f: {  	v21 =	vld [tilespmem:s12+$0xFFFFFFB0]  }
0x170: {  	v22 =	vld [tilespmem:s12+$0xFFFFFF80]  }
0x171: {  	v23 =	vld [tilespmem:s12+$0xFFFFFF70]  }
0x172: {  	v24 =	vld [tilespmem:s12+$0xFFFFFF40]  }
0x173: {  	v25 =	vld [tilespmem:s12+$0xFFFFFF30]  }
0x174: {  	v26 =	vld [tilespmem:s12+$0xFFFFFF00]  }
0x175: {  	v27 =	vld [tilespmem:s12+$0xFFFFFEF0]  }
0x176: {  	v28 =	vld [tilespmem:s12+$0xFFFFFEC0]  }
0x177: {  	v29 =	vld [tilespmem:s12+$0xFFFFFEB0]  }
0x178: {  	v30 =	vld [tilespmem:s12+$0xFFFFFE80]  }
0x179: {  	v31 =	vld [tilespmem:s12+$0xFFFFFE70]  }
0x17a: {  	v32 =	vld [tilespmem:s12+$0xFFFFFE40]  }
0x17b: {  	v33 =	vld [tilespmem:s12+$0xFFFFFE00]  }
0x17c: {  	v34 =	vld [tilespmem:s12+$0xFFFFFE30]  }
0x17d: {  	v35 =	vld [tilespmem:s12+$0xFFFFFE60]  }
0x17e: {  	v10 =	vld [tilespmem:s12+$0xFFFFFDC0]  }
0x17f: {  	v36 =	vld [tilespmem:s12+$0xFFFFFDB0]  }
0x180: {  	v37 =	vld [tilespmem:s12+$0xFFFFFD80]  }
0x181: {  	v38 =	vld [tilespmem:s12+$0xFFFFFDF0]  }
0x182: {  	v14 =	vld [tilespmem:s12+$0x200]  }
0x183: {  	v13 =	vld [tilespmem:s12+$0x230]  }
0x184: {  	v12 =	vld [tilespmem:s12+$0x240]  }
0x185: {  	v37 =	vadd.f32 v10, v37;
	v10 =	vld [tilespmem:s12+$0x270]  }
0x186: {  	v39 =	vld [tilespmem:s12+$0xFFFFFDE0];
	v36 =	vadd.f32 v38, v36  }
0x187: {  	v38 =	vld [tilespmem:s12+$0xFFFFFDD0];
	v33 =	vadd.f32 v33, v37  }
0x188: {  	v37 =	vld [tilespmem:s12+$0xFFFFFDA0];
	v34 =	vadd.f32 v34, v36  }
0x189: {  	v36 =	vld [tilespmem:s12+$0xFFFFFD90];
	v32 =	vadd.f32 v32, v33  }
0x18a: {  	v33 =	vld [tilespmem:s12+$0xFFFFFE20];
	v31 =	vadd.f32 v31, v34  }
0x18b: {  	v34 =	vld [tilespmem:s12+$0xFFFFFE10];
	v30 =	vadd.f32 v30, v32  }
0x18c: {  	v32 =	vld [tilespmem:s12+$0xFFFFFE50];
	v29 =	vadd.f32 v29, v31  }
0x18d: {  	v31 =	vadd.f32 v39, v37;
	v37 =	vld [tilespmem:s12+$0xB0]  }
0x18e: {  	v28 =	vadd.f32 v28, v30;
	v36 =	vadd.f32 v38, v36;
	v38 =	vld [tilespmem:s12+$0xFFFFFEA0]  }
0x18f: {  	v27 =	vadd.f32 v27, v29;
	v30 =	vadd.f32 v33, v31;
	v31 =	vld [tilespmem:s12+$0xFFFFFE90]  }
0x190: {  	v26 =	vadd.f32 v26, v28;
	v29 =	vadd.f32 v34, v36;
	v33 =	vld [tilespmem:s12+$0xFFFFFEE0]  }
0x191: {  	v25 =	vadd.f32 v25, v27;
	v28 =	vadd.f32 v35, v30;
	v30 =	vld [tilespmem:s12+$0xFFFFFED0]  }
0x192: {  	v24 =	vadd.f32 v24, v26;
	v27 =	vadd.f32 v32, v29;
	v29 =	vld [tilespmem:s12+$0xFFFFFF20]  }
0x193: {  	v23 =	vadd.f32 v23, v25;
	v26 =	vadd.f32 v38, v28;
	v28 =	vld [tilespmem:s12+$0xFFFFFF10]  }
0x194: {  	v22 =	vadd.f32 v22, v24;
	v25 =	vadd.f32 v31, v27;
	v27 =	vld [tilespmem:s12+$0xFFFFFF60]  }
0x195: {  	v21 =	vadd.f32 v21, v23;
	v24 =	vadd.f32 v33, v26;
	v26 =	vld [tilespmem:s12+$0xFFFFFF50]  }
0x196: {  	v20 =	vadd.f32 v20, v22;
	v23 =	vadd.f32 v30, v25;
	v25 =	vld [tilespmem:s12+$0xFFFFFFA0]  }
0x197: {  	v19 =	vadd.f32 v19, v21;
	v22 =	vadd.f32 v29, v24;
	v24 =	vld [tilespmem:s12+$0xFFFFFF90]  }
0x198: {  	v18 =	vadd.f32 v18, v20;
	v21 =	vadd.f32 v28, v23;
	v23 =	vld [tilespmem:s12+$0xFFFFFFE0]  }
0x199: {  	v17 =	vadd.f32 v17, v19;
	v20 =	vadd.f32 v27, v22;
	v22 =	vld [tilespmem:s12+$0xFFFFFFD0]  }
0x19a: {  	v16 =	vadd.f32 v16, v18;
	v19 =	vadd.f32 v26, v21;
	v21 =	vld [tilespmem:s12+$0x20]  }
0x19b: {  	v15 =	vadd.f32 v15, v17;
	v18 =	vadd.f32 v25, v20;
	v20 =	vld [tilespmem:s12+$0x10]  }
0x19c: {  	v11 =	vadd.f32 v11, v16;
	v17 =	vadd.f32 v24, v19;
	v19 =	vld [tilespmem:s12+$0x60]  }
0x19d: {  	v15 =	vadd.f32 v37, v15;
	v16 =	vadd.f32 v23, v18;
	v18 =	vld [tilespmem:s12+$0x50]  }
0x19e: {  	v9 =	vadd.f32 v9, v11;
	v17 =	vadd.f32 v22, v17;
	v22 =	vld [tilespmem:s12+$0xA0]  }
0x19f: {  	v8 =	vadd.f32 v8, v15;
	v11 =	vadd.f32 v21, v16;
	v16 =	vld [tilespmem:s12+$0x90]  }
0x1a0: {  	v7 =	vadd.f32 v7, v9;
	v15 =	vadd.f32 v20, v17;
	v17 =	vld [tilespmem:s12+$0xE0]  }
0x1a1: {  	v6 =	vadd.f32 v6, v8;
	v9 =	vadd.f32 v19, v11;
	v11 =	vld [tilespmem:s12+$0xD0]  }
0x1a2: {  	v5 =	vadd.f32 v5, v7;
	v8 =	vadd.f32 v18, v15;
	v15 =	vld [tilespmem:s12+$0x120]  }
0x1a3: {  	v4 =	vadd.f32 v4, v6;
	v7 =	vadd.f32 v22, v9;
	v9 =	vld [tilespmem:s12+$0x110]  }
0x1a4: {  	v3 =	vadd.f32 v3, v5;
	v6 =	vadd.f32 v16, v8;
	v8 =	vld [tilespmem:s12+$0x160]  }
0x1a5: {  	v2 =	vadd.f32 v2, v4;
	v5 =	vadd.f32 v17, v7;
	v7 =	vld [tilespmem:s12+$0x150]  }
0x1a6: {  	v1 =	vadd.f32 v1, v3;
	v4 =	vadd.f32 v11, v6;
	v6 =	vld [tilespmem:s12+$0x1A0]  }
0x1a7: {  	v0 =	vadd.f32 v0, v2;
	v3 =	vadd.f32 v15, v5;
	v5 =	vld [tilespmem:s12+$0x190]  }
0x1a8: {  	v1 =	vadd.f32 v14, v1;
	v2 =	vadd.f32 v9, v4;
	v4 =	vld [tilespmem:s12+$0x1E0]  }
0x1a9: {  	v0 =	vadd.f32 v13, v0;
	v3 =	vadd.f32 v8, v3;
	v8 =	vld [tilespmem:s12+$0x1D0]  }
0x1aa: {  	v1 =	vadd.f32 v12, v1;
	v2 =	vadd.f32 v7, v2;
	v7 =	vld [tilespmem:s12+$0x220]  }
0x1ab: {  	v0 =	vadd.f32 v10, v0;
	v3 =	vadd.f32 v6, v3;
	v6 =	vld [tilespmem:s12+$0x210]  }
0x1ac: {  	v1 =	vmul.f32 $5.000000070e-02, v1;
	v2 =	vadd.f32 v5, v2;
	v5 =	vld [tilespmem:s12+$0x260]  }
0x1ad: {  	s14 =	sand.u32 $0x7C0, s14;
	v0 =	vmul.f32 $5.000000070e-02, v0;
	v3 =	vadd.f32 v4, v3;
	v4 =	vld [tilespmem:s12+$0x250]  }
0x1ae: {  	v2 =	vadd.f32 v8, v2;
	[tilespmem:s14+$0x16800] =	vst v1  }
0x1af: {  	v1 =	vadd.f32 v7, v3;
	[tilespmem:s14+$0x16830] =	vst v0  }
0x1b0: {  	v0 =	vadd.f32 v6, v2  }
.Ltmp0:
0x1b1: {  	v1 =	vadd.f32 v5, v1;
	(pc) =	sbr.rel @p1 .LBB2_3-.Ltmp0, $4  }
0x1b2: {  	v0 =	vadd.f32 v4, v0  }
0x1b3: {  	v1 =	vmul.f32 $5.000000070e-02, v1  }
0x1b4: {  	v0 =	vmul.f32 $5.000000070e-02, v0  }
0x1b5: {  	[tilespmem:s14+$0x16820] =	vst v1  }
0x1b6: {  	p1 =	sne.s32 s10, $0x7  }
.Ltmp1:
0x1b7: {  	_ = 	snop;
	(pc) =	sbr.rel @p1 .LBB2_6-.Ltmp1, $4  }
0x1b8: {  	_ = 	snop  }
0x1b9: {  	s12 =	sshll.u32 s10, $0x9  }
0x1ba: {  	[tilespmem:s14+$0x16810] =	vst v0;
	s12 =	sadd.s32 s12, s6  }
0x1bb: {  	[hbm4b:s12+s2] =	stream.linear.scatter [tilespmem:s7], [sflag:$0x3], $0x800, $0x38;
	[tilespmem:$0x17800] =	vst v63  }
.Ltmp2:
0x1bc: {  	(pc) =	sbr.rel .LBB2_7-.Ltmp2, $4  }
0x1bd: {  	_ = 	snop  }
0x1be: {  	_ =	swait.ge [sflag:s4], $0xA000  }
0x1bf: {  	[sflag:s4] =	ssyncset.done $0x0  }
0x1c0: {  	[sflag:s4] =	ssyncadd.s32 $0xFFFF6000  }
.LBB2_6:
0x1c1: {  	s12 =	smul.u32 $0x1400, s10;
	_ =	sdelay $0x1  }
0x1c2: {  	s12 =	sshra.s32 s12, $0x2  }
0x1c3: {  	v0 =	vld [tilespmem:s12+$0x500];
	_ =	sdelay $0x6  }
0x1c4: {  	s13 =	simm.s32 $0x2800  }
0x1c5: {  	[tilespmem:s13], [sflag:$0x1] =	stream.indirect_vreg.gather [hbm4b:s3+s2], $0x40, v0, vm0, $0xb8;
	[tilespmem:$0x17800] =	vst v63  }
0x1c6: {  	v0 =	vld [tilespmem:s12+$0x510];
	_ =	sdelay $0x6  }
0x1c7: {  	s14 =	simm.s32 $0x2C00  }
0x1c8: {  	[tilespmem:s14], [sflag:$0x1] =	stream.indirect_vreg.gather [hbm4b:s3+s2], $0x40, v0, vm0, $0xb8;
	[tilespmem:$0x17800] =	vst v63  }
0x1c9: {  	v0 =	vld [tilespmem:s12+$0x520];
	_ =	sdelay $0x6  }
0x1ca: {  	s14 =	simm.s32 $0x3000  }
0x1cb: {  	[tilespmem:s14], [sflag:$0x1] =	stream.indirect_vreg.gather [hbm4b:s3+s2], $0x40, v0, vm0, $0xb8;
	[tilespmem:$0x17800] =	vst v63  }
0x1cc: {  	v0 =	vld [tilespmem:s12+$0x530];
	_ =	sdelay $0x6  }
0x1cd: {  	s14 =	simm.s32 $0x3400  }
0x1ce: {  	[tilespmem:s14], [sflag:$0x1] =	stream.indirect_vreg.gather [hbm4b:s3+s2], $0x40, v0, vm0, $0xb8;
	[tilespmem:$0x17800] =	vst v63  }
0x1cf: {  	v0 =	vld [tilespmem:s12+$0x540];
	_ =	sdelay $0x6  }
0x1d0: {  	s14 =	simm.s32 $0x3800  }
0x1d1: {  	[tilespmem:s14], [sflag:$0x1] =	stream.indirect_vreg.gather [hbm4b:s3+s2], $0x40, v0, vm0, $0xb8;
	[tilespmem:$0x17800] =	vst v63  }
0x1d2: {  	v0 =	vld [tilespmem:s12+$0x550];
	_ =	sdelay $0x6  }
0x1d3: {  	s14 =	simm.s32 $0x3C00  }
0x1d4: {  	[tilespmem:s14], [sflag:$0x1] =	stream.indirect_vreg.gather [hbm4b:s3+s2], $0x40, v0, vm0, $0xb8;
	[tilespmem:$0x17800] =	vst v63  }
0x1d5: {  	v0 =	vld [tilespmem:s12+$0x560];
	_ =	sdelay $0x6  }
0x1d6: {  	s14 =	simm.s32 $0x4000  }
0x1d7: {  	[tilespmem:s14], [sflag:$0x1] =	stream.indirect_vreg.gather [hbm4b:s3+s2], $0x40, v0, vm0, $0xb8;
	[tilespmem:$0x17800] =	vst v63  }
0x1d8: {  	v0 =	vld [tilespmem:s12+$0x570];
	_ =	sdelay $0x6  }
0x1d9: {  	s14 =	simm.s32 $0x4400  }
0x1da: {  	[tilespmem:s14], [sflag:$0x1] =	stream.indirect_vreg.gather [hbm4b:s3+s2], $0x40, v0, vm0, $0xb8;
	[tilespmem:$0x17800] =	vst v63  }
0x1db: {  	v0 =	vld [tilespmem:s12+$0x580];
	_ =	sdelay $0x6  }
0x1dc: {  	s14 =	simm.s32 $0x4800  }
0x1dd: {  	[tilespmem:s14], [sflag:$0x1] =	stream.indirect_vreg.gather [hbm4b:s3+s2], $0x40, v0, vm0, $0xb8;
	[tilespmem:$0x17800] =	vst v63  }
0x1de: {  	v0 =	vld [tilespmem:s12+$0x590];
	_ =	sdelay $0x6  }
0x1df: {  	s14 =	simm.s32 $0x4C00  }
0x1e0: {  	[tilespmem:s14], [sflag:$0x1] =	stream.indirect_vreg.gather [hbm4b:s3+s2], $0x40, v0, vm0, $0xb8;
	[tilespmem:$0x17800] =	vst v63  }
0x1e1: {  	v0 =	vld [tilespmem:s12+$0x5A0];
	_ =	sdelay $0x6  }
0x1e2: {  	s14 =	simm.s32 $0x5000  }
0x1e3: {  	[tilespmem:s14], [sflag:$0x1] =	stream.indirect_vreg.gather [hbm4b:s3+s2], $0x40, v0, vm0, $0xb8;
	[tilespmem:$0x17800] =	vst v63  }
0x1e4: {  	v0 =	vld [tilespmem:s12+$0x5B0];
	_ =	sdelay $0x6  }
0x1e5: {  	s14 =	simm.s32 $0x5400  }
0x1e6: {  	[tilespmem:s14], [sflag:$0x1] =	stream.indirect_vreg.gather [hbm4b:s3+s2], $0x40, v0, vm0, $0xb8;
	[tilespmem:$0x17800] =	vst v63  }
0x1e7: {  	v0 =	vld [tilespmem:s12+$0x5C0];
	_ =	sdelay $0x6  }
0x1e8: {  	s14 =	simm.s32 $0x5800  }
0x1e9: {  	[tilespmem:s14], [sflag:$0x1] =	stream.indirect_vreg.gather [hbm4b:s3+s2], $0x40, v0, vm0, $0xb8;
	[tilespmem:$0x17800] =	vst v63  }
0x1ea: {  	v0 =	vld [tilespmem:s12+$0x5D0];
	_ =	sdelay $0x6  }
0x1eb: {  	s14 =	simm.s32 $0x5C00  }
0x1ec: {  	[tilespmem:s14], [sflag:$0x1] =	stream.indirect_vreg.gather [hbm4b:s3+s2], $0x40, v0, vm0, $0xb8;
	[tilespmem:$0x17800] =	vst v63  }
0x1ed: {  	v0 =	vld [tilespmem:s12+$0x5E0];
	_ =	sdelay $0x6  }
0x1ee: {  	s14 =	simm.s32 $0x6000  }
0x1ef: {  	[tilespmem:s14], [sflag:$0x1] =	stream.indirect_vreg.gather [hbm4b:s3+s2], $0x40, v0, vm0, $0xb8;
	[tilespmem:$0x17800] =	vst v63  }
0x1f0: {  	v0 =	vld [tilespmem:s12+$0x5F0];
	_ =	sdelay $0x6  }
0x1f1: {  	s14 =	simm.s32 $0x6400  }
0x1f2: {  	[tilespmem:s14], [sflag:$0x1] =	stream.indirect_vreg.gather [hbm4b:s3+s2], $0x40, v0, vm0, $0xb8;
	[tilespmem:$0x17800] =	vst v63  }
0x1f3: {  	v0 =	vld [tilespmem:s12+$0x600];
	_ =	sdelay $0x6  }
0x1f4: {  	s14 =	simm.s32 $0x6800  }
0x1f5: {  	[tilespmem:s14], [sflag:$0x1] =	stream.indirect_vreg.gather [hbm4b:s3+s2], $0x40, v0, vm0, $0xb8;
	[tilespmem:$0x17800] =	vst v63  }
0x1f6: {  	v0 =	vld [tilespmem:s12+$0x610];
	_ =	sdelay $0x6  }
0x1f7: {  	s14 =	simm.s32 $0x6C00  }
0x1f8: {  	[tilespmem:s14], [sflag:$0x1] =	stream.indirect_vreg.gather [hbm4b:s3+s2], $0x40, v0, vm0, $0xb8;
	[tilespmem:$0x17800] =	vst v63  }
0x1f9: {  	v0 =	vld [tilespmem:s12+$0x620];
	_ =	sdelay $0x6  }
0x1fa: {  	s14 =	simm.s32 $0x7000  }
0x1fb: {  	[tilespmem:s14], [sflag:$0x1] =	stream.indirect_vreg.gather [hbm4b:s3+s2], $0x40, v0, vm0, $0xb8;
	[tilespmem:$0x17800] =	vst v63  }
0x1fc: {  	v0 =	vld [tilespmem:s12+$0x630];
	_ =	sdelay $0x6  }
0x1fd: {  	s14 =	simm.s32 $0x7400  }
0x1fe: {  	[tilespmem:s14], [sflag:$0x1] =	stream.indirect_vreg.gather [hbm4b:s3+s2], $0x40, v0, vm0, $0xb8;
	[tilespmem:$0x17800] =	vst v63  }
0x1ff: {  	v0 =	vld [tilespmem:s12+$0x640];
	_ =	sdelay $0x6  }
0x200: {  	s14 =	simm.s32 $0x7800  }
0x201: {  	[tilespmem:s14], [sflag:$0x1] =	stream.indirect_vreg.gather [hbm4b:s3+s2], $0x40, v0, vm0, $0xb8;
	[tilespmem:$0x17800] =	vst v63  }
0x202: {  	v0 =	vld [tilespmem:s12+$0x650];
	_ =	sdelay $0x6  }
0x203: {  	s14 =	simm.s32 $0x7C00  }
0x204: {  	[tilespmem:s14], [sflag:$0x1] =	stream.indirect_vreg.gather [hbm4b:s3+s2], $0x40, v0, vm0, $0xb8;
	[tilespmem:$0x17800] =	vst v63  }
0x205: {  	v0 =	vld [tilespmem:s12+$0x660];
	_ =	sdelay $0x6  }
0x206: {  	s14 =	simm.s32 $0x8000  }
0x207: {  	[tilespmem:s14], [sflag:$0x1] =	stream.indirect_vreg.gather [hbm4b:s3+s2], $0x40, v0, vm0, $0xb8;
	[tilespmem:$0x17800] =	vst v63  }
0x208: {  	v0 =	vld [tilespmem:s12+$0x670];
	_ =	sdelay $0x6  }
0x209: {  	s14 =	simm.s32 $0x8400  }
0x20a: {  	[tilespmem:s14], [sflag:$0x1] =	stream.indirect_vreg.gather [hbm4b:s3+s2], $0x40, v0, vm0, $0xb8;
	[tilespmem:$0x17800] =	vst v63  }
0x20b: {  	v0 =	vld [tilespmem:s12+$0x680];
	_ =	sdelay $0x6  }
0x20c: {  	s14 =	simm.s32 $0x8800  }
0x20d: {  	[tilespmem:s14], [sflag:$0x1] =	stream.indirect_vreg.gather [hbm4b:s3+s2], $0x40, v0, vm0, $0xb8;
	[tilespmem:$0x17800] =	vst v63  }
0x20e: {  	v0 =	vld [tilespmem:s12+$0x690];
	_ =	sdelay $0x6  }
0x20f: {  	s14 =	simm.s32 $0x8C00  }
0x210: {  	[tilespmem:s14], [sflag:$0x1] =	stream.indirect_vreg.gather [hbm4b:s3+s2], $0x40, v0, vm0, $0xb8;
	[tilespmem:$0x17800] =	vst v63  }
0x211: {  	v0 =	vld [tilespmem:s12+$0x6A0];
	_ =	sdelay $0x6  }
0x212: {  	s14 =	simm.s32 $0x9000  }
0x213: {  	[tilespmem:s14], [sflag:$0x1] =	stream.indirect_vreg.gather [hbm4b:s3+s2], $0x40, v0, vm0, $0xb8;
	[tilespmem:$0x17800] =	vst v63  }
0x214: {  	v0 =	vld [tilespmem:s12+$0x6B0];
	_ =	sdelay $0x6  }
0x215: {  	s14 =	simm.s32 $0x9400  }
0x216: {  	[tilespmem:s14], [sflag:$0x1] =	stream.indirect_vreg.gather [hbm4b:s3+s2], $0x40, v0, vm0, $0xb8;
	[tilespmem:$0x17800] =	vst v63  }
0x217: {  	v0 =	vld [tilespmem:s12+$0x6C0];
	_ =	sdelay $0x6  }
0x218: {  	s14 =	simm.s32 $0x9800  }
0x219: {  	[tilespmem:s14], [sflag:$0x1] =	stream.indirect_vreg.gather [hbm4b:s3+s2], $0x40, v0, vm0, $0xb8;
	[tilespmem:$0x17800] =	vst v63  }
0x21a: {  	v0 =	vld [tilespmem:s12+$0x6D0];
	_ =	sdelay $0x6  }
0x21b: {  	s14 =	simm.s32 $0x9C00  }
0x21c: {  	[tilespmem:s14], [sflag:$0x1] =	stream.indirect_vreg.gather [hbm4b:s3+s2], $0x40, v0, vm0, $0xb8;
	[tilespmem:$0x17800] =	vst v63  }
0x21d: {  	v0 =	vld [tilespmem:s12+$0x6E0];
	_ =	sdelay $0x6  }
0x21e: {  	s14 =	simm.s32 $0xA000  }
0x21f: {  	[tilespmem:s14], [sflag:$0x1] =	stream.indirect_vreg.gather [hbm4b:s3+s2], $0x40, v0, vm0, $0xb8;
	[tilespmem:$0x17800] =	vst v63  }
0x220: {  	v0 =	vld [tilespmem:s12+$0x6F0];
	_ =	sdelay $0x6  }
0x221: {  	s14 =	simm.s32 $0xA400  }
0x222: {  	[tilespmem:s14], [sflag:$0x1] =	stream.indirect_vreg.gather [hbm4b:s3+s2], $0x40, v0, vm0, $0xb8;
	[tilespmem:$0x17800] =	vst v63  }
0x223: {  	v0 =	vld [tilespmem:s12+$0x700];
	_ =	sdelay $0x6  }
0x224: {  	s14 =	simm.s32 $0xA800  }
0x225: {  	[tilespmem:s14], [sflag:$0x1] =	stream.indirect_vreg.gather [hbm4b:s3+s2], $0x40, v0, vm0, $0xb8;
	[tilespmem:$0x17800] =	vst v63  }
0x226: {  	v0 =	vld [tilespmem:s12+$0x710];
	_ =	sdelay $0x6  }
0x227: {  	s14 =	simm.s32 $0xAC00  }
0x228: {  	[tilespmem:s14], [sflag:$0x1] =	stream.indirect_vreg.gather [hbm4b:s3+s2], $0x40, v0, vm0, $0xb8;
	[tilespmem:$0x17800] =	vst v63  }
0x229: {  	v0 =	vld [tilespmem:s12+$0x720];
	_ =	sdelay $0x6  }
0x22a: {  	s14 =	simm.s32 $0xB000  }
0x22b: {  	[tilespmem:s14], [sflag:$0x1] =	stream.indirect_vreg.gather [hbm4b:s3+s2], $0x40, v0, vm0, $0xb8;
	[tilespmem:$0x17800] =	vst v63  }
0x22c: {  	v0 =	vld [tilespmem:s12+$0x730];
	_ =	sdelay $0x6  }
0x22d: {  	s14 =	simm.s32 $0xB400  }
0x22e: {  	[tilespmem:s14], [sflag:$0x1] =	stream.indirect_vreg.gather [hbm4b:s3+s2], $0x40, v0, vm0, $0xb8;
	[tilespmem:$0x17800] =	vst v63  }
0x22f: {  	v0 =	vld [tilespmem:s12+$0x740];
	_ =	sdelay $0x6  }
0x230: {  	s14 =	simm.s32 $0xB800  }
0x231: {  	[tilespmem:s14], [sflag:$0x1] =	stream.indirect_vreg.gather [hbm4b:s3+s2], $0x40, v0, vm0, $0xb8;
	[tilespmem:$0x17800] =	vst v63  }
0x232: {  	v0 =	vld [tilespmem:s12+$0x750];
	_ =	sdelay $0x6  }
0x233: {  	s14 =	simm.s32 $0xBC00  }
0x234: {  	[tilespmem:s14], [sflag:$0x1] =	stream.indirect_vreg.gather [hbm4b:s3+s2], $0x40, v0, vm0, $0xb8;
	[tilespmem:$0x17800] =	vst v63  }
0x235: {  	v0 =	vld [tilespmem:s12+$0x760];
	_ =	sdelay $0x6  }
0x236: {  	s14 =	simm.s32 $0xC000  }
0x237: {  	[tilespmem:s14], [sflag:$0x1] =	stream.indirect_vreg.gather [hbm4b:s3+s2], $0x40, v0, vm0, $0xb8;
	[tilespmem:$0x17800] =	vst v63  }
0x238: {  	v0 =	vld [tilespmem:s12+$0x770];
	_ =	sdelay $0x6  }
.Ltmp3:
0x239: {  	s14 =	simm.s32 $0xC400;
	(pc) =	sbr.rel @p0 .LBB2_8-.Ltmp3, $4  }
0x23a: {  	[tilespmem:s14], [sflag:$0x1] =	stream.indirect_vreg.gather [hbm4b:s3+s2], $0x40, v0, vm0, $0xb8;
	[tilespmem:$0x17800] =	vst v63  }
0x23b: {  	_ =	swait.ge [sflag:s4], $0xA000  }
0x23c: {  	[sflag:s4] =	ssyncset.done $0x0  }
0x23d: {  	[sflag:s4] =	ssyncadd.s32 $0xFFFF6000  }
.LBB2_7:
0x23e: {  	_ =	swait.ge [sflag:s8], $0x800  }
0x23f: {  	[sflag:s8] =	ssyncset.done $0x0  }
0x240: {  	[sflag:s8] =	ssyncadd.s32 $0xFFFFF800  }
.LBB2_8:
0x241: {  	s12 =	simm.s32 $0x0;
	s13 =	simm.s32 $0x0  }
.LBB2_9:
0x242: {  	s14 =	sshra.s32 s13, $0x2  }
0x243: {  	v0 =	vld [tilespmem:s14+$0xC800]  }
0x244: {  	v1 =	vld [tilespmem:s14+$0xC810]  }
0x245: {  	v2 =	vld [tilespmem:s14+$0xC820]  }
0x246: {  	v3 =	vld [tilespmem:s14+$0xC830]  }
0x247: {  	v4 =	vld [tilespmem:s14+$0xC840]  }
0x248: {  	v5 =	vld [tilespmem:s14+$0xC850]  }
0x249: {  	v6 =	vld [tilespmem:s14+$0xC860]  }
0x24a: {  	v7 =	vld [tilespmem:s14+$0xC870]  }
0x24b: {  	v8 =	vld [tilespmem:s14+$0xC880]  }
0x24c: {  	v9 =	vld [tilespmem:s14+$0xC890]  }
0x24d: {  	v10 =	vld [tilespmem:s14+$0xC8A0]  }
0x24e: {  	v11 =	vld [tilespmem:s14+$0xC8B0]  }
0x24f: {  	v12 =	vld [tilespmem:s14+$0xC8C0]  }
0x250: {  	v13 =	vld [tilespmem:s14+$0xC8D0]  }
0x251: {  	v14 =	vld [tilespmem:s14+$0xC8E0]  }
0x252: {  	v15 =	vld [tilespmem:s14+$0xC8F0]  }
0x253: {  	v16 =	vld [tilespmem:s14+$0xC900]  }
0x254: {  	v17 =	vld [tilespmem:s14+$0xC910]  }
0x255: {  	v18 =	vld [tilespmem:s14+$0xC920]  }
0x256: {  	v19 =	vld [tilespmem:s14+$0xC930]  }
0x257: {  	v20 =	vld [tilespmem:s14+$0xC940]  }
0x258: {  	v21 =	vld [tilespmem:s14+$0xC950]  }
0x259: {  	v22 =	vld [tilespmem:s14+$0xC960]  }
0x25a: {  	v23 =	vld [tilespmem:s14+$0xC970]  }
0x25b: {  	v24 =	vld [tilespmem:s14+$0xC980]  }
0x25c: {  	v25 =	vld [tilespmem:s14+$0xC990]  }
0x25d: {  	v26 =	vld [tilespmem:s14+$0xC9A0]  }
0x25e: {  	v27 =	vld [tilespmem:s14+$0xC9B0]  }
0x25f: {  	v28 =	vld [tilespmem:s14+$0xC9C0]  }
0x260: {  	v29 =	vld [tilespmem:s14+$0xC9D0]  }
0x261: {  	v30 =	vld [tilespmem:s14+$0xC9E0]  }
0x262: {  	v31 =	vld [tilespmem:s14+$0xC9F0]  }
0x263: {  	v32 =	vld [tilespmem:s14+$0xCA00]  }
0x264: {  	v33 =	vld [tilespmem:s14+$0xCA10]  }
0x265: {  	v34 =	vld [tilespmem:s14+$0xCA20]  }
0x266: {  	v35 =	vld [tilespmem:s14+$0xCA30]  }
0x267: {  	v36 =	vld [tilespmem:s14+$0xCA40]  }
0x268: {  	v37 =	vld [tilespmem:s14+$0xCA50]  }
0x269: {  	v38 =	vld [tilespmem:s14+$0xCA60]  }
0x26a: {  	v39 =	vld [tilespmem:s14+$0xCA70]  }
0x26b: {  	v40 =	vld [tilespmem:s14+$0xCA80]  }
0x26c: {  	v41 =	vld [tilespmem:s14+$0xCA90]  }
0x26d: {  	v42 =	vld [tilespmem:s14+$0xCAA0]  }
0x26e: {  	v43 =	vld [tilespmem:s14+$0xCAB0]  }
0x26f: {  	v44 =	vld [tilespmem:s14+$0xCAC0]  }
0x270: {  	v52 =	vld [tilespmem:s14+$0xCAD0];
	v0 =	vadd.f32 v4, v0  }
0x271: {  	v53 =	vld [tilespmem:s14+$0xCAE0];
	v1 =	vadd.f32 v5, v1  }
0x272: {  	v54 =	vld [tilespmem:s14+$0xCAF0];
	v2 =	vadd.f32 v6, v2;
	v0 =	vadd.f32 v8, v0  }
0x273: {  	v55 =	vld [tilespmem:s14+$0xCB00];
	v3 =	vadd.f32 v7, v3;
	v1 =	vadd.f32 v9, v1  }
0x274: {  	v56 =	vld [tilespmem:s14+$0xCB10];
	v2 =	vadd.f32 v10, v2;
	v0 =	vadd.f32 v12, v0  }
0x275: {  	v57 =	vld [tilespmem:s14+$0xCB20];
	v3 =	vadd.f32 v11, v3;
	v1 =	vadd.f32 v13, v1  }
0x276: {  	v58 =	vld [tilespmem:s14+$0xCB30];
	v2 =	vadd.f32 v14, v2;
	v0 =	vadd.f32 v16, v0  }
0x277: {  	v59 =	vld [tilespmem:s14+$0xCB40];
	v3 =	vadd.f32 v15, v3;
	v1 =	vadd.f32 v17, v1  }
0x278: {  	v60 =	vld [tilespmem:s14+$0xCB50];
	v2 =	vadd.f32 v18, v2;
	v0 =	vadd.f32 v20, v0  }
0x279: {  	v61 =	vld [tilespmem:s14+$0xCB60];
	v3 =	vadd.f32 v19, v3;
	v1 =	vadd.f32 v21, v1  }
0x27a: {  	v62 =	vld [tilespmem:s14+$0xCB70];
	v2 =	vadd.f32 v22, v2;
	v0 =	vadd.f32 v24, v0  }
0x27b: {  	v63 =	vld [tilespmem:s14+$0xCB80];
	v3 =	vadd.f32 v23, v3;
	v1 =	vadd.f32 v25, v1  }
0x27c: {  	v45 =	vld [tilespmem:s14+$0xCBF0];
	v2 =	vadd.f32 v26, v2;
	v0 =	vadd.f32 v28, v0  }
0x27d: {  	v46 =	vld [tilespmem:s14+$0xCC00];
	v3 =	vadd.f32 v27, v3;
	v1 =	vadd.f32 v29, v1  }
0x27e: {  	v47 =	vld [tilespmem:s14+$0xCC10];
	v2 =	vadd.f32 v30, v2;
	v0 =	vadd.f32 v32, v0  }
0x27f: {  	v48 =	vld [tilespmem:s14+$0xCC20];
	v3 =	vadd.f32 v31, v3;
	v1 =	vadd.f32 v33, v1  }
0x280: {  	v49 =	vld [tilespmem:s14+$0xCC30];
	v2 =	vadd.f32 v34, v2;
	v0 =	vadd.f32 v36, v0  }
0x281: {  	v50 =	vld [tilespmem:s14+$0xCC40];
	v3 =	vadd.f32 v35, v3;
	v1 =	vadd.f32 v37, v1  }
0x282: {  	v51 =	vld [tilespmem:s14+$0xCC50];
	v2 =	vadd.f32 v38, v2;
	v0 =	vadd.f32 v40, v0  }
0x283: {  	v28 =	vld [tilespmem:s14+$0xCB90];
	v3 =	vadd.f32 v39, v3;
	v1 =	vadd.f32 v41, v1  }
0x284: {  	v29 =	vld [tilespmem:s14+$0xCBA0];
	v2 =	vadd.f32 v42, v2;
	v0 =	vadd.f32 v44, v0  }
0x285: {  	v32 =	vld [tilespmem:s14+$0xCBB0];
	v3 =	vadd.f32 v43, v3;
	v1 =	vadd.f32 v52, v1  }
0x286: {  	v33 =	vld [tilespmem:s14+$0xCBC0];
	v2 =	vadd.f32 v53, v2;
	v0 =	vadd.f32 v55, v0  }
0x287: {  	v36 =	vld [tilespmem:s14+$0xCBD0];
	v3 =	vadd.f32 v54, v3;
	v1 =	vadd.f32 v56, v1  }
0x288: {  	v37 =	vld [tilespmem:s14+$0xCBE0];
	v2 =	vadd.f32 v57, v2;
	v0 =	vadd.f32 v59, v0  }
0x289: {  	v52 =	vld [tilespmem:s14+$0xCC60];
	v3 =	vadd.f32 v58, v3;
	v1 =	vadd.f32 v60, v1  }
0x28a: {  	v53 =	vld [tilespmem:s14+$0xCC70];
	v2 =	vadd.f32 v61, v2;
	v0 =	vadd.f32 v63, v0  }
0x28b: {  	v54 =	vld [tilespmem:s14+$0xCC80];
	v3 =	vadd.f32 v62, v3;
	v1 =	vadd.f32 v28, v1  }
0x28c: {  	v55 =	vld [tilespmem:s14+$0xCC90];
	v2 =	vadd.f32 v29, v2;
	v0 =	vadd.f32 v33, v0  }
0x28d: {  	v56 =	vld [tilespmem:s14+$0xCCA0];
	v3 =	vadd.f32 v32, v3;
	v1 =	vadd.f32 v36, v1  }
0x28e: {  	v57 =	vld [tilespmem:s14+$0xCCB0];
	v2 =	vadd.f32 v37, v2;
	v0 =	vadd.f32 v46, v0  }
0x28f: {  	v58 =	vld [tilespmem:s14+$0xCCC0];
	v3 =	vadd.f32 v45, v3;
	v1 =	vadd.f32 v47, v1  }
0x290: {  	v59 =	vld [tilespmem:s14+$0xCCD0];
	v2 =	vadd.f32 v48, v2;
	v0 =	vadd.f32 v50, v0  }
0x291: {  	v60 =	vld [tilespmem:s14+$0xCCE0];
	v3 =	vadd.f32 v49, v3;
	v1 =	vadd.f32 v51, v1  }
0x292: {  	v61 =	vld [tilespmem:s14+$0xCCF0];
	v2 =	vadd.f32 v52, v2;
	v0 =	vadd.f32 v54, v0  }
0x293: {  	v3 =	vadd.f32 v53, v3;
	v1 =	vadd.f32 v55, v1  }
0x294: {  	v2 =	vadd.f32 v56, v2;
	v0 =	vadd.f32 v58, v0  }
0x295: {  	v3 =	vadd.f32 v57, v3;
	v1 =	vadd.f32 v59, v1  }
0x296: {  	p0 =	sne.s32 s13, $0x26C00;
	v2 =	vadd.f32 v60, v2;
	v0 =	vmul.f32 $5.000000070e-02, v0  }
.Ltmp4:
0x297: {  	s14 =	sand.u32 $0x7C0, s12;
	v3 =	vadd.f32 v61, v3;
	v1 =	vmul.f32 $5.000000070e-02, v1;
	(pc) =	sbr.rel @p0 .LBB2_9-.Ltmp4, $4  }
0x298: {  	v62 =	vmul.f32 $5.000000070e-02, v2;
	[tilespmem:s14+$0x17000] =	vst v0  }
0x299: {  	v63 =	vmul.f32 $5.000000070e-02, v3;
	[tilespmem:s14+$0x17010] =	vst v1  }
0x29a: {  	[tilespmem:s14+$0x17020] =	vst v62  }
0x29b: {  	s13 =	sadd.s32 $0x1400, s13;
	s12 =	sadd.s32 $0x40, s12;
	[tilespmem:s14+$0x17030] =	vst v63  }
0x29c: {  	s10 =	sadd.s32 $0x1, s10  }
0x29d: {  	p0 =	sne.s32 s10, $0x8  }
.Ltmp5:
0x29e: {  	_ = 	snop;
	(pc) =	sbr.rel @p0 .LBB2_2-.Ltmp5, $4  }
0x29f: {  	_ = 	snop  }
0x2a0: {  	s11 =	sshll.u32 s11, $0x8  }
0x2a1: {  	s11 =	sadd.s32 s11, s6  }
0x2a2: {  	[hbm4b:s11+s2] =	stream.linear.scatter [tilespmem:s9], [sflag:$0x4], $0x800, $0x38;
	[tilespmem:$0x17800] =	vst v63  }
0x2a3: {  	s10 =	simm.s32 $0x3  }
0x2a4: {  	_ =	swait.ge [sflag:s10], $0x800  }
0x2a5: {  	[sflag:s10] =	ssyncset.done $0x0  }
0x2a6: {  	[sflag:s10] =	ssyncadd.s32 $0xFFFFF800  }
0x2a7: {  	_ =	swait.ge [sflag:s8], $0x800  }
0x2a8: {  	s11 =	rddreg [dreg:$0x7]  }
0x2a9: {  	s14 =	rddreg [dreg:$0x6];
	s11 =	sadd.s32 $0x1, s11  }
0x2aa: {  	p0 =	sne.s32 s11, s14  }
.Ltmp6:
0x2ab: {  	_ = 	snop;
	(pc) =	sbr.rel @p0 .LBB2_1-.Ltmp6, $3  }
0x2ac: {  	_ =	sdelay $0x1  }
0x2ad: {  	[sflag:s8] =	ssyncset.done $0x0  }
0x2ae: {  	[sflag:s8] =	ssyncadd.s32 $0xFFFFF800  }
0x2af: {  	_ =	sfence.sel $0x180000  }
0x2b0: {  	[bflag:$0x0] =	sbarrier.arrive $0xFFFF  }
0x2b1: {  	_ =	strace $0x90000047  }
0x2b2: {  	s0 =	stileid.u32;
	[bflag:$0x2] =	sbarrier.arrive $0xFFFF  }
0x2b3: {  	p0 =	sne.s32 s0, $0x0;
	s0 =	rddreg [dreg:$0x3]  }
0x2b4: {  	s0 =	sadd.s32 @!p0 $0x100000, s0  }
0x2b5: {  	[sflag:s0] =	ssyncadd.tile.s32 @!p0 $0x1;
	_ =	shalt  }
.Lfunc_end2:
_tile_overlayer_lowered:
.L_overlay_start_2:
0x2b6: {  	(tag) =	ssettag $0x2  }
0x2b7: {  	s0 =	rddreg [dreg:$0x0];
	s2 =	stileid.u32  }
0x2b8: {  	s1 =	rddreg [dreg:$0x1];
	p0 =	sne.s32 s2, $0x0  }
0x2b9: {  	s3 =	rddreg [dreg:$0x2];
	[bflag:$0x3] =	sbarrier.arrive $0xFFFF;
	s2 =	simm.s32 @!p0 $0x1C05  }
0x2ba: {  	[timem:s3], [sflag:s2] =	dma.local @!p0 [hbm:s0], s1  }
0x2bb: {  	s0 =	simm.s32 @!p0 $0x5  }
0x2bc: {  	_ =	swait.ge @!p0 [sflag:s0], s1  }
0x2bd: {  	s1 =	ssub.s32 @!p0 $0x0, s1;
	[sflag:s0] =	ssyncset.done @!p0 $0x0  }
0x2be: {  	[sflag:s0] =	ssyncadd.s32 @!p0 s1  }
0x2bf: {  	[bflag:$0x3] =	sbarrier.arrive $0xFFFF  }
0x2c0: {  	_ =	shalt  }

</sc_bundles>
